<compile_context>
chip_gen: v7x
topology: tpu7x:2x2x1
jax: 0.10.2.dev20260603
libtpu: 0.0.44.dev20260713+nightly
codegen_flags: <defaults>
</compile_context>

<pallas_src>
import functools

import jax
import jax.numpy as jnp
from jax import lax
from jax.experimental import pallas as pl
from jax.experimental.pallas import tpu as pltpu
from jax.experimental.pallas import tpu_sc as plsc

_T = 5

_GDN = lax.GatherDimensionNumbers(
    offset_dims=(), collapsed_slice_dims=(0,), start_index_map=(0,))


def _sc_body(idx_hbm, tok_hbm, pos_hbm, out_hbm,
             tok_v, pos_v, iv, bbv, ib0, ib1, roe, roo,
             semi0, semi1, semoe, semoo):
    D = tok_hbm.shape[1]
    L = pos_hbm.shape[0]
    B = idx_hbm.shape[0] // L
    c = lax.axis_index("c")
    s = lax.axis_index("s")
    LW = L // 32
    NG = LW // 16
    wid = c * 16 + s
    l0 = wid * LW

    pltpu.sync_copy(tok_hbm, tok_v)
    pltpu.sync_copy(pos_hbm.at[pl.ds(l0, LW), :], pos_v)

    NC = D // 16
    tok_c = [[tok_v[t, pl.ds(dc * 16, 16)] for dc in range(NC)]
             for t in range(_T)]

    def idx_issue(b, ib, sem):
        pltpu.async_copy(idx_hbm.at[pl.ds(b * L + l0, LW)], ib, sem)

    def idx_wait(ib, sem):
        pltpu.make_async_copy(idx_hbm.at[pl.ds(l0, LW)], ib, sem).wait()

    def out_issue(b, ro, sem):
        pltpu.async_copy(ro, out_hbm.at[b].at[pl.ds(l0, LW), :], sem)

    def out_wait(ro, sem):
        pltpu.make_async_copy(ro, out_hbm.at[0].at[pl.ds(l0, LW), :], sem).wait()

    def fill(ro):
        def group(g, carry):
            idxg = iv[pl.ds(g * 16, 16)]
            for u in range(16):
                jrow = g * 16 + u
                bb = lax.gather(idxg, jnp.full((16, 1), u, jnp.int32), _GDN,
                                (1,), mode=lax.GatherScatterMode.PROMISE_IN_BOUNDS)
                bbv[pl.ds(0, 16)] = bb
                bbl = bbv[pl.ds(0, 16)]
                ms = [bbl == t for t in range(1, _T)]
                for dc in range(NC):
                    sl = pl.ds(dc * 16, 16)
                    val = tok_c[0][dc]
                    for t in range(1, _T):
                        val = jnp.where(ms[t - 1], tok_c[t][dc], val)
                    ro[jrow, sl] = val + pos_v[jrow, sl]
            return carry

        lax.fori_loop(0, NG, group, 0)

    def stage(ib, sem):
        for g in range(NG):
            sl = pl.ds(g * 16, 16)
            iv[sl] = ib[sl]

    idx_issue(0, ib0, semi0)
    idx_issue(1, ib1, semi1)

    KL = B // 2

    def loop(k, carry):
        b0 = k * 2

        idx_wait(ib0, semi0)
        stage(ib0, semi0)

        @pl.when(k < KL - 1)
        def _w1():
            idx_issue(b0 + 2, ib0, semi0)

        @pl.when(k > 0)
        def _w0():
            out_wait(roe, semoe)

        fill(roe)
        out_issue(b0, roe, semoe)

        idx_wait(ib1, semi1)
        stage(ib1, semi1)

        @pl.when(k < KL - 1)
        def _w3():
            idx_issue(b0 + 3, ib1, semi1)

        @pl.when(k > 0)
        def _w2():
            out_wait(roo, semoo)

        fill(roo)
        out_issue(b0 + 1, roo, semoo)
        return carry

    lax.fori_loop(0, KL, loop, 0)
    out_wait(roe, semoe)
    out_wait(roo, semoo)


def kernel(seq_indices, token_embed, pos_embed):
    B, L = seq_indices.shape
    D = token_embed.shape[1]
    LW = L // 32
    k = functools.partial(
        pl.kernel,
        out_type=jax.ShapeDtypeStruct((B, L, D), jnp.float32),
        mesh=plsc.VectorSubcoreMesh(core_axis_name="c", subcore_axis_name="s"),
        scratch_types=[
            pltpu.VMEM((_T, D), jnp.float32),
            pltpu.VMEM((LW, D), jnp.float32),
            pltpu.VMEM((LW,), jnp.int32),
            pltpu.VMEM((16,), jnp.int32),
            pltpu.VMEM((LW,), jnp.int32),
            pltpu.VMEM((LW,), jnp.int32),
            pltpu.VMEM((LW, D), jnp.float32),
            pltpu.VMEM((LW, D), jnp.float32),
            pltpu.SemaphoreType.DMA,
            pltpu.SemaphoreType.DMA,
            pltpu.SemaphoreType.DMA,
            pltpu.SemaphoreType.DMA,
        ],
    )(_sc_body)
    return k(seq_indices.reshape(-1), token_embed, pos_embed[:L])

# --- scband reference (transcript-rebuilt; emitter-appended) ---
"""Pipeline reference for scband-rnaembedding-11836929867882 (READ-ONLY COPY).

The authoritative reference and input builder live on the scoring server;
editing this copy changes nothing except your own understanding.
"""

import jax, jax.numpy as jnp
import numpy as np

NUM_TOKENS = 5
EMBED_DIM = 64
MAX_LEN = 2048
B = 256
L = 2048

def setup_inputs(seed: int = 0) -> dict:
    key = jax.random.key(seed)
    k1, k2, k3 = jax.random.split(key, 3)
    seq_indices = jax.random.randint(k1, (B, L), 0, NUM_TOKENS, dtype=jnp.int64 if jax.config.jax_enable_x64 else jnp.int32)
    token_embed = jax.random.normal(k2, (NUM_TOKENS, EMBED_DIM), dtype=jnp.float32)
    # padding_idx=0 -> row 0 initialized to zeros, as in nn.Embedding(padding_idx=0)
    token_embed = token_embed.at[0].set(0.0)
    pos_embed = jax.random.normal(k3, (MAX_LEN, EMBED_DIM), dtype=jnp.float32)
    return {"seq_indices": seq_indices, "token_embed": token_embed, "pos_embed": pos_embed}

def reference(seq_indices, token_embed, pos_embed):
    Bb, Ll = seq_indices.shape
    positions = jnp.broadcast_to(jnp.arange(Ll)[None, :], (Bb, Ll))
    tok = jnp.take(token_embed, seq_indices, axis=0)
    pos = jnp.take(pos_embed, positions, axis=0)
    return tok + pos

if __name__ == "__main__":
    import jax
    _d = setup_inputs()
    print(jax.jit(kernel)(*tuple(_d.values())))

</pallas_src>

<mosaic_0001>
#map = affine_map<(d0, d1) -> (0)>
#map1 = affine_map<(d0, d1) -> (0, 0)>
#map2 = affine_map<(d0, d1) -> (0, 0, 0)>
module attributes {stable_mosaic.version = 14 : i64} {
  func.func @_sc_body(%arg0: i32, %arg1: i32, %arg2: memref<524288xi32, #tpu.memory_space<hbm>>, %arg3: memref<5x64xf32, #tpu.memory_space<hbm>>, %arg4: memref<2048x64xf32, #tpu.memory_space<hbm>>, %arg5: memref<256x2048x64xf32, #tpu.memory_space<hbm>>, %arg6: memref<5x64xf32, #tpu.memory_space<vmem>>, %arg7: memref<64x64xf32, #tpu.memory_space<vmem>>, %arg8: memref<64xi32, #tpu.memory_space<vmem>>, %arg9: memref<16xi32, #tpu.memory_space<vmem>>, %arg10: memref<64xi32, #tpu.memory_space<vmem>>, %arg11: memref<64xi32, #tpu.memory_space<vmem>>, %arg12: memref<64x64xf32, #tpu.memory_space<vmem>>, %arg13: memref<64x64xf32, #tpu.memory_space<vmem>>, %arg14: memref<!tpu.dma_semaphore, #tpu.memory_space<semaphore_mem>>, %arg15: memref<!tpu.dma_semaphore, #tpu.memory_space<semaphore_mem>>, %arg16: memref<!tpu.dma_semaphore, #tpu.memory_space<semaphore_mem>>, %arg17: memref<!tpu.dma_semaphore, #tpu.memory_space<semaphore_mem>>) attributes {dimension_semantics = [#tpu.dimension_semantics<core_parallel>, #tpu.dimension_semantics<subcore_parallel>], iteration_bounds = array<i64: 2, 16>, scalar_prefetch = 0 : i64, scratch_operands = 12 : i64, tpu.core_type = #tpu.core_type<sc_vector_subcore>, window_params = [{transform_indices = #map}, {transform_indices = #map1}, {transform_indices = #map1}, {transform_indices = #map2}]} {
    %mul3A = arith.constant 16 : i32
    %mul3A_0 = arith.muli %arg0, %mul3A : i32
    %add3A = arith.addi %mul3A_0, %arg1 : i32
    %mul3A_1 = arith.constant 64 : i32
    %mul3A_2 = arith.muli %add3A, %mul3A_1 : i32
    "tpu.region"() ({
      %run_scoped3A = tpu.sem_alloc : memref<!tpu.dma_semaphore, #tpu.memory_space<semaphore_mem>>
      tpu.enqueue_dma source(%arg3 : memref<5x64xf32, #tpu.memory_space<hbm>>) target(%arg6 : memref<5x64xf32, #tpu.memory_space<vmem>>) target_semaphore(%run_scoped3A : memref<!tpu.dma_semaphore, #tpu.memory_space<semaphore_mem>>)
      tpu.wait_dma2 semaphore(%run_scoped3A : memref<!tpu.dma_semaphore, #tpu.memory_space<semaphore_mem>>) src(%arg3 : memref<5x64xf32, #tpu.memory_space<hbm>>) dst(%arg6 : memref<5x64xf32, #tpu.memory_space<vmem>>)
      tpu.yield
    }) : () -> ()
    "tpu.region"() ({
      %run_scoped3A = tpu.sem_alloc : memref<!tpu.dma_semaphore, #tpu.memory_space<semaphore_mem>>
      %dma_start3A_139 = arith.constant 0 : i32
      %dma_start3A_140 = tpu.memref_slice %arg4[%mul3A_2, %dma_start3A_139] : memref<2048x64xf32, #tpu.memory_space<hbm>> -> memref<64x64xf32, #tpu.memory_space<hbm>>
      %dma_start3A_141 = arith.constant 0 : i32
      %dma_start3A_142 = tpu.memref_slice %arg4[%mul3A_2, %dma_start3A_141] : memref<2048x64xf32, #tpu.memory_space<hbm>> -> memref<64x64xf32, #tpu.memory_space<hbm>>
      tpu.enqueue_dma source(%dma_start3A_142 : memref<64x64xf32, #tpu.memory_space<hbm>>) target(%arg7 : memref<64x64xf32, #tpu.memory_space<vmem>>) target_semaphore(%run_scoped3A : memref<!tpu.dma_semaphore, #tpu.memory_space<semaphore_mem>>)
      %dma_wait3A_143 = arith.constant 0 : i32
      %dma_wait3A_144 = tpu.memref_slice %arg4[%mul3A_2, %dma_wait3A_143] : memref<2048x64xf32, #tpu.memory_space<hbm>> -> memref<64x64xf32, #tpu.memory_space<hbm>>
      %dma_wait3A_145 = arith.constant 0 : i32
      %dma_wait3A_146 = tpu.memref_slice %arg4[%mul3A_2, %dma_wait3A_145] : memref<2048x64xf32, #tpu.memory_space<hbm>> -> memref<64x64xf32, #tpu.memory_space<hbm>>
      tpu.wait_dma2 semaphore(%run_scoped3A : memref<!tpu.dma_semaphore, #tpu.memory_space<semaphore_mem>>) src(%dma_wait3A_146 : memref<64x64xf32, #tpu.memory_space<hbm>>) dst(%arg7 : memref<64x64xf32, #tpu.memory_space<vmem>>)
      tpu.yield
    }) : () -> ()
    %get3A = arith.constant 0 : i32
    %get3A_3 = arith.index_cast %get3A : i32 to index
    %get3A_4 = arith.constant 0 : index
    %get3A_5 = tpu.vector_load %arg6[%get3A_3, %get3A_4] {strides = array<i32>} : memref<5x64xf32, #tpu.memory_space<vmem>>, vector<1x16xf32>,
    %get3A_6 = vector.shape_cast %get3A_5 : vector<1x16xf32> to vector<16xf32>
    %get3A_7 = arith.constant 0 : i32
    %get3A_8 = arith.index_cast %get3A_7 : i32 to index
    %get3A_9 = arith.constant 16 : index
    %get3A_10 = tpu.vector_load %arg6[%get3A_8, %get3A_9] {strides = array<i32>} : memref<5x64xf32, #tpu.memory_space<vmem>>, vector<1x16xf32>,
    %get3A_11 = vector.shape_cast %get3A_10 : vector<1x16xf32> to vector<16xf32>
    %get3A_12 = arith.constant 0 : i32
    %get3A_13 = arith.index_cast %get3A_12 : i32 to index
    %get3A_14 = arith.constant 32 : index
    %get3A_15 = tpu.vector_load %arg6[%get3A_13, %get3A_14] {strides = array<i32>} : memref<5x64xf32, #tpu.memory_space<vmem>>, vector<1x16xf32>,
    %get3A_16 = vector.shape_cast %get3A_15 : vector<1x16xf32> to vector<16xf32>
    %get3A_17 = arith.constant 0 : i32
    %get3A_18 = arith.index_cast %get3A_17 : i32 to index
    %get3A_19 = arith.constant 48 : index
    %get3A_20 = tpu.vector_load %arg6[%get3A_18, %get3A_19] {strides = array<i32>} : memref<5x64xf32, #tpu.memory_space<vmem>>, vector<1x16xf32>,
    %get3A_21 = vector.shape_cast %get3A_20 : vector<1x16xf32> to vector<16xf32>
    %get3A_22 = arith.constant 1 : i32
    %get3A_23 = arith.index_cast %get3A_22 : i32 to index
    %get3A_24 = arith.constant 0 : index
    %get3A_25 = tpu.vector_load %arg6[%get3A_23, %get3A_24] {strides = array<i32>} : memref<5x64xf32, #tpu.memory_space<vmem>>, vector<1x16xf32>,
    %get3A_26 = vector.shape_cast %get3A_25 : vector<1x16xf32> to vector<16xf32>
    %get3A_27 = arith.constant 1 : i32
    %get3A_28 = arith.index_cast %get3A_27 : i32 to index
    %get3A_29 = arith.constant 16 : index
    %get3A_30 = tpu.vector_load %arg6[%get3A_28, %get3A_29] {strides = array<i32>} : memref<5x64xf32, #tpu.memory_space<vmem>>, vector<1x16xf32>,
    %get3A_31 = vector.shape_cast %get3A_30 : vector<1x16xf32> to vector<16xf32>
    %get3A_32 = arith.constant 1 : i32
    %get3A_33 = arith.index_cast %get3A_32 : i32 to index
    %get3A_34 = arith.constant 32 : index
    %get3A_35 = tpu.vector_load %arg6[%get3A_33, %get3A_34] {strides = array<i32>} : memref<5x64xf32, #tpu.memory_space<vmem>>, vector<1x16xf32>,
    %get3A_36 = vector.shape_cast %get3A_35 : vector<1x16xf32> to vector<16xf32>
    %get3A_37 = arith.constant 1 : i32
    %get3A_38 = arith.index_cast %get3A_37 : i32 to index
    %get3A_39 = arith.constant 48 : index
    %get3A_40 = tpu.vector_load %arg6[%get3A_38, %get3A_39] {strides = array<i32>} : memref<5x64xf32, #tpu.memory_space<vmem>>, vector<1x16xf32>,
    %get3A_41 = vector.shape_cast %get3A_40 : vector<1x16xf32> to vector<16xf32>
    %get3A_42 = arith.constant 2 : i32
    %get3A_43 = arith.index_cast %get3A_42 : i32 to index
    %get3A_44 = arith.constant 0 : index
    %get3A_45 = tpu.vector_load %arg6[%get3A_43, %get3A_44] {strides = array<i32>} : memref<5x64xf32, #tpu.memory_space<vmem>>, vector<1x16xf32>,
    %get3A_46 = vector.shape_cast %get3A_45 : vector<1x16xf32> to vector<16xf32>
    %get3A_47 = arith.constant 2 : i32
    %get3A_48 = arith.index_cast %get3A_47 : i32 to index
    %get3A_49 = arith.constant 16 : index
    %get3A_50 = tpu.vector_load %arg6[%get3A_48, %get3A_49] {strides = array<i32>} : memref<5x64xf32, #tpu.memory_space<vmem>>, vector<1x16xf32>,
    %get3A_51 = vector.shape_cast %get3A_50 : vector<1x16xf32> to vector<16xf32>
    %get3A_52 = arith.constant 2 : i32
    %get3A_53 = arith.index_cast %get3A_52 : i32 to index
    %get3A_54 = arith.constant 32 : index
    %get3A_55 = tpu.vector_load %arg6[%get3A_53, %get3A_54] {strides = array<i32>} : memref<5x64xf32, #tpu.memory_space<vmem>>, vector<1x16xf32>,
    %get3A_56 = vector.shape_cast %get3A_55 : vector<1x16xf32> to vector<16xf32>
    %get3A_57 = arith.constant 2 : i32
    %get3A_58 = arith.index_cast %get3A_57 : i32 to index
    %get3A_59 = arith.constant 48 : index
    %get3A_60 = tpu.vector_load %arg6[%get3A_58, %get3A_59] {strides = array<i32>} : memref<5x64xf32, #tpu.memory_space<vmem>>, vector<1x16xf32>,
    %get3A_61 = vector.shape_cast %get3A_60 : vector<1x16xf32> to vector<16xf32>
    %get3A_62 = arith.constant 3 : i32
    %get3A_63 = arith.index_cast %get3A_62 : i32 to index
    %get3A_64 = arith.constant 0 : index
    %get3A_65 = tpu.vector_load %arg6[%get3A_63, %get3A_64] {strides = array<i32>} : memref<5x64xf32, #tpu.memory_space<vmem>>, vector<1x16xf32>,
    %get3A_66 = vector.shape_cast %get3A_65 : vector<1x16xf32> to vector<16xf32>
    %get3A_67 = arith.constant 3 : i32
    %get3A_68 = arith.index_cast %get3A_67 : i32 to index
    %get3A_69 = arith.constant 16 : index
    %get3A_70 = tpu.vector_load %arg6[%get3A_68, %get3A_69] {strides = array<i32>} : memref<5x64xf32, #tpu.memory_space<vmem>>, vector<1x16xf32>,
    %get3A_71 = vector.shape_cast %get3A_70 : vector<1x16xf32> to vector<16xf32>
    %get3A_72 = arith.constant 3 : i32
    %get3A_73 = arith.index_cast %get3A_72 : i32 to index
    %get3A_74 = arith.constant 32 : index
    %get3A_75 = tpu.vector_load %arg6[%get3A_73, %get3A_74] {strides = array<i32>} : memref<5x64xf32, #tpu.memory_space<vmem>>, vector<1x16xf32>,
    %get3A_76 = vector.shape_cast %get3A_75 : vector<1x16xf32> to vector<16xf32>
    %get3A_77 = arith.constant 3 : i32
    %get3A_78 = arith.index_cast %get3A_77 : i32 to index
    %get3A_79 = arith.constant 48 : index
    %get3A_80 = tpu.vector_load %arg6[%get3A_78, %get3A_79] {strides = array<i32>} : memref<5x64xf32, #tpu.memory_space<vmem>>, vector<1x16xf32>,
    %get3A_81 = vector.shape_cast %get3A_80 : vector<1x16xf32> to vector<16xf32>
    %get3A_82 = arith.constant 4 : i32
    %get3A_83 = arith.index_cast %get3A_82 : i32 to index
    %get3A_84 = arith.constant 0 : index
    %get3A_85 = tpu.vector_load %arg6[%get3A_83, %get3A_84] {strides = array<i32>} : memref<5x64xf32, #tpu.memory_space<vmem>>, vector<1x16xf32>,
    %get3A_86 = vector.shape_cast %get3A_85 : vector<1x16xf32> to vector<16xf32>
    %get3A_87 = arith.constant 4 : i32
    %get3A_88 = arith.index_cast %get3A_87 : i32 to index
    %get3A_89 = arith.constant 16 : index
    %get3A_90 = tpu.vector_load %arg6[%get3A_88, %get3A_89] {strides = array<i32>} : memref<5x64xf32, #tpu.memory_space<vmem>>, vector<1x16xf32>,
    %get3A_91 = vector.shape_cast %get3A_90 : vector<1x16xf32> to vector<16xf32>
    %get3A_92 = arith.constant 4 : i32
    %get3A_93 = arith.index_cast %get3A_92 : i32 to index
    %get3A_94 = arith.constant 32 : index
    %get3A_95 = tpu.vector_load %arg6[%get3A_93, %get3A_94] {strides = array<i32>} : memref<5x64xf32, #tpu.memory_space<vmem>>, vector<1x16xf32>,
    %get3A_96 = vector.shape_cast %get3A_95 : vector<1x16xf32> to vector<16xf32>
    %get3A_97 = arith.constant 4 : i32
    %get3A_98 = arith.index_cast %get3A_97 : i32 to index
    %get3A_99 = arith.constant 48 : index
    %get3A_100 = tpu.vector_load %arg6[%get3A_98, %get3A_99] {strides = array<i32>} : memref<5x64xf32, #tpu.memory_space<vmem>>, vector<1x16xf32>,
    %get3A_101 = vector.shape_cast %get3A_100 : vector<1x16xf32> to vector<16xf32>
    %add3A_102 = arith.constant 0 : i32
    %add3A_103 = arith.addi %add3A_102, %mul3A_2 : i32
    %dma_start3A = tpu.memref_slice %arg2[%add3A_103] : memref<524288xi32, #tpu.memory_space<hbm>> -> memref<64xi32, #tpu.memory_space<hbm>>
    %dma_start3A_104 = tpu.memref_slice %arg2[%add3A_103] : memref<524288xi32, #tpu.memory_space<hbm>> -> memref<64xi32, #tpu.memory_space<hbm>>
    tpu.enqueue_dma source(%dma_start3A_104 : memref<64xi32, #tpu.memory_space<hbm>>) target(%arg10 : memref<64xi32, #tpu.memory_space<vmem>>) target_semaphore(%arg14 : memref<!tpu.dma_semaphore, #tpu.memory_space<semaphore_mem>>)
    %add3A_105 = arith.constant 2048 : i32
    %add3A_106 = arith.addi %add3A_105, %mul3A_2 : i32
    %dma_start3A_107 = tpu.memref_slice %arg2[%add3A_106] : memref<524288xi32, #tpu.memory_space<hbm>> -> memref<64xi32, #tpu.memory_space<hbm>>
    %dma_start3A_108 = tpu.memref_slice %arg2[%add3A_106] : memref<524288xi32, #tpu.memory_space<hbm>> -> memref<64xi32, #tpu.memory_space<hbm>>
    tpu.enqueue_dma source(%dma_start3A_108 : memref<64xi32, #tpu.memory_space<hbm>>) target(%arg11 : memref<64xi32, #tpu.memory_space<vmem>>) target_semaphore(%arg15 : memref<!tpu.dma_semaphore, #tpu.memory_space<semaphore_mem>>)
    %scan3A = arith.constant 0 : i32
    %scan3A_109 = arith.constant 0 : i32
    %scan3A_110 = arith.constant 128 : i32
    %scan3A_111 = arith.addi %scan3A_109, %scan3A_110 : i32
    %scan3A_112 = arith.constant 1 : i32
    scf.for %scan3A_139 = %scan3A_109 to %scan3A_111 step %scan3A_112  : i32 {
      %mul3A_140 = arith.constant 2 : i32
      %mul3A_141 = arith.muli %scan3A_139, %mul3A_140 : i32
      %dma_wait3A_142 = tpu.memref_slice %arg2[%mul3A_2] : memref<524288xi32, #tpu.memory_space<hbm>> -> memref<64xi32, #tpu.memory_space<hbm>>
      %dma_wait3A_143 = tpu.memref_slice %arg2[%mul3A_2] : memref<524288xi32, #tpu.memory_space<hbm>> -> memref<64xi32, #tpu.memory_space<hbm>>
      tpu.wait_dma2 semaphore(%arg14 : memref<!tpu.dma_semaphore, #tpu.memory_space<semaphore_mem>>) src(%dma_wait3A_143 : memref<64xi32, #tpu.memory_space<hbm>>) dst(%arg10 : memref<64xi32, #tpu.memory_space<vmem>>)
      %get3A_144 = arith.constant 0 : index
      %get3A_145 = tpu.vector_load %arg10[%get3A_144] {strides = array<i32>} : memref<64xi32, #tpu.memory_space<vmem>>, vector<16xi32>,
      %get3A_146 = vector.shape_cast %get3A_145 : vector<16xi32> to vector<16xi32>
      %swap3A = arith.constant 0 : index
      %swap3A_147 = tpu.vector_load %arg8[%swap3A] {strides = array<i32>} : memref<64xi32, #tpu.memory_space<vmem>>, vector<16xi32>,
      %swap3A_148 = vector.shape_cast %swap3A_147 : vector<16xi32> to vector<16xi32>
      %swap3A_149 = vector.shape_cast %get3A_146 : vector<16xi32> to vector<16xi32>
      tpu.vector_store %arg8[%swap3A], %swap3A_149 {strides = array<i32>} : memref<64xi32, #tpu.memory_space<vmem>>, vector<16xi32>,
      %get3A_150 = arith.constant 16 : index
      %get3A_151 = tpu.vector_load %arg10[%get3A_150] {strides = array<i32>} : memref<64xi32, #tpu.memory_space<vmem>>, vector<16xi32>,
      %get3A_152 = vector.shape_cast %get3A_151 : vector<16xi32> to vector<16xi32>
      %swap3A_153 = arith.constant 16 : index
      %swap3A_154 = tpu.vector_load %arg8[%swap3A_153] {strides = array<i32>} : memref<64xi32, #tpu.memory_space<vmem>>, vector<16xi32>,
      %swap3A_155 = vector.shape_cast %swap3A_154 : vector<16xi32> to vector<16xi32>
      %swap3A_156 = vector.shape_cast %get3A_152 : vector<16xi32> to vector<16xi32>
      tpu.vector_store %arg8[%swap3A_153], %swap3A_156 {strides = array<i32>} : memref<64xi32, #tpu.memory_space<vmem>>, vector<16xi32>,
      %get3A_157 = arith.constant 32 : index
      %get3A_158 = tpu.vector_load %arg10[%get3A_157] {strides = array<i32>} : memref<64xi32, #tpu.memory_space<vmem>>, vector<16xi32>,
      %get3A_159 = vector.shape_cast %get3A_158 : vector<16xi32> to vector<16xi32>
      %swap3A_160 = arith.constant 32 : index
      %swap3A_161 = tpu.vector_load %arg8[%swap3A_160] {strides = array<i32>} : memref<64xi32, #tpu.memory_space<vmem>>, vector<16xi32>,
      %swap3A_162 = vector.shape_cast %swap3A_161 : vector<16xi32> to vector<16xi32>
      %swap3A_163 = vector.shape_cast %get3A_159 : vector<16xi32> to vector<16xi32>
      tpu.vector_store %arg8[%swap3A_160], %swap3A_163 {strides = array<i32>} : memref<64xi32, #tpu.memory_space<vmem>>, vector<16xi32>,
      %get3A_164 = arith.constant 48 : index
      %get3A_165 = tpu.vector_load %arg10[%get3A_164] {strides = array<i32>} : memref<64xi32, #tpu.memory_space<vmem>>, vector<16xi32>,
      %get3A_166 = vector.shape_cast %get3A_165 : vector<16xi32> to vector<16xi32>
      %swap3A_167 = arith.constant 48 : index
      %swap3A_168 = tpu.vector_load %arg8[%swap3A_167] {strides = array<i32>} : memref<64xi32, #tpu.memory_space<vmem>>, vector<16xi32>,
      %swap3A_169 = vector.shape_cast %swap3A_168 : vector<16xi32> to vector<16xi32>
      %swap3A_170 = vector.shape_cast %get3A_166 : vector<16xi32> to vector<16xi32>
      tpu.vector_store %arg8[%swap3A_167], %swap3A_170 {strides = array<i32>} : memref<64xi32, #tpu.memory_space<vmem>>, vector<16xi32>,
      %lt3A = arith.constant 127 : i32
      %lt3A_171 = arith.cmpi slt, %scan3A_139, %lt3A : i32
      %convert_element_type3A = arith.extui %lt3A_171 : i1 to i32
      %cond3A = arith.constant 0 : i32
      %cond3A_172 = arith.cmpi ne, %convert_element_type3A, %cond3A : i32
      scf.if %cond3A_172 {
        %add3A_255 = arith.constant 2 : i32
        %add3A_256 = arith.addi %mul3A_141, %add3A_255 : i32
        %mul3A_257 = arith.constant 2048 : i32
        %mul3A_258 = arith.muli %add3A_256, %mul3A_257 : i32
        %add3A_259 = arith.addi %mul3A_258, %mul3A_2 : i32
        %dma_start3A_260 = tpu.memref_slice %arg2[%add3A_259] : memref<524288xi32, #tpu.memory_space<hbm>> -> memref<64xi32, #tpu.memory_space<hbm>>
        %dma_start3A_261 = tpu.memref_slice %arg2[%add3A_259] : memref<524288xi32, #tpu.memory_space<hbm>> -> memref<64xi32, #tpu.memory_space<hbm>>
        tpu.enqueue_dma source(%dma_start3A_261 : memref<64xi32, #tpu.memory_space<hbm>>) target(%arg10 : memref<64xi32, #tpu.memory_space<vmem>>) target_semaphore(%arg14 : memref<!tpu.dma_semaphore, #tpu.memory_space<semaphore_mem>>)
      } else {
      }
      %gt3A = arith.constant 0 : i32
      %gt3A_173 = arith.cmpi sgt, %scan3A_139, %gt3A : i32
      %convert_element_type3A_174 = arith.extui %gt3A_173 : i1 to i32
      %cond3A_175 = arith.constant 0 : i32
      %cond3A_176 = arith.cmpi ne, %convert_element_type3A_174, %cond3A_175 : i32
      scf.if %cond3A_176 {
        %dma_wait3A_255 = arith.constant 0 : i32
        %dma_wait3A_256 = arith.constant 0 : i32
        %dma_wait3A_257 = arith.constant 0 : i32
        %dma_wait3A_258 = tpu.memref_slice %arg5[%dma_wait3A_255, %dma_wait3A_256, %dma_wait3A_257] : memref<256x2048x64xf32, #tpu.memory_space<hbm>> -> memref<1x2048x64xf32, #tpu.memory_space<hbm>>
        %dma_wait3A_259 = tpu.memref_squeeze %dma_wait3A_258 : memref<1x2048x64xf32, #tpu.memory_space<hbm>> -> memref<2048x64xf32, #tpu.memory_space<hbm>>
        %dma_wait3A_260 = arith.constant 0 : i32
        %dma_wait3A_261 = tpu.memref_slice %dma_wait3A_259[%mul3A_2, %dma_wait3A_260] : memref<2048x64xf32, #tpu.memory_space<hbm>> -> memref<64x64xf32, #tpu.memory_space<hbm>>
        %dma_wait3A_262 = arith.constant 0 : i32
        %dma_wait3A_263 = arith.constant 0 : i32
        %dma_wait3A_264 = tpu.memref_slice %arg5[%dma_wait3A_255, %dma_wait3A_262, %dma_wait3A_263] : memref<256x2048x64xf32, #tpu.memory_space<hbm>> -> memref<1x2048x64xf32, #tpu.memory_space<hbm>>
        %dma_wait3A_265 = tpu.memref_squeeze %dma_wait3A_264 : memref<1x2048x64xf32, #tpu.memory_space<hbm>> -> memref<2048x64xf32, #tpu.memory_space<hbm>>
        %dma_wait3A_266 = arith.constant 0 : i32
        %dma_wait3A_267 = tpu.memref_slice %dma_wait3A_265[%mul3A_2, %dma_wait3A_266] : memref<2048x64xf32, #tpu.memory_space<hbm>> -> memref<64x64xf32, #tpu.memory_space<hbm>>
        tpu.wait_dma2 semaphore(%arg16 : memref<!tpu.dma_semaphore, #tpu.memory_space<semaphore_mem>>) src(%arg12 : memref<64x64xf32, #tpu.memory_space<vmem>>) dst(%dma_wait3A_267 : memref<64x64xf32, #tpu.memory_space<hbm>>)
      } else {
      }
      %scan3A_177 = arith.constant 0 : i32
      %scan3A_178 = arith.constant 0 : i32
      %scan3A_179 = arith.constant 4 : i32
      %scan3A_180 = arith.addi %scan3A_178, %scan3A_179 : i32
      %scan3A_181 = arith.constant 1 : i32
      scf.for %scan3A_255 = %scan3A_178 to %scan3A_180 step %scan3A_181  : i32 {
        %mul3A_256 = arith.constant 16 : i32
        %mul3A_257 = arith.muli %scan3A_255, %mul3A_256 : i32
        %get3A_258 = arith.index_cast %mul3A_257 : i32 to index
        %get3A_259 = tpu.vector_load %arg8[%get3A_258] {strides = array<i32>} : memref<64xi32, #tpu.memory_space<vmem>>, vector<16xi32>,
        %get3A_260 = vector.shape_cast %get3A_259 : vector<16xi32> to vector<16xi32>
        %mul3A_261 = arith.constant 16 : i32
        %mul3A_262 = arith.muli %scan3A_255, %mul3A_261 : i32
        %add3A_263 = arith.constant 0 : i32
        %add3A_264 = arith.addi %mul3A_262, %add3A_263 : i32
        %broadcast_in_dim3A = arith.constant 0 : i32
        %broadcast_in_dim3A_265 = vector.broadcast %broadcast_in_dim3A : i32 to vector<16x1xi32>
        %gather3A = vector.shape_cast %broadcast_in_dim3A_265 : vector<16x1xi32> to vector<16xi32>
        %gather3A_266 = tpu.dynamic_gather %get3A_260[%gather3A] in [0] : vector<16xi32>, vector<16xi32> -> vector<16xi32>
        %swap3A_267 = arith.constant 0 : index
        %swap3A_268 = tpu.vector_load %arg9[%swap3A_267] {strides = array<i32>} : memref<16xi32, #tpu.memory_space<vmem>>, vector<16xi32>,
        %swap3A_269 = vector.shape_cast %swap3A_268 : vector<16xi32> to vector<16xi32>
        %swap3A_270 = vector.shape_cast %gather3A_266 : vector<16xi32> to vector<16xi32>
        tpu.vector_store %arg9[%swap3A_267], %swap3A_270 {strides = array<i32>} : memref<16xi32, #tpu.memory_space<vmem>>, vector<16xi32>,
        %get3A_271 = arith.constant 0 : index
        %get3A_272 = tpu.vector_load %arg9[%get3A_271] {strides = array<i32>} : memref<16xi32, #tpu.memory_space<vmem>>, vector<16xi32>,
        %get3A_273 = vector.shape_cast %get3A_272 : vector<16xi32> to vector<16xi32>
        %eq3A = arith.constant 1 : i32
        %eq3A_274 = vector.broadcast %eq3A : i32 to vector<16xi32>
        %eq3A_275 = arith.cmpi eq, %get3A_273, %eq3A_274 : vector<16xi32>
        %eq3A_276 = arith.constant 2 : i32
        %eq3A_277 = vector.broadcast %eq3A_276 : i32 to vector<16xi32>
        %eq3A_278 = arith.cmpi eq, %get3A_273, %eq3A_277 : vector<16xi32>
        %eq3A_279 = arith.constant 3 : i32
        %eq3A_280 = vector.broadcast %eq3A_279 : i32 to vector<16xi32>
        %eq3A_281 = arith.cmpi eq, %get3A_273, %eq3A_280 : vector<16xi32>
        %eq3A_282 = arith.constant 4 : i32
        %eq3A_283 = vector.broadcast %eq3A_282 : i32 to vector<16xi32>
        %eq3A_284 = arith.cmpi eq, %get3A_273, %eq3A_283 : vector<16xi32>
        %select_n3A = arith.select %eq3A_275, %get3A_26, %get3A_6 : vector<16xi1>, vector<16xf32>
        %select_n3A_285 = arith.select %eq3A_278, %get3A_46, %select_n3A : vector<16xi1>, vector<16xf32>
        %select_n3A_286 = arith.select %eq3A_281, %get3A_66, %select_n3A_285 : vector<16xi1>, vector<16xf32>
        %select_n3A_287 = arith.select %eq3A_284, %get3A_86, %select_n3A_286 : vector<16xi1>, vector<16xf32>
        %get3A_288 = arith.index_cast %add3A_264 : i32 to index
        %get3A_289 = arith.constant 0 : index
        %get3A_290 = tpu.vector_load %arg7[%get3A_288, %get3A_289] {strides = array<i32>} : memref<64x64xf32, #tpu.memory_space<vmem>>, vector<1x16xf32>,
        %get3A_291 = vector.shape_cast %get3A_290 : vector<1x16xf32> to vector<16xf32>
        %add3A_292 = arith.addf %select_n3A_287, %get3A_291 : vector<16xf32>
        %swap3A_293 = arith.index_cast %add3A_264 : i32 to index
        %swap3A_294 = arith.constant 0 : index
        %swap3A_295 = tpu.vector_load %arg12[%swap3A_293, %swap3A_294] {strides = array<i32>} : memref<64x64xf32, #tpu.memory_space<vmem>>, vector<1x16xf32>,
        %swap3A_296 = vector.shape_cast %swap3A_295 : vector<1x16xf32> to vector<16xf32>
        %swap3A_297 = vector.shape_cast %add3A_292 : vector<16xf32> to vector<1x16xf32>
        tpu.vector_store %arg12[%swap3A_293, %swap3A_294], %swap3A_297 {strides = array<i32>} : memref<64x64xf32, #tpu.memory_space<vmem>>, vector<1x16xf32>,
        %select_n3A_298 = arith.select %eq3A_275, %get3A_31, %get3A_11 : vector<16xi1>, vector<16xf32>
        %select_n3A_299 = arith.select %eq3A_278, %get3A_51, %select_n3A_298 : vector<16xi1>, vector<16xf32>
        %select_n3A_300 = arith.select %eq3A_281, %get3A_71, %select_n3A_299 : vector<16xi1>, vector<16xf32>
        %select_n3A_301 = arith.select %eq3A_284, %get3A_91, %select_n3A_300 : vector<16xi1>, vector<16xf32>
        %get3A_302 = arith.index_cast %add3A_264 : i32 to index
        %get3A_303 = arith.constant 16 : index
        %get3A_304 = tpu.vector_load %arg7[%get3A_302, %get3A_303] {strides = array<i32>} : memref<64x64xf32, #tpu.memory_space<vmem>>, vector<1x16xf32>,
        %get3A_305 = vector.shape_cast %get3A_304 : vector<1x16xf32> to vector<16xf32>
        %add3A_306 = arith.addf %select_n3A_301, %get3A_305 : vector<16xf32>
        %swap3A_307 = arith.index_cast %add3A_264 : i32 to index
        %swap3A_308 = arith.constant 16 : index
        %swap3A_309 = tpu.vector_load %arg12[%swap3A_307, %swap3A_308] {strides = array<i32>} : memref<64x64xf32, #tpu.memory_space<vmem>>, vector<1x16xf32>,
        %swap3A_310 = vector.shape_cast %swap3A_309 : vector<1x16xf32> to vector<16xf32>
        %swap3A_311 = vector.shape_cast %add3A_306 : vector<16xf32> to vector<1x16xf32>
        tpu.vector_store %arg12[%swap3A_307, %swap3A_308], %swap3A_311 {strides = array<i32>} : memref<64x64xf32, #tpu.memory_space<vmem>>, vector<1x16xf32>,
        %select_n3A_312 = arith.select %eq3A_275, %get3A_36, %get3A_16 : vector<16xi1>, vector<16xf32>
        %select_n3A_313 = arith.select %eq3A_278, %get3A_56, %select_n3A_312 : vector<16xi1>, vector<16xf32>
        %select_n3A_314 = arith.select %eq3A_281, %get3A_76, %select_n3A_313 : vector<16xi1>, vector<16xf32>
        %select_n3A_315 = arith.select %eq3A_284, %get3A_96, %select_n3A_314 : vector<16xi1>, vector<16xf32>
        %get3A_316 = arith.index_cast %add3A_264 : i32 to index
        %get3A_317 = arith.constant 32 : index
        %get3A_318 = tpu.vector_load %arg7[%get3A_316, %get3A_317] {strides = array<i32>} : memref<64x64xf32, #tpu.memory_space<vmem>>, vector<1x16xf32>,
        %get3A_319 = vector.shape_cast %get3A_318 : vector<1x16xf32> to vector<16xf32>
        %add3A_320 = arith.addf %select_n3A_315, %get3A_319 : vector<16xf32>
        %swap3A_321 = arith.index_cast %add3A_264 : i32 to index
        %swap3A_322 = arith.constant 32 : index
        %swap3A_323 = tpu.vector_load %arg12[%swap3A_321, %swap3A_322] {strides = array<i32>} : memref<64x64xf32, #tpu.memory_space<vmem>>, vector<1x16xf32>,
        %swap3A_324 = vector.shape_cast %swap3A_323 : vector<1x16xf32> to vector<16xf32>
        %swap3A_325 = vector.shape_cast %add3A_320 : vector<16xf32> to vector<1x16xf32>
        tpu.vector_store %arg12[%swap3A_321, %swap3A_322], %swap3A_325 {strides = array<i32>} : memref<64x64xf32, #tpu.memory_space<vmem>>, vector<1x16xf32>,
        %select_n3A_326 = arith.select %eq3A_275, %get3A_41, %get3A_21 : vector<16xi1>, vector<16xf32>
        %select_n3A_327 = arith.select %eq3A_278, %get3A_61, %select_n3A_326 : vector<16xi1>, vector<16xf32>
        %select_n3A_328 = arith.select %eq3A_281, %get3A_81, %select_n3A_327 : vector<16xi1>, vector<16xf32>
        %select_n3A_329 = arith.select %eq3A_284, %get3A_101, %select_n3A_328 : vector<16xi1>, vector<16xf32>
        %get3A_330 = arith.index_cast %add3A_264 : i32 to index
        %get3A_331 = arith.constant 48 : index
        %get3A_332 = tpu.vector_load %arg7[%get3A_330, %get3A_331] {strides = array<i32>} : memref<64x64xf32, #tpu.memory_space<vmem>>, vector<1x16xf32>,
        %get3A_333 = vector.shape_cast %get3A_332 : vector<1x16xf32> to vector<16xf32>
        %add3A_334 = arith.addf %select_n3A_329, %get3A_333 : vector<16xf32>
        %swap3A_335 = arith.index_cast %add3A_264 : i32 to index
        %swap3A_336 = arith.constant 48 : index
        %swap3A_337 = tpu.vector_load %arg12[%swap3A_335, %swap3A_336] {strides = array<i32>} : memref<64x64xf32, #tpu.memory_space<vmem>>, vector<1x16xf32>,
        %swap3A_338 = vector.shape_cast %swap3A_337 : vector<1x16xf32> to vector<16xf32>
        %swap3A_339 = vector.shape_cast %add3A_334 : vector<16xf32> to vector<1x16xf32>
        tpu.vector_store %arg12[%swap3A_335, %swap3A_336], %swap3A_339 {strides = array<i32>} : memref<64x64xf32, #tpu.memory_space<vmem>>, vector<1x16xf32>,
        %mul3A_340 = arith.constant 16 : i32
        %mul3A_341 = arith.muli %scan3A_255, %mul3A_340 : i32
        %add3A_342 = arith.constant 1 : i32
        %add3A_343 = arith.addi %mul3A_341, %add3A_342 : i32
        %broadcast_in_dim3A_344 = arith.constant 1 : i32
        %broadcast_in_dim3A_345 = vector.broadcast %broadcast_in_dim3A_344 : i32 to vector<16x1xi32>
        %gather3A_346 = vector.shape_cast %broadcast_in_dim3A_345 : vector<16x1xi32> to vector<16xi32>
        %gather3A_347 = tpu.dynamic_gather %get3A_260[%gather3A_346] in [0] : vector<16xi32>, vector<16xi32> -> vector<16xi32>
        %swap3A_348 = arith.constant 0 : index
        %swap3A_349 = tpu.vector_load %arg9[%swap3A_348] {strides = array<i32>} : memref<16xi32, #tpu.memory_space<vmem>>, vector<16xi32>,
        %swap3A_350 = vector.shape_cast %swap3A_349 : vector<16xi32> to vector<16xi32>
        %swap3A_351 = vector.shape_cast %gather3A_347 : vector<16xi32> to vector<16xi32>
        tpu.vector_store %arg9[%swap3A_348], %swap3A_351 {strides = array<i32>} : memref<16xi32, #tpu.memory_space<vmem>>, vector<16xi32>,
        %get3A_352 = arith.constant 0 : index
        %get3A_353 = tpu.vector_load %arg9[%get3A_352] {strides = array<i32>} : memref<16xi32, #tpu.memory_space<vmem>>, vector<16xi32>,
        %get3A_354 = vector.shape_cast %get3A_353 : vector<16xi32> to vector<16xi32>
        %eq3A_355 = arith.constant 1 : i32
        %eq3A_356 = vector.broadcast %eq3A_355 : i32 to vector<16xi32>
        %eq3A_357 = arith.cmpi eq, %get3A_354, %eq3A_356 : vector<16xi32>
        %eq3A_358 = arith.constant 2 : i32
        %eq3A_359 = vector.broadcast %eq3A_358 : i32 to vector<16xi32>
        %eq3A_360 = arith.cmpi eq, %get3A_354, %eq3A_359 : vector<16xi32>
        %eq3A_361 = arith.constant 3 : i32
        %eq3A_362 = vector.broadcast %eq3A_361 : i32 to vector<16xi32>
        %eq3A_363 = arith.cmpi eq, %get3A_354, %eq3A_362 : vector<16xi32>
        %eq3A_364 = arith.constant 4 : i32
        %eq3A_365 = vector.broadcast %eq3A_364 : i32 to vector<16xi32>
        %eq3A_366 = arith.cmpi eq, %get3A_354, %eq3A_365 : vector<16xi32>
        %select_n3A_367 = arith.select %eq3A_357, %get3A_26, %get3A_6 : vector<16xi1>, vector<16xf32>
        %select_n3A_368 = arith.select %eq3A_360, %get3A_46, %select_n3A_367 : vector<16xi1>, vector<16xf32>
        %select_n3A_369 = arith.select %eq3A_363, %get3A_66, %select_n3A_368 : vector<16xi1>, vector<16xf32>
        %select_n3A_370 = arith.select %eq3A_366, %get3A_86, %select_n3A_369 : vector<16xi1>, vector<16xf32>
        %get3A_371 = arith.index_cast %add3A_343 : i32 to index
        %get3A_372 = arith.constant 0 : index
        %get3A_373 = tpu.vector_load %arg7[%get3A_371, %get3A_372] {strides = array<i32>} : memref<64x64xf32, #tpu.memory_space<vmem>>, vector<1x16xf32>,
        %get3A_374 = vector.shape_cast %get3A_373 : vector<1x16xf32> to vector<16xf32>
        %add3A_375 = arith.addf %select_n3A_370, %get3A_374 : vector<16xf32>
        %swap3A_376 = arith.index_cast %add3A_343 : i32 to index
        %swap3A_377 = arith.constant 0 : index
        %swap3A_378 = tpu.vector_load %arg12[%swap3A_376, %swap3A_377] {strides = array<i32>} : memref<64x64xf32, #tpu.memory_space<vmem>>, vector<1x16xf32>,
        %swap3A_379 = vector.shape_cast %swap3A_378 : vector<1x16xf32> to vector<16xf32>
        %swap3A_380 = vector.shape_cast %add3A_375 : vector<16xf32> to vector<1x16xf32>
        tpu.vector_store %arg12[%swap3A_376, %swap3A_377], %swap3A_380 {strides = array<i32>} : memref<64x64xf32, #tpu.memory_space<vmem>>, vector<1x16xf32>,
        %select_n3A_381 = arith.select %eq3A_357, %get3A_31, %get3A_11 : vector<16xi1>, vector<16xf32>
        %select_n3A_382 = arith.select %eq3A_360, %get3A_51, %select_n3A_381 : vector<16xi1>, vector<16xf32>
        %select_n3A_383 = arith.select %eq3A_363, %get3A_71, %select_n3A_382 : vector<16xi1>, vector<16xf32>
        %select_n3A_384 = arith.select %eq3A_366, %get3A_91, %select_n3A_383 : vector<16xi1>, vector<16xf32>
        %get3A_385 = arith.index_cast %add3A_343 : i32 to index
        %get3A_386 = arith.constant 16 : index
        %get3A_387 = tpu.vector_load %arg7[%get3A_385, %get3A_386] {strides = array<i32>} : memref<64x64xf32, #tpu.memory_space<vmem>>, vector<1x16xf32>,
        %get3A_388 = vector.shape_cast %get3A_387 : vector<1x16xf32> to vector<16xf32>
        %add3A_389 = arith.addf %select_n3A_384, %get3A_388 : vector<16xf32>
        %swap3A_390 = arith.index_cast %add3A_343 : i32 to index
        %swap3A_391 = arith.constant 16 : index
        %swap3A_392 = tpu.vector_load %arg12[%swap3A_390, %swap3A_391] {strides = array<i32>} : memref<64x64xf32, #tpu.memory_space<vmem>>, vector<1x16xf32>,
        %swap3A_393 = vector.shape_cast %swap3A_392 : vector<1x16xf32> to vector<16xf32>
        %swap3A_394 = vector.shape_cast %add3A_389 : vector<16xf32> to vector<1x16xf32>
        tpu.vector_store %arg12[%swap3A_390, %swap3A_391], %swap3A_394 {strides = array<i32>} : memref<64x64xf32, #tpu.memory_space<vmem>>, vector<1x16xf32>,
        %select_n3A_395 = arith.select %eq3A_357, %get3A_36, %get3A_16 : vector<16xi1>, vector<16xf32>
        %select_n3A_396 = arith.select %eq3A_360, %get3A_56, %select_n3A_395 : vector<16xi1>, vector<16xf32>
        %select_n3A_397 = arith.select %eq3A_363, %get3A_76, %select_n3A_396 : vector<16xi1>, vector<16xf32>
        %select_n3A_398 = arith.select %eq3A_366, %get3A_96, %select_n3A_397 : vector<16xi1>, vector<16xf32>
        %get3A_399 = arith.index_cast %add3A_343 : i32 to index
        %get3A_400 = arith.constant 32 : index
        %get3A_401 = tpu.vector_load %arg7[%get3A_399, %get3A_400] {strides = array<i32>} : memref<64x64xf32, #tpu.memory_space<vmem>>, vector<1x16xf32>,
        %get3A_402 = vector.shape_cast %get3A_401 : vector<1x16xf32> to vector<16xf32>
        %add3A_403 = arith.addf %select_n3A_398, %get3A_402 : vector<16xf32>
        %swap3A_404 = arith.index_cast %add3A_343 : i32 to index
        %swap3A_405 = arith.constant 32 : index
        %swap3A_406 = tpu.vector_load %arg12[%swap3A_404, %swap3A_405] {strides = array<i32>} : memref<64x64xf32, #tpu.memory_space<vmem>>, vector<1x16xf32>,
        %swap3A_407 = vector.shape_cast %swap3A_406 : vector<1x16xf32> to vector<16xf32>
        %swap3A_408 = vector.shape_cast %add3A_403 : vector<16xf32> to vector<1x16xf32>
        tpu.vector_store %arg12[%swap3A_404, %swap3A_405], %swap3A_408 {strides = array<i32>} : memref<64x64xf32, #tpu.memory_space<vmem>>, vector<1x16xf32>,
        %select_n3A_409 = arith.select %eq3A_357, %get3A_41, %get3A_21 : vector<16xi1>, vector<16xf32>
        %select_n3A_410 = arith.select %eq3A_360, %get3A_61, %select_n3A_409 : vector<16xi1>, vector<16xf32>
        %select_n3A_411 = arith.select %eq3A_363, %get3A_81, %select_n3A_410 : vector<16xi1>, vector<16xf32>
        %select_n3A_412 = arith.select %eq3A_366, %get3A_101, %select_n3A_411 : vector<16xi1>, vector<16xf32>
        %get3A_413 = arith.index_cast %add3A_343 : i32 to index
        %get3A_414 = arith.constant 48 : index
        %get3A_415 = tpu.vector_load %arg7[%get3A_413, %get3A_414] {strides = array<i32>} : memref<64x64xf32, #tpu.memory_space<vmem>>, vector<1x16xf32>,
        %get3A_416 = vector.shape_cast %get3A_415 : vector<1x16xf32> to vector<16xf32>
        %add3A_417 = arith.addf %select_n3A_412, %get3A_416 : vector<16xf32>
        %swap3A_418 = arith.index_cast %add3A_343 : i32 to index
        %swap3A_419 = arith.constant 48 : index
        %swap3A_420 = tpu.vector_load %arg12[%swap3A_418, %swap3A_419] {strides = array<i32>} : memref<64x64xf32, #tpu.memory_space<vmem>>, vector<1x16xf32>,
        %swap3A_421 = vector.shape_cast %swap3A_420 : vector<1x16xf32> to vector<16xf32>
        %swap3A_422 = vector.shape_cast %add3A_417 : vector<16xf32> to vector<1x16xf32>
        tpu.vector_store %arg12[%swap3A_418, %swap3A_419], %swap3A_422 {strides = array<i32>} : memref<64x64xf32, #tpu.memory_space<vmem>>, vector<1x16xf32>,
        %mul3A_423 = arith.constant 16 : i32
        %mul3A_424 = arith.muli %scan3A_255, %mul3A_423 : i32
        %add3A_425 = arith.constant 2 : i32
        %add3A_426 = arith.addi %mul3A_424, %add3A_425 : i32
        %broadcast_in_dim3A_427 = arith.constant 2 : i32
        %broadcast_in_dim3A_428 = vector.broadcast %broadcast_in_dim3A_427 : i32 to vector<16x1xi32>
        %gather3A_429 = vector.shape_cast %broadcast_in_dim3A_428 : vector<16x1xi32> to vector<16xi32>
        %gather3A_430 = tpu.dynamic_gather %get3A_260[%gather3A_429] in [0] : vector<16xi32>, vector<16xi32> -> vector<16xi32>
        %swap3A_431 = arith.constant 0 : index
        %swap3A_432 = tpu.vector_load %arg9[%swap3A_431] {strides = array<i32>} : memref<16xi32, #tpu.memory_space<vmem>>, vector<16xi32>,
        %swap3A_433 = vector.shape_cast %swap3A_432 : vector<16xi32> to vector<16xi32>
        %swap3A_434 = vector.shape_cast %gather3A_430 : vector<16xi32> to vector<16xi32>
        tpu.vector_store %arg9[%swap3A_431], %swap3A_434 {strides = array<i32>} : memref<16xi32, #tpu.memory_space<vmem>>, vector<16xi32>,
        %get3A_435 = arith.constant 0 : index
        %get3A_436 = tpu.vector_load %arg9[%get3A_435] {strides = array<i32>} : memref<16xi32, #tpu.memory_space<vmem>>, vector<16xi32>,
        %get3A_437 = vector.shape_cast %get3A_436 : vector<16xi32> to vector<16xi32>
        %eq3A_438 = arith.constant 1 : i32
        %eq3A_439 = vector.broadcast %eq3A_438 : i32 to vector<16xi32>
        %eq3A_440 = arith.cmpi eq, %get3A_437, %eq3A_439 : vector<16xi32>
        %eq3A_441 = arith.constant 2 : i32
        %eq3A_442 = vector.broadcast %eq3A_441 : i32 to vector<16xi32>
        %eq3A_443 = arith.cmpi eq, %get3A_437, %eq3A_442 : vector<16xi32>
        %eq3A_444 = arith.constant 3 : i32
        %eq3A_445 = vector.broadcast %eq3A_444 : i32 to vector<16xi32>
        %eq3A_446 = arith.cmpi eq, %get3A_437, %eq3A_445 : vector<16xi32>
        %eq3A_447 = arith.constant 4 : i32
        %eq3A_448 = vector.broadcast %eq3A_447 : i32 to vector<16xi32>
        %eq3A_449 = arith.cmpi eq, %get3A_437, %eq3A_448 : vector<16xi32>
        %select_n3A_450 = arith.select %eq3A_440, %get3A_26, %get3A_6 : vector<16xi1>, vector<16xf32>
        %select_n3A_451 = arith.select %eq3A_443, %get3A_46, %select_n3A_450 : vector<16xi1>, vector<16xf32>
        %select_n3A_452 = arith.select %eq3A_446, %get3A_66, %select_n3A_451 : vector<16xi1>, vector<16xf32>
        %select_n3A_453 = arith.select %eq3A_449, %get3A_86, %select_n3A_452 : vector<16xi1>, vector<16xf32>
        %get3A_454 = arith.index_cast %add3A_426 : i32 to index
        %get3A_455 = arith.constant 0 : index
        %get3A_456 = tpu.vector_load %arg7[%get3A_454, %get3A_455] {strides = array<i32>} : memref<64x64xf32, #tpu.memory_space<vmem>>, vector<1x16xf32>,
        %get3A_457 = vector.shape_cast %get3A_456 : vector<1x16xf32> to vector<16xf32>
        %add3A_458 = arith.addf %select_n3A_453, %get3A_457 : vector<16xf32>
        %swap3A_459 = arith.index_cast %add3A_426 : i32 to index
        %swap3A_460 = arith.constant 0 : index
        %swap3A_461 = tpu.vector_load %arg12[%swap3A_459, %swap3A_460] {strides = array<i32>} : memref<64x64xf32, #tpu.memory_space<vmem>>, vector<1x16xf32>,
        %swap3A_462 = vector.shape_cast %swap3A_461 : vector<1x16xf32> to vector<16xf32>
        %swap3A_463 = vector.shape_cast %add3A_458 : vector<16xf32> to vector<1x16xf32>
        tpu.vector_store %arg12[%swap3A_459, %swap3A_460], %swap3A_463 {strides = array<i32>} : memref<64x64xf32, #tpu.memory_space<vmem>>, vector<1x16xf32>,
        %select_n3A_464 = arith.select %eq3A_440, %get3A_31, %get3A_11 : vector<16xi1>, vector<16xf32>
        %select_n3A_465 = arith.select %eq3A_443, %get3A_51, %select_n3A_464 : vector<16xi1>, vector<16xf32>
        %select_n3A_466 = arith.select %eq3A_446, %get3A_71, %select_n3A_465 : vector<16xi1>, vector<16xf32>
        %select_n3A_467 = arith.select %eq3A_449, %get3A_91, %select_n3A_466 : vector<16xi1>, vector<16xf32>
        %get3A_468 = arith.index_cast %add3A_426 : i32 to index
        %get3A_469 = arith.constant 16 : index
        %get3A_470 = tpu.vector_load %arg7[%get3A_468, %get3A_469] {strides = array<i32>} : memref<64x64xf32, #tpu.memory_space<vmem>>, vector<1x16xf32>,
        %get3A_471 = vector.shape_cast %get3A_470 : vector<1x16xf32> to vector<16xf32>
        %add3A_472 = arith.addf %select_n3A_467, %get3A_471 : vector<16xf32>
        %swap3A_473 = arith.index_cast %add3A_426 : i32 to index
        %swap3A_474 = arith.constant 16 : index
        %swap3A_475 = tpu.vector_load %arg12[%swap3A_473, %swap3A_474] {strides = array<i32>} : memref<64x64xf32, #tpu.memory_space<vmem>>, vector<1x16xf32>,
        %swap3A_476 = vector.shape_cast %swap3A_475 : vector<1x16xf32> to vector<16xf32>
        %swap3A_477 = vector.shape_cast %add3A_472 : vector<16xf32> to vector<1x16xf32>
        tpu.vector_store %arg12[%swap3A_473, %swap3A_474], %swap3A_477 {strides = array<i32>} : memref<64x64xf32, #tpu.memory_space<vmem>>, vector<1x16xf32>,
        %select_n3A_478 = arith.select %eq3A_440, %get3A_36, %get3A_16 : vector<16xi1>, vector<16xf32>
        %select_n3A_479 = arith.select %eq3A_443, %get3A_56, %select_n3A_478 : vector<16xi1>, vector<16xf32>
        %select_n3A_480 = arith.select %eq3A_446, %get3A_76, %select_n3A_479 : vector<16xi1>, vector<16xf32>
        %select_n3A_481 = arith.select %eq3A_449, %get3A_96, %select_n3A_480 : vector<16xi1>, vector<16xf32>
        %get3A_482 = arith.index_cast %add3A_426 : i32 to index
        %get3A_483 = arith.constant 32 : index
        %get3A_484 = tpu.vector_load %arg7[%get3A_482, %get3A_483] {strides = array<i32>} : memref<64x64xf32, #tpu.memory_space<vmem>>, vector<1x16xf32>,
        %get3A_485 = vector.shape_cast %get3A_484 : vector<1x16xf32> to vector<16xf32>
        %add3A_486 = arith.addf %select_n3A_481, %get3A_485 : vector<16xf32>
        %swap3A_487 = arith.index_cast %add3A_426 : i32 to index
        %swap3A_488 = arith.constant 32 : index
        %swap3A_489 = tpu.vector_load %arg12[%swap3A_487, %swap3A_488] {strides = array<i32>} : memref<64x64xf32, #tpu.memory_space<vmem>>, vector<1x16xf32>,
        %swap3A_490 = vector.shape_cast %swap3A_489 : vector<1x16xf32> to vector<16xf32>
        %swap3A_491 = vector.shape_cast %add3A_486 : vector<16xf32> to vector<1x16xf32>
        tpu.vector_store %arg12[%swap3A_487, %swap3A_488], %swap3A_491 {strides = array<i32>} : memref<64x64xf32, #tpu.memory_space<vmem>>, vector<1x16xf32>,
        %select_n3A_492 = arith.select %eq3A_440, %get3A_41, %get3A_21 : vector<16xi1>, vector<16xf32>
        %select_n3A_493 = arith.select %eq3A_443, %get3A_61, %select_n3A_492 : vector<16xi1>, vector<16xf32>
        %select_n3A_494 = arith.select %eq3A_446, %get3A_81, %select_n3A_493 : vector<16xi1>, vector<16xf32>
        %select_n3A_495 = arith.select %eq3A_449, %get3A_101, %select_n3A_494 : vector<16xi1>, vector<16xf32>
        %get3A_496 = arith.index_cast %add3A_426 : i32 to index
        %get3A_497 = arith.constant 48 : index
        %get3A_498 = tpu.vector_load %arg7[%get3A_496, %get3A_497] {strides = array<i32>} : memref<64x64xf32, #tpu.memory_space<vmem>>, vector<1x16xf32>,
        %get3A_499 = vector.shape_cast %get3A_498 : vector<1x16xf32> to vector<16xf32>
        %add3A_500 = arith.addf %select_n3A_495, %get3A_499 : vector<16xf32>
        %swap3A_501 = arith.index_cast %add3A_426 : i32 to index
        %swap3A_502 = arith.constant 48 : index
        %swap3A_503 = tpu.vector_load %arg12[%swap3A_501, %swap3A_502] {strides = array<i32>} : memref<64x64xf32, #tpu.memory_space<vmem>>, vector<1x16xf32>,
        %swap3A_504 = vector.shape_cast %swap3A_503 : vector<1x16xf32> to vector<16xf32>
        %swap3A_505 = vector.shape_cast %add3A_500 : vector<16xf32> to vector<1x16xf32>
        tpu.vector_store %arg12[%swap3A_501, %swap3A_502], %swap3A_505 {strides = array<i32>} : memref<64x64xf32, #tpu.memory_space<vmem>>, vector<1x16xf32>,
        %mul3A_506 = arith.constant 16 : i32
        %mul3A_507 = arith.muli %scan3A_255, %mul3A_506 : i32
        %add3A_508 = arith.constant 3 : i32
        %add3A_509 = arith.addi %mul3A_507, %add3A_508 : i32
        %broadcast_in_dim3A_510 = arith.constant 3 : i32
        %broadcast_in_dim3A_511 = vector.broadcast %broadcast_in_dim3A_510 : i32 to vector<16x1xi32>
        %gather3A_512 = vector.shape_cast %broadcast_in_dim3A_511 : vector<16x1xi32> to vector<16xi32>
        %gather3A_513 = tpu.dynamic_gather %get3A_260[%gather3A_512] in [0] : vector<16xi32>, vector<16xi32> -> vector<16xi32>
        %swap3A_514 = arith.constant 0 : index
        %swap3A_515 = tpu.vector_load %arg9[%swap3A_514] {strides = array<i32>} : memref<16xi32, #tpu.memory_space<vmem>>, vector<16xi32>,
        %swap3A_516 = vector.shape_cast %swap3A_515 : vector<16xi32> to vector<16xi32>
        %swap3A_517 = vector.shape_cast %gather3A_513 : vector<16xi32> to vector<16xi32>
        tpu.vector_store %arg9[%swap3A_514], %swap3A_517 {strides = array<i32>} : memref<16xi32, #tpu.memory_space<vmem>>, vector<16xi32>,
        %get3A_518 = arith.constant 0 : index
        %get3A_519 = tpu.vector_load %arg9[%get3A_518] {strides = array<i32>} : memref<16xi32, #tpu.memory_space<vmem>>, vector<16xi32>,
        %get3A_520 = vector.shape_cast %get3A_519 : vector<16xi32> to vector<16xi32>
        %eq3A_521 = arith.constant 1 : i32
        %eq3A_522 = vector.broadcast %eq3A_521 : i32 to vector<16xi32>
        %eq3A_523 = arith.cmpi eq, %get3A_520, %eq3A_522 : vector<16xi32>
        %eq3A_524 = arith.constant 2 : i32
        %eq3A_525 = vector.broadcast %eq3A_524 : i32 to vector<16xi32>
        %eq3A_526 = arith.cmpi eq, %get3A_520, %eq3A_525 : vector<16xi32>
        %eq3A_527 = arith.constant 3 : i32
        %eq3A_528 = vector.broadcast %eq3A_527 : i32 to vector<16xi32>
        %eq3A_529 = arith.cmpi eq, %get3A_520, %eq3A_528 : vector<16xi32>
        %eq3A_530 = arith.constant 4 : i32
        %eq3A_531 = vector.broadcast %eq3A_530 : i32 to vector<16xi32>
        %eq3A_532 = arith.cmpi eq, %get3A_520, %eq3A_531 : vector<16xi32>
        %select_n3A_533 = arith.select %eq3A_523, %get3A_26, %get3A_6 : vector<16xi1>, vector<16xf32>
        %select_n3A_534 = arith.select %eq3A_526, %get3A_46, %select_n3A_533 : vector<16xi1>, vector<16xf32>
        %select_n3A_535 = arith.select %eq3A_529, %get3A_66, %select_n3A_534 : vector<16xi1>, vector<16xf32>
        %select_n3A_536 = arith.select %eq3A_532, %get3A_86, %select_n3A_535 : vector<16xi1>, vector<16xf32>
        %get3A_537 = arith.index_cast %add3A_509 : i32 to index
        %get3A_538 = arith.constant 0 : index
        %get3A_539 = tpu.vector_load %arg7[%get3A_537, %get3A_538] {strides = array<i32>} : memref<64x64xf32, #tpu.memory_space<vmem>>, vector<1x16xf32>,
        %get3A_540 = vector.shape_cast %get3A_539 : vector<1x16xf32> to vector<16xf32>
        %add3A_541 = arith.addf %select_n3A_536, %get3A_540 : vector<16xf32>
        %swap3A_542 = arith.index_cast %add3A_509 : i32 to index
        %swap3A_543 = arith.constant 0 : index
        %swap3A_544 = tpu.vector_load %arg12[%swap3A_542, %swap3A_543] {strides = array<i32>} : memref<64x64xf32, #tpu.memory_space<vmem>>, vector<1x16xf32>,
        %swap3A_545 = vector.shape_cast %swap3A_544 : vector<1x16xf32> to vector<16xf32>
        %swap3A_546 = vector.shape_cast %add3A_541 : vector<16xf32> to vector<1x16xf32>
        tpu.vector_store %arg12[%swap3A_542, %swap3A_543], %swap3A_546 {strides = array<i32>} : memref<64x64xf32, #tpu.memory_space<vmem>>, vector<1x16xf32>,
        %select_n3A_547 = arith.select %eq3A_523, %get3A_31, %get3A_11 : vector<16xi1>, vector<16xf32>
        %select_n3A_548 = arith.select %eq3A_526, %get3A_51, %select_n3A_547 : vector<16xi1>, vector<16xf32>
        %select_n3A_549 = arith.select %eq3A_529, %get3A_71, %select_n3A_548 : vector<16xi1>, vector<16xf32>
        %select_n3A_550 = arith.select %eq3A_532, %get3A_91, %select_n3A_549 : vector<16xi1>, vector<16xf32>
        %get3A_551 = arith.index_cast %add3A_509 : i32 to index
        %get3A_552 = arith.constant 16 : index
        %get3A_553 = tpu.vector_load %arg7[%get3A_551, %get3A_552] {strides = array<i32>} : memref<64x64xf32, #tpu.memory_space<vmem>>, vector<1x16xf32>,
        %get3A_554 = vector.shape_cast %get3A_553 : vector<1x16xf32> to vector<16xf32>
        %add3A_555 = arith.addf %select_n3A_550, %get3A_554 : vector<16xf32>
        %swap3A_556 = arith.index_cast %add3A_509 : i32 to index
        %swap3A_557 = arith.constant 16 : index
        %swap3A_558 = tpu.vector_load %arg12[%swap3A_556, %swap3A_557] {strides = array<i32>} : memref<64x64xf32, #tpu.memory_space<vmem>>, vector<1x16xf32>,
        %swap3A_559 = vector.shape_cast %swap3A_558 : vector<1x16xf32> to vector<16xf32>
        %swap3A_560 = vector.shape_cast %add3A_555 : vector<16xf32> to vector<1x16xf32>
        tpu.vector_store %arg12[%swap3A_556, %swap3A_557], %swap3A_560 {strides = array<i32>} : memref<64x64xf32, #tpu.memory_space<vmem>>, vector<1x16xf32>,
        %select_n3A_561 = arith.select %eq3A_523, %get3A_36, %get3A_16 : vector<16xi1>, vector<16xf32>
        %select_n3A_562 = arith.select %eq3A_526, %get3A_56, %select_n3A_561 : vector<16xi1>, vector<16xf32>
        %select_n3A_563 = arith.select %eq3A_529, %get3A_76, %select_n3A_562 : vector<16xi1>, vector<16xf32>
        %select_n3A_564 = arith.select %eq3A_532, %get3A_96, %select_n3A_563 : vector<16xi1>, vector<16xf32>
        %get3A_565 = arith.index_cast %add3A_509 : i32 to index
        %get3A_566 = arith.constant 32 : index
        %get3A_567 = tpu.vector_load %arg7[%get3A_565, %get3A_566] {strides = array<i32>} : memref<64x64xf32, #tpu.memory_space<vmem>>, vector<1x16xf32>,
        %get3A_568 = vector.shape_cast %get3A_567 : vector<1x16xf32> to vector<16xf32>
        %add3A_569 = arith.addf %select_n3A_564, %get3A_568 : vector<16xf32>
        %swap3A_570 = arith.index_cast %add3A_509 : i32 to index
        %swap3A_571 = arith.constant 32 : index
        %swap3A_572 = tpu.vector_load %arg12[%swap3A_570, %swap3A_571] {strides = array<i32>} : memref<64x64xf32, #tpu.memory_space<vmem>>, vector<1x16xf32>,
        %swap3A_573 = vector.shape_cast %swap3A_572 : vector<1x16xf32> to vector<16xf32>
        %swap3A_574 = vector.shape_cast %add3A_569 : vector<16xf32> to vector<1x16xf32>
        tpu.vector_store %arg12[%swap3A_570, %swap3A_571], %swap3A_574 {strides = array<i32>} : memref<64x64xf32, #tpu.memory_space<vmem>>, vector<1x16xf32>,
        %select_n3A_575 = arith.select %eq3A_523, %get3A_41, %get3A_21 : vector<16xi1>, vector<16xf32>
        %select_n3A_576 = arith.select %eq3A_526, %get3A_61, %select_n3A_575 : vector<16xi1>, vector<16xf32>
        %select_n3A_577 = arith.select %eq3A_529, %get3A_81, %select_n3A_576 : vector<16xi1>, vector<16xf32>
        %select_n3A_578 = arith.select %eq3A_532, %get3A_101, %select_n3A_577 : vector<16xi1>, vector<16xf32>
        %get3A_579 = arith.index_cast %add3A_509 : i32 to index
        %get3A_580 = arith.constant 48 : index
        %get3A_581 = tpu.vector_load %arg7[%get3A_579, %get3A_580] {strides = array<i32>} : memref<64x64xf32, #tpu.memory_space<vmem>>, vector<1x16xf32>,
        %get3A_582 = vector.shape_cast %get3A_581 : vector<1x16xf32> to vector<16xf32>
        %add3A_583 = arith.addf %select_n3A_578, %get3A_582 : vector<16xf32>
        %swap3A_584 = arith.index_cast %add3A_509 : i32 to index
        %swap3A_585 = arith.constant 48 : index
        %swap3A_586 = tpu.vector_load %arg12[%swap3A_584, %swap3A_585] {strides = array<i32>} : memref<64x64xf32, #tpu.memory_space<vmem>>, vector<1x16xf32>,
        %swap3A_587 = vector.shape_cast %swap3A_586 : vector<1x16xf32> to vector<16xf32>
        %swap3A_588 = vector.shape_cast %add3A_583 : vector<16xf32> to vector<1x16xf32>
        tpu.vector_store %arg12[%swap3A_584, %swap3A_585], %swap3A_588 {strides = array<i32>} : memref<64x64xf32, #tpu.memory_space<vmem>>, vector<1x16xf32>,
        %mul3A_589 = arith.constant 16 : i32
        %mul3A_590 = arith.muli %scan3A_255, %mul3A_589 : i32
        %add3A_591 = arith.constant 4 : i32
        %add3A_592 = arith.addi %mul3A_590, %add3A_591 : i32
        %broadcast_in_dim3A_593 = arith.constant 4 : i32
        %broadcast_in_dim3A_594 = vector.broadcast %broadcast_in_dim3A_593 : i32 to vector<16x1xi32>
        %gather3A_595 = vector.shape_cast %broadcast_in_dim3A_594 : vector<16x1xi32> to vector<16xi32>
        %gather3A_596 = tpu.dynamic_gather %get3A_260[%gather3A_595] in [0] : vector<16xi32>, vector<16xi32> -> vector<16xi32>
        %swap3A_597 = arith.constant 0 : index
        %swap3A_598 = tpu.vector_load %arg9[%swap3A_597] {strides = array<i32>} : memref<16xi32, #tpu.memory_space<vmem>>, vector<16xi32>,
        %swap3A_599 = vector.shape_cast %swap3A_598 : vector<16xi32> to vector<16xi32>
        %swap3A_600 = vector.shape_cast %gather3A_596 : vector<16xi32> to vector<16xi32>
        tpu.vector_store %arg9[%swap3A_597], %swap3A_600 {strides = array<i32>} : memref<16xi32, #tpu.memory_space<vmem>>, vector<16xi32>,
        %get3A_601 = arith.constant 0 : index
        %get3A_602 = tpu.vector_load %arg9[%get3A_601] {strides = array<i32>} : memref<16xi32, #tpu.memory_space<vmem>>, vector<16xi32>,
        %get3A_603 = vector.shape_cast %get3A_602 : vector<16xi32> to vector<16xi32>
        %eq3A_604 = arith.constant 1 : i32
        %eq3A_605 = vector.broadcast %eq3A_604 : i32 to vector<16xi32>
        %eq3A_606 = arith.cmpi eq, %get3A_603, %eq3A_605 : vector<16xi32>
        %eq3A_607 = arith.constant 2 : i32
        %eq3A_608 = vector.broadcast %eq3A_607 : i32 to vector<16xi32>
        %eq3A_609 = arith.cmpi eq, %get3A_603, %eq3A_608 : vector<16xi32>
        %eq3A_610 = arith.constant 3 : i32
        %eq3A_611 = vector.broadcast %eq3A_610 : i32 to vector<16xi32>
        %eq3A_612 = arith.cmpi eq, %get3A_603, %eq3A_611 : vector<16xi32>
        %eq3A_613 = arith.constant 4 : i32
        %eq3A_614 = vector.broadcast %eq3A_613 : i32 to vector<16xi32>
        %eq3A_615 = arith.cmpi eq, %get3A_603, %eq3A_614 : vector<16xi32>
        %select_n3A_616 = arith.select %eq3A_606, %get3A_26, %get3A_6 : vector<16xi1>, vector<16xf32>
        %select_n3A_617 = arith.select %eq3A_609, %get3A_46, %select_n3A_616 : vector<16xi1>, vector<16xf32>
        %select_n3A_618 = arith.select %eq3A_612, %get3A_66, %select_n3A_617 : vector<16xi1>, vector<16xf32>
        %select_n3A_619 = arith.select %eq3A_615, %get3A_86, %select_n3A_618 : vector<16xi1>, vector<16xf32>
        %get3A_620 = arith.index_cast %add3A_592 : i32 to index
        %get3A_621 = arith.constant 0 : index
        %get3A_622 = tpu.vector_load %arg7[%get3A_620, %get3A_621] {strides = array<i32>} : memref<64x64xf32, #tpu.memory_space<vmem>>, vector<1x16xf32>,
        %get3A_623 = vector.shape_cast %get3A_622 : vector<1x16xf32> to vector<16xf32>
        %add3A_624 = arith.addf %select_n3A_619, %get3A_623 : vector<16xf32>
        %swap3A_625 = arith.index_cast %add3A_592 : i32 to index
        %swap3A_626 = arith.constant 0 : index
        %swap3A_627 = tpu.vector_load %arg12[%swap3A_625, %swap3A_626] {strides = array<i32>} : memref<64x64xf32, #tpu.memory_space<vmem>>, vector<1x16xf32>,
        %swap3A_628 = vector.shape_cast %swap3A_627 : vector<1x16xf32> to vector<16xf32>
        %swap3A_629 = vector.shape_cast %add3A_624 : vector<16xf32> to vector<1x16xf32>
        tpu.vector_store %arg12[%swap3A_625, %swap3A_626], %swap3A_629 {strides = array<i32>} : memref<64x64xf32, #tpu.memory_space<vmem>>, vector<1x16xf32>,
        %select_n3A_630 = arith.select %eq3A_606, %get3A_31, %get3A_11 : vector<16xi1>, vector<16xf32>
        %select_n3A_631 = arith.select %eq3A_609, %get3A_51, %select_n3A_630 : vector<16xi1>, vector<16xf32>
        %select_n3A_632 = arith.select %eq3A_612, %get3A_71, %select_n3A_631 : vector<16xi1>, vector<16xf32>
        %select_n3A_633 = arith.select %eq3A_615, %get3A_91, %select_n3A_632 : vector<16xi1>, vector<16xf32>
        %get3A_634 = arith.index_cast %add3A_592 : i32 to index
        %get3A_635 = arith.constant 16 : index
        %get3A_636 = tpu.vector_load %arg7[%get3A_634, %get3A_635] {strides = array<i32>} : memref<64x64xf32, #tpu.memory_space<vmem>>, vector<1x16xf32>,
        %get3A_637 = vector.shape_cast %get3A_636 : vector<1x16xf32> to vector<16xf32>
        %add3A_638 = arith.addf %select_n3A_633, %get3A_637 : vector<16xf32>
        %swap3A_639 = arith.index_cast %add3A_592 : i32 to index
        %swap3A_640 = arith.constant 16 : index
        %swap3A_641 = tpu.vector_load %arg12[%swap3A_639, %swap3A_640] {strides = array<i32>} : memref<64x64xf32, #tpu.memory_space<vmem>>, vector<1x16xf32>,
        %swap3A_642 = vector.shape_cast %swap3A_641 : vector<1x16xf32> to vector<16xf32>
        %swap3A_643 = vector.shape_cast %add3A_638 : vector<16xf32> to vector<1x16xf32>
        tpu.vector_store %arg12[%swap3A_639, %swap3A_640], %swap3A_643 {strides = array<i32>} : memref<64x64xf32, #tpu.memory_space<vmem>>, vector<1x16xf32>,
        %select_n3A_644 = arith.select %eq3A_606, %get3A_36, %get3A_16 : vector<16xi1>, vector<16xf32>
        %select_n3A_645 = arith.select %eq3A_609, %get3A_56, %select_n3A_644 : vector<16xi1>, vector<16xf32>
        %select_n3A_646 = arith.select %eq3A_612, %get3A_76, %select_n3A_645 : vector<16xi1>, vector<16xf32>
        %select_n3A_647 = arith.select %eq3A_615, %get3A_96, %select_n3A_646 : vector<16xi1>, vector<16xf32>
        %get3A_648 = arith.index_cast %add3A_592 : i32 to index
        %get3A_649 = arith.constant 32 : index
        %get3A_650 = tpu.vector_load %arg7[%get3A_648, %get3A_649] {strides = array<i32>} : memref<64x64xf32, #tpu.memory_space<vmem>>, vector<1x16xf32>,
        %get3A_651 = vector.shape_cast %get3A_650 : vector<1x16xf32> to vector<16xf32>
        %add3A_652 = arith.addf %select_n3A_647, %get3A_651 : vector<16xf32>
        %swap3A_653 = arith.index_cast %add3A_592 : i32 to index
        %swap3A_654 = arith.constant 32 : index
        %swap3A_655 = tpu.vector_load %arg12[%swap3A_653, %swap3A_654] {strides = array<i32>} : memref<64x64xf32, #tpu.memory_space<vmem>>, vector<1x16xf32>,
        %swap3A_656 = vector.shape_cast %swap3A_655 : vector<1x16xf32> to vector<16xf32>
        %swap3A_657 = vector.shape_cast %add3A_652 : vector<16xf32> to vector<1x16xf32>
        tpu.vector_store %arg12[%swap3A_653, %swap3A_654], %swap3A_657 {strides = array<i32>} : memref<64x64xf32, #tpu.memory_space<vmem>>, vector<1x16xf32>,
        %select_n3A_658 = arith.select %eq3A_606, %get3A_41, %get3A_21 : vector<16xi1>, vector<16xf32>
        %select_n3A_659 = arith.select %eq3A_609, %get3A_61, %select_n3A_658 : vector<16xi1>, vector<16xf32>
        %select_n3A_660 = arith.select %eq3A_612, %get3A_81, %select_n3A_659 : vector<16xi1>, vector<16xf32>
        %select_n3A_661 = arith.select %eq3A_615, %get3A_101, %select_n3A_660 : vector<16xi1>, vector<16xf32>
        %get3A_662 = arith.index_cast %add3A_592 : i32 to index
        %get3A_663 = arith.constant 48 : index
        %get3A_664 = tpu.vector_load %arg7[%get3A_662, %get3A_663] {strides = array<i32>} : memref<64x64xf32, #tpu.memory_space<vmem>>, vector<1x16xf32>,
        %get3A_665 = vector.shape_cast %get3A_664 : vector<1x16xf32> to vector<16xf32>
        %add3A_666 = arith.addf %select_n3A_661, %get3A_665 : vector<16xf32>
        %swap3A_667 = arith.index_cast %add3A_592 : i32 to index
        %swap3A_668 = arith.constant 48 : index
        %swap3A_669 = tpu.vector_load %arg12[%swap3A_667, %swap3A_668] {strides = array<i32>} : memref<64x64xf32, #tpu.memory_space<vmem>>, vector<1x16xf32>,
        %swap3A_670 = vector.shape_cast %swap3A_669 : vector<1x16xf32> to vector<16xf32>
        %swap3A_671 = vector.shape_cast %add3A_666 : vector<16xf32> to vector<1x16xf32>
        tpu.vector_store %arg12[%swap3A_667, %swap3A_668], %swap3A_671 {strides = array<i32>} : memref<64x64xf32, #tpu.memory_space<vmem>>, vector<1x16xf32>,
        %mul3A_672 = arith.constant 16 : i32
        %mul3A_673 = arith.muli %scan3A_255, %mul3A_672 : i32
        %add3A_674 = arith.constant 5 : i32
        %add3A_675 = arith.addi %mul3A_673, %add3A_674 : i32
        %broadcast_in_dim3A_676 = arith.constant 5 : i32
        %broadcast_in_dim3A_677 = vector.broadcast %broadcast_in_dim3A_676 : i32 to vector<16x1xi32>
        %gather3A_678 = vector.shape_cast %broadcast_in_dim3A_677 : vector<16x1xi32> to vector<16xi32>
        %gather3A_679 = tpu.dynamic_gather %get3A_260[%gather3A_678] in [0] : vector<16xi32>, vector<16xi32> -> vector<16xi32>
        %swap3A_680 = arith.constant 0 : index
        %swap3A_681 = tpu.vector_load %arg9[%swap3A_680] {strides = array<i32>} : memref<16xi32, #tpu.memory_space<vmem>>, vector<16xi32>,
        %swap3A_682 = vector.shape_cast %swap3A_681 : vector<16xi32> to vector<16xi32>
        %swap3A_683 = vector.shape_cast %gather3A_679 : vector<16xi32> to vector<16xi32>
        tpu.vector_store %arg9[%swap3A_680], %swap3A_683 {strides = array<i32>} : memref<16xi32, #tpu.memory_space<vmem>>, vector<16xi32>,
        %get3A_684 = arith.constant 0 : index
        %get3A_685 = tpu.vector_load %arg9[%get3A_684] {strides = array<i32>} : memref<16xi32, #tpu.memory_space<vmem>>, vector<16xi32>,
        %get3A_686 = vector.shape_cast %get3A_685 : vector<16xi32> to vector<16xi32>
        %eq3A_687 = arith.constant 1 : i32
        %eq3A_688 = vector.broadcast %eq3A_687 : i32 to vector<16xi32>
        %eq3A_689 = arith.cmpi eq, %get3A_686, %eq3A_688 : vector<16xi32>
        %eq3A_690 = arith.constant 2 : i32
        %eq3A_691 = vector.broadcast %eq3A_690 : i32 to vector<16xi32>
        %eq3A_692 = arith.cmpi eq, %get3A_686, %eq3A_691 : vector<16xi32>
        %eq3A_693 = arith.constant 3 : i32
        %eq3A_694 = vector.broadcast %eq3A_693 : i32 to vector<16xi32>
        %eq3A_695 = arith.cmpi eq, %get3A_686, %eq3A_694 : vector<16xi32>
        %eq3A_696 = arith.constant 4 : i32
        %eq3A_697 = vector.broadcast %eq3A_696 : i32 to vector<16xi32>
        %eq3A_698 = arith.cmpi eq, %get3A_686, %eq3A_697 : vector<16xi32>
        %select_n3A_699 = arith.select %eq3A_689, %get3A_26, %get3A_6 : vector<16xi1>, vector<16xf32>
        %select_n3A_700 = arith.select %eq3A_692, %get3A_46, %select_n3A_699 : vector<16xi1>, vector<16xf32>
        %select_n3A_701 = arith.select %eq3A_695, %get3A_66, %select_n3A_700 : vector<16xi1>, vector<16xf32>
        %select_n3A_702 = arith.select %eq3A_698, %get3A_86, %select_n3A_701 : vector<16xi1>, vector<16xf32>
        %get3A_703 = arith.index_cast %add3A_675 : i32 to index
        %get3A_704 = arith.constant 0 : index
        %get3A_705 = tpu.vector_load %arg7[%get3A_703, %get3A_704] {strides = array<i32>} : memref<64x64xf32, #tpu.memory_space<vmem>>, vector<1x16xf32>,
        %get3A_706 = vector.shape_cast %get3A_705 : vector<1x16xf32> to vector<16xf32>
        %add3A_707 = arith.addf %select_n3A_702, %get3A_706 : vector<16xf32>
        %swap3A_708 = arith.index_cast %add3A_675 : i32 to index
        %swap3A_709 = arith.constant 0 : index
        %swap3A_710 = tpu.vector_load %arg12[%swap3A_708, %swap3A_709] {strides = array<i32>} : memref<64x64xf32, #tpu.memory_space<vmem>>, vector<1x16xf32>,
        %swap3A_711 = vector.shape_cast %swap3A_710 : vector<1x16xf32> to vector<16xf32>
        %swap3A_712 = vector.shape_cast %add3A_707 : vector<16xf32> to vector<1x16xf32>
        tpu.vector_store %arg12[%swap3A_708, %swap3A_709], %swap3A_712 {strides = array<i32>} : memref<64x64xf32, #tpu.memory_space<vmem>>, vector<1x16xf32>,
        %select_n3A_713 = arith.select %eq3A_689, %get3A_31, %get3A_11 : vector<16xi1>, vector<16xf32>
        %select_n3A_714 = arith.select %eq3A_692, %get3A_51, %select_n3A_713 : vector<16xi1>, vector<16xf32>
        %select_n3A_715 = arith.select %eq3A_695, %get3A_71, %select_n3A_714 : vector<16xi1>, vector<16xf32>
        %select_n3A_716 = arith.select %eq3A_698, %get3A_91, %select_n3A_715 : vector<16xi1>, vector<16xf32>
        %get3A_717 = arith.index_cast %add3A_675 : i32 to index
        %get3A_718 = arith.constant 16 : index
        %get3A_719 = tpu.vector_load %arg7[%get3A_717, %get3A_718] {strides = array<i32>} : memref<64x64xf32, #tpu.memory_space<vmem>>, vector<1x16xf32>,
        %get3A_720 = vector.shape_cast %get3A_719 : vector<1x16xf32> to vector<16xf32>
        %add3A_721 = arith.addf %select_n3A_716, %get3A_720 : vector<16xf32>
        %swap3A_722 = arith.index_cast %add3A_675 : i32 to index
        %swap3A_723 = arith.constant 16 : index
        %swap3A_724 = tpu.vector_load %arg12[%swap3A_722, %swap3A_723] {strides = array<i32>} : memref<64x64xf32, #tpu.memory_space<vmem>>, vector<1x16xf32>,
        %swap3A_725 = vector.shape_cast %swap3A_724 : vector<1x16xf32> to vector<16xf32>
        %swap3A_726 = vector.shape_cast %add3A_721 : vector<16xf32> to vector<1x16xf32>
        tpu.vector_store %arg12[%swap3A_722, %swap3A_723], %swap3A_726 {strides = array<i32>} : memref<64x64xf32, #tpu.memory_space<vmem>>, vector<1x16xf32>,
        %select_n3A_727 = arith.select %eq3A_689, %get3A_36, %get3A_16 : vector<16xi1>, vector<16xf32>
        %select_n3A_728 = arith.select %eq3A_692, %get3A_56, %select_n3A_727 : vector<16xi1>, vector<16xf32>
        %select_n3A_729 = arith.select %eq3A_695, %get3A_76, %select_n3A_728 : vector<16xi1>, vector<16xf32>
        %select_n3A_730 = arith.select %eq3A_698, %get3A_96, %select_n3A_729 : vector<16xi1>, vector<16xf32>
        %get3A_731 = arith.index_cast %add3A_675 : i32 to index
        %get3A_732 = arith.constant 32 : index
        %get3A_733 = tpu.vector_load %arg7[%get3A_731, %get3A_732] {strides = array<i32>} : memref<64x64xf32, #tpu.memory_space<vmem>>, vector<1x16xf32>,
        %get3A_734 = vector.shape_cast %get3A_733 : vector<1x16xf32> to vector<16xf32>
        %add3A_735 = arith.addf %select_n3A_730, %get3A_734 : vector<16xf32>
        %swap3A_736 = arith.index_cast %add3A_675 : i32 to index
        %swap3A_737 = arith.constant 32 : index
        %swap3A_738 = tpu.vector_load %arg12[%swap3A_736, %swap3A_737] {strides = array<i32>} : memref<64x64xf32, #tpu.memory_space<vmem>>, vector<1x16xf32>,
        %swap3A_739 = vector.shape_cast %swap3A_738 : vector<1x16xf32> to vector<16xf32>
        %swap3A_740 = vector.shape_cast %add3A_735 : vector<16xf32> to vector<1x16xf32>
        tpu.vector_store %arg12[%swap3A_736, %swap3A_737], %swap3A_740 {strides = array<i32>} : memref<64x64xf32, #tpu.memory_space<vmem>>, vector<1x16xf32>,
        %select_n3A_741 = arith.select %eq3A_689, %get3A_41, %get3A_21 : vector<16xi1>, vector<16xf32>
        %select_n3A_742 = arith.select %eq3A_692, %get3A_61, %select_n3A_741 : vector<16xi1>, vector<16xf32>
        %select_n3A_743 = arith.select %eq3A_695, %get3A_81, %select_n3A_742 : vector<16xi1>, vector<16xf32>
        %select_n3A_744 = arith.select %eq3A_698, %get3A_101, %select_n3A_743 : vector<16xi1>, vector<16xf32>
        %get3A_745 = arith.index_cast %add3A_675 : i32 to index
        %get3A_746 = arith.constant 48 : index
        %get3A_747 = tpu.vector_load %arg7[%get3A_745, %get3A_746] {strides = array<i32>} : memref<64x64xf32, #tpu.memory_space<vmem>>, vector<1x16xf32>,
        %get3A_748 = vector.shape_cast %get3A_747 : vector<1x16xf32> to vector<16xf32>
        %add3A_749 = arith.addf %select_n3A_744, %get3A_748 : vector<16xf32>
        %swap3A_750 = arith.index_cast %add3A_675 : i32 to index
        %swap3A_751 = arith.constant 48 : index
        %swap3A_752 = tpu.vector_load %arg12[%swap3A_750, %swap3A_751] {strides = array<i32>} : memref<64x64xf32, #tpu.memory_space<vmem>>, vector<1x16xf32>,
        %swap3A_753 = vector.shape_cast %swap3A_752 : vector<1x16xf32> to vector<16xf32>
        %swap3A_754 = vector.shape_cast %add3A_749 : vector<16xf32> to vector<1x16xf32>
        tpu.vector_store %arg12[%swap3A_750, %swap3A_751], %swap3A_754 {strides = array<i32>} : memref<64x64xf32, #tpu.memory_space<vmem>>, vector<1x16xf32>,
        %mul3A_755 = arith.constant 16 : i32
        %mul3A_756 = arith.muli %scan3A_255, %mul3A_755 : i32
        %add3A_757 = arith.constant 6 : i32
        %add3A_758 = arith.addi %mul3A_756, %add3A_757 : i32
        %broadcast_in_dim3A_759 = arith.constant 6 : i32
        %broadcast_in_dim3A_760 = vector.broadcast %broadcast_in_dim3A_759 : i32 to vector<16x1xi32>
        %gather3A_761 = vector.shape_cast %broadcast_in_dim3A_760 : vector<16x1xi32> to vector<16xi32>
        %gather3A_762 = tpu.dynamic_gather %get3A_260[%gather3A_761] in [0] : vector<16xi32>, vector<16xi32> -> vector<16xi32>
        %swap3A_763 = arith.constant 0 : index
        %swap3A_764 = tpu.vector_load %arg9[%swap3A_763] {strides = array<i32>} : memref<16xi32, #tpu.memory_space<vmem>>, vector<16xi32>,
        %swap3A_765 = vector.shape_cast %swap3A_764 : vector<16xi32> to vector<16xi32>
        %swap3A_766 = vector.shape_cast %gather3A_762 : vector<16xi32> to vector<16xi32>
        tpu.vector_store %arg9[%swap3A_763], %swap3A_766 {strides = array<i32>} : memref<16xi32, #tpu.memory_space<vmem>>, vector<16xi32>,
        %get3A_767 = arith.constant 0 : index
        %get3A_768 = tpu.vector_load %arg9[%get3A_767] {strides = array<i32>} : memref<16xi32, #tpu.memory_space<vmem>>, vector<16xi32>,
        %get3A_769 = vector.shape_cast %get3A_768 : vector<16xi32> to vector<16xi32>
        %eq3A_770 = arith.constant 1 : i32
        %eq3A_771 = vector.broadcast %eq3A_770 : i32 to vector<16xi32>
        %eq3A_772 = arith.cmpi eq, %get3A_769, %eq3A_771 : vector<16xi32>
        %eq3A_773 = arith.constant 2 : i32
        %eq3A_774 = vector.broadcast %eq3A_773 : i32 to vector<16xi32>
        %eq3A_775 = arith.cmpi eq, %get3A_769, %eq3A_774 : vector<16xi32>
        %eq3A_776 = arith.constant 3 : i32
        %eq3A_777 = vector.broadcast %eq3A_776 : i32 to vector<16xi32>
        %eq3A_778 = arith.cmpi eq, %get3A_769, %eq3A_777 : vector<16xi32>
        %eq3A_779 = arith.constant 4 : i32
        %eq3A_780 = vector.broadcast %eq3A_779 : i32 to vector<16xi32>
        %eq3A_781 = arith.cmpi eq, %get3A_769, %eq3A_780 : vector<16xi32>
        %select_n3A_782 = arith.select %eq3A_772, %get3A_26, %get3A_6 : vector<16xi1>, vector<16xf32>
        %select_n3A_783 = arith.select %eq3A_775, %get3A_46, %select_n3A_782 : vector<16xi1>, vector<16xf32>
        %select_n3A_784 = arith.select %eq3A_778, %get3A_66, %select_n3A_783 : vector<16xi1>, vector<16xf32>
        %select_n3A_785 = arith.select %eq3A_781, %get3A_86, %select_n3A_784 : vector<16xi1>, vector<16xf32>
        %get3A_786 = arith.index_cast %add3A_758 : i32 to index
        %get3A_787 = arith.constant 0 : index
        %get3A_788 = tpu.vector_load %arg7[%get3A_786, %get3A_787] {strides = array<i32>} : memref<64x64xf32, #tpu.memory_space<vmem>>, vector<1x16xf32>,
        %get3A_789 = vector.shape_cast %get3A_788 : vector<1x16xf32> to vector<16xf32>
        %add3A_790 = arith.addf %select_n3A_785, %get3A_789 : vector<16xf32>
        %swap3A_791 = arith.index_cast %add3A_758 : i32 to index
        %swap3A_792 = arith.constant 0 : index
        %swap3A_793 = tpu.vector_load %arg12[%swap3A_791, %swap3A_792] {strides = array<i32>} : memref<64x64xf32, #tpu.memory_space<vmem>>, vector<1x16xf32>,
        %swap3A_794 = vector.shape_cast %swap3A_793 : vector<1x16xf32> to vector<16xf32>
        %swap3A_795 = vector.shape_cast %add3A_790 : vector<16xf32> to vector<1x16xf32>
        tpu.vector_store %arg12[%swap3A_791, %swap3A_792], %swap3A_795 {strides = array<i32>} : memref<64x64xf32, #tpu.memory_space<vmem>>, vector<1x16xf32>,
        %select_n3A_796 = arith.select %eq3A_772, %get3A_31, %get3A_11 : vector<16xi1>, vector<16xf32>
        %select_n3A_797 = arith.select %eq3A_775, %get3A_51, %select_n3A_796 : vector<16xi1>, vector<16xf32>
        %select_n3A_798 = arith.select %eq3A_778, %get3A_71, %select_n3A_797 : vector<16xi1>, vector<16xf32>
        %select_n3A_799 = arith.select %eq3A_781, %get3A_91, %select_n3A_798 : vector<16xi1>, vector<16xf32>
        %get3A_800 = arith.index_cast %add3A_758 : i32 to index
        %get3A_801 = arith.constant 16 : index
        %get3A_802 = tpu.vector_load %arg7[%get3A_800, %get3A_801] {strides = array<i32>} : memref<64x64xf32, #tpu.memory_space<vmem>>, vector<1x16xf32>,
        %get3A_803 = vector.shape_cast %get3A_802 : vector<1x16xf32> to vector<16xf32>
        %add3A_804 = arith.addf %select_n3A_799, %get3A_803 : vector<16xf32>
        %swap3A_805 = arith.index_cast %add3A_758 : i32 to index
        %swap3A_806 = arith.constant 16 : index
        %swap3A_807 = tpu.vector_load %arg12[%swap3A_805, %swap3A_806] {strides = array<i32>} : memref<64x64xf32, #tpu.memory_space<vmem>>, vector<1x16xf32>,
        %swap3A_808 = vector.shape_cast %swap3A_807 : vector<1x16xf32> to vector<16xf32>
        %swap3A_809 = vector.shape_cast %add3A_804 : vector<16xf32> to vector<1x16xf32>
        tpu.vector_store %arg12[%swap3A_805, %swap3A_806], %swap3A_809 {strides = array<i32>} : memref<64x64xf32, #tpu.memory_space<vmem>>, vector<1x16xf32>,
        %select_n3A_810 = arith.select %eq3A_772, %get3A_36, %get3A_16 : vector<16xi1>, vector<16xf32>
        %select_n3A_811 = arith.select %eq3A_775, %get3A_56, %select_n3A_810 : vector<16xi1>, vector<16xf32>
        %select_n3A_812 = arith.select %eq3A_778, %get3A_76, %select_n3A_811 : vector<16xi1>, vector<16xf32>
        %select_n3A_813 = arith.select %eq3A_781, %get3A_96, %select_n3A_812 : vector<16xi1>, vector<16xf32>
        %get3A_814 = arith.index_cast %add3A_758 : i32 to index
        %get3A_815 = arith.constant 32 : index
        %get3A_816 = tpu.vector_load %arg7[%get3A_814, %get3A_815] {strides = array<i32>} : memref<64x64xf32, #tpu.memory_space<vmem>>, vector<1x16xf32>,
        %get3A_817 = vector.shape_cast %get3A_816 : vector<1x16xf32> to vector<16xf32>
        %add3A_818 = arith.addf %select_n3A_813, %get3A_817 : vector<16xf32>
        %swap3A_819 = arith.index_cast %add3A_758 : i32 to index
        %swap3A_820 = arith.constant 32 : index
        %swap3A_821 = tpu.vector_load %arg12[%swap3A_819, %swap3A_820] {strides = array<i32>} : memref<64x64xf32, #tpu.memory_space<vmem>>, vector<1x16xf32>,
        %swap3A_822 = vector.shape_cast %swap3A_821 : vector<1x16xf32> to vector<16xf32>
        %swap3A_823 = vector.shape_cast %add3A_818 : vector<16xf32> to vector<1x16xf32>
        tpu.vector_store %arg12[%swap3A_819, %swap3A_820], %swap3A_823 {strides = array<i32>} : memref<64x64xf32, #tpu.memory_space<vmem>>, vector<1x16xf32>,
        %select_n3A_824 = arith.select %eq3A_772, %get3A_41, %get3A_21 : vector<16xi1>, vector<16xf32>
        %select_n3A_825 = arith.select %eq3A_775, %get3A_61, %select_n3A_824 : vector<16xi1>, vector<16xf32>
        %select_n3A_826 = arith.select %eq3A_778, %get3A_81, %select_n3A_825 : vector<16xi1>, vector<16xf32>
        %select_n3A_827 = arith.select %eq3A_781, %get3A_101, %select_n3A_826 : vector<16xi1>, vector<16xf32>
        %get3A_828 = arith.index_cast %add3A_758 : i32 to index
        %get3A_829 = arith.constant 48 : index
        %get3A_830 = tpu.vector_load %arg7[%get3A_828, %get3A_829] {strides = array<i32>} : memref<64x64xf32, #tpu.memory_space<vmem>>, vector<1x16xf32>,
        %get3A_831 = vector.shape_cast %get3A_830 : vector<1x16xf32> to vector<16xf32>
        %add3A_832 = arith.addf %select_n3A_827, %get3A_831 : vector<16xf32>
        %swap3A_833 = arith.index_cast %add3A_758 : i32 to index
        %swap3A_834 = arith.constant 48 : index
        %swap3A_835 = tpu.vector_load %arg12[%swap3A_833, %swap3A_834] {strides = array<i32>} : memref<64x64xf32, #tpu.memory_space<vmem>>, vector<1x16xf32>,
        %swap3A_836 = vector.shape_cast %swap3A_835 : vector<1x16xf32> to vector<16xf32>
        %swap3A_837 = vector.shape_cast %add3A_832 : vector<16xf32> to vector<1x16xf32>
        tpu.vector_store %arg12[%swap3A_833, %swap3A_834], %swap3A_837 {strides = array<i32>} : memref<64x64xf32, #tpu.memory_space<vmem>>, vector<1x16xf32>,
        %mul3A_838 = arith.constant 16 : i32
        %mul3A_839 = arith.muli %scan3A_255, %mul3A_838 : i32
        %add3A_840 = arith.constant 7 : i32
        %add3A_841 = arith.addi %mul3A_839, %add3A_840 : i32
        %broadcast_in_dim3A_842 = arith.constant 7 : i32
        %broadcast_in_dim3A_843 = vector.broadcast %broadcast_in_dim3A_842 : i32 to vector<16x1xi32>
        %gather3A_844 = vector.shape_cast %broadcast_in_dim3A_843 : vector<16x1xi32> to vector<16xi32>
        %gather3A_845 = tpu.dynamic_gather %get3A_260[%gather3A_844] in [0] : vector<16xi32>, vector<16xi32> -> vector<16xi32>
        %swap3A_846 = arith.constant 0 : index
        %swap3A_847 = tpu.vector_load %arg9[%swap3A_846] {strides = array<i32>} : memref<16xi32, #tpu.memory_space<vmem>>, vector<16xi32>,
        %swap3A_848 = vector.shape_cast %swap3A_847 : vector<16xi32> to vector<16xi32>
        %swap3A_849 = vector.shape_cast %gather3A_845 : vector<16xi32> to vector<16xi32>
        tpu.vector_store %arg9[%swap3A_846], %swap3A_849 {strides = array<i32>} : memref<16xi32, #tpu.memory_space<vmem>>, vector<16xi32>,
        %get3A_850 = arith.constant 0 : index
        %get3A_851 = tpu.vector_load %arg9[%get3A_850] {strides = array<i32>} : memref<16xi32, #tpu.memory_space<vmem>>, vector<16xi32>,
        %get3A_852 = vector.shape_cast %get3A_851 : vector<16xi32> to vector<16xi32>
        %eq3A_853 = arith.constant 1 : i32
        %eq3A_854 = vector.broadcast %eq3A_853 : i32 to vector<16xi32>
        %eq3A_855 = arith.cmpi eq, %get3A_852, %eq3A_854 : vector<16xi32>
        %eq3A_856 = arith.constant 2 : i32
        %eq3A_857 = vector.broadcast %eq3A_856 : i32 to vector<16xi32>
        %eq3A_858 = arith.cmpi eq, %get3A_852, %eq3A_857 : vector<16xi32>
        %eq3A_859 = arith.constant 3 : i32
        %eq3A_860 = vector.broadcast %eq3A_859 : i32 to vector<16xi32>
        %eq3A_861 = arith.cmpi eq, %get3A_852, %eq3A_860 : vector<16xi32>
        %eq3A_862 = arith.constant 4 : i32
        %eq3A_863 = vector.broadcast %eq3A_862 : i32 to vector<16xi32>
        %eq3A_864 = arith.cmpi eq, %get3A_852, %eq3A_863 : vector<16xi32>
        %select_n3A_865 = arith.select %eq3A_855, %get3A_26, %get3A_6 : vector<16xi1>, vector<16xf32>
        %select_n3A_866 = arith.select %eq3A_858, %get3A_46, %select_n3A_865 : vector<16xi1>, vector<16xf32>
        %select_n3A_867 = arith.select %eq3A_861, %get3A_66, %select_n3A_866 : vector<16xi1>, vector<16xf32>
        %select_n3A_868 = arith.select %eq3A_864, %get3A_86, %select_n3A_867 : vector<16xi1>, vector<16xf32>
        %get3A_869 = arith.index_cast %add3A_841 : i32 to index
        %get3A_870 = arith.constant 0 : index
        %get3A_871 = tpu.vector_load %arg7[%get3A_869, %get3A_870] {strides = array<i32>} : memref<64x64xf32, #tpu.memory_space<vmem>>, vector<1x16xf32>,
        %get3A_872 = vector.shape_cast %get3A_871 : vector<1x16xf32> to vector<16xf32>
        %add3A_873 = arith.addf %select_n3A_868, %get3A_872 : vector<16xf32>
        %swap3A_874 = arith.index_cast %add3A_841 : i32 to index
        %swap3A_875 = arith.constant 0 : index
        %swap3A_876 = tpu.vector_load %arg12[%swap3A_874, %swap3A_875] {strides = array<i32>} : memref<64x64xf32, #tpu.memory_space<vmem>>, vector<1x16xf32>,
        %swap3A_877 = vector.shape_cast %swap3A_876 : vector<1x16xf32> to vector<16xf32>
        %swap3A_878 = vector.shape_cast %add3A_873 : vector<16xf32> to vector<1x16xf32>
        tpu.vector_store %arg12[%swap3A_874, %swap3A_875], %swap3A_878 {strides = array<i32>} : memref<64x64xf32, #tpu.memory_space<vmem>>, vector<1x16xf32>,
        %select_n3A_879 = arith.select %eq3A_855, %get3A_31, %get3A_11 : vector<16xi1>, vector<16xf32>
        %select_n3A_880 = arith.select %eq3A_858, %get3A_51, %select_n3A_879 : vector<16xi1>, vector<16xf32>
        %select_n3A_881 = arith.select %eq3A_861, %get3A_71, %select_n3A_880 : vector<16xi1>, vector<16xf32>
        %select_n3A_882 = arith.select %eq3A_864, %get3A_91, %select_n3A_881 : vector<16xi1>, vector<16xf32>
        %get3A_883 = arith.index_cast %add3A_841 : i32 to index
        %get3A_884 = arith.constant 16 : index
        %get3A_885 = tpu.vector_load %arg7[%get3A_883, %get3A_884] {strides = array<i32>} : memref<64x64xf32, #tpu.memory_space<vmem>>, vector<1x16xf32>,
        %get3A_886 = vector.shape_cast %get3A_885 : vector<1x16xf32> to vector<16xf32>
        %add3A_887 = arith.addf %select_n3A_882, %get3A_886 : vector<16xf32>
        %swap3A_888 = arith.index_cast %add3A_841 : i32 to index
        %swap3A_889 = arith.constant 16 : index
        %swap3A_890 = tpu.vector_load %arg12[%swap3A_888, %swap3A_889] {strides = array<i32>} : memref<64x64xf32, #tpu.memory_space<vmem>>, vector<1x16xf32>,
        %swap3A_891 = vector.shape_cast %swap3A_890 : vector<1x16xf32> to vector<16xf32>
        %swap3A_892 = vector.shape_cast %add3A_887 : vector<16xf32> to vector<1x16xf32>
        tpu.vector_store %arg12[%swap3A_888, %swap3A_889], %swap3A_892 {strides = array<i32>} : memref<64x64xf32, #tpu.memory_space<vmem>>, vector<1x16xf32>,
        %select_n3A_893 = arith.select %eq3A_855, %get3A_36, %get3A_16 : vector<16xi1>, vector<16xf32>
        %select_n3A_894 = arith.select %eq3A_858, %get3A_56, %select_n3A_893 : vector<16xi1>, vector<16xf32>
        %select_n3A_895 = arith.select %eq3A_861, %get3A_76, %select_n3A_894 : vector<16xi1>, vector<16xf32>
        %select_n3A_896 = arith.select %eq3A_864, %get3A_96, %select_n3A_895 : vector<16xi1>, vector<16xf32>
        %get3A_897 = arith.index_cast %add3A_841 : i32 to index
        %get3A_898 = arith.constant 32 : index
        %get3A_899 = tpu.vector_load %arg7[%get3A_897, %get3A_898] {strides = array<i32>} : memref<64x64xf32, #tpu.memory_space<vmem>>, vector<1x16xf32>,
        %get3A_900 = vector.shape_cast %get3A_899 : vector<1x16xf32> to vector<16xf32>
        %add3A_901 = arith.addf %select_n3A_896, %get3A_900 : vector<16xf32>
        %swap3A_902 = arith.index_cast %add3A_841 : i32 to index
        %swap3A_903 = arith.constant 32 : index
        %swap3A_904 = tpu.vector_load %arg12[%swap3A_902, %swap3A_903] {strides = array<i32>} : memref<64x64xf32, #tpu.memory_space<vmem>>, vector<1x16xf32>,
        %swap3A_905 = vector.shape_cast %swap3A_904 : vector<1x16xf32> to vector<16xf32>
        %swap3A_906 = vector.shape_cast %add3A_901 : vector<16xf32> to vector<1x16xf32>
        tpu.vector_store %arg12[%swap3A_902, %swap3A_903], %swap3A_906 {strides = array<i32>} : memref<64x64xf32, #tpu.memory_space<vmem>>, vector<1x16xf32>,
        %select_n3A_907 = arith.select %eq3A_855, %get3A_41, %get3A_21 : vector<16xi1>, vector<16xf32>
        %select_n3A_908 = arith.select %eq3A_858, %get3A_61, %select_n3A_907 : vector<16xi1>, vector<16xf32>
        %select_n3A_909 = arith.select %eq3A_861, %get3A_81, %select_n3A_908 : vector<16xi1>, vector<16xf32>
        %select_n3A_910 = arith.select %eq3A_864, %get3A_101, %select_n3A_909 : vector<16xi1>, vector<16xf32>
        %get3A_911 = arith.index_cast %add3A_841 : i32 to index
        %get3A_912 = arith.constant 48 : index
        %get3A_913 = tpu.vector_load %arg7[%get3A_911, %get3A_912] {strides = array<i32>} : memref<64x64xf32, #tpu.memory_space<vmem>>, vector<1x16xf32>,
        %get3A_914 = vector.shape_cast %get3A_913 : vector<1x16xf32> to vector<16xf32>
        %add3A_915 = arith.addf %select_n3A_910, %get3A_914 : vector<16xf32>
        %swap3A_916 = arith.index_cast %add3A_841 : i32 to index
        %swap3A_917 = arith.constant 48 : index
        %swap3A_918 = tpu.vector_load %arg12[%swap3A_916, %swap3A_917] {strides = array<i32>} : memref<64x64xf32, #tpu.memory_space<vmem>>, vector<1x16xf32>,
        %swap3A_919 = vector.shape_cast %swap3A_918 : vector<1x16xf32> to vector<16xf32>
        %swap3A_920 = vector.shape_cast %add3A_915 : vector<16xf32> to vector<1x16xf32>
        tpu.vector_store %arg12[%swap3A_916, %swap3A_917], %swap3A_920 {strides = array<i32>} : memref<64x64xf32, #tpu.memory_space<vmem>>, vector<1x16xf32>,
        %mul3A_921 = arith.constant 16 : i32
        %mul3A_922 = arith.muli %scan3A_255, %mul3A_921 : i32
        %add3A_923 = arith.constant 8 : i32
        %add3A_924 = arith.addi %mul3A_922, %add3A_923 : i32
        %broadcast_in_dim3A_925 = arith.constant 8 : i32
        %broadcast_in_dim3A_926 = vector.broadcast %broadcast_in_dim3A_925 : i32 to vector<16x1xi32>
        %gather3A_927 = vector.shape_cast %broadcast_in_dim3A_926 : vector<16x1xi32> to vector<16xi32>
        %gather3A_928 = tpu.dynamic_gather %get3A_260[%gather3A_927] in [0] : vector<16xi32>, vector<16xi32> -> vector<16xi32>
        %swap3A_929 = arith.constant 0 : index
        %swap3A_930 = tpu.vector_load %arg9[%swap3A_929] {strides = array<i32>} : memref<16xi32, #tpu.memory_space<vmem>>, vector<16xi32>,
        %swap3A_931 = vector.shape_cast %swap3A_930 : vector<16xi32> to vector<16xi32>
        %swap3A_932 = vector.shape_cast %gather3A_928 : vector<16xi32> to vector<16xi32>
        tpu.vector_store %arg9[%swap3A_929], %swap3A_932 {strides = array<i32>} : memref<16xi32, #tpu.memory_space<vmem>>, vector<16xi32>,
        %get3A_933 = arith.constant 0 : index
        %get3A_934 = tpu.vector_load %arg9[%get3A_933] {strides = array<i32>} : memref<16xi32, #tpu.memory_space<vmem>>, vector<16xi32>,
        %get3A_935 = vector.shape_cast %get3A_934 : vector<16xi32> to vector<16xi32>
        %eq3A_936 = arith.constant 1 : i32
        %eq3A_937 = vector.broadcast %eq3A_936 : i32 to vector<16xi32>
        %eq3A_938 = arith.cmpi eq, %get3A_935, %eq3A_937 : vector<16xi32>
        %eq3A_939 = arith.constant 2 : i32
        %eq3A_940 = vector.broadcast %eq3A_939 : i32 to vector<16xi32>
        %eq3A_941 = arith.cmpi eq, %get3A_935, %eq3A_940 : vector<16xi32>
        %eq3A_942 = arith.constant 3 : i32
        %eq3A_943 = vector.broadcast %eq3A_942 : i32 to vector<16xi32>
        %eq3A_944 = arith.cmpi eq, %get3A_935, %eq3A_943 : vector<16xi32>
        %eq3A_945 = arith.constant 4 : i32
        %eq3A_946 = vector.broadcast %eq3A_945 : i32 to vector<16xi32>
        %eq3A_947 = arith.cmpi eq, %get3A_935, %eq3A_946 : vector<16xi32>
        %select_n3A_948 = arith.select %eq3A_938, %get3A_26, %get3A_6 : vector<16xi1>, vector<16xf32>
        %select_n3A_949 = arith.select %eq3A_941, %get3A_46, %select_n3A_948 : vector<16xi1>, vector<16xf32>
        %select_n3A_950 = arith.select %eq3A_944, %get3A_66, %select_n3A_949 : vector<16xi1>, vector<16xf32>
        %select_n3A_951 = arith.select %eq3A_947, %get3A_86, %select_n3A_950 : vector<16xi1>, vector<16xf32>
        %get3A_952 = arith.index_cast %add3A_924 : i32 to index
        %get3A_953 = arith.constant 0 : index
        %get3A_954 = tpu.vector_load %arg7[%get3A_952, %get3A_953] {strides = array<i32>} : memref<64x64xf32, #tpu.memory_space<vmem>>, vector<1x16xf32>,
        %get3A_955 = vector.shape_cast %get3A_954 : vector<1x16xf32> to vector<16xf32>
        %add3A_956 = arith.addf %select_n3A_951, %get3A_955 : vector<16xf32>
        %swap3A_957 = arith.index_cast %add3A_924 : i32 to index
        %swap3A_958 = arith.constant 0 : index
        %swap3A_959 = tpu.vector_load %arg12[%swap3A_957, %swap3A_958] {strides = array<i32>} : memref<64x64xf32, #tpu.memory_space<vmem>>, vector<1x16xf32>,
        %swap3A_960 = vector.shape_cast %swap3A_959 : vector<1x16xf32> to vector<16xf32>
        %swap3A_961 = vector.shape_cast %add3A_956 : vector<16xf32> to vector<1x16xf32>
        tpu.vector_store %arg12[%swap3A_957, %swap3A_958], %swap3A_961 {strides = array<i32>} : memref<64x64xf32, #tpu.memory_space<vmem>>, vector<1x16xf32>,
        %select_n3A_962 = arith.select %eq3A_938, %get3A_31, %get3A_11 : vector<16xi1>, vector<16xf32>
        %select_n3A_963 = arith.select %eq3A_941, %get3A_51, %select_n3A_962 : vector<16xi1>, vector<16xf32>
        %select_n3A_964 = arith.select %eq3A_944, %get3A_71, %select_n3A_963 : vector<16xi1>, vector<16xf32>
        %select_n3A_965 = arith.select %eq3A_947, %get3A_91, %select_n3A_964 : vector<16xi1>, vector<16xf32>
        %get3A_966 = arith.index_cast %add3A_924 : i32 to index
        %get3A_967 = arith.constant 16 : index
        %get3A_968 = tpu.vector_load %arg7[%get3A_966, %get3A_967] {strides = array<i32>} : memref<64x64xf32, #tpu.memory_space<vmem>>, vector<1x16xf32>,
        %get3A_969 = vector.shape_cast %get3A_968 : vector<1x16xf32> to vector<16xf32>
        %add3A_970 = arith.addf %select_n3A_965, %get3A_969 : vector<16xf32>
        %swap3A_971 = arith.index_cast %add3A_924 : i32 to index
        %swap3A_972 = arith.constant 16 : index
        %swap3A_973 = tpu.vector_load %arg12[%swap3A_971, %swap3A_972] {strides = array<i32>} : memref<64x64xf32, #tpu.memory_space<vmem>>, vector<1x16xf32>,
        %swap3A_974 = vector.shape_cast %swap3A_973 : vector<1x16xf32> to vector<16xf32>
        %swap3A_975 = vector.shape_cast %add3A_970 : vector<16xf32> to vector<1x16xf32>
        tpu.vector_store %arg12[%swap3A_971, %swap3A_972], %swap3A_975 {strides = array<i32>} : memref<64x64xf32, #tpu.memory_space<vmem>>, vector<1x16xf32>,
        %select_n3A_976 = arith.select %eq3A_938, %get3A_36, %get3A_16 : vector<16xi1>, vector<16xf32>
        %select_n3A_977 = arith.select %eq3A_941, %get3A_56, %select_n3A_976 : vector<16xi1>, vector<16xf32>
        %select_n3A_978 = arith.select %eq3A_944, %get3A_76, %select_n3A_977 : vector<16xi1>, vector<16xf32>
        %select_n3A_979 = arith.select %eq3A_947, %get3A_96, %select_n3A_978 : vector<16xi1>, vector<16xf32>
        %get3A_980 = arith.index_cast %add3A_924 : i32 to index
        %get3A_981 = arith.constant 32 : index
        %get3A_982 = tpu.vector_load %arg7[%get3A_980, %get3A_981] {strides = array<i32>} : memref<64x64xf32, #tpu.memory_space<vmem>>, vector<1x16xf32>,
        %get3A_983 = vector.shape_cast %get3A_982 : vector<1x16xf32> to vector<16xf32>
        %add3A_984 = arith.addf %select_n3A_979, %get3A_983 : vector<16xf32>
        %swap3A_985 = arith.index_cast %add3A_924 : i32 to index
        %swap3A_986 = arith.constant 32 : index
        %swap3A_987 = tpu.vector_load %arg12[%swap3A_985, %swap3A_986] {strides = array<i32>} : memref<64x64xf32, #tpu.memory_space<vmem>>, vector<1x16xf32>,
        %swap3A_988 = vector.shape_cast %swap3A_987 : vector<1x16xf32> to vector<16xf32>
        %swap3A_989 = vector.shape_cast %add3A_984 : vector<16xf32> to vector<1x16xf32>
        tpu.vector_store %arg12[%swap3A_985, %swap3A_986], %swap3A_989 {strides = array<i32>} : memref<64x64xf32, #tpu.memory_space<vmem>>, vector<1x16xf32>,
        %select_n3A_990 = arith.select %eq3A_938, %get3A_41, %get3A_21 : vector<16xi1>, vector<16xf32>
        %select_n3A_991 = arith.select %eq3A_941, %get3A_61, %select_n3A_990 : vector<16xi1>, vector<16xf32>
        %select_n3A_992 = arith.select %eq3A_944, %get3A_81, %select_n3A_991 : vector<16xi1>, vector<16xf32>
        %select_n3A_993 = arith.select %eq3A_947, %get3A_101, %select_n3A_992 : vector<16xi1>, vector<16xf32>
        %get3A_994 = arith.index_cast %add3A_924 : i32 to index
        %get3A_995 = arith.constant 48 : index
        %get3A_996 = tpu.vector_load %arg7[%get3A_994, %get3A_995] {strides = array<i32>} : memref<64x64xf32, #tpu.memory_space<vmem>>, vector<1x16xf32>,
        %get3A_997 = vector.shape_cast %get3A_996 : vector<1x16xf32> to vector<16xf32>
        %add3A_998 = arith.addf %select_n3A_993, %get3A_997 : vector<16xf32>
        %swap3A_999 = arith.index_cast %add3A_924 : i32 to index
        %swap3A_1000 = arith.constant 48 : index
        %swap3A_1001 = tpu.vector_load %arg12[%swap3A_999, %swap3A_1000] {strides = array<i32>} : memref<64x64xf32, #tpu.memory_space<vmem>>, vector<1x16xf32>,
        %swap3A_1002 = vector.shape_cast %swap3A_1001 : vector<1x16xf32> to vector<16xf32>
        %swap3A_1003 = vector.shape_cast %add3A_998 : vector<16xf32> to vector<1x16xf32>
        tpu.vector_store %arg12[%swap3A_999, %swap3A_1000], %swap3A_1003 {strides = array<i32>} : memref<64x64xf32, #tpu.memory_space<vmem>>, vector<1x16xf32>,
        %mul3A_1004 = arith.constant 16 : i32
        %mul3A_1005 = arith.muli %scan3A_255, %mul3A_1004 : i32
        %add3A_1006 = arith.constant 9 : i32
        %add3A_1007 = arith.addi %mul3A_1005, %add3A_1006 : i32
        %broadcast_in_dim3A_1008 = arith.constant 9 : i32
        %broadcast_in_dim3A_1009 = vector.broadcast %broadcast_in_dim3A_1008 : i32 to vector<16x1xi32>
        %gather3A_1010 = vector.shape_cast %broadcast_in_dim3A_1009 : vector<16x1xi32> to vector<16xi32>
        %gather3A_1011 = tpu.dynamic_gather %get3A_260[%gather3A_1010] in [0] : vector<16xi32>, vector<16xi32> -> vector<16xi32>
        %swap3A_1012 = arith.constant 0 : index
        %swap3A_1013 = tpu.vector_load %arg9[%swap3A_1012] {strides = array<i32>} : memref<16xi32, #tpu.memory_space<vmem>>, vector<16xi32>,
        %swap3A_1014 = vector.shape_cast %swap3A_1013 : vector<16xi32> to vector<16xi32>
        %swap3A_1015 = vector.shape_cast %gather3A_1011 : vector<16xi32> to vector<16xi32>
        tpu.vector_store %arg9[%swap3A_1012], %swap3A_1015 {strides = array<i32>} : memref<16xi32, #tpu.memory_space<vmem>>, vector<16xi32>,
        %get3A_1016 = arith.constant 0 : index
        %get3A_1017 = tpu.vector_load %arg9[%get3A_1016] {strides = array<i32>} : memref<16xi32, #tpu.memory_space<vmem>>, vector<16xi32>,
        %get3A_1018 = vector.shape_cast %get3A_1017 : vector<16xi32> to vector<16xi32>
        %eq3A_1019 = arith.constant 1 : i32
        %eq3A_1020 = vector.broadcast %eq3A_1019 : i32 to vector<16xi32>
        %eq3A_1021 = arith.cmpi eq, %get3A_1018, %eq3A_1020 : vector<16xi32>
        %eq3A_1022 = arith.constant 2 : i32
        %eq3A_1023 = vector.broadcast %eq3A_1022 : i32 to vector<16xi32>
        %eq3A_1024 = arith.cmpi eq, %get3A_1018, %eq3A_1023 : vector<16xi32>
        %eq3A_1025 = arith.constant 3 : i32
        %eq3A_1026 = vector.broadcast %eq3A_1025 : i32 to vector<16xi32>
        %eq3A_1027 = arith.cmpi eq, %get3A_1018, %eq3A_1026 : vector<16xi32>
        %eq3A_1028 = arith.constant 4 : i32
        %eq3A_1029 = vector.broadcast %eq3A_1028 : i32 to vector<16xi32>
        %eq3A_1030 = arith.cmpi eq, %get3A_1018, %eq3A_1029 : vector<16xi32>
        %select_n3A_1031 = arith.select %eq3A_1021, %get3A_26, %get3A_6 : vector<16xi1>, vector<16xf32>
        %select_n3A_1032 = arith.select %eq3A_1024, %get3A_46, %select_n3A_1031 : vector<16xi1>, vector<16xf32>
        %select_n3A_1033 = arith.select %eq3A_1027, %get3A_66, %select_n3A_1032 : vector<16xi1>, vector<16xf32>
        %select_n3A_1034 = arith.select %eq3A_1030, %get3A_86, %select_n3A_1033 : vector<16xi1>, vector<16xf32>
        %get3A_1035 = arith.index_cast %add3A_1007 : i32 to index
        %get3A_1036 = arith.constant 0 : index
        %get3A_1037 = tpu.vector_load %arg7[%get3A_1035, %get3A_1036] {strides = array<i32>} : memref<64x64xf32, #tpu.memory_space<vmem>>, vector<1x16xf32>,
        %get3A_1038 = vector.shape_cast %get3A_1037 : vector<1x16xf32> to vector<16xf32>
        %add3A_1039 = arith.addf %select_n3A_1034, %get3A_1038 : vector<16xf32>
        %swap3A_1040 = arith.index_cast %add3A_1007 : i32 to index
        %swap3A_1041 = arith.constant 0 : index
        %swap3A_1042 = tpu.vector_load %arg12[%swap3A_1040, %swap3A_1041] {strides = array<i32>} : memref<64x64xf32, #tpu.memory_space<vmem>>, vector<1x16xf32>,
        %swap3A_1043 = vector.shape_cast %swap3A_1042 : vector<1x16xf32> to vector<16xf32>
        %swap3A_1044 = vector.shape_cast %add3A_1039 : vector<16xf32> to vector<1x16xf32>
        tpu.vector_store %arg12[%swap3A_1040, %swap3A_1041], %swap3A_1044 {strides = array<i32>} : memref<64x64xf32, #tpu.memory_space<vmem>>, vector<1x16xf32>,
        %select_n3A_1045 = arith.select %eq3A_1021, %get3A_31, %get3A_11 : vector<16xi1>, vector<16xf32>
        %select_n3A_1046 = arith.select %eq3A_1024, %get3A_51, %select_n3A_1045 : vector<16xi1>, vector<16xf32>
        %select_n3A_1047 = arith.select %eq3A_1027, %get3A_71, %select_n3A_1046 : vector<16xi1>, vector<16xf32>
        %select_n3A_1048 = arith.select %eq3A_1030, %get3A_91, %select_n3A_1047 : vector<16xi1>, vector<16xf32>
        %get3A_1049 = arith.index_cast %add3A_1007 : i32 to index
        %get3A_1050 = arith.constant 16 : index
        %get3A_1051 = tpu.vector_load %arg7[%get3A_1049, %get3A_1050] {strides = array<i32>} : memref<64x64xf32, #tpu.memory_space<vmem>>, vector<1x16xf32>,
        %get3A_1052 = vector.shape_cast %get3A_1051 : vector<1x16xf32> to vector<16xf32>
        %add3A_1053 = arith.addf %select_n3A_1048, %get3A_1052 : vector<16xf32>
        %swap3A_1054 = arith.index_cast %add3A_1007 : i32 to index
        %swap3A_1055 = arith.constant 16 : index
        %swap3A_1056 = tpu.vector_load %arg12[%swap3A_1054, %swap3A_1055] {strides = array<i32>} : memref<64x64xf32, #tpu.memory_space<vmem>>, vector<1x16xf32>,
        %swap3A_1057 = vector.shape_cast %swap3A_1056 : vector<1x16xf32> to vector<16xf32>
        %swap3A_1058 = vector.shape_cast %add3A_1053 : vector<16xf32> to vector<1x16xf32>
        tpu.vector_store %arg12[%swap3A_1054, %swap3A_1055], %swap3A_1058 {strides = array<i32>} : memref<64x64xf32, #tpu.memory_space<vmem>>, vector<1x16xf32>,
        %select_n3A_1059 = arith.select %eq3A_1021, %get3A_36, %get3A_16 : vector<16xi1>, vector<16xf32>
        %select_n3A_1060 = arith.select %eq3A_1024, %get3A_56, %select_n3A_1059 : vector<16xi1>, vector<16xf32>
        %select_n3A_1061 = arith.select %eq3A_1027, %get3A_76, %select_n3A_1060 : vector<16xi1>, vector<16xf32>
        %select_n3A_1062 = arith.select %eq3A_1030, %get3A_96, %select_n3A_1061 : vector<16xi1>, vector<16xf32>
        %get3A_1063 = arith.index_cast %add3A_1007 : i32 to index
        %get3A_1064 = arith.constant 32 : index
        %get3A_1065 = tpu.vector_load %arg7[%get3A_1063, %get3A_1064] {strides = array<i32>} : memref<64x64xf32, #tpu.memory_space<vmem>>, vector<1x16xf32>,
        %get3A_1066 = vector.shape_cast %get3A_1065 : vector<1x16xf32> to vector<16xf32>
        %add3A_1067 = arith.addf %select_n3A_1062, %get3A_1066 : vector<16xf32>
        %swap3A_1068 = arith.index_cast %add3A_1007 : i32 to index
        %swap3A_1069 = arith.constant 32 : index
        %swap3A_1070 = tpu.vector_load %arg12[%swap3A_1068, %swap3A_1069] {strides = array<i32>} : memref<64x64xf32, #tpu.memory_space<vmem>>, vector<1x16xf32>,
        %swap3A_1071 = vector.shape_cast %swap3A_1070 : vector<1x16xf32> to vector<16xf32>
        %swap3A_1072 = vector.shape_cast %add3A_1067 : vector<16xf32> to vector<1x16xf32>
        tpu.vector_store %arg12[%swap3A_1068, %swap3A_1069], %swap3A_1072 {strides = array<i32>} : memref<64x64xf32, #tpu.memory_space<vmem>>, vector<1x16xf32>,
        %select_n3A_1073 = arith.select %eq3A_1021, %get3A_41, %get3A_21 : vector<16xi1>, vector<16xf32>
        %select_n3A_1074 = arith.select %eq3A_1024, %get3A_61, %select_n3A_1073 : vector<16xi1>, vector<16xf32>
        %select_n3A_1075 = arith.select %eq3A_1027, %get3A_81, %select_n3A_1074 : vector<16xi1>, vector<16xf32>
        %select_n3A_1076 = arith.select %eq3A_1030, %get3A_101, %select_n3A_1075 : vector<16xi1>, vector<16xf32>
        %get3A_1077 = arith.index_cast %add3A_1007 : i32 to index
        %get3A_1078 = arith.constant 48 : index
        %get3A_1079 = tpu.vector_load %arg7[%get3A_1077, %get3A_1078] {strides = array<i32>} : memref<64x64xf32, #tpu.memory_space<vmem>>, vector<1x16xf32>,
        %get3A_1080 = vector.shape_cast %get3A_1079 : vector<1x16xf32> to vector<16xf32>
        %add3A_1081 = arith.addf %select_n3A_1076, %get3A_1080 : vector<16xf32>
        %swap3A_1082 = arith.index_cast %add3A_1007 : i32 to index
        %swap3A_1083 = arith.constant 48 : index
        %swap3A_1084 = tpu.vector_load %arg12[%swap3A_1082, %swap3A_1083] {strides = array<i32>} : memref<64x64xf32, #tpu.memory_space<vmem>>, vector<1x16xf32>,
        %swap3A_1085 = vector.shape_cast %swap3A_1084 : vector<1x16xf32> to vector<16xf32>
        %swap3A_1086 = vector.shape_cast %add3A_1081 : vector<16xf32> to vector<1x16xf32>
        tpu.vector_store %arg12[%swap3A_1082, %swap3A_1083], %swap3A_1086 {strides = array<i32>} : memref<64x64xf32, #tpu.memory_space<vmem>>, vector<1x16xf32>,
        %mul3A_1087 = arith.constant 16 : i32
        %mul3A_1088 = arith.muli %scan3A_255, %mul3A_1087 : i32
        %add3A_1089 = arith.constant 10 : i32
        %add3A_1090 = arith.addi %mul3A_1088, %add3A_1089 : i32
        %broadcast_in_dim3A_1091 = arith.constant 10 : i32
        %broadcast_in_dim3A_1092 = vector.broadcast %broadcast_in_dim3A_1091 : i32 to vector<16x1xi32>
        %gather3A_1093 = vector.shape_cast %broadcast_in_dim3A_1092 : vector<16x1xi32> to vector<16xi32>
        %gather3A_1094 = tpu.dynamic_gather %get3A_260[%gather3A_1093] in [0] : vector<16xi32>, vector<16xi32> -> vector<16xi32>
        %swap3A_1095 = arith.constant 0 : index
        %swap3A_1096 = tpu.vector_load %arg9[%swap3A_1095] {strides = array<i32>} : memref<16xi32, #tpu.memory_space<vmem>>, vector<16xi32>,
        %swap3A_1097 = vector.shape_cast %swap3A_1096 : vector<16xi32> to vector<16xi32>
        %swap3A_1098 = vector.shape_cast %gather3A_1094 : vector<16xi32> to vector<16xi32>
        tpu.vector_store %arg9[%swap3A_1095], %swap3A_1098 {strides = array<i32>} : memref<16xi32, #tpu.memory_space<vmem>>, vector<16xi32>,
        %get3A_1099 = arith.constant 0 : index
        %get3A_1100 = tpu.vector_load %arg9[%get3A_1099] {strides = array<i32>} : memref<16xi32, #tpu.memory_space<vmem>>, vector<16xi32>,
        %get3A_1101 = vector.shape_cast %get3A_1100 : vector<16xi32> to vector<16xi32>
        %eq3A_1102 = arith.constant 1 : i32
        %eq3A_1103 = vector.broadcast %eq3A_1102 : i32 to vector<16xi32>
        %eq3A_1104 = arith.cmpi eq, %get3A_1101, %eq3A_1103 : vector<16xi32>
        %eq3A_1105 = arith.constant 2 : i32
        %eq3A_1106 = vector.broadcast %eq3A_1105 : i32 to vector<16xi32>
        %eq3A_1107 = arith.cmpi eq, %get3A_1101, %eq3A_1106 : vector<16xi32>
        %eq3A_1108 = arith.constant 3 : i32
        %eq3A_1109 = vector.broadcast %eq3A_1108 : i32 to vector<16xi32>
        %eq3A_1110 = arith.cmpi eq, %get3A_1101, %eq3A_1109 : vector<16xi32>
        %eq3A_1111 = arith.constant 4 : i32
        %eq3A_1112 = vector.broadcast %eq3A_1111 : i32 to vector<16xi32>
        %eq3A_1113 = arith.cmpi eq, %get3A_1101, %eq3A_1112 : vector<16xi32>
        %select_n3A_1114 = arith.select %eq3A_1104, %get3A_26, %get3A_6 : vector<16xi1>, vector<16xf32>
        %select_n3A_1115 = arith.select %eq3A_1107, %get3A_46, %select_n3A_1114 : vector<16xi1>, vector<16xf32>
        %select_n3A_1116 = arith.select %eq3A_1110, %get3A_66, %select_n3A_1115 : vector<16xi1>, vector<16xf32>
        %select_n3A_1117 = arith.select %eq3A_1113, %get3A_86, %select_n3A_1116 : vector<16xi1>, vector<16xf32>
        %get3A_1118 = arith.index_cast %add3A_1090 : i32 to index
        %get3A_1119 = arith.constant 0 : index
        %get3A_1120 = tpu.vector_load %arg7[%get3A_1118, %get3A_1119] {strides = array<i32>} : memref<64x64xf32, #tpu.memory_space<vmem>>, vector<1x16xf32>,
        %get3A_1121 = vector.shape_cast %get3A_1120 : vector<1x16xf32> to vector<16xf32>
        %add3A_1122 = arith.addf %select_n3A_1117, %get3A_1121 : vector<16xf32>
        %swap3A_1123 = arith.index_cast %add3A_1090 : i32 to index
        %swap3A_1124 = arith.constant 0 : index
        %swap3A_1125 = tpu.vector_load %arg12[%swap3A_1123, %swap3A_1124] {strides = array<i32>} : memref<64x64xf32, #tpu.memory_space<vmem>>, vector<1x16xf32>,
        %swap3A_1126 = vector.shape_cast %swap3A_1125 : vector<1x16xf32> to vector<16xf32>
        %swap3A_1127 = vector.shape_cast %add3A_1122 : vector<16xf32> to vector<1x16xf32>
        tpu.vector_store %arg12[%swap3A_1123, %swap3A_1124], %swap3A_1127 {strides = array<i32>} : memref<64x64xf32, #tpu.memory_space<vmem>>, vector<1x16xf32>,
        %select_n3A_1128 = arith.select %eq3A_1104, %get3A_31, %get3A_11 : vector<16xi1>, vector<16xf32>
        %select_n3A_1129 = arith.select %eq3A_1107, %get3A_51, %select_n3A_1128 : vector<16xi1>, vector<16xf32>
        %select_n3A_1130 = arith.select %eq3A_1110, %get3A_71, %select_n3A_1129 : vector<16xi1>, vector<16xf32>
        %select_n3A_1131 = arith.select %eq3A_1113, %get3A_91, %select_n3A_1130 : vector<16xi1>, vector<16xf32>
        %get3A_1132 = arith.index_cast %add3A_1090 : i32 to index
        %get3A_1133 = arith.constant 16 : index
        %get3A_1134 = tpu.vector_load %arg7[%get3A_1132, %get3A_1133] {strides = array<i32>} : memref<64x64xf32, #tpu.memory_space<vmem>>, vector<1x16xf32>,
        %get3A_1135 = vector.shape_cast %get3A_1134 : vector<1x16xf32> to vector<16xf32>
        %add3A_1136 = arith.addf %select_n3A_1131, %get3A_1135 : vector<16xf32>
        %swap3A_1137 = arith.index_cast %add3A_1090 : i32 to index
        %swap3A_1138 = arith.constant 16 : index
        %swap3A_1139 = tpu.vector_load %arg12[%swap3A_1137, %swap3A_1138] {strides = array<i32>} : memref<64x64xf32, #tpu.memory_space<vmem>>, vector<1x16xf32>,
        %swap3A_1140 = vector.shape_cast %swap3A_1139 : vector<1x16xf32> to vector<16xf32>
        %swap3A_1141 = vector.shape_cast %add3A_1136 : vector<16xf32> to vector<1x16xf32>
        tpu.vector_store %arg12[%swap3A_1137, %swap3A_1138], %swap3A_1141 {strides = array<i32>} : memref<64x64xf32, #tpu.memory_space<vmem>>, vector<1x16xf32>,
        %select_n3A_1142 = arith.select %eq3A_1104, %get3A_36, %get3A_16 : vector<16xi1>, vector<16xf32>
        %select_n3A_1143 = arith.select %eq3A_1107, %get3A_56, %select_n3A_1142 : vector<16xi1>, vector<16xf32>
        %select_n3A_1144 = arith.select %eq3A_1110, %get3A_76, %select_n3A_1143 : vector<16xi1>, vector<16xf32>
        %select_n3A_1145 = arith.select %eq3A_1113, %get3A_96, %select_n3A_1144 : vector<16xi1>, vector<16xf32>
        %get3A_1146 = arith.index_cast %add3A_1090 : i32 to index
        %get3A_1147 = arith.constant 32 : index
        %get3A_1148 = tpu.vector_load %arg7[%get3A_1146, %get3A_1147] {strides = array<i32>} : memref<64x64xf32, #tpu.memory_space<vmem>>, vector<1x16xf32>,
        %get3A_1149 = vector.shape_cast %get3A_1148 : vector<1x16xf32> to vector<16xf32>
        %add3A_1150 = arith.addf %select_n3A_1145, %get3A_1149 : vector<16xf32>
        %swap3A_1151 = arith.index_cast %add3A_1090 : i32 to index
        %swap3A_1152 = arith.constant 32 : index
        %swap3A_1153 = tpu.vector_load %arg12[%swap3A_1151, %swap3A_1152] {strides = array<i32>} : memref<64x64xf32, #tpu.memory_space<vmem>>, vector<1x16xf32>,
        %swap3A_1154 = vector.shape_cast %swap3A_1153 : vector<1x16xf32> to vector<16xf32>
        %swap3A_1155 = vector.shape_cast %add3A_1150 : vector<16xf32> to vector<1x16xf32>
        tpu.vector_store %arg12[%swap3A_1151, %swap3A_1152], %swap3A_1155 {strides = array<i32>} : memref<64x64xf32, #tpu.memory_space<vmem>>, vector<1x16xf32>,
        %select_n3A_1156 = arith.select %eq3A_1104, %get3A_41, %get3A_21 : vector<16xi1>, vector<16xf32>
        %select_n3A_1157 = arith.select %eq3A_1107, %get3A_61, %select_n3A_1156 : vector<16xi1>, vector<16xf32>
        %select_n3A_1158 = arith.select %eq3A_1110, %get3A_81, %select_n3A_1157 : vector<16xi1>, vector<16xf32>
        %select_n3A_1159 = arith.select %eq3A_1113, %get3A_101, %select_n3A_1158 : vector<16xi1>, vector<16xf32>
        %get3A_1160 = arith.index_cast %add3A_1090 : i32 to index
        %get3A_1161 = arith.constant 48 : index
        %get3A_1162 = tpu.vector_load %arg7[%get3A_1160, %get3A_1161] {strides = array<i32>} : memref<64x64xf32, #tpu.memory_space<vmem>>, vector<1x16xf32>,
        %get3A_1163 = vector.shape_cast %get3A_1162 : vector<1x16xf32> to vector<16xf32>
        %add3A_1164 = arith.addf %select_n3A_1159, %get3A_1163 : vector<16xf32>
        %swap3A_1165 = arith.index_cast %add3A_1090 : i32 to index
        %swap3A_1166 = arith.constant 48 : index
        %swap3A_1167 = tpu.vector_load %arg12[%swap3A_1165, %swap3A_1166] {strides = array<i32>} : memref<64x64xf32, #tpu.memory_space<vmem>>, vector<1x16xf32>,
        %swap3A_1168 = vector.shape_cast %swap3A_1167 : vector<1x16xf32> to vector<16xf32>
        %swap3A_1169 = vector.shape_cast %add3A_1164 : vector<16xf32> to vector<1x16xf32>
        tpu.vector_store %arg12[%swap3A_1165, %swap3A_1166], %swap3A_1169 {strides = array<i32>} : memref<64x64xf32, #tpu.memory_space<vmem>>, vector<1x16xf32>,
        %mul3A_1170 = arith.constant 16 : i32
        %mul3A_1171 = arith.muli %scan3A_255, %mul3A_1170 : i32
        %add3A_1172 = arith.constant 11 : i32
        %add3A_1173 = arith.addi %mul3A_1171, %add3A_1172 : i32
        %broadcast_in_dim3A_1174 = arith.constant 11 : i32
        %broadcast_in_dim3A_1175 = vector.broadcast %broadcast_in_dim3A_1174 : i32 to vector<16x1xi32>
        %gather3A_1176 = vector.shape_cast %broadcast_in_dim3A_1175 : vector<16x1xi32> to vector<16xi32>
        %gather3A_1177 = tpu.dynamic_gather %get3A_260[%gather3A_1176] in [0] : vector<16xi32>, vector<16xi32> -> vector<16xi32>
        %swap3A_1178 = arith.constant 0 : index
        %swap3A_1179 = tpu.vector_load %arg9[%swap3A_1178] {strides = array<i32>} : memref<16xi32, #tpu.memory_space<vmem>>, vector<16xi32>,
        %swap3A_1180 = vector.shape_cast %swap3A_1179 : vector<16xi32> to vector<16xi32>
        %swap3A_1181 = vector.shape_cast %gather3A_1177 : vector<16xi32> to vector<16xi32>
        tpu.vector_store %arg9[%swap3A_1178], %swap3A_1181 {strides = array<i32>} : memref<16xi32, #tpu.memory_space<vmem>>, vector<16xi32>,
        %get3A_1182 = arith.constant 0 : index
        %get3A_1183 = tpu.vector_load %arg9[%get3A_1182] {strides = array<i32>} : memref<16xi32, #tpu.memory_space<vmem>>, vector<16xi32>,
        %get3A_1184 = vector.shape_cast %get3A_1183 : vector<16xi32> to vector<16xi32>
        %eq3A_1185 = arith.constant 1 : i32
        %eq3A_1186 = vector.broadcast %eq3A_1185 : i32 to vector<16xi32>
        %eq3A_1187 = arith.cmpi eq, %get3A_1184, %eq3A_1186 : vector<16xi32>
        %eq3A_1188 = arith.constant 2 : i32
        %eq3A_1189 = vector.broadcast %eq3A_1188 : i32 to vector<16xi32>
        %eq3A_1190 = arith.cmpi eq, %get3A_1184, %eq3A_1189 : vector<16xi32>
        %eq3A_1191 = arith.constant 3 : i32
        %eq3A_1192 = vector.broadcast %eq3A_1191 : i32 to vector<16xi32>
        %eq3A_1193 = arith.cmpi eq, %get3A_1184, %eq3A_1192 : vector<16xi32>
        %eq3A_1194 = arith.constant 4 : i32
        %eq3A_1195 = vector.broadcast %eq3A_1194 : i32 to vector<16xi32>
        %eq3A_1196 = arith.cmpi eq, %get3A_1184, %eq3A_1195 : vector<16xi32>
        %select_n3A_1197 = arith.select %eq3A_1187, %get3A_26, %get3A_6 : vector<16xi1>, vector<16xf32>
        %select_n3A_1198 = arith.select %eq3A_1190, %get3A_46, %select_n3A_1197 : vector<16xi1>, vector<16xf32>
        %select_n3A_1199 = arith.select %eq3A_1193, %get3A_66, %select_n3A_1198 : vector<16xi1>, vector<16xf32>
        %select_n3A_1200 = arith.select %eq3A_1196, %get3A_86, %select_n3A_1199 : vector<16xi1>, vector<16xf32>
        %get3A_1201 = arith.index_cast %add3A_1173 : i32 to index
        %get3A_1202 = arith.constant 0 : index
        %get3A_1203 = tpu.vector_load %arg7[%get3A_1201, %get3A_1202] {strides = array<i32>} : memref<64x64xf32, #tpu.memory_space<vmem>>, vector<1x16xf32>,
        %get3A_1204 = vector.shape_cast %get3A_1203 : vector<1x16xf32> to vector<16xf32>
        %add3A_1205 = arith.addf %select_n3A_1200, %get3A_1204 : vector<16xf32>
        %swap3A_1206 = arith.index_cast %add3A_1173 : i32 to index
        %swap3A_1207 = arith.constant 0 : index
        %swap3A_1208 = tpu.vector_load %arg12[%swap3A_1206, %swap3A_1207] {strides = array<i32>} : memref<64x64xf32, #tpu.memory_space<vmem>>, vector<1x16xf32>,
        %swap3A_1209 = vector.shape_cast %swap3A_1208 : vector<1x16xf32> to vector<16xf32>
        %swap3A_1210 = vector.shape_cast %add3A_1205 : vector<16xf32> to vector<1x16xf32>
        tpu.vector_store %arg12[%swap3A_1206, %swap3A_1207], %swap3A_1210 {strides = array<i32>} : memref<64x64xf32, #tpu.memory_space<vmem>>, vector<1x16xf32>,
        %select_n3A_1211 = arith.select %eq3A_1187, %get3A_31, %get3A_11 : vector<16xi1>, vector<16xf32>
        %select_n3A_1212 = arith.select %eq3A_1190, %get3A_51, %select_n3A_1211 : vector<16xi1>, vector<16xf32>
        %select_n3A_1213 = arith.select %eq3A_1193, %get3A_71, %select_n3A_1212 : vector<16xi1>, vector<16xf32>
        %select_n3A_1214 = arith.select %eq3A_1196, %get3A_91, %select_n3A_1213 : vector<16xi1>, vector<16xf32>
        %get3A_1215 = arith.index_cast %add3A_1173 : i32 to index
        %get3A_1216 = arith.constant 16 : index
        %get3A_1217 = tpu.vector_load %arg7[%get3A_1215, %get3A_1216] {strides = array<i32>} : memref<64x64xf32, #tpu.memory_space<vmem>>, vector<1x16xf32>,
        %get3A_1218 = vector.shape_cast %get3A_1217 : vector<1x16xf32> to vector<16xf32>
        %add3A_1219 = arith.addf %select_n3A_1214, %get3A_1218 : vector<16xf32>
        %swap3A_1220 = arith.index_cast %add3A_1173 : i32 to index
        %swap3A_1221 = arith.constant 16 : index
        %swap3A_1222 = tpu.vector_load %arg12[%swap3A_1220, %swap3A_1221] {strides = array<i32>} : memref<64x64xf32, #tpu.memory_space<vmem>>, vector<1x16xf32>,
        %swap3A_1223 = vector.shape_cast %swap3A_1222 : vector<1x16xf32> to vector<16xf32>
        %swap3A_1224 = vector.shape_cast %add3A_1219 : vector<16xf32> to vector<1x16xf32>
        tpu.vector_store %arg12[%swap3A_1220, %swap3A_1221], %swap3A_1224 {strides = array<i32>} : memref<64x64xf32, #tpu.memory_space<vmem>>, vector<1x16xf32>,
        %select_n3A_1225 = arith.select %eq3A_1187, %get3A_36, %get3A_16 : vector<16xi1>, vector<16xf32>
        %select_n3A_1226 = arith.select %eq3A_1190, %get3A_56, %select_n3A_1225 : vector<16xi1>, vector<16xf32>
        %select_n3A_1227 = arith.select %eq3A_1193, %get3A_76, %select_n3A_1226 : vector<16xi1>, vector<16xf32>
        %select_n3A_1228 = arith.select %eq3A_1196, %get3A_96, %select_n3A_1227 : vector<16xi1>, vector<16xf32>
        %get3A_1229 = arith.index_cast %add3A_1173 : i32 to index
        %get3A_1230 = arith.constant 32 : index
        %get3A_1231 = tpu.vector_load %arg7[%get3A_1229, %get3A_1230] {strides = array<i32>} : memref<64x64xf32, #tpu.memory_space<vmem>>, vector<1x16xf32>,
        %get3A_1232 = vector.shape_cast %get3A_1231 : vector<1x16xf32> to vector<16xf32>
        %add3A_1233 = arith.addf %select_n3A_1228, %get3A_1232 : vector<16xf32>
        %swap3A_1234 = arith.index_cast %add3A_1173 : i32 to index
        %swap3A_1235 = arith.constant 32 : index
        %swap3A_1236 = tpu.vector_load %arg12[%swap3A_1234, %swap3A_1235] {strides = array<i32>} : memref<64x64xf32, #tpu.memory_space<vmem>>, vector<1x16xf32>,
        %swap3A_1237 = vector.shape_cast %swap3A_1236 : vector<1x16xf32> to vector<16xf32>
        %swap3A_1238 = vector.shape_cast %add3A_1233 : vector<16xf32> to vector<1x16xf32>
        tpu.vector_store %arg12[%swap3A_1234, %swap3A_1235], %swap3A_1238 {strides = array<i32>} : memref<64x64xf32, #tpu.memory_space<vmem>>, vector<1x16xf32>,
        %select_n3A_1239 = arith.select %eq3A_1187, %get3A_41, %get3A_21 : vector<16xi1>, vector<16xf32>
        %select_n3A_1240 = arith.select %eq3A_1190, %get3A_61, %select_n3A_1239 : vector<16xi1>, vector<16xf32>
        %select_n3A_1241 = arith.select %eq3A_1193, %get3A_81, %select_n3A_1240 : vector<16xi1>, vector<16xf32>
        %select_n3A_1242 = arith.select %eq3A_1196, %get3A_101, %select_n3A_1241 : vector<16xi1>, vector<16xf32>
        %get3A_1243 = arith.index_cast %add3A_1173 : i32 to index
        %get3A_1244 = arith.constant 48 : index
        %get3A_1245 = tpu.vector_load %arg7[%get3A_1243, %get3A_1244] {strides = array<i32>} : memref<64x64xf32, #tpu.memory_space<vmem>>, vector<1x16xf32>,
        %get3A_1246 = vector.shape_cast %get3A_1245 : vector<1x16xf32> to vector<16xf32>
        %add3A_1247 = arith.addf %select_n3A_1242, %get3A_1246 : vector<16xf32>
        %swap3A_1248 = arith.index_cast %add3A_1173 : i32 to index
        %swap3A_1249 = arith.constant 48 : index
        %swap3A_1250 = tpu.vector_load %arg12[%swap3A_1248, %swap3A_1249] {strides = array<i32>} : memref<64x64xf32, #tpu.memory_space<vmem>>, vector<1x16xf32>,
        %swap3A_1251 = vector.shape_cast %swap3A_1250 : vector<1x16xf32> to vector<16xf32>
        %swap3A_1252 = vector.shape_cast %add3A_1247 : vector<16xf32> to vector<1x16xf32>
        tpu.vector_store %arg12[%swap3A_1248, %swap3A_1249], %swap3A_1252 {strides = array<i32>} : memref<64x64xf32, #tpu.memory_space<vmem>>, vector<1x16xf32>,
        %mul3A_1253 = arith.constant 16 : i32
        %mul3A_1254 = arith.muli %scan3A_255, %mul3A_1253 : i32
        %add3A_1255 = arith.constant 12 : i32
        %add3A_1256 = arith.addi %mul3A_1254, %add3A_1255 : i32
        %broadcast_in_dim3A_1257 = arith.constant 12 : i32
        %broadcast_in_dim3A_1258 = vector.broadcast %broadcast_in_dim3A_1257 : i32 to vector<16x1xi32>
        %gather3A_1259 = vector.shape_cast %broadcast_in_dim3A_1258 : vector<16x1xi32> to vector<16xi32>
        %gather3A_1260 = tpu.dynamic_gather %get3A_260[%gather3A_1259] in [0] : vector<16xi32>, vector<16xi32> -> vector<16xi32>
        %swap3A_1261 = arith.constant 0 : index
        %swap3A_1262 = tpu.vector_load %arg9[%swap3A_1261] {strides = array<i32>} : memref<16xi32, #tpu.memory_space<vmem>>, vector<16xi32>,
        %swap3A_1263 = vector.shape_cast %swap3A_1262 : vector<16xi32> to vector<16xi32>
        %swap3A_1264 = vector.shape_cast %gather3A_1260 : vector<16xi32> to vector<16xi32>
        tpu.vector_store %arg9[%swap3A_1261], %swap3A_1264 {strides = array<i32>} : memref<16xi32, #tpu.memory_space<vmem>>, vector<16xi32>,
        %get3A_1265 = arith.constant 0 : index
        %get3A_1266 = tpu.vector_load %arg9[%get3A_1265] {strides = array<i32>} : memref<16xi32, #tpu.memory_space<vmem>>, vector<16xi32>,
        %get3A_1267 = vector.shape_cast %get3A_1266 : vector<16xi32> to vector<16xi32>
        %eq3A_1268 = arith.constant 1 : i32
        %eq3A_1269 = vector.broadcast %eq3A_1268 : i32 to vector<16xi32>
        %eq3A_1270 = arith.cmpi eq, %get3A_1267, %eq3A_1269 : vector<16xi32>
        %eq3A_1271 = arith.constant 2 : i32
        %eq3A_1272 = vector.broadcast %eq3A_1271 : i32 to vector<16xi32>
        %eq3A_1273 = arith.cmpi eq, %get3A_1267, %eq3A_1272 : vector<16xi32>
        %eq3A_1274 = arith.constant 3 : i32
        %eq3A_1275 = vector.broadcast %eq3A_1274 : i32 to vector<16xi32>
        %eq3A_1276 = arith.cmpi eq, %get3A_1267, %eq3A_1275 : vector<16xi32>
        %eq3A_1277 = arith.constant 4 : i32
        %eq3A_1278 = vector.broadcast %eq3A_1277 : i32 to vector<16xi32>
        %eq3A_1279 = arith.cmpi eq, %get3A_1267, %eq3A_1278 : vector<16xi32>
        %select_n3A_1280 = arith.select %eq3A_1270, %get3A_26, %get3A_6 : vector<16xi1>, vector<16xf32>
        %select_n3A_1281 = arith.select %eq3A_1273, %get3A_46, %select_n3A_1280 : vector<16xi1>, vector<16xf32>
        %select_n3A_1282 = arith.select %eq3A_1276, %get3A_66, %select_n3A_1281 : vector<16xi1>, vector<16xf32>
        %select_n3A_1283 = arith.select %eq3A_1279, %get3A_86, %select_n3A_1282 : vector<16xi1>, vector<16xf32>
        %get3A_1284 = arith.index_cast %add3A_1256 : i32 to index
        %get3A_1285 = arith.constant 0 : index
        %get3A_1286 = tpu.vector_load %arg7[%get3A_1284, %get3A_1285] {strides = array<i32>} : memref<64x64xf32, #tpu.memory_space<vmem>>, vector<1x16xf32>,
        %get3A_1287 = vector.shape_cast %get3A_1286 : vector<1x16xf32> to vector<16xf32>
        %add3A_1288 = arith.addf %select_n3A_1283, %get3A_1287 : vector<16xf32>
        %swap3A_1289 = arith.index_cast %add3A_1256 : i32 to index
        %swap3A_1290 = arith.constant 0 : index
        %swap3A_1291 = tpu.vector_load %arg12[%swap3A_1289, %swap3A_1290] {strides = array<i32>} : memref<64x64xf32, #tpu.memory_space<vmem>>, vector<1x16xf32>,
        %swap3A_1292 = vector.shape_cast %swap3A_1291 : vector<1x16xf32> to vector<16xf32>
        %swap3A_1293 = vector.shape_cast %add3A_1288 : vector<16xf32> to vector<1x16xf32>
        tpu.vector_store %arg12[%swap3A_1289, %swap3A_1290], %swap3A_1293 {strides = array<i32>} : memref<64x64xf32, #tpu.memory_space<vmem>>, vector<1x16xf32>,
        %select_n3A_1294 = arith.select %eq3A_1270, %get3A_31, %get3A_11 : vector<16xi1>, vector<16xf32>
        %select_n3A_1295 = arith.select %eq3A_1273, %get3A_51, %select_n3A_1294 : vector<16xi1>, vector<16xf32>
        %select_n3A_1296 = arith.select %eq3A_1276, %get3A_71, %select_n3A_1295 : vector<16xi1>, vector<16xf32>
        %select_n3A_1297 = arith.select %eq3A_1279, %get3A_91, %select_n3A_1296 : vector<16xi1>, vector<16xf32>
        %get3A_1298 = arith.index_cast %add3A_1256 : i32 to index
        %get3A_1299 = arith.constant 16 : index
        %get3A_1300 = tpu.vector_load %arg7[%get3A_1298, %get3A_1299] {strides = array<i32>} : memref<64x64xf32, #tpu.memory_space<vmem>>, vector<1x16xf32>,
        %get3A_1301 = vector.shape_cast %get3A_1300 : vector<1x16xf32> to vector<16xf32>
        %add3A_1302 = arith.addf %select_n3A_1297, %get3A_1301 : vector<16xf32>
        %swap3A_1303 = arith.index_cast %add3A_1256 : i32 to index
        %swap3A_1304 = arith.constant 16 : index
        %swap3A_1305 = tpu.vector_load %arg12[%swap3A_1303, %swap3A_1304] {strides = array<i32>} : memref<64x64xf32, #tpu.memory_space<vmem>>, vector<1x16xf32>,
        %swap3A_1306 = vector.shape_cast %swap3A_1305 : vector<1x16xf32> to vector<16xf32>
        %swap3A_1307 = vector.shape_cast %add3A_1302 : vector<16xf32> to vector<1x16xf32>
        tpu.vector_store %arg12[%swap3A_1303, %swap3A_1304], %swap3A_1307 {strides = array<i32>} : memref<64x64xf32, #tpu.memory_space<vmem>>, vector<1x16xf32>,
        %select_n3A_1308 = arith.select %eq3A_1270, %get3A_36, %get3A_16 : vector<16xi1>, vector<16xf32>
        %select_n3A_1309 = arith.select %eq3A_1273, %get3A_56, %select_n3A_1308 : vector<16xi1>, vector<16xf32>
        %select_n3A_1310 = arith.select %eq3A_1276, %get3A_76, %select_n3A_1309 : vector<16xi1>, vector<16xf32>
        %select_n3A_1311 = arith.select %eq3A_1279, %get3A_96, %select_n3A_1310 : vector<16xi1>, vector<16xf32>
        %get3A_1312 = arith.index_cast %add3A_1256 : i32 to index
        %get3A_1313 = arith.constant 32 : index
        %get3A_1314 = tpu.vector_load %arg7[%get3A_1312, %get3A_1313] {strides = array<i32>} : memref<64x64xf32, #tpu.memory_space<vmem>>, vector<1x16xf32>,
        %get3A_1315 = vector.shape_cast %get3A_1314 : vector<1x16xf32> to vector<16xf32>
        %add3A_1316 = arith.addf %select_n3A_1311, %get3A_1315 : vector<16xf32>
        %swap3A_1317 = arith.index_cast %add3A_1256 : i32 to index
        %swap3A_1318 = arith.constant 32 : index
        %swap3A_1319 = tpu.vector_load %arg12[%swap3A_1317, %swap3A_1318] {strides = array<i32>} : memref<64x64xf32, #tpu.memory_space<vmem>>, vector<1x16xf32>,
        %swap3A_1320 = vector.shape_cast %swap3A_1319 : vector<1x16xf32> to vector<16xf32>
        %swap3A_1321 = vector.shape_cast %add3A_1316 : vector<16xf32> to vector<1x16xf32>
        tpu.vector_store %arg12[%swap3A_1317, %swap3A_1318], %swap3A_1321 {strides = array<i32>} : memref<64x64xf32, #tpu.memory_space<vmem>>, vector<1x16xf32>,
        %select_n3A_1322 = arith.select %eq3A_1270, %get3A_41, %get3A_21 : vector<16xi1>, vector<16xf32>
        %select_n3A_1323 = arith.select %eq3A_1273, %get3A_61, %select_n3A_1322 : vector<16xi1>, vector<16xf32>
        %select_n3A_1324 = arith.select %eq3A_1276, %get3A_81, %select_n3A_1323 : vector<16xi1>, vector<16xf32>
        %select_n3A_1325 = arith.select %eq3A_1279, %get3A_101, %select_n3A_1324 : vector<16xi1>, vector<16xf32>
        %get3A_1326 = arith.index_cast %add3A_1256 : i32 to index
        %get3A_1327 = arith.constant 48 : index
        %get3A_1328 = tpu.vector_load %arg7[%get3A_1326, %get3A_1327] {strides = array<i32>} : memref<64x64xf32, #tpu.memory_space<vmem>>, vector<1x16xf32>,
        %get3A_1329 = vector.shape_cast %get3A_1328 : vector<1x16xf32> to vector<16xf32>
        %add3A_1330 = arith.addf %select_n3A_1325, %get3A_1329 : vector<16xf32>
        %swap3A_1331 = arith.index_cast %add3A_1256 : i32 to index
        %swap3A_1332 = arith.constant 48 : index
        %swap3A_1333 = tpu.vector_load %arg12[%swap3A_1331, %swap3A_1332] {strides = array<i32>} : memref<64x64xf32, #tpu.memory_space<vmem>>, vector<1x16xf32>,
        %swap3A_1334 = vector.shape_cast %swap3A_1333 : vector<1x16xf32> to vector<16xf32>
        %swap3A_1335 = vector.shape_cast %add3A_1330 : vector<16xf32> to vector<1x16xf32>
        tpu.vector_store %arg12[%swap3A_1331, %swap3A_1332], %swap3A_1335 {strides = array<i32>} : memref<64x64xf32, #tpu.memory_space<vmem>>, vector<1x16xf32>,
        %mul3A_1336 = arith.constant 16 : i32
        %mul3A_1337 = arith.muli %scan3A_255, %mul3A_1336 : i32
        %add3A_1338 = arith.constant 13 : i32
        %add3A_1339 = arith.addi %mul3A_1337, %add3A_1338 : i32
        %broadcast_in_dim3A_1340 = arith.constant 13 : i32
        %broadcast_in_dim3A_1341 = vector.broadcast %broadcast_in_dim3A_1340 : i32 to vector<16x1xi32>
        %gather3A_1342 = vector.shape_cast %broadcast_in_dim3A_1341 : vector<16x1xi32> to vector<16xi32>
        %gather3A_1343 = tpu.dynamic_gather %get3A_260[%gather3A_1342] in [0] : vector<16xi32>, vector<16xi32> -> vector<16xi32>
        %swap3A_1344 = arith.constant 0 : index
        %swap3A_1345 = tpu.vector_load %arg9[%swap3A_1344] {strides = array<i32>} : memref<16xi32, #tpu.memory_space<vmem>>, vector<16xi32>,
        %swap3A_1346 = vector.shape_cast %swap3A_1345 : vector<16xi32> to vector<16xi32>
        %swap3A_1347 = vector.shape_cast %gather3A_1343 : vector<16xi32> to vector<16xi32>
        tpu.vector_store %arg9[%swap3A_1344], %swap3A_1347 {strides = array<i32>} : memref<16xi32, #tpu.memory_space<vmem>>, vector<16xi32>,
        %get3A_1348 = arith.constant 0 : index
        %get3A_1349 = tpu.vector_load %arg9[%get3A_1348] {strides = array<i32>} : memref<16xi32, #tpu.memory_space<vmem>>, vector<16xi32>,
        %get3A_1350 = vector.shape_cast %get3A_1349 : vector<16xi32> to vector<16xi32>
        %eq3A_1351 = arith.constant 1 : i32
        %eq3A_1352 = vector.broadcast %eq3A_1351 : i32 to vector<16xi32>
        %eq3A_1353 = arith.cmpi eq, %get3A_1350, %eq3A_1352 : vector<16xi32>
        %eq3A_1354 = arith.constant 2 : i32
        %eq3A_1355 = vector.broadcast %eq3A_1354 : i32 to vector<16xi32>
        %eq3A_1356 = arith.cmpi eq, %get3A_1350, %eq3A_1355 : vector<16xi32>
        %eq3A_1357 = arith.constant 3 : i32
        %eq3A_1358 = vector.broadcast %eq3A_1357 : i32 to vector<16xi32>
        %eq3A_1359 = arith.cmpi eq, %get3A_1350, %eq3A_1358 : vector<16xi32>
        %eq3A_1360 = arith.constant 4 : i32
        %eq3A_1361 = vector.broadcast %eq3A_1360 : i32 to vector<16xi32>
        %eq3A_1362 = arith.cmpi eq, %get3A_1350, %eq3A_1361 : vector<16xi32>
        %select_n3A_1363 = arith.select %eq3A_1353, %get3A_26, %get3A_6 : vector<16xi1>, vector<16xf32>
        %select_n3A_1364 = arith.select %eq3A_1356, %get3A_46, %select_n3A_1363 : vector<16xi1>, vector<16xf32>
        %select_n3A_1365 = arith.select %eq3A_1359, %get3A_66, %select_n3A_1364 : vector<16xi1>, vector<16xf32>
        %select_n3A_1366 = arith.select %eq3A_1362, %get3A_86, %select_n3A_1365 : vector<16xi1>, vector<16xf32>
        %get3A_1367 = arith.index_cast %add3A_1339 : i32 to index
        %get3A_1368 = arith.constant 0 : index
        %get3A_1369 = tpu.vector_load %arg7[%get3A_1367, %get3A_1368] {strides = array<i32>} : memref<64x64xf32, #tpu.memory_space<vmem>>, vector<1x16xf32>,
        %get3A_1370 = vector.shape_cast %get3A_1369 : vector<1x16xf32> to vector<16xf32>
        %add3A_1371 = arith.addf %select_n3A_1366, %get3A_1370 : vector<16xf32>
        %swap3A_1372 = arith.index_cast %add3A_1339 : i32 to index
        %swap3A_1373 = arith.constant 0 : index
        %swap3A_1374 = tpu.vector_load %arg12[%swap3A_1372, %swap3A_1373] {strides = array<i32>} : memref<64x64xf32, #tpu.memory_space<vmem>>, vector<1x16xf32>,
        %swap3A_1375 = vector.shape_cast %swap3A_1374 : vector<1x16xf32> to vector<16xf32>
        %swap3A_1376 = vector.shape_cast %add3A_1371 : vector<16xf32> to vector<1x16xf32>
        tpu.vector_store %arg12[%swap3A_1372, %swap3A_1373], %swap3A_1376 {strides = array<i32>} : memref<64x64xf32, #tpu.memory_space<vmem>>, vector<1x16xf32>,
        %select_n3A_1377 = arith.select %eq3A_1353, %get3A_31, %get3A_11 : vector<16xi1>, vector<16xf32>
        %select_n3A_1378 = arith.select %eq3A_1356, %get3A_51, %select_n3A_1377 : vector<16xi1>, vector<16xf32>
        %select_n3A_1379 = arith.select %eq3A_1359, %get3A_71, %select_n3A_1378 : vector<16xi1>, vector<16xf32>
        %select_n3A_1380 = arith.select %eq3A_1362, %get3A_91, %select_n3A_1379 : vector<16xi1>, vector<16xf32>
        %get3A_1381 = arith.index_cast %add3A_1339 : i32 to index
        %get3A_1382 = arith.constant 16 : index
        %get3A_1383 = tpu.vector_load %arg7[%get3A_1381, %get3A_1382] {strides = array<i32>} : memref<64x64xf32, #tpu.memory_space<vmem>>, vector<1x16xf32>,
        %get3A_1384 = vector.shape_cast %get3A_1383 : vector<1x16xf32> to vector<16xf32>
        %add3A_1385 = arith.addf %select_n3A_1380, %get3A_1384 : vector<16xf32>
        %swap3A_1386 = arith.index_cast %add3A_1339 : i32 to index
        %swap3A_1387 = arith.constant 16 : index
        %swap3A_1388 = tpu.vector_load %arg12[%swap3A_1386, %swap3A_1387] {strides = array<i32>} : memref<64x64xf32, #tpu.memory_space<vmem>>, vector<1x16xf32>,
        %swap3A_1389 = vector.shape_cast %swap3A_1388 : vector<1x16xf32> to vector<16xf32>
        %swap3A_1390 = vector.shape_cast %add3A_1385 : vector<16xf32> to vector<1x16xf32>
        tpu.vector_store %arg12[%swap3A_1386, %swap3A_1387], %swap3A_1390 {strides = array<i32>} : memref<64x64xf32, #tpu.memory_space<vmem>>, vector<1x16xf32>,
        %select_n3A_1391 = arith.select %eq3A_1353, %get3A_36, %get3A_16 : vector<16xi1>, vector<16xf32>
        %select_n3A_1392 = arith.select %eq3A_1356, %get3A_56, %select_n3A_1391 : vector<16xi1>, vector<16xf32>
        %select_n3A_1393 = arith.select %eq3A_1359, %get3A_76, %select_n3A_1392 : vector<16xi1>, vector<16xf32>
        %select_n3A_1394 = arith.select %eq3A_1362, %get3A_96, %select_n3A_1393 : vector<16xi1>, vector<16xf32>
        %get3A_1395 = arith.index_cast %add3A_1339 : i32 to index
        %get3A_1396 = arith.constant 32 : index
        %get3A_1397 = tpu.vector_load %arg7[%get3A_1395, %get3A_1396] {strides = array<i32>} : memref<64x64xf32, #tpu.memory_space<vmem>>, vector<1x16xf32>,
        %get3A_1398 = vector.shape_cast %get3A_1397 : vector<1x16xf32> to vector<16xf32>
        %add3A_1399 = arith.addf %select_n3A_1394, %get3A_1398 : vector<16xf32>
        %swap3A_1400 = arith.index_cast %add3A_1339 : i32 to index
        %swap3A_1401 = arith.constant 32 : index
        %swap3A_1402 = tpu.vector_load %arg12[%swap3A_1400, %swap3A_1401] {strides = array<i32>} : memref<64x64xf32, #tpu.memory_space<vmem>>, vector<1x16xf32>,
        %swap3A_1403 = vector.shape_cast %swap3A_1402 : vector<1x16xf32> to vector<16xf32>
        %swap3A_1404 = vector.shape_cast %add3A_1399 : vector<16xf32> to vector<1x16xf32>
        tpu.vector_store %arg12[%swap3A_1400, %swap3A_1401], %swap3A_1404 {strides = array<i32>} : memref<64x64xf32, #tpu.memory_space<vmem>>, vector<1x16xf32>,
        %select_n3A_1405 = arith.select %eq3A_1353, %get3A_41, %get3A_21 : vector<16xi1>, vector<16xf32>
        %select_n3A_1406 = arith.select %eq3A_1356, %get3A_61, %select_n3A_1405 : vector<16xi1>, vector<16xf32>
        %select_n3A_1407 = arith.select %eq3A_1359, %get3A_81, %select_n3A_1406 : vector<16xi1>, vector<16xf32>
        %select_n3A_1408 = arith.select %eq3A_1362, %get3A_101, %select_n3A_1407 : vector<16xi1>, vector<16xf32>
        %get3A_1409 = arith.index_cast %add3A_1339 : i32 to index
        %get3A_1410 = arith.constant 48 : index
        %get3A_1411 = tpu.vector_load %arg7[%get3A_1409, %get3A_1410] {strides = array<i32>} : memref<64x64xf32, #tpu.memory_space<vmem>>, vector<1x16xf32>,
        %get3A_1412 = vector.shape_cast %get3A_1411 : vector<1x16xf32> to vector<16xf32>
        %add3A_1413 = arith.addf %select_n3A_1408, %get3A_1412 : vector<16xf32>
        %swap3A_1414 = arith.index_cast %add3A_1339 : i32 to index
        %swap3A_1415 = arith.constant 48 : index
        %swap3A_1416 = tpu.vector_load %arg12[%swap3A_1414, %swap3A_1415] {strides = array<i32>} : memref<64x64xf32, #tpu.memory_space<vmem>>, vector<1x16xf32>,
        %swap3A_1417 = vector.shape_cast %swap3A_1416 : vector<1x16xf32> to vector<16xf32>
        %swap3A_1418 = vector.shape_cast %add3A_1413 : vector<16xf32> to vector<1x16xf32>
        tpu.vector_store %arg12[%swap3A_1414, %swap3A_1415], %swap3A_1418 {strides = array<i32>} : memref<64x64xf32, #tpu.memory_space<vmem>>, vector<1x16xf32>,
        %mul3A_1419 = arith.constant 16 : i32
        %mul3A_1420 = arith.muli %scan3A_255, %mul3A_1419 : i32
        %add3A_1421 = arith.constant 14 : i32
        %add3A_1422 = arith.addi %mul3A_1420, %add3A_1421 : i32
        %broadcast_in_dim3A_1423 = arith.constant 14 : i32
        %broadcast_in_dim3A_1424 = vector.broadcast %broadcast_in_dim3A_1423 : i32 to vector<16x1xi32>
        %gather3A_1425 = vector.shape_cast %broadcast_in_dim3A_1424 : vector<16x1xi32> to vector<16xi32>
        %gather3A_1426 = tpu.dynamic_gather %get3A_260[%gather3A_1425] in [0] : vector<16xi32>, vector<16xi32> -> vector<16xi32>
        %swap3A_1427 = arith.constant 0 : index
        %swap3A_1428 = tpu.vector_load %arg9[%swap3A_1427] {strides = array<i32>} : memref<16xi32, #tpu.memory_space<vmem>>, vector<16xi32>,
        %swap3A_1429 = vector.shape_cast %swap3A_1428 : vector<16xi32> to vector<16xi32>
        %swap3A_1430 = vector.shape_cast %gather3A_1426 : vector<16xi32> to vector<16xi32>
        tpu.vector_store %arg9[%swap3A_1427], %swap3A_1430 {strides = array<i32>} : memref<16xi32, #tpu.memory_space<vmem>>, vector<16xi32>,
        %get3A_1431 = arith.constant 0 : index
        %get3A_1432 = tpu.vector_load %arg9[%get3A_1431] {strides = array<i32>} : memref<16xi32, #tpu.memory_space<vmem>>, vector<16xi32>,
        %get3A_1433 = vector.shape_cast %get3A_1432 : vector<16xi32> to vector<16xi32>
        %eq3A_1434 = arith.constant 1 : i32
        %eq3A_1435 = vector.broadcast %eq3A_1434 : i32 to vector<16xi32>
        %eq3A_1436 = arith.cmpi eq, %get3A_1433, %eq3A_1435 : vector<16xi32>
        %eq3A_1437 = arith.constant 2 : i32
        %eq3A_1438 = vector.broadcast %eq3A_1437 : i32 to vector<16xi32>
        %eq3A_1439 = arith.cmpi eq, %get3A_1433, %eq3A_1438 : vector<16xi32>
        %eq3A_1440 = arith.constant 3 : i32
        %eq3A_1441 = vector.broadcast %eq3A_1440 : i32 to vector<16xi32>
        %eq3A_1442 = arith.cmpi eq, %get3A_1433, %eq3A_1441 : vector<16xi32>
        %eq3A_1443 = arith.constant 4 : i32
        %eq3A_1444 = vector.broadcast %eq3A_1443 : i32 to vector<16xi32>
        %eq3A_1445 = arith.cmpi eq, %get3A_1433, %eq3A_1444 : vector<16xi32>
        %select_n3A_1446 = arith.select %eq3A_1436, %get3A_26, %get3A_6 : vector<16xi1>, vector<16xf32>
        %select_n3A_1447 = arith.select %eq3A_1439, %get3A_46, %select_n3A_1446 : vector<16xi1>, vector<16xf32>
        %select_n3A_1448 = arith.select %eq3A_1442, %get3A_66, %select_n3A_1447 : vector<16xi1>, vector<16xf32>
        %select_n3A_1449 = arith.select %eq3A_1445, %get3A_86, %select_n3A_1448 : vector<16xi1>, vector<16xf32>
        %get3A_1450 = arith.index_cast %add3A_1422 : i32 to index
        %get3A_1451 = arith.constant 0 : index
        %get3A_1452 = tpu.vector_load %arg7[%get3A_1450, %get3A_1451] {strides = array<i32>} : memref<64x64xf32, #tpu.memory_space<vmem>>, vector<1x16xf32>,
        %get3A_1453 = vector.shape_cast %get3A_1452 : vector<1x16xf32> to vector<16xf32>
        %add3A_1454 = arith.addf %select_n3A_1449, %get3A_1453 : vector<16xf32>
        %swap3A_1455 = arith.index_cast %add3A_1422 : i32 to index
        %swap3A_1456 = arith.constant 0 : index
        %swap3A_1457 = tpu.vector_load %arg12[%swap3A_1455, %swap3A_1456] {strides = array<i32>} : memref<64x64xf32, #tpu.memory_space<vmem>>, vector<1x16xf32>,
        %swap3A_1458 = vector.shape_cast %swap3A_1457 : vector<1x16xf32> to vector<16xf32>
        %swap3A_1459 = vector.shape_cast %add3A_1454 : vector<16xf32> to vector<1x16xf32>
        tpu.vector_store %arg12[%swap3A_1455, %swap3A_1456], %swap3A_1459 {strides = array<i32>} : memref<64x64xf32, #tpu.memory_space<vmem>>, vector<1x16xf32>,
        %select_n3A_1460 = arith.select %eq3A_1436, %get3A_31, %get3A_11 : vector<16xi1>, vector<16xf32>
        %select_n3A_1461 = arith.select %eq3A_1439, %get3A_51, %select_n3A_1460 : vector<16xi1>, vector<16xf32>
        %select_n3A_1462 = arith.select %eq3A_1442, %get3A_71, %select_n3A_1461 : vector<16xi1>, vector<16xf32>
        %select_n3A_1463 = arith.select %eq3A_1445, %get3A_91, %select_n3A_1462 : vector<16xi1>, vector<16xf32>
        %get3A_1464 = arith.index_cast %add3A_1422 : i32 to index
        %get3A_1465 = arith.constant 16 : index
        %get3A_1466 = tpu.vector_load %arg7[%get3A_1464, %get3A_1465] {strides = array<i32>} : memref<64x64xf32, #tpu.memory_space<vmem>>, vector<1x16xf32>,
        %get3A_1467 = vector.shape_cast %get3A_1466 : vector<1x16xf32> to vector<16xf32>
        %add3A_1468 = arith.addf %select_n3A_1463, %get3A_1467 : vector<16xf32>
        %swap3A_1469 = arith.index_cast %add3A_1422 : i32 to index
        %swap3A_1470 = arith.constant 16 : index
        %swap3A_1471 = tpu.vector_load %arg12[%swap3A_1469, %swap3A_1470] {strides = array<i32>} : memref<64x64xf32, #tpu.memory_space<vmem>>, vector<1x16xf32>,
        %swap3A_1472 = vector.shape_cast %swap3A_1471 : vector<1x16xf32> to vector<16xf32>
        %swap3A_1473 = vector.shape_cast %add3A_1468 : vector<16xf32> to vector<1x16xf32>
        tpu.vector_store %arg12[%swap3A_1469, %swap3A_1470], %swap3A_1473 {strides = array<i32>} : memref<64x64xf32, #tpu.memory_space<vmem>>, vector<1x16xf32>,
        %select_n3A_1474 = arith.select %eq3A_1436, %get3A_36, %get3A_16 : vector<16xi1>, vector<16xf32>
        %select_n3A_1475 = arith.select %eq3A_1439, %get3A_56, %select_n3A_1474 : vector<16xi1>, vector<16xf32>
        %select_n3A_1476 = arith.select %eq3A_1442, %get3A_76, %select_n3A_1475 : vector<16xi1>, vector<16xf32>
        %select_n3A_1477 = arith.select %eq3A_1445, %get3A_96, %select_n3A_1476 : vector<16xi1>, vector<16xf32>
        %get3A_1478 = arith.index_cast %add3A_1422 : i32 to index
        %get3A_1479 = arith.constant 32 : index
        %get3A_1480 = tpu.vector_load %arg7[%get3A_1478, %get3A_1479] {strides = array<i32>} : memref<64x64xf32, #tpu.memory_space<vmem>>, vector<1x16xf32>,
        %get3A_1481 = vector.shape_cast %get3A_1480 : vector<1x16xf32> to vector<16xf32>
        %add3A_1482 = arith.addf %select_n3A_1477, %get3A_1481 : vector<16xf32>
        %swap3A_1483 = arith.index_cast %add3A_1422 : i32 to index
        %swap3A_1484 = arith.constant 32 : index
        %swap3A_1485 = tpu.vector_load %arg12[%swap3A_1483, %swap3A_1484] {strides = array<i32>} : memref<64x64xf32, #tpu.memory_space<vmem>>, vector<1x16xf32>,
        %swap3A_1486 = vector.shape_cast %swap3A_1485 : vector<1x16xf32> to vector<16xf32>
        %swap3A_1487 = vector.shape_cast %add3A_1482 : vector<16xf32> to vector<1x16xf32>
        tpu.vector_store %arg12[%swap3A_1483, %swap3A_1484], %swap3A_1487 {strides = array<i32>} : memref<64x64xf32, #tpu.memory_space<vmem>>, vector<1x16xf32>,
        %select_n3A_1488 = arith.select %eq3A_1436, %get3A_41, %get3A_21 : vector<16xi1>, vector<16xf32>
        %select_n3A_1489 = arith.select %eq3A_1439, %get3A_61, %select_n3A_1488 : vector<16xi1>, vector<16xf32>
        %select_n3A_1490 = arith.select %eq3A_1442, %get3A_81, %select_n3A_1489 : vector<16xi1>, vector<16xf32>
        %select_n3A_1491 = arith.select %eq3A_1445, %get3A_101, %select_n3A_1490 : vector<16xi1>, vector<16xf32>
        %get3A_1492 = arith.index_cast %add3A_1422 : i32 to index
        %get3A_1493 = arith.constant 48 : index
        %get3A_1494 = tpu.vector_load %arg7[%get3A_1492, %get3A_1493] {strides = array<i32>} : memref<64x64xf32, #tpu.memory_space<vmem>>, vector<1x16xf32>,
        %get3A_1495 = vector.shape_cast %get3A_1494 : vector<1x16xf32> to vector<16xf32>
        %add3A_1496 = arith.addf %select_n3A_1491, %get3A_1495 : vector<16xf32>
        %swap3A_1497 = arith.index_cast %add3A_1422 : i32 to index
        %swap3A_1498 = arith.constant 48 : index
        %swap3A_1499 = tpu.vector_load %arg12[%swap3A_1497, %swap3A_1498] {strides = array<i32>} : memref<64x64xf32, #tpu.memory_space<vmem>>, vector<1x16xf32>,
        %swap3A_1500 = vector.shape_cast %swap3A_1499 : vector<1x16xf32> to vector<16xf32>
        %swap3A_1501 = vector.shape_cast %add3A_1496 : vector<16xf32> to vector<1x16xf32>
        tpu.vector_store %arg12[%swap3A_1497, %swap3A_1498], %swap3A_1501 {strides = array<i32>} : memref<64x64xf32, #tpu.memory_space<vmem>>, vector<1x16xf32>,
        %mul3A_1502 = arith.constant 16 : i32
        %mul3A_1503 = arith.muli %scan3A_255, %mul3A_1502 : i32
        %add3A_1504 = arith.constant 15 : i32
        %add3A_1505 = arith.addi %mul3A_1503, %add3A_1504 : i32
        %broadcast_in_dim3A_1506 = arith.constant 15 : i32
        %broadcast_in_dim3A_1507 = vector.broadcast %broadcast_in_dim3A_1506 : i32 to vector<16x1xi32>
        %gather3A_1508 = vector.shape_cast %broadcast_in_dim3A_1507 : vector<16x1xi32> to vector<16xi32>
        %gather3A_1509 = tpu.dynamic_gather %get3A_260[%gather3A_1508] in [0] : vector<16xi32>, vector<16xi32> -> vector<16xi32>
        %swap3A_1510 = arith.constant 0 : index
        %swap3A_1511 = tpu.vector_load %arg9[%swap3A_1510] {strides = array<i32>} : memref<16xi32, #tpu.memory_space<vmem>>, vector<16xi32>,
        %swap3A_1512 = vector.shape_cast %swap3A_1511 : vector<16xi32> to vector<16xi32>
        %swap3A_1513 = vector.shape_cast %gather3A_1509 : vector<16xi32> to vector<16xi32>
        tpu.vector_store %arg9[%swap3A_1510], %swap3A_1513 {strides = array<i32>} : memref<16xi32, #tpu.memory_space<vmem>>, vector<16xi32>,
        %get3A_1514 = arith.constant 0 : index
        %get3A_1515 = tpu.vector_load %arg9[%get3A_1514] {strides = array<i32>} : memref<16xi32, #tpu.memory_space<vmem>>, vector<16xi32>,
        %get3A_1516 = vector.shape_cast %get3A_1515 : vector<16xi32> to vector<16xi32>
        %eq3A_1517 = arith.constant 1 : i32
        %eq3A_1518 = vector.broadcast %eq3A_1517 : i32 to vector<16xi32>
        %eq3A_1519 = arith.cmpi eq, %get3A_1516, %eq3A_1518 : vector<16xi32>
        %eq3A_1520 = arith.constant 2 : i32
        %eq3A_1521 = vector.broadcast %eq3A_1520 : i32 to vector<16xi32>
        %eq3A_1522 = arith.cmpi eq, %get3A_1516, %eq3A_1521 : vector<16xi32>
        %eq3A_1523 = arith.constant 3 : i32
        %eq3A_1524 = vector.broadcast %eq3A_1523 : i32 to vector<16xi32>
        %eq3A_1525 = arith.cmpi eq, %get3A_1516, %eq3A_1524 : vector<16xi32>
        %eq3A_1526 = arith.constant 4 : i32
        %eq3A_1527 = vector.broadcast %eq3A_1526 : i32 to vector<16xi32>
        %eq3A_1528 = arith.cmpi eq, %get3A_1516, %eq3A_1527 : vector<16xi32>
        %select_n3A_1529 = arith.select %eq3A_1519, %get3A_26, %get3A_6 : vector<16xi1>, vector<16xf32>
        %select_n3A_1530 = arith.select %eq3A_1522, %get3A_46, %select_n3A_1529 : vector<16xi1>, vector<16xf32>
        %select_n3A_1531 = arith.select %eq3A_1525, %get3A_66, %select_n3A_1530 : vector<16xi1>, vector<16xf32>
        %select_n3A_1532 = arith.select %eq3A_1528, %get3A_86, %select_n3A_1531 : vector<16xi1>, vector<16xf32>
        %get3A_1533 = arith.index_cast %add3A_1505 : i32 to index
        %get3A_1534 = arith.constant 0 : index
        %get3A_1535 = tpu.vector_load %arg7[%get3A_1533, %get3A_1534] {strides = array<i32>} : memref<64x64xf32, #tpu.memory_space<vmem>>, vector<1x16xf32>,
        %get3A_1536 = vector.shape_cast %get3A_1535 : vector<1x16xf32> to vector<16xf32>
        %add3A_1537 = arith.addf %select_n3A_1532, %get3A_1536 : vector<16xf32>
        %swap3A_1538 = arith.index_cast %add3A_1505 : i32 to index
        %swap3A_1539 = arith.constant 0 : index
        %swap3A_1540 = tpu.vector_load %arg12[%swap3A_1538, %swap3A_1539] {strides = array<i32>} : memref<64x64xf32, #tpu.memory_space<vmem>>, vector<1x16xf32>,
        %swap3A_1541 = vector.shape_cast %swap3A_1540 : vector<1x16xf32> to vector<16xf32>
        %swap3A_1542 = vector.shape_cast %add3A_1537 : vector<16xf32> to vector<1x16xf32>
        tpu.vector_store %arg12[%swap3A_1538, %swap3A_1539], %swap3A_1542 {strides = array<i32>} : memref<64x64xf32, #tpu.memory_space<vmem>>, vector<1x16xf32>,
        %select_n3A_1543 = arith.select %eq3A_1519, %get3A_31, %get3A_11 : vector<16xi1>, vector<16xf32>
        %select_n3A_1544 = arith.select %eq3A_1522, %get3A_51, %select_n3A_1543 : vector<16xi1>, vector<16xf32>
        %select_n3A_1545 = arith.select %eq3A_1525, %get3A_71, %select_n3A_1544 : vector<16xi1>, vector<16xf32>
        %select_n3A_1546 = arith.select %eq3A_1528, %get3A_91, %select_n3A_1545 : vector<16xi1>, vector<16xf32>
        %get3A_1547 = arith.index_cast %add3A_1505 : i32 to index
        %get3A_1548 = arith.constant 16 : index
        %get3A_1549 = tpu.vector_load %arg7[%get3A_1547, %get3A_1548] {strides = array<i32>} : memref<64x64xf32, #tpu.memory_space<vmem>>, vector<1x16xf32>,
        %get3A_1550 = vector.shape_cast %get3A_1549 : vector<1x16xf32> to vector<16xf32>
        %add3A_1551 = arith.addf %select_n3A_1546, %get3A_1550 : vector<16xf32>
        %swap3A_1552 = arith.index_cast %add3A_1505 : i32 to index
        %swap3A_1553 = arith.constant 16 : index
        %swap3A_1554 = tpu.vector_load %arg12[%swap3A_1552, %swap3A_1553] {strides = array<i32>} : memref<64x64xf32, #tpu.memory_space<vmem>>, vector<1x16xf32>,
        %swap3A_1555 = vector.shape_cast %swap3A_1554 : vector<1x16xf32> to vector<16xf32>
        %swap3A_1556 = vector.shape_cast %add3A_1551 : vector<16xf32> to vector<1x16xf32>
        tpu.vector_store %arg12[%swap3A_1552, %swap3A_1553], %swap3A_1556 {strides = array<i32>} : memref<64x64xf32, #tpu.memory_space<vmem>>, vector<1x16xf32>,
        %select_n3A_1557 = arith.select %eq3A_1519, %get3A_36, %get3A_16 : vector<16xi1>, vector<16xf32>
        %select_n3A_1558 = arith.select %eq3A_1522, %get3A_56, %select_n3A_1557 : vector<16xi1>, vector<16xf32>
        %select_n3A_1559 = arith.select %eq3A_1525, %get3A_76, %select_n3A_1558 : vector<16xi1>, vector<16xf32>
        %select_n3A_1560 = arith.select %eq3A_1528, %get3A_96, %select_n3A_1559 : vector<16xi1>, vector<16xf32>
        %get3A_1561 = arith.index_cast %add3A_1505 : i32 to index
        %get3A_1562 = arith.constant 32 : index
        %get3A_1563 = tpu.vector_load %arg7[%get3A_1561, %get3A_1562] {strides = array<i32>} : memref<64x64xf32, #tpu.memory_space<vmem>>, vector<1x16xf32>,
        %get3A_1564 = vector.shape_cast %get3A_1563 : vector<1x16xf32> to vector<16xf32>
        %add3A_1565 = arith.addf %select_n3A_1560, %get3A_1564 : vector<16xf32>
        %swap3A_1566 = arith.index_cast %add3A_1505 : i32 to index
        %swap3A_1567 = arith.constant 32 : index
        %swap3A_1568 = tpu.vector_load %arg12[%swap3A_1566, %swap3A_1567] {strides = array<i32>} : memref<64x64xf32, #tpu.memory_space<vmem>>, vector<1x16xf32>,
        %swap3A_1569 = vector.shape_cast %swap3A_1568 : vector<1x16xf32> to vector<16xf32>
        %swap3A_1570 = vector.shape_cast %add3A_1565 : vector<16xf32> to vector<1x16xf32>
        tpu.vector_store %arg12[%swap3A_1566, %swap3A_1567], %swap3A_1570 {strides = array<i32>} : memref<64x64xf32, #tpu.memory_space<vmem>>, vector<1x16xf32>,
        %select_n3A_1571 = arith.select %eq3A_1519, %get3A_41, %get3A_21 : vector<16xi1>, vector<16xf32>
        %select_n3A_1572 = arith.select %eq3A_1522, %get3A_61, %select_n3A_1571 : vector<16xi1>, vector<16xf32>
        %select_n3A_1573 = arith.select %eq3A_1525, %get3A_81, %select_n3A_1572 : vector<16xi1>, vector<16xf32>
        %select_n3A_1574 = arith.select %eq3A_1528, %get3A_101, %select_n3A_1573 : vector<16xi1>, vector<16xf32>
        %get3A_1575 = arith.index_cast %add3A_1505 : i32 to index
        %get3A_1576 = arith.constant 48 : index
        %get3A_1577 = tpu.vector_load %arg7[%get3A_1575, %get3A_1576] {strides = array<i32>} : memref<64x64xf32, #tpu.memory_space<vmem>>, vector<1x16xf32>,
        %get3A_1578 = vector.shape_cast %get3A_1577 : vector<1x16xf32> to vector<16xf32>
        %add3A_1579 = arith.addf %select_n3A_1574, %get3A_1578 : vector<16xf32>
        %swap3A_1580 = arith.index_cast %add3A_1505 : i32 to index
        %swap3A_1581 = arith.constant 48 : index
        %swap3A_1582 = tpu.vector_load %arg12[%swap3A_1580, %swap3A_1581] {strides = array<i32>} : memref<64x64xf32, #tpu.memory_space<vmem>>, vector<1x16xf32>,
        %swap3A_1583 = vector.shape_cast %swap3A_1582 : vector<1x16xf32> to vector<16xf32>
        %swap3A_1584 = vector.shape_cast %add3A_1579 : vector<16xf32> to vector<1x16xf32>
        tpu.vector_store %arg12[%swap3A_1580, %swap3A_1581], %swap3A_1584 {strides = array<i32>} : memref<64x64xf32, #tpu.memory_space<vmem>>, vector<1x16xf32>,
      }
      %scan3A_182 = arith.constant 4 : i32
      %dma_start3A_183 = arith.constant 0 : i32
      %dma_start3A_184 = arith.constant 0 : i32
      %dma_start3A_185 = tpu.memref_slice %arg5[%mul3A_141, %dma_start3A_183, %dma_start3A_184] : memref<256x2048x64xf32, #tpu.memory_space<hbm>> -> memref<1x2048x64xf32, #tpu.memory_space<hbm>>
      %dma_start3A_186 = tpu.memref_squeeze %dma_start3A_185 : memref<1x2048x64xf32, #tpu.memory_space<hbm>> -> memref<2048x64xf32, #tpu.memory_space<hbm>>
      %dma_start3A_187 = arith.constant 0 : i32
      %dma_start3A_188 = tpu.memref_slice %dma_start3A_186[%mul3A_2, %dma_start3A_187] : memref<2048x64xf32, #tpu.memory_space<hbm>> -> memref<64x64xf32, #tpu.memory_space<hbm>>
      %dma_start3A_189 = arith.constant 0 : i32
      %dma_start3A_190 = arith.constant 0 : i32
      %dma_start3A_191 = tpu.memref_slice %arg5[%mul3A_141, %dma_start3A_189, %dma_start3A_190] : memref<256x2048x64xf32, #tpu.memory_space<hbm>> -> memref<1x2048x64xf32, #tpu.memory_space<hbm>>
      %dma_start3A_192 = tpu.memref_squeeze %dma_start3A_191 : memref<1x2048x64xf32, #tpu.memory_space<hbm>> -> memref<2048x64xf32, #tpu.memory_space<hbm>>
      %dma_start3A_193 = arith.constant 0 : i32
      %dma_start3A_194 = tpu.memref_slice %dma_start3A_192[%mul3A_2, %dma_start3A_193] : memref<2048x64xf32, #tpu.memory_space<hbm>> -> memref<64x64xf32, #tpu.memory_space<hbm>>
      tpu.enqueue_dma source(%arg12 : memref<64x64xf32, #tpu.memory_space<vmem>>) target(%dma_start3A_194 : memref<64x64xf32, #tpu.memory_space<hbm>>) target_semaphore(%arg16 : memref<!tpu.dma_semaphore, #tpu.memory_space<semaphore_mem>>)
      %dma_wait3A_195 = tpu.memref_slice %arg2[%mul3A_2] : memref<524288xi32, #tpu.memory_space<hbm>> -> memref<64xi32, #tpu.memory_space<hbm>>
      %dma_wait3A_196 = tpu.memref_slice %arg2[%mul3A_2] : memref<524288xi32, #tpu.memory_space<hbm>> -> memref<64xi32, #tpu.memory_space<hbm>>
      tpu.wait_dma2 semaphore(%arg15 : memref<!tpu.dma_semaphore, #tpu.memory_space<semaphore_mem>>) src(%dma_wait3A_196 : memref<64xi32, #tpu.memory_space<hbm>>) dst(%arg11 : memref<64xi32, #tpu.memory_space<vmem>>)
      %get3A_197 = arith.constant 0 : index
      %get3A_198 = tpu.vector_load %arg11[%get3A_197] {strides = array<i32>} : memref<64xi32, #tpu.memory_space<vmem>>, vector<16xi32>,
      %get3A_199 = vector.shape_cast %get3A_198 : vector<16xi32> to vector<16xi32>
      %swap3A_200 = arith.constant 0 : index
      %swap3A_201 = tpu.vector_load %arg8[%swap3A_200] {strides = array<i32>} : memref<64xi32, #tpu.memory_space<vmem>>, vector<16xi32>,
      %swap3A_202 = vector.shape_cast %swap3A_201 : vector<16xi32> to vector<16xi32>
      %swap3A_203 = vector.shape_cast %get3A_199 : vector<16xi32> to vector<16xi32>
      tpu.vector_store %arg8[%swap3A_200], %swap3A_203 {strides = array<i32>} : memref<64xi32, #tpu.memory_space<vmem>>, vector<16xi32>,
      %get3A_204 = arith.constant 16 : index
      %get3A_205 = tpu.vector_load %arg11[%get3A_204] {strides = array<i32>} : memref<64xi32, #tpu.memory_space<vmem>>, vector<16xi32>,
      %get3A_206 = vector.shape_cast %get3A_205 : vector<16xi32> to vector<16xi32>
      %swap3A_207 = arith.constant 16 : index
      %swap3A_208 = tpu.vector_load %arg8[%swap3A_207] {strides = array<i32>} : memref<64xi32, #tpu.memory_space<vmem>>, vector<16xi32>,
      %swap3A_209 = vector.shape_cast %swap3A_208 : vector<16xi32> to vector<16xi32>
      %swap3A_210 = vector.shape_cast %get3A_206 : vector<16xi32> to vector<16xi32>
      tpu.vector_store %arg8[%swap3A_207], %swap3A_210 {strides = array<i32>} : memref<64xi32, #tpu.memory_space<vmem>>, vector<16xi32>,
      %get3A_211 = arith.constant 32 : index
      %get3A_212 = tpu.vector_load %arg11[%get3A_211] {strides = array<i32>} : memref<64xi32, #tpu.memory_space<vmem>>, vector<16xi32>,
      %get3A_213 = vector.shape_cast %get3A_212 : vector<16xi32> to vector<16xi32>
      %swap3A_214 = arith.constant 32 : index
      %swap3A_215 = tpu.vector_load %arg8[%swap3A_214] {strides = array<i32>} : memref<64xi32, #tpu.memory_space<vmem>>, vector<16xi32>,
      %swap3A_216 = vector.shape_cast %swap3A_215 : vector<16xi32> to vector<16xi32>
      %swap3A_217 = vector.shape_cast %get3A_213 : vector<16xi32> to vector<16xi32>
      tpu.vector_store %arg8[%swap3A_214], %swap3A_217 {strides = array<i32>} : memref<64xi32, #tpu.memory_space<vmem>>, vector<16xi32>,
      %get3A_218 = arith.constant 48 : index
      %get3A_219 = tpu.vector_load %arg11[%get3A_218] {strides = array<i32>} : memref<64xi32, #tpu.memory_space<vmem>>, vector<16xi32>,
      %get3A_220 = vector.shape_cast %get3A_219 : vector<16xi32> to vector<16xi32>
      %swap3A_221 = arith.constant 48 : index
      %swap3A_222 = tpu.vector_load %arg8[%swap3A_221] {strides = array<i32>} : memref<64xi32, #tpu.memory_space<vmem>>, vector<16xi32>,
      %swap3A_223 = vector.shape_cast %swap3A_222 : vector<16xi32> to vector<16xi32>
      %swap3A_224 = vector.shape_cast %get3A_220 : vector<16xi32> to vector<16xi32>
      tpu.vector_store %arg8[%swap3A_221], %swap3A_224 {strides = array<i32>} : memref<64xi32, #tpu.memory_space<vmem>>, vector<16xi32>,
      %lt3A_225 = arith.constant 127 : i32
      %lt3A_226 = arith.cmpi slt, %scan3A_139, %lt3A_225 : i32
      %convert_element_type3A_227 = arith.extui %lt3A_226 : i1 to i32
      %cond3A_228 = arith.constant 0 : i32
      %cond3A_229 = arith.cmpi ne, %convert_element_type3A_227, %cond3A_228 : i32
      scf.if %cond3A_229 {
        %add3A_255 = arith.constant 3 : i32
        %add3A_256 = arith.addi %mul3A_141, %add3A_255 : i32
        %mul3A_257 = arith.constant 2048 : i32
        %mul3A_258 = arith.muli %add3A_256, %mul3A_257 : i32
        %add3A_259 = arith.addi %mul3A_258, %mul3A_2 : i32
        %dma_start3A_260 = tpu.memref_slice %arg2[%add3A_259] : memref<524288xi32, #tpu.memory_space<hbm>> -> memref<64xi32, #tpu.memory_space<hbm>>
        %dma_start3A_261 = tpu.memref_slice %arg2[%add3A_259] : memref<524288xi32, #tpu.memory_space<hbm>> -> memref<64xi32, #tpu.memory_space<hbm>>
        tpu.enqueue_dma source(%dma_start3A_261 : memref<64xi32, #tpu.memory_space<hbm>>) target(%arg11 : memref<64xi32, #tpu.memory_space<vmem>>) target_semaphore(%arg15 : memref<!tpu.dma_semaphore, #tpu.memory_space<semaphore_mem>>)
      } else {
      }
      %gt3A_230 = arith.constant 0 : i32
      %gt3A_231 = arith.cmpi sgt, %scan3A_139, %gt3A_230 : i32
      %convert_element_type3A_232 = arith.extui %gt3A_231 : i1 to i32
      %cond3A_233 = arith.constant 0 : i32
      %cond3A_234 = arith.cmpi ne, %convert_element_type3A_232, %cond3A_233 : i32
      scf.if %cond3A_234 {
        %dma_wait3A_255 = arith.constant 0 : i32
        %dma_wait3A_256 = arith.constant 0 : i32
        %dma_wait3A_257 = arith.constant 0 : i32
        %dma_wait3A_258 = tpu.memref_slice %arg5[%dma_wait3A_255, %dma_wait3A_256, %dma_wait3A_257] : memref<256x2048x64xf32, #tpu.memory_space<hbm>> -> memref<1x2048x64xf32, #tpu.memory_space<hbm>>
        %dma_wait3A_259 = tpu.memref_squeeze %dma_wait3A_258 : memref<1x2048x64xf32, #tpu.memory_space<hbm>> -> memref<2048x64xf32, #tpu.memory_space<hbm>>
        %dma_wait3A_260 = arith.constant 0 : i32
        %dma_wait3A_261 = tpu.memref_slice %dma_wait3A_259[%mul3A_2, %dma_wait3A_260] : memref<2048x64xf32, #tpu.memory_space<hbm>> -> memref<64x64xf32, #tpu.memory_space<hbm>>
        %dma_wait3A_262 = arith.constant 0 : i32
        %dma_wait3A_263 = arith.constant 0 : i32
        %dma_wait3A_264 = tpu.memref_slice %arg5[%dma_wait3A_255, %dma_wait3A_262, %dma_wait3A_263] : memref<256x2048x64xf32, #tpu.memory_space<hbm>> -> memref<1x2048x64xf32, #tpu.memory_space<hbm>>
        %dma_wait3A_265 = tpu.memref_squeeze %dma_wait3A_264 : memref<1x2048x64xf32, #tpu.memory_space<hbm>> -> memref<2048x64xf32, #tpu.memory_space<hbm>>
        %dma_wait3A_266 = arith.constant 0 : i32
        %dma_wait3A_267 = tpu.memref_slice %dma_wait3A_265[%mul3A_2, %dma_wait3A_266] : memref<2048x64xf32, #tpu.memory_space<hbm>> -> memref<64x64xf32, #tpu.memory_space<hbm>>
        tpu.wait_dma2 semaphore(%arg17 : memref<!tpu.dma_semaphore, #tpu.memory_space<semaphore_mem>>) src(%arg13 : memref<64x64xf32, #tpu.memory_space<vmem>>) dst(%dma_wait3A_267 : memref<64x64xf32, #tpu.memory_space<hbm>>)
      } else {
      }
      %scan3A_235 = arith.constant 0 : i32
      %scan3A_236 = arith.constant 0 : i32
      %scan3A_237 = arith.constant 4 : i32
      %scan3A_238 = arith.addi %scan3A_236, %scan3A_237 : i32
      %scan3A_239 = arith.constant 1 : i32
      scf.for %scan3A_255 = %scan3A_236 to %scan3A_238 step %scan3A_239  : i32 {
        %mul3A_256 = arith.constant 16 : i32
        %mul3A_257 = arith.muli %scan3A_255, %mul3A_256 : i32
        %get3A_258 = arith.index_cast %mul3A_257 : i32 to index
        %get3A_259 = tpu.vector_load %arg8[%get3A_258] {strides = array<i32>} : memref<64xi32, #tpu.memory_space<vmem>>, vector<16xi32>,
        %get3A_260 = vector.shape_cast %get3A_259 : vector<16xi32> to vector<16xi32>
        %mul3A_261 = arith.constant 16 : i32
        %mul3A_262 = arith.muli %scan3A_255, %mul3A_261 : i32
        %add3A_263 = arith.constant 0 : i32
        %add3A_264 = arith.addi %mul3A_262, %add3A_263 : i32
        %broadcast_in_dim3A = arith.constant 0 : i32
        %broadcast_in_dim3A_265 = vector.broadcast %broadcast_in_dim3A : i32 to vector<16x1xi32>
        %gather3A = vector.shape_cast %broadcast_in_dim3A_265 : vector<16x1xi32> to vector<16xi32>
        %gather3A_266 = tpu.dynamic_gather %get3A_260[%gather3A] in [0] : vector<16xi32>, vector<16xi32> -> vector<16xi32>
        %swap3A_267 = arith.constant 0 : index
        %swap3A_268 = tpu.vector_load %arg9[%swap3A_267] {strides = array<i32>} : memref<16xi32, #tpu.memory_space<vmem>>, vector<16xi32>,
        %swap3A_269 = vector.shape_cast %swap3A_268 : vector<16xi32> to vector<16xi32>
        %swap3A_270 = vector.shape_cast %gather3A_266 : vector<16xi32> to vector<16xi32>
        tpu.vector_store %arg9[%swap3A_267], %swap3A_270 {strides = array<i32>} : memref<16xi32, #tpu.memory_space<vmem>>, vector<16xi32>,
        %get3A_271 = arith.constant 0 : index
        %get3A_272 = tpu.vector_load %arg9[%get3A_271] {strides = array<i32>} : memref<16xi32, #tpu.memory_space<vmem>>, vector<16xi32>,
        %get3A_273 = vector.shape_cast %get3A_272 : vector<16xi32> to vector<16xi32>
        %eq3A = arith.constant 1 : i32
        %eq3A_274 = vector.broadcast %eq3A : i32 to vector<16xi32>
        %eq3A_275 = arith.cmpi eq, %get3A_273, %eq3A_274 : vector<16xi32>
        %eq3A_276 = arith.constant 2 : i32
        %eq3A_277 = vector.broadcast %eq3A_276 : i32 to vector<16xi32>
        %eq3A_278 = arith.cmpi eq, %get3A_273, %eq3A_277 : vector<16xi32>
        %eq3A_279 = arith.constant 3 : i32
        %eq3A_280 = vector.broadcast %eq3A_279 : i32 to vector<16xi32>
        %eq3A_281 = arith.cmpi eq, %get3A_273, %eq3A_280 : vector<16xi32>
        %eq3A_282 = arith.constant 4 : i32
        %eq3A_283 = vector.broadcast %eq3A_282 : i32 to vector<16xi32>
        %eq3A_284 = arith.cmpi eq, %get3A_273, %eq3A_283 : vector<16xi32>
        %select_n3A = arith.select %eq3A_275, %get3A_26, %get3A_6 : vector<16xi1>, vector<16xf32>
        %select_n3A_285 = arith.select %eq3A_278, %get3A_46, %select_n3A : vector<16xi1>, vector<16xf32>
        %select_n3A_286 = arith.select %eq3A_281, %get3A_66, %select_n3A_285 : vector<16xi1>, vector<16xf32>
        %select_n3A_287 = arith.select %eq3A_284, %get3A_86, %select_n3A_286 : vector<16xi1>, vector<16xf32>
        %get3A_288 = arith.index_cast %add3A_264 : i32 to index
        %get3A_289 = arith.constant 0 : index
        %get3A_290 = tpu.vector_load %arg7[%get3A_288, %get3A_289] {strides = array<i32>} : memref<64x64xf32, #tpu.memory_space<vmem>>, vector<1x16xf32>,
        %get3A_291 = vector.shape_cast %get3A_290 : vector<1x16xf32> to vector<16xf32>
        %add3A_292 = arith.addf %select_n3A_287, %get3A_291 : vector<16xf32>
        %swap3A_293 = arith.index_cast %add3A_264 : i32 to index
        %swap3A_294 = arith.constant 0 : index
        %swap3A_295 = tpu.vector_load %arg13[%swap3A_293, %swap3A_294] {strides = array<i32>} : memref<64x64xf32, #tpu.memory_space<vmem>>, vector<1x16xf32>,
        %swap3A_296 = vector.shape_cast %swap3A_295 : vector<1x16xf32> to vector<16xf32>
        %swap3A_297 = vector.shape_cast %add3A_292 : vector<16xf32> to vector<1x16xf32>
        tpu.vector_store %arg13[%swap3A_293, %swap3A_294], %swap3A_297 {strides = array<i32>} : memref<64x64xf32, #tpu.memory_space<vmem>>, vector<1x16xf32>,
        %select_n3A_298 = arith.select %eq3A_275, %get3A_31, %get3A_11 : vector<16xi1>, vector<16xf32>
        %select_n3A_299 = arith.select %eq3A_278, %get3A_51, %select_n3A_298 : vector<16xi1>, vector<16xf32>
        %select_n3A_300 = arith.select %eq3A_281, %get3A_71, %select_n3A_299 : vector<16xi1>, vector<16xf32>
        %select_n3A_301 = arith.select %eq3A_284, %get3A_91, %select_n3A_300 : vector<16xi1>, vector<16xf32>
        %get3A_302 = arith.index_cast %add3A_264 : i32 to index
        %get3A_303 = arith.constant 16 : index
        %get3A_304 = tpu.vector_load %arg7[%get3A_302, %get3A_303] {strides = array<i32>} : memref<64x64xf32, #tpu.memory_space<vmem>>, vector<1x16xf32>,
        %get3A_305 = vector.shape_cast %get3A_304 : vector<1x16xf32> to vector<16xf32>
        %add3A_306 = arith.addf %select_n3A_301, %get3A_305 : vector<16xf32>
        %swap3A_307 = arith.index_cast %add3A_264 : i32 to index
        %swap3A_308 = arith.constant 16 : index
        %swap3A_309 = tpu.vector_load %arg13[%swap3A_307, %swap3A_308] {strides = array<i32>} : memref<64x64xf32, #tpu.memory_space<vmem>>, vector<1x16xf32>,
        %swap3A_310 = vector.shape_cast %swap3A_309 : vector<1x16xf32> to vector<16xf32>
        %swap3A_311 = vector.shape_cast %add3A_306 : vector<16xf32> to vector<1x16xf32>
        tpu.vector_store %arg13[%swap3A_307, %swap3A_308], %swap3A_311 {strides = array<i32>} : memref<64x64xf32, #tpu.memory_space<vmem>>, vector<1x16xf32>,
        %select_n3A_312 = arith.select %eq3A_275, %get3A_36, %get3A_16 : vector<16xi1>, vector<16xf32>
        %select_n3A_313 = arith.select %eq3A_278, %get3A_56, %select_n3A_312 : vector<16xi1>, vector<16xf32>
        %select_n3A_314 = arith.select %eq3A_281, %get3A_76, %select_n3A_313 : vector<16xi1>, vector<16xf32>
        %select_n3A_315 = arith.select %eq3A_284, %get3A_96, %select_n3A_314 : vector<16xi1>, vector<16xf32>
        %get3A_316 = arith.index_cast %add3A_264 : i32 to index
        %get3A_317 = arith.constant 32 : index
        %get3A_318 = tpu.vector_load %arg7[%get3A_316, %get3A_317] {strides = array<i32>} : memref<64x64xf32, #tpu.memory_space<vmem>>, vector<1x16xf32>,
        %get3A_319 = vector.shape_cast %get3A_318 : vector<1x16xf32> to vector<16xf32>
        %add3A_320 = arith.addf %select_n3A_315, %get3A_319 : vector<16xf32>
        %swap3A_321 = arith.index_cast %add3A_264 : i32 to index
        %swap3A_322 = arith.constant 32 : index
        %swap3A_323 = tpu.vector_load %arg13[%swap3A_321, %swap3A_322] {strides = array<i32>} : memref<64x64xf32, #tpu.memory_space<vmem>>, vector<1x16xf32>,
        %swap3A_324 = vector.shape_cast %swap3A_323 : vector<1x16xf32> to vector<16xf32>
        %swap3A_325 = vector.shape_cast %add3A_320 : vector<16xf32> to vector<1x16xf32>
        tpu.vector_store %arg13[%swap3A_321, %swap3A_322], %swap3A_325 {strides = array<i32>} : memref<64x64xf32, #tpu.memory_space<vmem>>, vector<1x16xf32>,
        %select_n3A_326 = arith.select %eq3A_275, %get3A_41, %get3A_21 : vector<16xi1>, vector<16xf32>
        %select_n3A_327 = arith.select %eq3A_278, %get3A_61, %select_n3A_326 : vector<16xi1>, vector<16xf32>
        %select_n3A_328 = arith.select %eq3A_281, %get3A_81, %select_n3A_327 : vector<16xi1>, vector<16xf32>
        %select_n3A_329 = arith.select %eq3A_284, %get3A_101, %select_n3A_328 : vector<16xi1>, vector<16xf32>
        %get3A_330 = arith.index_cast %add3A_264 : i32 to index
        %get3A_331 = arith.constant 48 : index
        %get3A_332 = tpu.vector_load %arg7[%get3A_330, %get3A_331] {strides = array<i32>} : memref<64x64xf32, #tpu.memory_space<vmem>>, vector<1x16xf32>,
        %get3A_333 = vector.shape_cast %get3A_332 : vector<1x16xf32> to vector<16xf32>
        %add3A_334 = arith.addf %select_n3A_329, %get3A_333 : vector<16xf32>
        %swap3A_335 = arith.index_cast %add3A_264 : i32 to index
        %swap3A_336 = arith.constant 48 : index
        %swap3A_337 = tpu.vector_load %arg13[%swap3A_335, %swap3A_336] {strides = array<i32>} : memref<64x64xf32, #tpu.memory_space<vmem>>, vector<1x16xf32>,
        %swap3A_338 = vector.shape_cast %swap3A_337 : vector<1x16xf32> to vector<16xf32>
        %swap3A_339 = vector.shape_cast %add3A_334 : vector<16xf32> to vector<1x16xf32>
        tpu.vector_store %arg13[%swap3A_335, %swap3A_336], %swap3A_339 {strides = array<i32>} : memref<64x64xf32, #tpu.memory_space<vmem>>, vector<1x16xf32>,
        %mul3A_340 = arith.constant 16 : i32
        %mul3A_341 = arith.muli %scan3A_255, %mul3A_340 : i32
        %add3A_342 = arith.constant 1 : i32
        %add3A_343 = arith.addi %mul3A_341, %add3A_342 : i32
        %broadcast_in_dim3A_344 = arith.constant 1 : i32
        %broadcast_in_dim3A_345 = vector.broadcast %broadcast_in_dim3A_344 : i32 to vector<16x1xi32>
        %gather3A_346 = vector.shape_cast %broadcast_in_dim3A_345 : vector<16x1xi32> to vector<16xi32>
        %gather3A_347 = tpu.dynamic_gather %get3A_260[%gather3A_346] in [0] : vector<16xi32>, vector<16xi32> -> vector<16xi32>
        %swap3A_348 = arith.constant 0 : index
        %swap3A_349 = tpu.vector_load %arg9[%swap3A_348] {strides = array<i32>} : memref<16xi32, #tpu.memory_space<vmem>>, vector<16xi32>,
        %swap3A_350 = vector.shape_cast %swap3A_349 : vector<16xi32> to vector<16xi32>
        %swap3A_351 = vector.shape_cast %gather3A_347 : vector<16xi32> to vector<16xi32>
        tpu.vector_store %arg9[%swap3A_348], %swap3A_351 {strides = array<i32>} : memref<16xi32, #tpu.memory_space<vmem>>, vector<16xi32>,
        %get3A_352 = arith.constant 0 : index
        %get3A_353 = tpu.vector_load %arg9[%get3A_352] {strides = array<i32>} : memref<16xi32, #tpu.memory_space<vmem>>, vector<16xi32>,
        %get3A_354 = vector.shape_cast %get3A_353 : vector<16xi32> to vector<16xi32>
        %eq3A_355 = arith.constant 1 : i32
        %eq3A_356 = vector.broadcast %eq3A_355 : i32 to vector<16xi32>
        %eq3A_357 = arith.cmpi eq, %get3A_354, %eq3A_356 : vector<16xi32>
        %eq3A_358 = arith.constant 2 : i32
        %eq3A_359 = vector.broadcast %eq3A_358 : i32 to vector<16xi32>
        %eq3A_360 = arith.cmpi eq, %get3A_354, %eq3A_359 : vector<16xi32>
        %eq3A_361 = arith.constant 3 : i32
        %eq3A_362 = vector.broadcast %eq3A_361 : i32 to vector<16xi32>
        %eq3A_363 = arith.cmpi eq, %get3A_354, %eq3A_362 : vector<16xi32>
        %eq3A_364 = arith.constant 4 : i32
        %eq3A_365 = vector.broadcast %eq3A_364 : i32 to vector<16xi32>
        %eq3A_366 = arith.cmpi eq, %get3A_354, %eq3A_365 : vector<16xi32>
        %select_n3A_367 = arith.select %eq3A_357, %get3A_26, %get3A_6 : vector<16xi1>, vector<16xf32>
        %select_n3A_368 = arith.select %eq3A_360, %get3A_46, %select_n3A_367 : vector<16xi1>, vector<16xf32>
        %select_n3A_369 = arith.select %eq3A_363, %get3A_66, %select_n3A_368 : vector<16xi1>, vector<16xf32>
        %select_n3A_370 = arith.select %eq3A_366, %get3A_86, %select_n3A_369 : vector<16xi1>, vector<16xf32>
        %get3A_371 = arith.index_cast %add3A_343 : i32 to index
        %get3A_372 = arith.constant 0 : index
        %get3A_373 = tpu.vector_load %arg7[%get3A_371, %get3A_372] {strides = array<i32>} : memref<64x64xf32, #tpu.memory_space<vmem>>, vector<1x16xf32>,
        %get3A_374 = vector.shape_cast %get3A_373 : vector<1x16xf32> to vector<16xf32>
        %add3A_375 = arith.addf %select_n3A_370, %get3A_374 : vector<16xf32>
        %swap3A_376 = arith.index_cast %add3A_343 : i32 to index
        %swap3A_377 = arith.constant 0 : index
        %swap3A_378 = tpu.vector_load %arg13[%swap3A_376, %swap3A_377] {strides = array<i32>} : memref<64x64xf32, #tpu.memory_space<vmem>>, vector<1x16xf32>,
        %swap3A_379 = vector.shape_cast %swap3A_378 : vector<1x16xf32> to vector<16xf32>
        %swap3A_380 = vector.shape_cast %add3A_375 : vector<16xf32> to vector<1x16xf32>
        tpu.vector_store %arg13[%swap3A_376, %swap3A_377], %swap3A_380 {strides = array<i32>} : memref<64x64xf32, #tpu.memory_space<vmem>>, vector<1x16xf32>,
        %select_n3A_381 = arith.select %eq3A_357, %get3A_31, %get3A_11 : vector<16xi1>, vector<16xf32>
        %select_n3A_382 = arith.select %eq3A_360, %get3A_51, %select_n3A_381 : vector<16xi1>, vector<16xf32>
        %select_n3A_383 = arith.select %eq3A_363, %get3A_71, %select_n3A_382 : vector<16xi1>, vector<16xf32>
        %select_n3A_384 = arith.select %eq3A_366, %get3A_91, %select_n3A_383 : vector<16xi1>, vector<16xf32>
        %get3A_385 = arith.index_cast %add3A_343 : i32 to index
        %get3A_386 = arith.constant 16 : index
        %get3A_387 = tpu.vector_load %arg7[%get3A_385, %get3A_386] {strides = array<i32>} : memref<64x64xf32, #tpu.memory_space<vmem>>, vector<1x16xf32>,
        %get3A_388 = vector.shape_cast %get3A_387 : vector<1x16xf32> to vector<16xf32>
        %add3A_389 = arith.addf %select_n3A_384, %get3A_388 : vector<16xf32>
        %swap3A_390 = arith.index_cast %add3A_343 : i32 to index
        %swap3A_391 = arith.constant 16 : index
        %swap3A_392 = tpu.vector_load %arg13[%swap3A_390, %swap3A_391] {strides = array<i32>} : memref<64x64xf32, #tpu.memory_space<vmem>>, vector<1x16xf32>,
        %swap3A_393 = vector.shape_cast %swap3A_392 : vector<1x16xf32> to vector<16xf32>
        %swap3A_394 = vector.shape_cast %add3A_389 : vector<16xf32> to vector<1x16xf32>
        tpu.vector_store %arg13[%swap3A_390, %swap3A_391], %swap3A_394 {strides = array<i32>} : memref<64x64xf32, #tpu.memory_space<vmem>>, vector<1x16xf32>,
        %select_n3A_395 = arith.select %eq3A_357, %get3A_36, %get3A_16 : vector<16xi1>, vector<16xf32>
        %select_n3A_396 = arith.select %eq3A_360, %get3A_56, %select_n3A_395 : vector<16xi1>, vector<16xf32>
        %select_n3A_397 = arith.select %eq3A_363, %get3A_76, %select_n3A_396 : vector<16xi1>, vector<16xf32>
        %select_n3A_398 = arith.select %eq3A_366, %get3A_96, %select_n3A_397 : vector<16xi1>, vector<16xf32>
        %get3A_399 = arith.index_cast %add3A_343 : i32 to index
        %get3A_400 = arith.constant 32 : index
        %get3A_401 = tpu.vector_load %arg7[%get3A_399, %get3A_400] {strides = array<i32>} : memref<64x64xf32, #tpu.memory_space<vmem>>, vector<1x16xf32>,
        %get3A_402 = vector.shape_cast %get3A_401 : vector<1x16xf32> to vector<16xf32>
        %add3A_403 = arith.addf %select_n3A_398, %get3A_402 : vector<16xf32>
        %swap3A_404 = arith.index_cast %add3A_343 : i32 to index
        %swap3A_405 = arith.constant 32 : index
        %swap3A_406 = tpu.vector_load %arg13[%swap3A_404, %swap3A_405] {strides = array<i32>} : memref<64x64xf32, #tpu.memory_space<vmem>>, vector<1x16xf32>,
        %swap3A_407 = vector.shape_cast %swap3A_406 : vector<1x16xf32> to vector<16xf32>
        %swap3A_408 = vector.shape_cast %add3A_403 : vector<16xf32> to vector<1x16xf32>
        tpu.vector_store %arg13[%swap3A_404, %swap3A_405], %swap3A_408 {strides = array<i32>} : memref<64x64xf32, #tpu.memory_space<vmem>>, vector<1x16xf32>,
        %select_n3A_409 = arith.select %eq3A_357, %get3A_41, %get3A_21 : vector<16xi1>, vector<16xf32>
        %select_n3A_410 = arith.select %eq3A_360, %get3A_61, %select_n3A_409 : vector<16xi1>, vector<16xf32>
        %select_n3A_411 = arith.select %eq3A_363, %get3A_81, %select_n3A_410 : vector<16xi1>, vector<16xf32>
        %select_n3A_412 = arith.select %eq3A_366, %get3A_101, %select_n3A_411 : vector<16xi1>, vector<16xf32>
        %get3A_413 = arith.index_cast %add3A_343 : i32 to index
        %get3A_414 = arith.constant 48 : index
        %get3A_415 = tpu.vector_load %arg7[%get3A_413, %get3A_414] {strides = array<i32>} : memref<64x64xf32, #tpu.memory_space<vmem>>, vector<1x16xf32>,
        %get3A_416 = vector.shape_cast %get3A_415 : vector<1x16xf32> to vector<16xf32>
        %add3A_417 = arith.addf %select_n3A_412, %get3A_416 : vector<16xf32>
        %swap3A_418 = arith.index_cast %add3A_343 : i32 to index
        %swap3A_419 = arith.constant 48 : index
        %swap3A_420 = tpu.vector_load %arg13[%swap3A_418, %swap3A_419] {strides = array<i32>} : memref<64x64xf32, #tpu.memory_space<vmem>>, vector<1x16xf32>,
        %swap3A_421 = vector.shape_cast %swap3A_420 : vector<1x16xf32> to vector<16xf32>
        %swap3A_422 = vector.shape_cast %add3A_417 : vector<16xf32> to vector<1x16xf32>
        tpu.vector_store %arg13[%swap3A_418, %swap3A_419], %swap3A_422 {strides = array<i32>} : memref<64x64xf32, #tpu.memory_space<vmem>>, vector<1x16xf32>,
        %mul3A_423 = arith.constant 16 : i32
        %mul3A_424 = arith.muli %scan3A_255, %mul3A_423 : i32
        %add3A_425 = arith.constant 2 : i32
        %add3A_426 = arith.addi %mul3A_424, %add3A_425 : i32
        %broadcast_in_dim3A_427 = arith.constant 2 : i32
        %broadcast_in_dim3A_428 = vector.broadcast %broadcast_in_dim3A_427 : i32 to vector<16x1xi32>
        %gather3A_429 = vector.shape_cast %broadcast_in_dim3A_428 : vector<16x1xi32> to vector<16xi32>
        %gather3A_430 = tpu.dynamic_gather %get3A_260[%gather3A_429] in [0] : vector<16xi32>, vector<16xi32> -> vector<16xi32>
        %swap3A_431 = arith.constant 0 : index
        %swap3A_432 = tpu.vector_load %arg9[%swap3A_431] {strides = array<i32>} : memref<16xi32, #tpu.memory_space<vmem>>, vector<16xi32>,
        %swap3A_433 = vector.shape_cast %swap3A_432 : vector<16xi32> to vector<16xi32>
        %swap3A_434 = vector.shape_cast %gather3A_430 : vector<16xi32> to vector<16xi32>
        tpu.vector_store %arg9[%swap3A_431], %swap3A_434 {strides = array<i32>} : memref<16xi32, #tpu.memory_space<vmem>>, vector<16xi32>,
        %get3A_435 = arith.constant 0 : index
        %get3A_436 = tpu.vector_load %arg9[%get3A_435] {strides = array<i32>} : memref<16xi32, #tpu.memory_space<vmem>>, vector<16xi32>,
        %get3A_437 = vector.shape_cast %get3A_436 : vector<16xi32> to vector<16xi32>
        %eq3A_438 = arith.constant 1 : i32
        %eq3A_439 = vector.broadcast %eq3A_438 : i32 to vector<16xi32>
        %eq3A_440 = arith.cmpi eq, %get3A_437, %eq3A_439 : vector<16xi32>
        %eq3A_441 = arith.constant 2 : i32
        %eq3A_442 = vector.broadcast %eq3A_441 : i32 to vector<16xi32>
        %eq3A_443 = arith.cmpi eq, %get3A_437, %eq3A_442 : vector<16xi32>
        %eq3A_444 = arith.constant 3 : i32
        %eq3A_445 = vector.broadcast %eq3A_444 : i32 to vector<16xi32>
        %eq3A_446 = arith.cmpi eq, %get3A_437, %eq3A_445 : vector<16xi32>
        %eq3A_447 = arith.constant 4 : i32
        %eq3A_448 = vector.broadcast %eq3A_447 : i32 to vector<16xi32>
        %eq3A_449 = arith.cmpi eq, %get3A_437, %eq3A_448 : vector<16xi32>
        %select_n3A_450 = arith.select %eq3A_440, %get3A_26, %get3A_6 : vector<16xi1>, vector<16xf32>
        %select_n3A_451 = arith.select %eq3A_443, %get3A_46, %select_n3A_450 : vector<16xi1>, vector<16xf32>
        %select_n3A_452 = arith.select %eq3A_446, %get3A_66, %select_n3A_451 : vector<16xi1>, vector<16xf32>
        %select_n3A_453 = arith.select %eq3A_449, %get3A_86, %select_n3A_452 : vector<16xi1>, vector<16xf32>
        %get3A_454 = arith.index_cast %add3A_426 : i32 to index
        %get3A_455 = arith.constant 0 : index
        %get3A_456 = tpu.vector_load %arg7[%get3A_454, %get3A_455] {strides = array<i32>} : memref<64x64xf32, #tpu.memory_space<vmem>>, vector<1x16xf32>,
        %get3A_457 = vector.shape_cast %get3A_456 : vector<1x16xf32> to vector<16xf32>
        %add3A_458 = arith.addf %select_n3A_453, %get3A_457 : vector<16xf32>
        %swap3A_459 = arith.index_cast %add3A_426 : i32 to index
        %swap3A_460 = arith.constant 0 : index
        %swap3A_461 = tpu.vector_load %arg13[%swap3A_459, %swap3A_460] {strides = array<i32>} : memref<64x64xf32, #tpu.memory_space<vmem>>, vector<1x16xf32>,
        %swap3A_462 = vector.shape_cast %swap3A_461 : vector<1x16xf32> to vector<16xf32>
        %swap3A_463 = vector.shape_cast %add3A_458 : vector<16xf32> to vector<1x16xf32>
        tpu.vector_store %arg13[%swap3A_459, %swap3A_460], %swap3A_463 {strides = array<i32>} : memref<64x64xf32, #tpu.memory_space<vmem>>, vector<1x16xf32>,
        %select_n3A_464 = arith.select %eq3A_440, %get3A_31, %get3A_11 : vector<16xi1>, vector<16xf32>
        %select_n3A_465 = arith.select %eq3A_443, %get3A_51, %select_n3A_464 : vector<16xi1>, vector<16xf32>
        %select_n3A_466 = arith.select %eq3A_446, %get3A_71, %select_n3A_465 : vector<16xi1>, vector<16xf32>
        %select_n3A_467 = arith.select %eq3A_449, %get3A_91, %select_n3A_466 : vector<16xi1>, vector<16xf32>
        %get3A_468 = arith.index_cast %add3A_426 : i32 to index
        %get3A_469 = arith.constant 16 : index
        %get3A_470 = tpu.vector_load %arg7[%get3A_468, %get3A_469] {strides = array<i32>} : memref<64x64xf32, #tpu.memory_space<vmem>>, vector<1x16xf32>,
        %get3A_471 = vector.shape_cast %get3A_470 : vector<1x16xf32> to vector<16xf32>
        %add3A_472 = arith.addf %select_n3A_467, %get3A_471 : vector<16xf32>
        %swap3A_473 = arith.index_cast %add3A_426 : i32 to index
        %swap3A_474 = arith.constant 16 : index
        %swap3A_475 = tpu.vector_load %arg13[%swap3A_473, %swap3A_474] {strides = array<i32>} : memref<64x64xf32, #tpu.memory_space<vmem>>, vector<1x16xf32>,
        %swap3A_476 = vector.shape_cast %swap3A_475 : vector<1x16xf32> to vector<16xf32>
        %swap3A_477 = vector.shape_cast %add3A_472 : vector<16xf32> to vector<1x16xf32>
        tpu.vector_store %arg13[%swap3A_473, %swap3A_474], %swap3A_477 {strides = array<i32>} : memref<64x64xf32, #tpu.memory_space<vmem>>, vector<1x16xf32>,
        %select_n3A_478 = arith.select %eq3A_440, %get3A_36, %get3A_16 : vector<16xi1>, vector<16xf32>
        %select_n3A_479 = arith.select %eq3A_443, %get3A_56, %select_n3A_478 : vector<16xi1>, vector<16xf32>
        %select_n3A_480 = arith.select %eq3A_446, %get3A_76, %select_n3A_479 : vector<16xi1>, vector<16xf32>
        %select_n3A_481 = arith.select %eq3A_449, %get3A_96, %select_n3A_480 : vector<16xi1>, vector<16xf32>
        %get3A_482 = arith.index_cast %add3A_426 : i32 to index
        %get3A_483 = arith.constant 32 : index
        %get3A_484 = tpu.vector_load %arg7[%get3A_482, %get3A_483] {strides = array<i32>} : memref<64x64xf32, #tpu.memory_space<vmem>>, vector<1x16xf32>,
        %get3A_485 = vector.shape_cast %get3A_484 : vector<1x16xf32> to vector<16xf32>
        %add3A_486 = arith.addf %select_n3A_481, %get3A_485 : vector<16xf32>
        %swap3A_487 = arith.index_cast %add3A_426 : i32 to index
        %swap3A_488 = arith.constant 32 : index
        %swap3A_489 = tpu.vector_load %arg13[%swap3A_487, %swap3A_488] {strides = array<i32>} : memref<64x64xf32, #tpu.memory_space<vmem>>, vector<1x16xf32>,
        %swap3A_490 = vector.shape_cast %swap3A_489 : vector<1x16xf32> to vector<16xf32>
        %swap3A_491 = vector.shape_cast %add3A_486 : vector<16xf32> to vector<1x16xf32>
        tpu.vector_store %arg13[%swap3A_487, %swap3A_488], %swap3A_491 {strides = array<i32>} : memref<64x64xf32, #tpu.memory_space<vmem>>, vector<1x16xf32>,
        %select_n3A_492 = arith.select %eq3A_440, %get3A_41, %get3A_21 : vector<16xi1>, vector<16xf32>
        %select_n3A_493 = arith.select %eq3A_443, %get3A_61, %select_n3A_492 : vector<16xi1>, vector<16xf32>
        %select_n3A_494 = arith.select %eq3A_446, %get3A_81, %select_n3A_493 : vector<16xi1>, vector<16xf32>
        %select_n3A_495 = arith.select %eq3A_449, %get3A_101, %select_n3A_494 : vector<16xi1>, vector<16xf32>
        %get3A_496 = arith.index_cast %add3A_426 : i32 to index
        %get3A_497 = arith.constant 48 : index
        %get3A_498 = tpu.vector_load %arg7[%get3A_496, %get3A_497] {strides = array<i32>} : memref<64x64xf32, #tpu.memory_space<vmem>>, vector<1x16xf32>,
        %get3A_499 = vector.shape_cast %get3A_498 : vector<1x16xf32> to vector<16xf32>
        %add3A_500 = arith.addf %select_n3A_495, %get3A_499 : vector<16xf32>
        %swap3A_501 = arith.index_cast %add3A_426 : i32 to index
        %swap3A_502 = arith.constant 48 : index
        %swap3A_503 = tpu.vector_load %arg13[%swap3A_501, %swap3A_502] {strides = array<i32>} : memref<64x64xf32, #tpu.memory_space<vmem>>, vector<1x16xf32>,
        %swap3A_504 = vector.shape_cast %swap3A_503 : vector<1x16xf32> to vector<16xf32>
        %swap3A_505 = vector.shape_cast %add3A_500 : vector<16xf32> to vector<1x16xf32>
        tpu.vector_store %arg13[%swap3A_501, %swap3A_502], %swap3A_505 {strides = array<i32>} : memref<64x64xf32, #tpu.memory_space<vmem>>, vector<1x16xf32>,
        %mul3A_506 = arith.constant 16 : i32
        %mul3A_507 = arith.muli %scan3A_255, %mul3A_506 : i32
        %add3A_508 = arith.constant 3 : i32
        %add3A_509 = arith.addi %mul3A_507, %add3A_508 : i32
        %broadcast_in_dim3A_510 = arith.constant 3 : i32
        %broadcast_in_dim3A_511 = vector.broadcast %broadcast_in_dim3A_510 : i32 to vector<16x1xi32>
        %gather3A_512 = vector.shape_cast %broadcast_in_dim3A_511 : vector<16x1xi32> to vector<16xi32>
        %gather3A_513 = tpu.dynamic_gather %get3A_260[%gather3A_512] in [0] : vector<16xi32>, vector<16xi32> -> vector<16xi32>
        %swap3A_514 = arith.constant 0 : index
        %swap3A_515 = tpu.vector_load %arg9[%swap3A_514] {strides = array<i32>} : memref<16xi32, #tpu.memory_space<vmem>>, vector<16xi32>,
        %swap3A_516 = vector.shape_cast %swap3A_515 : vector<16xi32> to vector<16xi32>
        %swap3A_517 = vector.shape_cast %gather3A_513 : vector<16xi32> to vector<16xi32>
        tpu.vector_store %arg9[%swap3A_514], %swap3A_517 {strides = array<i32>} : memref<16xi32, #tpu.memory_space<vmem>>, vector<16xi32>,
        %get3A_518 = arith.constant 0 : index
        %get3A_519 = tpu.vector_load %arg9[%get3A_518] {strides = array<i32>} : memref<16xi32, #tpu.memory_space<vmem>>, vector<16xi32>,
        %get3A_520 = vector.shape_cast %get3A_519 : vector<16xi32> to vector<16xi32>
        %eq3A_521 = arith.constant 1 : i32
        %eq3A_522 = vector.broadcast %eq3A_521 : i32 to vector<16xi32>
        %eq3A_523 = arith.cmpi eq, %get3A_520, %eq3A_522 : vector<16xi32>
        %eq3A_524 = arith.constant 2 : i32
        %eq3A_525 = vector.broadcast %eq3A_524 : i32 to vector<16xi32>
        %eq3A_526 = arith.cmpi eq, %get3A_520, %eq3A_525 : vector<16xi32>
        %eq3A_527 = arith.constant 3 : i32
        %eq3A_528 = vector.broadcast %eq3A_527 : i32 to vector<16xi32>
        %eq3A_529 = arith.cmpi eq, %get3A_520, %eq3A_528 : vector<16xi32>
        %eq3A_530 = arith.constant 4 : i32
        %eq3A_531 = vector.broadcast %eq3A_530 : i32 to vector<16xi32>
        %eq3A_532 = arith.cmpi eq, %get3A_520, %eq3A_531 : vector<16xi32>
        %select_n3A_533 = arith.select %eq3A_523, %get3A_26, %get3A_6 : vector<16xi1>, vector<16xf32>
        %select_n3A_534 = arith.select %eq3A_526, %get3A_46, %select_n3A_533 : vector<16xi1>, vector<16xf32>
        %select_n3A_535 = arith.select %eq3A_529, %get3A_66, %select_n3A_534 : vector<16xi1>, vector<16xf32>
        %select_n3A_536 = arith.select %eq3A_532, %get3A_86, %select_n3A_535 : vector<16xi1>, vector<16xf32>
        %get3A_537 = arith.index_cast %add3A_509 : i32 to index
        %get3A_538 = arith.constant 0 : index
        %get3A_539 = tpu.vector_load %arg7[%get3A_537, %get3A_538] {strides = array<i32>} : memref<64x64xf32, #tpu.memory_space<vmem>>, vector<1x16xf32>,
        %get3A_540 = vector.shape_cast %get3A_539 : vector<1x16xf32> to vector<16xf32>
        %add3A_541 = arith.addf %select_n3A_536, %get3A_540 : vector<16xf32>
        %swap3A_542 = arith.index_cast %add3A_509 : i32 to index
        %swap3A_543 = arith.constant 0 : index
        %swap3A_544 = tpu.vector_load %arg13[%swap3A_542, %swap3A_543] {strides = array<i32>} : memref<64x64xf32, #tpu.memory_space<vmem>>, vector<1x16xf32>,
        %swap3A_545 = vector.shape_cast %swap3A_544 : vector<1x16xf32> to vector<16xf32>
        %swap3A_546 = vector.shape_cast %add3A_541 : vector<16xf32> to vector<1x16xf32>
        tpu.vector_store %arg13[%swap3A_542, %swap3A_543], %swap3A_546 {strides = array<i32>} : memref<64x64xf32, #tpu.memory_space<vmem>>, vector<1x16xf32>,
        %select_n3A_547 = arith.select %eq3A_523, %get3A_31, %get3A_11 : vector<16xi1>, vector<16xf32>
        %select_n3A_548 = arith.select %eq3A_526, %get3A_51, %select_n3A_547 : vector<16xi1>, vector<16xf32>
        %select_n3A_549 = arith.select %eq3A_529, %get3A_71, %select_n3A_548 : vector<16xi1>, vector<16xf32>
        %select_n3A_550 = arith.select %eq3A_532, %get3A_91, %select_n3A_549 : vector<16xi1>, vector<16xf32>
        %get3A_551 = arith.index_cast %add3A_509 : i32 to index
        %get3A_552 = arith.constant 16 : index
        %get3A_553 = tpu.vector_load %arg7[%get3A_551, %get3A_552] {strides = array<i32>} : memref<64x64xf32, #tpu.memory_space<vmem>>, vector<1x16xf32>,
        %get3A_554 = vector.shape_cast %get3A_553 : vector<1x16xf32> to vector<16xf32>
        %add3A_555 = arith.addf %select_n3A_550, %get3A_554 : vector<16xf32>
        %swap3A_556 = arith.index_cast %add3A_509 : i32 to index
        %swap3A_557 = arith.constant 16 : index
        %swap3A_558 = tpu.vector_load %arg13[%swap3A_556, %swap3A_557] {strides = array<i32>} : memref<64x64xf32, #tpu.memory_space<vmem>>, vector<1x16xf32>,
        %swap3A_559 = vector.shape_cast %swap3A_558 : vector<1x16xf32> to vector<16xf32>
        %swap3A_560 = vector.shape_cast %add3A_555 : vector<16xf32> to vector<1x16xf32>
        tpu.vector_store %arg13[%swap3A_556, %swap3A_557], %swap3A_560 {strides = array<i32>} : memref<64x64xf32, #tpu.memory_space<vmem>>, vector<1x16xf32>,
        %select_n3A_561 = arith.select %eq3A_523, %get3A_36, %get3A_16 : vector<16xi1>, vector<16xf32>
        %select_n3A_562 = arith.select %eq3A_526, %get3A_56, %select_n3A_561 : vector<16xi1>, vector<16xf32>
        %select_n3A_563 = arith.select %eq3A_529, %get3A_76, %select_n3A_562 : vector<16xi1>, vector<16xf32>
        %select_n3A_564 = arith.select %eq3A_532, %get3A_96, %select_n3A_563 : vector<16xi1>, vector<16xf32>
        %get3A_565 = arith.index_cast %add3A_509 : i32 to index
        %get3A_566 = arith.constant 32 : index
        %get3A_567 = tpu.vector_load %arg7[%get3A_565, %get3A_566] {strides = array<i32>} : memref<64x64xf32, #tpu.memory_space<vmem>>, vector<1x16xf32>,
        %get3A_568 = vector.shape_cast %get3A_567 : vector<1x16xf32> to vector<16xf32>
        %add3A_569 = arith.addf %select_n3A_564, %get3A_568 : vector<16xf32>
        %swap3A_570 = arith.index_cast %add3A_509 : i32 to index
        %swap3A_571 = arith.constant 32 : index
        %swap3A_572 = tpu.vector_load %arg13[%swap3A_570, %swap3A_571] {strides = array<i32>} : memref<64x64xf32, #tpu.memory_space<vmem>>, vector<1x16xf32>,
        %swap3A_573 = vector.shape_cast %swap3A_572 : vector<1x16xf32> to vector<16xf32>
        %swap3A_574 = vector.shape_cast %add3A_569 : vector<16xf32> to vector<1x16xf32>
        tpu.vector_store %arg13[%swap3A_570, %swap3A_571], %swap3A_574 {strides = array<i32>} : memref<64x64xf32, #tpu.memory_space<vmem>>, vector<1x16xf32>,
        %select_n3A_575 = arith.select %eq3A_523, %get3A_41, %get3A_21 : vector<16xi1>, vector<16xf32>
        %select_n3A_576 = arith.select %eq3A_526, %get3A_61, %select_n3A_575 : vector<16xi1>, vector<16xf32>
        %select_n3A_577 = arith.select %eq3A_529, %get3A_81, %select_n3A_576 : vector<16xi1>, vector<16xf32>
        %select_n3A_578 = arith.select %eq3A_532, %get3A_101, %select_n3A_577 : vector<16xi1>, vector<16xf32>
        %get3A_579 = arith.index_cast %add3A_509 : i32 to index
        %get3A_580 = arith.constant 48 : index
        %get3A_581 = tpu.vector_load %arg7[%get3A_579, %get3A_580] {strides = array<i32>} : memref<64x64xf32, #tpu.memory_space<vmem>>, vector<1x16xf32>,
        %get3A_582 = vector.shape_cast %get3A_581 : vector<1x16xf32> to vector<16xf32>
        %add3A_583 = arith.addf %select_n3A_578, %get3A_582 : vector<16xf32>
        %swap3A_584 = arith.index_cast %add3A_509 : i32 to index
        %swap3A_585 = arith.constant 48 : index
        %swap3A_586 = tpu.vector_load %arg13[%swap3A_584, %swap3A_585] {strides = array<i32>} : memref<64x64xf32, #tpu.memory_space<vmem>>, vector<1x16xf32>,
        %swap3A_587 = vector.shape_cast %swap3A_586 : vector<1x16xf32> to vector<16xf32>
        %swap3A_588 = vector.shape_cast %add3A_583 : vector<16xf32> to vector<1x16xf32>
        tpu.vector_store %arg13[%swap3A_584, %swap3A_585], %swap3A_588 {strides = array<i32>} : memref<64x64xf32, #tpu.memory_space<vmem>>, vector<1x16xf32>,
        %mul3A_589 = arith.constant 16 : i32
        %mul3A_590 = arith.muli %scan3A_255, %mul3A_589 : i32
        %add3A_591 = arith.constant 4 : i32
        %add3A_592 = arith.addi %mul3A_590, %add3A_591 : i32
        %broadcast_in_dim3A_593 = arith.constant 4 : i32
        %broadcast_in_dim3A_594 = vector.broadcast %broadcast_in_dim3A_593 : i32 to vector<16x1xi32>
        %gather3A_595 = vector.shape_cast %broadcast_in_dim3A_594 : vector<16x1xi32> to vector<16xi32>
        %gather3A_596 = tpu.dynamic_gather %get3A_260[%gather3A_595] in [0] : vector<16xi32>, vector<16xi32> -> vector<16xi32>
        %swap3A_597 = arith.constant 0 : index
        %swap3A_598 = tpu.vector_load %arg9[%swap3A_597] {strides = array<i32>} : memref<16xi32, #tpu.memory_space<vmem>>, vector<16xi32>,
        %swap3A_599 = vector.shape_cast %swap3A_598 : vector<16xi32> to vector<16xi32>
        %swap3A_600 = vector.shape_cast %gather3A_596 : vector<16xi32> to vector<16xi32>
        tpu.vector_store %arg9[%swap3A_597], %swap3A_600 {strides = array<i32>} : memref<16xi32, #tpu.memory_space<vmem>>, vector<16xi32>,
        %get3A_601 = arith.constant 0 : index
        %get3A_602 = tpu.vector_load %arg9[%get3A_601] {strides = array<i32>} : memref<16xi32, #tpu.memory_space<vmem>>, vector<16xi32>,
        %get3A_603 = vector.shape_cast %get3A_602 : vector<16xi32> to vector<16xi32>
        %eq3A_604 = arith.constant 1 : i32
        %eq3A_605 = vector.broadcast %eq3A_604 : i32 to vector<16xi32>
        %eq3A_606 = arith.cmpi eq, %get3A_603, %eq3A_605 : vector<16xi32>
        %eq3A_607 = arith.constant 2 : i32
        %eq3A_608 = vector.broadcast %eq3A_607 : i32 to vector<16xi32>
        %eq3A_609 = arith.cmpi eq, %get3A_603, %eq3A_608 : vector<16xi32>
        %eq3A_610 = arith.constant 3 : i32
        %eq3A_611 = vector.broadcast %eq3A_610 : i32 to vector<16xi32>
        %eq3A_612 = arith.cmpi eq, %get3A_603, %eq3A_611 : vector<16xi32>
        %eq3A_613 = arith.constant 4 : i32
        %eq3A_614 = vector.broadcast %eq3A_613 : i32 to vector<16xi32>
        %eq3A_615 = arith.cmpi eq, %get3A_603, %eq3A_614 : vector<16xi32>
        %select_n3A_616 = arith.select %eq3A_606, %get3A_26, %get3A_6 : vector<16xi1>, vector<16xf32>
        %select_n3A_617 = arith.select %eq3A_609, %get3A_46, %select_n3A_616 : vector<16xi1>, vector<16xf32>
        %select_n3A_618 = arith.select %eq3A_612, %get3A_66, %select_n3A_617 : vector<16xi1>, vector<16xf32>
        %select_n3A_619 = arith.select %eq3A_615, %get3A_86, %select_n3A_618 : vector<16xi1>, vector<16xf32>
        %get3A_620 = arith.index_cast %add3A_592 : i32 to index
        %get3A_621 = arith.constant 0 : index
        %get3A_622 = tpu.vector_load %arg7[%get3A_620, %get3A_621] {strides = array<i32>} : memref<64x64xf32, #tpu.memory_space<vmem>>, vector<1x16xf32>,
        %get3A_623 = vector.shape_cast %get3A_622 : vector<1x16xf32> to vector<16xf32>
        %add3A_624 = arith.addf %select_n3A_619, %get3A_623 : vector<16xf32>
        %swap3A_625 = arith.index_cast %add3A_592 : i32 to index
        %swap3A_626 = arith.constant 0 : index
        %swap3A_627 = tpu.vector_load %arg13[%swap3A_625, %swap3A_626] {strides = array<i32>} : memref<64x64xf32, #tpu.memory_space<vmem>>, vector<1x16xf32>,
        %swap3A_628 = vector.shape_cast %swap3A_627 : vector<1x16xf32> to vector<16xf32>
        %swap3A_629 = vector.shape_cast %add3A_624 : vector<16xf32> to vector<1x16xf32>
        tpu.vector_store %arg13[%swap3A_625, %swap3A_626], %swap3A_629 {strides = array<i32>} : memref<64x64xf32, #tpu.memory_space<vmem>>, vector<1x16xf32>,
        %select_n3A_630 = arith.select %eq3A_606, %get3A_31, %get3A_11 : vector<16xi1>, vector<16xf32>
        %select_n3A_631 = arith.select %eq3A_609, %get3A_51, %select_n3A_630 : vector<16xi1>, vector<16xf32>
        %select_n3A_632 = arith.select %eq3A_612, %get3A_71, %select_n3A_631 : vector<16xi1>, vector<16xf32>
        %select_n3A_633 = arith.select %eq3A_615, %get3A_91, %select_n3A_632 : vector<16xi1>, vector<16xf32>
        %get3A_634 = arith.index_cast %add3A_592 : i32 to index
        %get3A_635 = arith.constant 16 : index
        %get3A_636 = tpu.vector_load %arg7[%get3A_634, %get3A_635] {strides = array<i32>} : memref<64x64xf32, #tpu.memory_space<vmem>>, vector<1x16xf32>,
        %get3A_637 = vector.shape_cast %get3A_636 : vector<1x16xf32> to vector<16xf32>
        %add3A_638 = arith.addf %select_n3A_633, %get3A_637 : vector<16xf32>
        %swap3A_639 = arith.index_cast %add3A_592 : i32 to index
        %swap3A_640 = arith.constant 16 : index
        %swap3A_641 = tpu.vector_load %arg13[%swap3A_639, %swap3A_640] {strides = array<i32>} : memref<64x64xf32, #tpu.memory_space<vmem>>, vector<1x16xf32>,
        %swap3A_642 = vector.shape_cast %swap3A_641 : vector<1x16xf32> to vector<16xf32>
        %swap3A_643 = vector.shape_cast %add3A_638 : vector<16xf32> to vector<1x16xf32>
        tpu.vector_store %arg13[%swap3A_639, %swap3A_640], %swap3A_643 {strides = array<i32>} : memref<64x64xf32, #tpu.memory_space<vmem>>, vector<1x16xf32>,
        %select_n3A_644 = arith.select %eq3A_606, %get3A_36, %get3A_16 : vector<16xi1>, vector<16xf32>
        %select_n3A_645 = arith.select %eq3A_609, %get3A_56, %select_n3A_644 : vector<16xi1>, vector<16xf32>
        %select_n3A_646 = arith.select %eq3A_612, %get3A_76, %select_n3A_645 : vector<16xi1>, vector<16xf32>
        %select_n3A_647 = arith.select %eq3A_615, %get3A_96, %select_n3A_646 : vector<16xi1>, vector<16xf32>
        %get3A_648 = arith.index_cast %add3A_592 : i32 to index
        %get3A_649 = arith.constant 32 : index
        %get3A_650 = tpu.vector_load %arg7[%get3A_648, %get3A_649] {strides = array<i32>} : memref<64x64xf32, #tpu.memory_space<vmem>>, vector<1x16xf32>,
        %get3A_651 = vector.shape_cast %get3A_650 : vector<1x16xf32> to vector<16xf32>
        %add3A_652 = arith.addf %select_n3A_647, %get3A_651 : vector<16xf32>
        %swap3A_653 = arith.index_cast %add3A_592 : i32 to index
        %swap3A_654 = arith.constant 32 : index
        %swap3A_655 = tpu.vector_load %arg13[%swap3A_653, %swap3A_654] {strides = array<i32>} : memref<64x64xf32, #tpu.memory_space<vmem>>, vector<1x16xf32>,
        %swap3A_656 = vector.shape_cast %swap3A_655 : vector<1x16xf32> to vector<16xf32>
        %swap3A_657 = vector.shape_cast %add3A_652 : vector<16xf32> to vector<1x16xf32>
        tpu.vector_store %arg13[%swap3A_653, %swap3A_654], %swap3A_657 {strides = array<i32>} : memref<64x64xf32, #tpu.memory_space<vmem>>, vector<1x16xf32>,
        %select_n3A_658 = arith.select %eq3A_606, %get3A_41, %get3A_21 : vector<16xi1>, vector<16xf32>
        %select_n3A_659 = arith.select %eq3A_609, %get3A_61, %select_n3A_658 : vector<16xi1>, vector<16xf32>
        %select_n3A_660 = arith.select %eq3A_612, %get3A_81, %select_n3A_659 : vector<16xi1>, vector<16xf32>
        %select_n3A_661 = arith.select %eq3A_615, %get3A_101, %select_n3A_660 : vector<16xi1>, vector<16xf32>
        %get3A_662 = arith.index_cast %add3A_592 : i32 to index
        %get3A_663 = arith.constant 48 : index
        %get3A_664 = tpu.vector_load %arg7[%get3A_662, %get3A_663] {strides = array<i32>} : memref<64x64xf32, #tpu.memory_space<vmem>>, vector<1x16xf32>,
        %get3A_665 = vector.shape_cast %get3A_664 : vector<1x16xf32> to vector<16xf32>
        %add3A_666 = arith.addf %select_n3A_661, %get3A_665 : vector<16xf32>
        %swap3A_667 = arith.index_cast %add3A_592 : i32 to index
        %swap3A_668 = arith.constant 48 : index
        %swap3A_669 = tpu.vector_load %arg13[%swap3A_667, %swap3A_668] {strides = array<i32>} : memref<64x64xf32, #tpu.memory_space<vmem>>, vector<1x16xf32>,
        %swap3A_670 = vector.shape_cast %swap3A_669 : vector<1x16xf32> to vector<16xf32>
        %swap3A_671 = vector.shape_cast %add3A_666 : vector<16xf32> to vector<1x16xf32>
        tpu.vector_store %arg13[%swap3A_667, %swap3A_668], %swap3A_671 {strides = array<i32>} : memref<64x64xf32, #tpu.memory_space<vmem>>, vector<1x16xf32>,
        %mul3A_672 = arith.constant 16 : i32
        %mul3A_673 = arith.muli %scan3A_255, %mul3A_672 : i32
        %add3A_674 = arith.constant 5 : i32
        %add3A_675 = arith.addi %mul3A_673, %add3A_674 : i32
        %broadcast_in_dim3A_676 = arith.constant 5 : i32
        %broadcast_in_dim3A_677 = vector.broadcast %broadcast_in_dim3A_676 : i32 to vector<16x1xi32>
        %gather3A_678 = vector.shape_cast %broadcast_in_dim3A_677 : vector<16x1xi32> to vector<16xi32>
        %gather3A_679 = tpu.dynamic_gather %get3A_260[%gather3A_678] in [0] : vector<16xi32>, vector<16xi32> -> vector<16xi32>
        %swap3A_680 = arith.constant 0 : index
        %swap3A_681 = tpu.vector_load %arg9[%swap3A_680] {strides = array<i32>} : memref<16xi32, #tpu.memory_space<vmem>>, vector<16xi32>,
        %swap3A_682 = vector.shape_cast %swap3A_681 : vector<16xi32> to vector<16xi32>
        %swap3A_683 = vector.shape_cast %gather3A_679 : vector<16xi32> to vector<16xi32>
        tpu.vector_store %arg9[%swap3A_680], %swap3A_683 {strides = array<i32>} : memref<16xi32, #tpu.memory_space<vmem>>, vector<16xi32>,
        %get3A_684 = arith.constant 0 : index
        %get3A_685 = tpu.vector_load %arg9[%get3A_684] {strides = array<i32>} : memref<16xi32, #tpu.memory_space<vmem>>, vector<16xi32>,
        %get3A_686 = vector.shape_cast %get3A_685 : vector<16xi32> to vector<16xi32>
        %eq3A_687 = arith.constant 1 : i32
        %eq3A_688 = vector.broadcast %eq3A_687 : i32 to vector<16xi32>
        %eq3A_689 = arith.cmpi eq, %get3A_686, %eq3A_688 : vector<16xi32>
        %eq3A_690 = arith.constant 2 : i32
        %eq3A_691 = vector.broadcast %eq3A_690 : i32 to vector<16xi32>
        %eq3A_692 = arith.cmpi eq, %get3A_686, %eq3A_691 : vector<16xi32>
        %eq3A_693 = arith.constant 3 : i32
        %eq3A_694 = vector.broadcast %eq3A_693 : i32 to vector<16xi32>
        %eq3A_695 = arith.cmpi eq, %get3A_686, %eq3A_694 : vector<16xi32>
        %eq3A_696 = arith.constant 4 : i32
        %eq3A_697 = vector.broadcast %eq3A_696 : i32 to vector<16xi32>
        %eq3A_698 = arith.cmpi eq, %get3A_686, %eq3A_697 : vector<16xi32>
        %select_n3A_699 = arith.select %eq3A_689, %get3A_26, %get3A_6 : vector<16xi1>, vector<16xf32>
        %select_n3A_700 = arith.select %eq3A_692, %get3A_46, %select_n3A_699 : vector<16xi1>, vector<16xf32>
        %select_n3A_701 = arith.select %eq3A_695, %get3A_66, %select_n3A_700 : vector<16xi1>, vector<16xf32>
        %select_n3A_702 = arith.select %eq3A_698, %get3A_86, %select_n3A_701 : vector<16xi1>, vector<16xf32>
        %get3A_703 = arith.index_cast %add3A_675 : i32 to index
        %get3A_704 = arith.constant 0 : index
        %get3A_705 = tpu.vector_load %arg7[%get3A_703, %get3A_704] {strides = array<i32>} : memref<64x64xf32, #tpu.memory_space<vmem>>, vector<1x16xf32>,
        %get3A_706 = vector.shape_cast %get3A_705 : vector<1x16xf32> to vector<16xf32>
        %add3A_707 = arith.addf %select_n3A_702, %get3A_706 : vector<16xf32>
        %swap3A_708 = arith.index_cast %add3A_675 : i32 to index
        %swap3A_709 = arith.constant 0 : index
        %swap3A_710 = tpu.vector_load %arg13[%swap3A_708, %swap3A_709] {strides = array<i32>} : memref<64x64xf32, #tpu.memory_space<vmem>>, vector<1x16xf32>,
        %swap3A_711 = vector.shape_cast %swap3A_710 : vector<1x16xf32> to vector<16xf32>
        %swap3A_712 = vector.shape_cast %add3A_707 : vector<16xf32> to vector<1x16xf32>
        tpu.vector_store %arg13[%swap3A_708, %swap3A_709], %swap3A_712 {strides = array<i32>} : memref<64x64xf32, #tpu.memory_space<vmem>>, vector<1x16xf32>,
        %select_n3A_713 = arith.select %eq3A_689, %get3A_31, %get3A_11 : vector<16xi1>, vector<16xf32>
        %select_n3A_714 = arith.select %eq3A_692, %get3A_51, %select_n3A_713 : vector<16xi1>, vector<16xf32>
        %select_n3A_715 = arith.select %eq3A_695, %get3A_71, %select_n3A_714 : vector<16xi1>, vector<16xf32>
        %select_n3A_716 = arith.select %eq3A_698, %get3A_91, %select_n3A_715 : vector<16xi1>, vector<16xf32>
        %get3A_717 = arith.index_cast %add3A_675 : i32 to index
        %get3A_718 = arith.constant 16 : index
        %get3A_719 = tpu.vector_load %arg7[%get3A_717, %get3A_718] {strides = array<i32>} : memref<64x64xf32, #tpu.memory_space<vmem>>, vector<1x16xf32>,
        %get3A_720 = vector.shape_cast %get3A_719 : vector<1x16xf32> to vector<16xf32>
        %add3A_721 = arith.addf %select_n3A_716, %get3A_720 : vector<16xf32>
        %swap3A_722 = arith.index_cast %add3A_675 : i32 to index
        %swap3A_723 = arith.constant 16 : index
        %swap3A_724 = tpu.vector_load %arg13[%swap3A_722, %swap3A_723] {strides = array<i32>} : memref<64x64xf32, #tpu.memory_space<vmem>>, vector<1x16xf32>,
        %swap3A_725 = vector.shape_cast %swap3A_724 : vector<1x16xf32> to vector<16xf32>
        %swap3A_726 = vector.shape_cast %add3A_721 : vector<16xf32> to vector<1x16xf32>
        tpu.vector_store %arg13[%swap3A_722, %swap3A_723], %swap3A_726 {strides = array<i32>} : memref<64x64xf32, #tpu.memory_space<vmem>>, vector<1x16xf32>,
        %select_n3A_727 = arith.select %eq3A_689, %get3A_36, %get3A_16 : vector<16xi1>, vector<16xf32>
        %select_n3A_728 = arith.select %eq3A_692, %get3A_56, %select_n3A_727 : vector<16xi1>, vector<16xf32>
        %select_n3A_729 = arith.select %eq3A_695, %get3A_76, %select_n3A_728 : vector<16xi1>, vector<16xf32>
        %select_n3A_730 = arith.select %eq3A_698, %get3A_96, %select_n3A_729 : vector<16xi1>, vector<16xf32>
        %get3A_731 = arith.index_cast %add3A_675 : i32 to index
        %get3A_732 = arith.constant 32 : index
        %get3A_733 = tpu.vector_load %arg7[%get3A_731, %get3A_732] {strides = array<i32>} : memref<64x64xf32, #tpu.memory_space<vmem>>, vector<1x16xf32>,
        %get3A_734 = vector.shape_cast %get3A_733 : vector<1x16xf32> to vector<16xf32>
        %add3A_735 = arith.addf %select_n3A_730, %get3A_734 : vector<16xf32>
        %swap3A_736 = arith.index_cast %add3A_675 : i32 to index
        %swap3A_737 = arith.constant 32 : index
        %swap3A_738 = tpu.vector_load %arg13[%swap3A_736, %swap3A_737] {strides = array<i32>} : memref<64x64xf32, #tpu.memory_space<vmem>>, vector<1x16xf32>,
        %swap3A_739 = vector.shape_cast %swap3A_738 : vector<1x16xf32> to vector<16xf32>
        %swap3A_740 = vector.shape_cast %add3A_735 : vector<16xf32> to vector<1x16xf32>
        tpu.vector_store %arg13[%swap3A_736, %swap3A_737], %swap3A_740 {strides = array<i32>} : memref<64x64xf32, #tpu.memory_space<vmem>>, vector<1x16xf32>,
        %select_n3A_741 = arith.select %eq3A_689, %get3A_41, %get3A_21 : vector<16xi1>, vector<16xf32>
        %select_n3A_742 = arith.select %eq3A_692, %get3A_61, %select_n3A_741 : vector<16xi1>, vector<16xf32>
        %select_n3A_743 = arith.select %eq3A_695, %get3A_81, %select_n3A_742 : vector<16xi1>, vector<16xf32>
        %select_n3A_744 = arith.select %eq3A_698, %get3A_101, %select_n3A_743 : vector<16xi1>, vector<16xf32>
        %get3A_745 = arith.index_cast %add3A_675 : i32 to index
        %get3A_746 = arith.constant 48 : index
        %get3A_747 = tpu.vector_load %arg7[%get3A_745, %get3A_746] {strides = array<i32>} : memref<64x64xf32, #tpu.memory_space<vmem>>, vector<1x16xf32>,
        %get3A_748 = vector.shape_cast %get3A_747 : vector<1x16xf32> to vector<16xf32>
        %add3A_749 = arith.addf %select_n3A_744, %get3A_748 : vector<16xf32>
        %swap3A_750 = arith.index_cast %add3A_675 : i32 to index
        %swap3A_751 = arith.constant 48 : index
        %swap3A_752 = tpu.vector_load %arg13[%swap3A_750, %swap3A_751] {strides = array<i32>} : memref<64x64xf32, #tpu.memory_space<vmem>>, vector<1x16xf32>,
        %swap3A_753 = vector.shape_cast %swap3A_752 : vector<1x16xf32> to vector<16xf32>
        %swap3A_754 = vector.shape_cast %add3A_749 : vector<16xf32> to vector<1x16xf32>
        tpu.vector_store %arg13[%swap3A_750, %swap3A_751], %swap3A_754 {strides = array<i32>} : memref<64x64xf32, #tpu.memory_space<vmem>>, vector<1x16xf32>,
        %mul3A_755 = arith.constant 16 : i32
        %mul3A_756 = arith.muli %scan3A_255, %mul3A_755 : i32
        %add3A_757 = arith.constant 6 : i32
        %add3A_758 = arith.addi %mul3A_756, %add3A_757 : i32
        %broadcast_in_dim3A_759 = arith.constant 6 : i32
        %broadcast_in_dim3A_760 = vector.broadcast %broadcast_in_dim3A_759 : i32 to vector<16x1xi32>
        %gather3A_761 = vector.shape_cast %broadcast_in_dim3A_760 : vector<16x1xi32> to vector<16xi32>
        %gather3A_762 = tpu.dynamic_gather %get3A_260[%gather3A_761] in [0] : vector<16xi32>, vector<16xi32> -> vector<16xi32>
        %swap3A_763 = arith.constant 0 : index
        %swap3A_764 = tpu.vector_load %arg9[%swap3A_763] {strides = array<i32>} : memref<16xi32, #tpu.memory_space<vmem>>, vector<16xi32>,
        %swap3A_765 = vector.shape_cast %swap3A_764 : vector<16xi32> to vector<16xi32>
        %swap3A_766 = vector.shape_cast %gather3A_762 : vector<16xi32> to vector<16xi32>
        tpu.vector_store %arg9[%swap3A_763], %swap3A_766 {strides = array<i32>} : memref<16xi32, #tpu.memory_space<vmem>>, vector<16xi32>,
        %get3A_767 = arith.constant 0 : index
        %get3A_768 = tpu.vector_load %arg9[%get3A_767] {strides = array<i32>} : memref<16xi32, #tpu.memory_space<vmem>>, vector<16xi32>,
        %get3A_769 = vector.shape_cast %get3A_768 : vector<16xi32> to vector<16xi32>
        %eq3A_770 = arith.constant 1 : i32
        %eq3A_771 = vector.broadcast %eq3A_770 : i32 to vector<16xi32>
        %eq3A_772 = arith.cmpi eq, %get3A_769, %eq3A_771 : vector<16xi32>
        %eq3A_773 = arith.constant 2 : i32
        %eq3A_774 = vector.broadcast %eq3A_773 : i32 to vector<16xi32>
        %eq3A_775 = arith.cmpi eq, %get3A_769, %eq3A_774 : vector<16xi32>
        %eq3A_776 = arith.constant 3 : i32
        %eq3A_777 = vector.broadcast %eq3A_776 : i32 to vector<16xi32>
        %eq3A_778 = arith.cmpi eq, %get3A_769, %eq3A_777 : vector<16xi32>
        %eq3A_779 = arith.constant 4 : i32
        %eq3A_780 = vector.broadcast %eq3A_779 : i32 to vector<16xi32>
        %eq3A_781 = arith.cmpi eq, %get3A_769, %eq3A_780 : vector<16xi32>
        %select_n3A_782 = arith.select %eq3A_772, %get3A_26, %get3A_6 : vector<16xi1>, vector<16xf32>
        %select_n3A_783 = arith.select %eq3A_775, %get3A_46, %select_n3A_782 : vector<16xi1>, vector<16xf32>
        %select_n3A_784 = arith.select %eq3A_778, %get3A_66, %select_n3A_783 : vector<16xi1>, vector<16xf32>
        %select_n3A_785 = arith.select %eq3A_781, %get3A_86, %select_n3A_784 : vector<16xi1>, vector<16xf32>
        %get3A_786 = arith.index_cast %add3A_758 : i32 to index
        %get3A_787 = arith.constant 0 : index
        %get3A_788 = tpu.vector_load %arg7[%get3A_786, %get3A_787] {strides = array<i32>} : memref<64x64xf32, #tpu.memory_space<vmem>>, vector<1x16xf32>,
        %get3A_789 = vector.shape_cast %get3A_788 : vector<1x16xf32> to vector<16xf32>
        %add3A_790 = arith.addf %select_n3A_785, %get3A_789 : vector<16xf32>
        %swap3A_791 = arith.index_cast %add3A_758 : i32 to index
        %swap3A_792 = arith.constant 0 : index
        %swap3A_793 = tpu.vector_load %arg13[%swap3A_791, %swap3A_792] {strides = array<i32>} : memref<64x64xf32, #tpu.memory_space<vmem>>, vector<1x16xf32>,
        %swap3A_794 = vector.shape_cast %swap3A_793 : vector<1x16xf32> to vector<16xf32>
        %swap3A_795 = vector.shape_cast %add3A_790 : vector<16xf32> to vector<1x16xf32>
        tpu.vector_store %arg13[%swap3A_791, %swap3A_792], %swap3A_795 {strides = array<i32>} : memref<64x64xf32, #tpu.memory_space<vmem>>, vector<1x16xf32>,
        %select_n3A_796 = arith.select %eq3A_772, %get3A_31, %get3A_11 : vector<16xi1>, vector<16xf32>
        %select_n3A_797 = arith.select %eq3A_775, %get3A_51, %select_n3A_796 : vector<16xi1>, vector<16xf32>
        %select_n3A_798 = arith.select %eq3A_778, %get3A_71, %select_n3A_797 : vector<16xi1>, vector<16xf32>
        %select_n3A_799 = arith.select %eq3A_781, %get3A_91, %select_n3A_798 : vector<16xi1>, vector<16xf32>
        %get3A_800 = arith.index_cast %add3A_758 : i32 to index
        %get3A_801 = arith.constant 16 : index
        %get3A_802 = tpu.vector_load %arg7[%get3A_800, %get3A_801] {strides = array<i32>} : memref<64x64xf32, #tpu.memory_space<vmem>>, vector<1x16xf32>,
        %get3A_803 = vector.shape_cast %get3A_802 : vector<1x16xf32> to vector<16xf32>
        %add3A_804 = arith.addf %select_n3A_799, %get3A_803 : vector<16xf32>
        %swap3A_805 = arith.index_cast %add3A_758 : i32 to index
        %swap3A_806 = arith.constant 16 : index
        %swap3A_807 = tpu.vector_load %arg13[%swap3A_805, %swap3A_806] {strides = array<i32>} : memref<64x64xf32, #tpu.memory_space<vmem>>, vector<1x16xf32>,
        %swap3A_808 = vector.shape_cast %swap3A_807 : vector<1x16xf32> to vector<16xf32>
        %swap3A_809 = vector.shape_cast %add3A_804 : vector<16xf32> to vector<1x16xf32>
        tpu.vector_store %arg13[%swap3A_805, %swap3A_806], %swap3A_809 {strides = array<i32>} : memref<64x64xf32, #tpu.memory_space<vmem>>, vector<1x16xf32>,
        %select_n3A_810 = arith.select %eq3A_772, %get3A_36, %get3A_16 : vector<16xi1>, vector<16xf32>
        %select_n3A_811 = arith.select %eq3A_775, %get3A_56, %select_n3A_810 : vector<16xi1>, vector<16xf32>
        %select_n3A_812 = arith.select %eq3A_778, %get3A_76, %select_n3A_811 : vector<16xi1>, vector<16xf32>
        %select_n3A_813 = arith.select %eq3A_781, %get3A_96, %select_n3A_812 : vector<16xi1>, vector<16xf32>
        %get3A_814 = arith.index_cast %add3A_758 : i32 to index
        %get3A_815 = arith.constant 32 : index
        %get3A_816 = tpu.vector_load %arg7[%get3A_814, %get3A_815] {strides = array<i32>} : memref<64x64xf32, #tpu.memory_space<vmem>>, vector<1x16xf32>,
        %get3A_817 = vector.shape_cast %get3A_816 : vector<1x16xf32> to vector<16xf32>
        %add3A_818 = arith.addf %select_n3A_813, %get3A_817 : vector<16xf32>
        %swap3A_819 = arith.index_cast %add3A_758 : i32 to index
        %swap3A_820 = arith.constant 32 : index
        %swap3A_821 = tpu.vector_load %arg13[%swap3A_819, %swap3A_820] {strides = array<i32>} : memref<64x64xf32, #tpu.memory_space<vmem>>, vector<1x16xf32>,
        %swap3A_822 = vector.shape_cast %swap3A_821 : vector<1x16xf32> to vector<16xf32>
        %swap3A_823 = vector.shape_cast %add3A_818 : vector<16xf32> to vector<1x16xf32>
        tpu.vector_store %arg13[%swap3A_819, %swap3A_820], %swap3A_823 {strides = array<i32>} : memref<64x64xf32, #tpu.memory_space<vmem>>, vector<1x16xf32>,
        %select_n3A_824 = arith.select %eq3A_772, %get3A_41, %get3A_21 : vector<16xi1>, vector<16xf32>
        %select_n3A_825 = arith.select %eq3A_775, %get3A_61, %select_n3A_824 : vector<16xi1>, vector<16xf32>
        %select_n3A_826 = arith.select %eq3A_778, %get3A_81, %select_n3A_825 : vector<16xi1>, vector<16xf32>
        %select_n3A_827 = arith.select %eq3A_781, %get3A_101, %select_n3A_826 : vector<16xi1>, vector<16xf32>
        %get3A_828 = arith.index_cast %add3A_758 : i32 to index
        %get3A_829 = arith.constant 48 : index
        %get3A_830 = tpu.vector_load %arg7[%get3A_828, %get3A_829] {strides = array<i32>} : memref<64x64xf32, #tpu.memory_space<vmem>>, vector<1x16xf32>,
        %get3A_831 = vector.shape_cast %get3A_830 : vector<1x16xf32> to vector<16xf32>
        %add3A_832 = arith.addf %select_n3A_827, %get3A_831 : vector<16xf32>
        %swap3A_833 = arith.index_cast %add3A_758 : i32 to index
        %swap3A_834 = arith.constant 48 : index
        %swap3A_835 = tpu.vector_load %arg13[%swap3A_833, %swap3A_834] {strides = array<i32>} : memref<64x64xf32, #tpu.memory_space<vmem>>, vector<1x16xf32>,
        %swap3A_836 = vector.shape_cast %swap3A_835 : vector<1x16xf32> to vector<16xf32>
        %swap3A_837 = vector.shape_cast %add3A_832 : vector<16xf32> to vector<1x16xf32>
        tpu.vector_store %arg13[%swap3A_833, %swap3A_834], %swap3A_837 {strides = array<i32>} : memref<64x64xf32, #tpu.memory_space<vmem>>, vector<1x16xf32>,
        %mul3A_838 = arith.constant 16 : i32
        %mul3A_839 = arith.muli %scan3A_255, %mul3A_838 : i32
        %add3A_840 = arith.constant 7 : i32
        %add3A_841 = arith.addi %mul3A_839, %add3A_840 : i32
        %broadcast_in_dim3A_842 = arith.constant 7 : i32
        %broadcast_in_dim3A_843 = vector.broadcast %broadcast_in_dim3A_842 : i32 to vector<16x1xi32>
        %gather3A_844 = vector.shape_cast %broadcast_in_dim3A_843 : vector<16x1xi32> to vector<16xi32>
        %gather3A_845 = tpu.dynamic_gather %get3A_260[%gather3A_844] in [0] : vector<16xi32>, vector<16xi32> -> vector<16xi32>
        %swap3A_846 = arith.constant 0 : index
        %swap3A_847 = tpu.vector_load %arg9[%swap3A_846] {strides = array<i32>} : memref<16xi32, #tpu.memory_space<vmem>>, vector<16xi32>,
        %swap3A_848 = vector.shape_cast %swap3A_847 : vector<16xi32> to vector<16xi32>
        %swap3A_849 = vector.shape_cast %gather3A_845 : vector<16xi32> to vector<16xi32>
        tpu.vector_store %arg9[%swap3A_846], %swap3A_849 {strides = array<i32>} : memref<16xi32, #tpu.memory_space<vmem>>, vector<16xi32>,
        %get3A_850 = arith.constant 0 : index
        %get3A_851 = tpu.vector_load %arg9[%get3A_850] {strides = array<i32>} : memref<16xi32, #tpu.memory_space<vmem>>, vector<16xi32>,
        %get3A_852 = vector.shape_cast %get3A_851 : vector<16xi32> to vector<16xi32>
        %eq3A_853 = arith.constant 1 : i32
        %eq3A_854 = vector.broadcast %eq3A_853 : i32 to vector<16xi32>
        %eq3A_855 = arith.cmpi eq, %get3A_852, %eq3A_854 : vector<16xi32>
        %eq3A_856 = arith.constant 2 : i32
        %eq3A_857 = vector.broadcast %eq3A_856 : i32 to vector<16xi32>
        %eq3A_858 = arith.cmpi eq, %get3A_852, %eq3A_857 : vector<16xi32>
        %eq3A_859 = arith.constant 3 : i32
        %eq3A_860 = vector.broadcast %eq3A_859 : i32 to vector<16xi32>
        %eq3A_861 = arith.cmpi eq, %get3A_852, %eq3A_860 : vector<16xi32>
        %eq3A_862 = arith.constant 4 : i32
        %eq3A_863 = vector.broadcast %eq3A_862 : i32 to vector<16xi32>
        %eq3A_864 = arith.cmpi eq, %get3A_852, %eq3A_863 : vector<16xi32>
        %select_n3A_865 = arith.select %eq3A_855, %get3A_26, %get3A_6 : vector<16xi1>, vector<16xf32>
        %select_n3A_866 = arith.select %eq3A_858, %get3A_46, %select_n3A_865 : vector<16xi1>, vector<16xf32>
        %select_n3A_867 = arith.select %eq3A_861, %get3A_66, %select_n3A_866 : vector<16xi1>, vector<16xf32>
        %select_n3A_868 = arith.select %eq3A_864, %get3A_86, %select_n3A_867 : vector<16xi1>, vector<16xf32>
        %get3A_869 = arith.index_cast %add3A_841 : i32 to index
        %get3A_870 = arith.constant 0 : index
        %get3A_871 = tpu.vector_load %arg7[%get3A_869, %get3A_870] {strides = array<i32>} : memref<64x64xf32, #tpu.memory_space<vmem>>, vector<1x16xf32>,
        %get3A_872 = vector.shape_cast %get3A_871 : vector<1x16xf32> to vector<16xf32>
        %add3A_873 = arith.addf %select_n3A_868, %get3A_872 : vector<16xf32>
        %swap3A_874 = arith.index_cast %add3A_841 : i32 to index
        %swap3A_875 = arith.constant 0 : index
        %swap3A_876 = tpu.vector_load %arg13[%swap3A_874, %swap3A_875] {strides = array<i32>} : memref<64x64xf32, #tpu.memory_space<vmem>>, vector<1x16xf32>,
        %swap3A_877 = vector.shape_cast %swap3A_876 : vector<1x16xf32> to vector<16xf32>
        %swap3A_878 = vector.shape_cast %add3A_873 : vector<16xf32> to vector<1x16xf32>
        tpu.vector_store %arg13[%swap3A_874, %swap3A_875], %swap3A_878 {strides = array<i32>} : memref<64x64xf32, #tpu.memory_space<vmem>>, vector<1x16xf32>,
        %select_n3A_879 = arith.select %eq3A_855, %get3A_31, %get3A_11 : vector<16xi1>, vector<16xf32>
        %select_n3A_880 = arith.select %eq3A_858, %get3A_51, %select_n3A_879 : vector<16xi1>, vector<16xf32>
        %select_n3A_881 = arith.select %eq3A_861, %get3A_71, %select_n3A_880 : vector<16xi1>, vector<16xf32>
        %select_n3A_882 = arith.select %eq3A_864, %get3A_91, %select_n3A_881 : vector<16xi1>, vector<16xf32>
        %get3A_883 = arith.index_cast %add3A_841 : i32 to index
        %get3A_884 = arith.constant 16 : index
        %get3A_885 = tpu.vector_load %arg7[%get3A_883, %get3A_884] {strides = array<i32>} : memref<64x64xf32, #tpu.memory_space<vmem>>, vector<1x16xf32>,
        %get3A_886 = vector.shape_cast %get3A_885 : vector<1x16xf32> to vector<16xf32>
        %add3A_887 = arith.addf %select_n3A_882, %get3A_886 : vector<16xf32>
        %swap3A_888 = arith.index_cast %add3A_841 : i32 to index
        %swap3A_889 = arith.constant 16 : index
        %swap3A_890 = tpu.vector_load %arg13[%swap3A_888, %swap3A_889] {strides = array<i32>} : memref<64x64xf32, #tpu.memory_space<vmem>>, vector<1x16xf32>,
        %swap3A_891 = vector.shape_cast %swap3A_890 : vector<1x16xf32> to vector<16xf32>
        %swap3A_892 = vector.shape_cast %add3A_887 : vector<16xf32> to vector<1x16xf32>
        tpu.vector_store %arg13[%swap3A_888, %swap3A_889], %swap3A_892 {strides = array<i32>} : memref<64x64xf32, #tpu.memory_space<vmem>>, vector<1x16xf32>,
        %select_n3A_893 = arith.select %eq3A_855, %get3A_36, %get3A_16 : vector<16xi1>, vector<16xf32>
        %select_n3A_894 = arith.select %eq3A_858, %get3A_56, %select_n3A_893 : vector<16xi1>, vector<16xf32>
        %select_n3A_895 = arith.select %eq3A_861, %get3A_76, %select_n3A_894 : vector<16xi1>, vector<16xf32>
        %select_n3A_896 = arith.select %eq3A_864, %get3A_96, %select_n3A_895 : vector<16xi1>, vector<16xf32>
        %get3A_897 = arith.index_cast %add3A_841 : i32 to index
        %get3A_898 = arith.constant 32 : index
        %get3A_899 = tpu.vector_load %arg7[%get3A_897, %get3A_898] {strides = array<i32>} : memref<64x64xf32, #tpu.memory_space<vmem>>, vector<1x16xf32>,
        %get3A_900 = vector.shape_cast %get3A_899 : vector<1x16xf32> to vector<16xf32>
        %add3A_901 = arith.addf %select_n3A_896, %get3A_900 : vector<16xf32>
        %swap3A_902 = arith.index_cast %add3A_841 : i32 to index
        %swap3A_903 = arith.constant 32 : index
        %swap3A_904 = tpu.vector_load %arg13[%swap3A_902, %swap3A_903] {strides = array<i32>} : memref<64x64xf32, #tpu.memory_space<vmem>>, vector<1x16xf32>,
        %swap3A_905 = vector.shape_cast %swap3A_904 : vector<1x16xf32> to vector<16xf32>
        %swap3A_906 = vector.shape_cast %add3A_901 : vector<16xf32> to vector<1x16xf32>
        tpu.vector_store %arg13[%swap3A_902, %swap3A_903], %swap3A_906 {strides = array<i32>} : memref<64x64xf32, #tpu.memory_space<vmem>>, vector<1x16xf32>,
        %select_n3A_907 = arith.select %eq3A_855, %get3A_41, %get3A_21 : vector<16xi1>, vector<16xf32>
        %select_n3A_908 = arith.select %eq3A_858, %get3A_61, %select_n3A_907 : vector<16xi1>, vector<16xf32>
        %select_n3A_909 = arith.select %eq3A_861, %get3A_81, %select_n3A_908 : vector<16xi1>, vector<16xf32>
        %select_n3A_910 = arith.select %eq3A_864, %get3A_101, %select_n3A_909 : vector<16xi1>, vector<16xf32>
        %get3A_911 = arith.index_cast %add3A_841 : i32 to index
        %get3A_912 = arith.constant 48 : index
        %get3A_913 = tpu.vector_load %arg7[%get3A_911, %get3A_912] {strides = array<i32>} : memref<64x64xf32, #tpu.memory_space<vmem>>, vector<1x16xf32>,
        %get3A_914 = vector.shape_cast %get3A_913 : vector<1x16xf32> to vector<16xf32>
        %add3A_915 = arith.addf %select_n3A_910, %get3A_914 : vector<16xf32>
        %swap3A_916 = arith.index_cast %add3A_841 : i32 to index
        %swap3A_917 = arith.constant 48 : index
        %swap3A_918 = tpu.vector_load %arg13[%swap3A_916, %swap3A_917] {strides = array<i32>} : memref<64x64xf32, #tpu.memory_space<vmem>>, vector<1x16xf32>,
        %swap3A_919 = vector.shape_cast %swap3A_918 : vector<1x16xf32> to vector<16xf32>
        %swap3A_920 = vector.shape_cast %add3A_915 : vector<16xf32> to vector<1x16xf32>
        tpu.vector_store %arg13[%swap3A_916, %swap3A_917], %swap3A_920 {strides = array<i32>} : memref<64x64xf32, #tpu.memory_space<vmem>>, vector<1x16xf32>,
        %mul3A_921 = arith.constant 16 : i32
        %mul3A_922 = arith.muli %scan3A_255, %mul3A_921 : i32
        %add3A_923 = arith.constant 8 : i32
        %add3A_924 = arith.addi %mul3A_922, %add3A_923 : i32
        %broadcast_in_dim3A_925 = arith.constant 8 : i32
        %broadcast_in_dim3A_926 = vector.broadcast %broadcast_in_dim3A_925 : i32 to vector<16x1xi32>
        %gather3A_927 = vector.shape_cast %broadcast_in_dim3A_926 : vector<16x1xi32> to vector<16xi32>
        %gather3A_928 = tpu.dynamic_gather %get3A_260[%gather3A_927] in [0] : vector<16xi32>, vector<16xi32> -> vector<16xi32>
        %swap3A_929 = arith.constant 0 : index
        %swap3A_930 = tpu.vector_load %arg9[%swap3A_929] {strides = array<i32>} : memref<16xi32, #tpu.memory_space<vmem>>, vector<16xi32>,
        %swap3A_931 = vector.shape_cast %swap3A_930 : vector<16xi32> to vector<16xi32>
        %swap3A_932 = vector.shape_cast %gather3A_928 : vector<16xi32> to vector<16xi32>
        tpu.vector_store %arg9[%swap3A_929], %swap3A_932 {strides = array<i32>} : memref<16xi32, #tpu.memory_space<vmem>>, vector<16xi32>,
        %get3A_933 = arith.constant 0 : index
        %get3A_934 = tpu.vector_load %arg9[%get3A_933] {strides = array<i32>} : memref<16xi32, #tpu.memory_space<vmem>>, vector<16xi32>,
        %get3A_935 = vector.shape_cast %get3A_934 : vector<16xi32> to vector<16xi32>
        %eq3A_936 = arith.constant 1 : i32
        %eq3A_937 = vector.broadcast %eq3A_936 : i32 to vector<16xi32>
        %eq3A_938 = arith.cmpi eq, %get3A_935, %eq3A_937 : vector<16xi32>
        %eq3A_939 = arith.constant 2 : i32
        %eq3A_940 = vector.broadcast %eq3A_939 : i32 to vector<16xi32>
        %eq3A_941 = arith.cmpi eq, %get3A_935, %eq3A_940 : vector<16xi32>
        %eq3A_942 = arith.constant 3 : i32
        %eq3A_943 = vector.broadcast %eq3A_942 : i32 to vector<16xi32>
        %eq3A_944 = arith.cmpi eq, %get3A_935, %eq3A_943 : vector<16xi32>
        %eq3A_945 = arith.constant 4 : i32
        %eq3A_946 = vector.broadcast %eq3A_945 : i32 to vector<16xi32>
        %eq3A_947 = arith.cmpi eq, %get3A_935, %eq3A_946 : vector<16xi32>
        %select_n3A_948 = arith.select %eq3A_938, %get3A_26, %get3A_6 : vector<16xi1>, vector<16xf32>
        %select_n3A_949 = arith.select %eq3A_941, %get3A_46, %select_n3A_948 : vector<16xi1>, vector<16xf32>
        %select_n3A_950 = arith.select %eq3A_944, %get3A_66, %select_n3A_949 : vector<16xi1>, vector<16xf32>
        %select_n3A_951 = arith.select %eq3A_947, %get3A_86, %select_n3A_950 : vector<16xi1>, vector<16xf32>
        %get3A_952 = arith.index_cast %add3A_924 : i32 to index
        %get3A_953 = arith.constant 0 : index
        %get3A_954 = tpu.vector_load %arg7[%get3A_952, %get3A_953] {strides = array<i32>} : memref<64x64xf32, #tpu.memory_space<vmem>>, vector<1x16xf32>,
        %get3A_955 = vector.shape_cast %get3A_954 : vector<1x16xf32> to vector<16xf32>
        %add3A_956 = arith.addf %select_n3A_951, %get3A_955 : vector<16xf32>
        %swap3A_957 = arith.index_cast %add3A_924 : i32 to index
        %swap3A_958 = arith.constant 0 : index
        %swap3A_959 = tpu.vector_load %arg13[%swap3A_957, %swap3A_958] {strides = array<i32>} : memref<64x64xf32, #tpu.memory_space<vmem>>, vector<1x16xf32>,
        %swap3A_960 = vector.shape_cast %swap3A_959 : vector<1x16xf32> to vector<16xf32>
        %swap3A_961 = vector.shape_cast %add3A_956 : vector<16xf32> to vector<1x16xf32>
        tpu.vector_store %arg13[%swap3A_957, %swap3A_958], %swap3A_961 {strides = array<i32>} : memref<64x64xf32, #tpu.memory_space<vmem>>, vector<1x16xf32>,
        %select_n3A_962 = arith.select %eq3A_938, %get3A_31, %get3A_11 : vector<16xi1>, vector<16xf32>
        %select_n3A_963 = arith.select %eq3A_941, %get3A_51, %select_n3A_962 : vector<16xi1>, vector<16xf32>
        %select_n3A_964 = arith.select %eq3A_944, %get3A_71, %select_n3A_963 : vector<16xi1>, vector<16xf32>
        %select_n3A_965 = arith.select %eq3A_947, %get3A_91, %select_n3A_964 : vector<16xi1>, vector<16xf32>
        %get3A_966 = arith.index_cast %add3A_924 : i32 to index
        %get3A_967 = arith.constant 16 : index
        %get3A_968 = tpu.vector_load %arg7[%get3A_966, %get3A_967] {strides = array<i32>} : memref<64x64xf32, #tpu.memory_space<vmem>>, vector<1x16xf32>,
        %get3A_969 = vector.shape_cast %get3A_968 : vector<1x16xf32> to vector<16xf32>
        %add3A_970 = arith.addf %select_n3A_965, %get3A_969 : vector<16xf32>
        %swap3A_971 = arith.index_cast %add3A_924 : i32 to index
        %swap3A_972 = arith.constant 16 : index
        %swap3A_973 = tpu.vector_load %arg13[%swap3A_971, %swap3A_972] {strides = array<i32>} : memref<64x64xf32, #tpu.memory_space<vmem>>, vector<1x16xf32>,
        %swap3A_974 = vector.shape_cast %swap3A_973 : vector<1x16xf32> to vector<16xf32>
        %swap3A_975 = vector.shape_cast %add3A_970 : vector<16xf32> to vector<1x16xf32>
        tpu.vector_store %arg13[%swap3A_971, %swap3A_972], %swap3A_975 {strides = array<i32>} : memref<64x64xf32, #tpu.memory_space<vmem>>, vector<1x16xf32>,
        %select_n3A_976 = arith.select %eq3A_938, %get3A_36, %get3A_16 : vector<16xi1>, vector<16xf32>
        %select_n3A_977 = arith.select %eq3A_941, %get3A_56, %select_n3A_976 : vector<16xi1>, vector<16xf32>
        %select_n3A_978 = arith.select %eq3A_944, %get3A_76, %select_n3A_977 : vector<16xi1>, vector<16xf32>
        %select_n3A_979 = arith.select %eq3A_947, %get3A_96, %select_n3A_978 : vector<16xi1>, vector<16xf32>
        %get3A_980 = arith.index_cast %add3A_924 : i32 to index
        %get3A_981 = arith.constant 32 : index
        %get3A_982 = tpu.vector_load %arg7[%get3A_980, %get3A_981] {strides = array<i32>} : memref<64x64xf32, #tpu.memory_space<vmem>>, vector<1x16xf32>,
        %get3A_983 = vector.shape_cast %get3A_982 : vector<1x16xf32> to vector<16xf32>
        %add3A_984 = arith.addf %select_n3A_979, %get3A_983 : vector<16xf32>
        %swap3A_985 = arith.index_cast %add3A_924 : i32 to index
        %swap3A_986 = arith.constant 32 : index
        %swap3A_987 = tpu.vector_load %arg13[%swap3A_985, %swap3A_986] {strides = array<i32>} : memref<64x64xf32, #tpu.memory_space<vmem>>, vector<1x16xf32>,
        %swap3A_988 = vector.shape_cast %swap3A_987 : vector<1x16xf32> to vector<16xf32>
        %swap3A_989 = vector.shape_cast %add3A_984 : vector<16xf32> to vector<1x16xf32>
        tpu.vector_store %arg13[%swap3A_985, %swap3A_986], %swap3A_989 {strides = array<i32>} : memref<64x64xf32, #tpu.memory_space<vmem>>, vector<1x16xf32>,
        %select_n3A_990 = arith.select %eq3A_938, %get3A_41, %get3A_21 : vector<16xi1>, vector<16xf32>
        %select_n3A_991 = arith.select %eq3A_941, %get3A_61, %select_n3A_990 : vector<16xi1>, vector<16xf32>
        %select_n3A_992 = arith.select %eq3A_944, %get3A_81, %select_n3A_991 : vector<16xi1>, vector<16xf32>
        %select_n3A_993 = arith.select %eq3A_947, %get3A_101, %select_n3A_992 : vector<16xi1>, vector<16xf32>
        %get3A_994 = arith.index_cast %add3A_924 : i32 to index
        %get3A_995 = arith.constant 48 : index
        %get3A_996 = tpu.vector_load %arg7[%get3A_994, %get3A_995] {strides = array<i32>} : memref<64x64xf32, #tpu.memory_space<vmem>>, vector<1x16xf32>,
        %get3A_997 = vector.shape_cast %get3A_996 : vector<1x16xf32> to vector<16xf32>
        %add3A_998 = arith.addf %select_n3A_993, %get3A_997 : vector<16xf32>
        %swap3A_999 = arith.index_cast %add3A_924 : i32 to index
        %swap3A_1000 = arith.constant 48 : index
        %swap3A_1001 = tpu.vector_load %arg13[%swap3A_999, %swap3A_1000] {strides = array<i32>} : memref<64x64xf32, #tpu.memory_space<vmem>>, vector<1x16xf32>,
        %swap3A_1002 = vector.shape_cast %swap3A_1001 : vector<1x16xf32> to vector<16xf32>
        %swap3A_1003 = vector.shape_cast %add3A_998 : vector<16xf32> to vector<1x16xf32>
        tpu.vector_store %arg13[%swap3A_999, %swap3A_1000], %swap3A_1003 {strides = array<i32>} : memref<64x64xf32, #tpu.memory_space<vmem>>, vector<1x16xf32>,
        %mul3A_1004 = arith.constant 16 : i32
        %mul3A_1005 = arith.muli %scan3A_255, %mul3A_1004 : i32
        %add3A_1006 = arith.constant 9 : i32
        %add3A_1007 = arith.addi %mul3A_1005, %add3A_1006 : i32
        %broadcast_in_dim3A_1008 = arith.constant 9 : i32
        %broadcast_in_dim3A_1009 = vector.broadcast %broadcast_in_dim3A_1008 : i32 to vector<16x1xi32>
        %gather3A_1010 = vector.shape_cast %broadcast_in_dim3A_1009 : vector<16x1xi32> to vector<16xi32>
        %gather3A_1011 = tpu.dynamic_gather %get3A_260[%gather3A_1010] in [0] : vector<16xi32>, vector<16xi32> -> vector<16xi32>
        %swap3A_1012 = arith.constant 0 : index
        %swap3A_1013 = tpu.vector_load %arg9[%swap3A_1012] {strides = array<i32>} : memref<16xi32, #tpu.memory_space<vmem>>, vector<16xi32>,
        %swap3A_1014 = vector.shape_cast %swap3A_1013 : vector<16xi32> to vector<16xi32>
        %swap3A_1015 = vector.shape_cast %gather3A_1011 : vector<16xi32> to vector<16xi32>
        tpu.vector_store %arg9[%swap3A_1012], %swap3A_1015 {strides = array<i32>} : memref<16xi32, #tpu.memory_space<vmem>>, vector<16xi32>,
        %get3A_1016 = arith.constant 0 : index
        %get3A_1017 = tpu.vector_load %arg9[%get3A_1016] {strides = array<i32>} : memref<16xi32, #tpu.memory_space<vmem>>, vector<16xi32>,
        %get3A_1018 = vector.shape_cast %get3A_1017 : vector<16xi32> to vector<16xi32>
        %eq3A_1019 = arith.constant 1 : i32
        %eq3A_1020 = vector.broadcast %eq3A_1019 : i32 to vector<16xi32>
        %eq3A_1021 = arith.cmpi eq, %get3A_1018, %eq3A_1020 : vector<16xi32>
        %eq3A_1022 = arith.constant 2 : i32
        %eq3A_1023 = vector.broadcast %eq3A_1022 : i32 to vector<16xi32>
        %eq3A_1024 = arith.cmpi eq, %get3A_1018, %eq3A_1023 : vector<16xi32>
        %eq3A_1025 = arith.constant 3 : i32
        %eq3A_1026 = vector.broadcast %eq3A_1025 : i32 to vector<16xi32>
        %eq3A_1027 = arith.cmpi eq, %get3A_1018, %eq3A_1026 : vector<16xi32>
        %eq3A_1028 = arith.constant 4 : i32
        %eq3A_1029 = vector.broadcast %eq3A_1028 : i32 to vector<16xi32>
        %eq3A_1030 = arith.cmpi eq, %get3A_1018, %eq3A_1029 : vector<16xi32>
        %select_n3A_1031 = arith.select %eq3A_1021, %get3A_26, %get3A_6 : vector<16xi1>, vector<16xf32>
        %select_n3A_1032 = arith.select %eq3A_1024, %get3A_46, %select_n3A_1031 : vector<16xi1>, vector<16xf32>
        %select_n3A_1033 = arith.select %eq3A_1027, %get3A_66, %select_n3A_1032 : vector<16xi1>, vector<16xf32>
        %select_n3A_1034 = arith.select %eq3A_1030, %get3A_86, %select_n3A_1033 : vector<16xi1>, vector<16xf32>
        %get3A_1035 = arith.index_cast %add3A_1007 : i32 to index
        %get3A_1036 = arith.constant 0 : index
        %get3A_1037 = tpu.vector_load %arg7[%get3A_1035, %get3A_1036] {strides = array<i32>} : memref<64x64xf32, #tpu.memory_space<vmem>>, vector<1x16xf32>,
        %get3A_1038 = vector.shape_cast %get3A_1037 : vector<1x16xf32> to vector<16xf32>
        %add3A_1039 = arith.addf %select_n3A_1034, %get3A_1038 : vector<16xf32>
        %swap3A_1040 = arith.index_cast %add3A_1007 : i32 to index
        %swap3A_1041 = arith.constant 0 : index
        %swap3A_1042 = tpu.vector_load %arg13[%swap3A_1040, %swap3A_1041] {strides = array<i32>} : memref<64x64xf32, #tpu.memory_space<vmem>>, vector<1x16xf32>,
        %swap3A_1043 = vector.shape_cast %swap3A_1042 : vector<1x16xf32> to vector<16xf32>
        %swap3A_1044 = vector.shape_cast %add3A_1039 : vector<16xf32> to vector<1x16xf32>
        tpu.vector_store %arg13[%swap3A_1040, %swap3A_1041], %swap3A_1044 {strides = array<i32>} : memref<64x64xf32, #tpu.memory_space<vmem>>, vector<1x16xf32>,
        %select_n3A_1045 = arith.select %eq3A_1021, %get3A_31, %get3A_11 : vector<16xi1>, vector<16xf32>
        %select_n3A_1046 = arith.select %eq3A_1024, %get3A_51, %select_n3A_1045 : vector<16xi1>, vector<16xf32>
        %select_n3A_1047 = arith.select %eq3A_1027, %get3A_71, %select_n3A_1046 : vector<16xi1>, vector<16xf32>
        %select_n3A_1048 = arith.select %eq3A_1030, %get3A_91, %select_n3A_1047 : vector<16xi1>, vector<16xf32>
        %get3A_1049 = arith.index_cast %add3A_1007 : i32 to index
        %get3A_1050 = arith.constant 16 : index
        %get3A_1051 = tpu.vector_load %arg7[%get3A_1049, %get3A_1050] {strides = array<i32>} : memref<64x64xf32, #tpu.memory_space<vmem>>, vector<1x16xf32>,
        %get3A_1052 = vector.shape_cast %get3A_1051 : vector<1x16xf32> to vector<16xf32>
        %add3A_1053 = arith.addf %select_n3A_1048, %get3A_1052 : vector<16xf32>
        %swap3A_1054 = arith.index_cast %add3A_1007 : i32 to index
        %swap3A_1055 = arith.constant 16 : index
        %swap3A_1056 = tpu.vector_load %arg13[%swap3A_1054, %swap3A_1055] {strides = array<i32>} : memref<64x64xf32, #tpu.memory_space<vmem>>, vector<1x16xf32>,
        %swap3A_1057 = vector.shape_cast %swap3A_1056 : vector<1x16xf32> to vector<16xf32>
        %swap3A_1058 = vector.shape_cast %add3A_1053 : vector<16xf32> to vector<1x16xf32>
        tpu.vector_store %arg13[%swap3A_1054, %swap3A_1055], %swap3A_1058 {strides = array<i32>} : memref<64x64xf32, #tpu.memory_space<vmem>>, vector<1x16xf32>,
        %select_n3A_1059 = arith.select %eq3A_1021, %get3A_36, %get3A_16 : vector<16xi1>, vector<16xf32>
        %select_n3A_1060 = arith.select %eq3A_1024, %get3A_56, %select_n3A_1059 : vector<16xi1>, vector<16xf32>
        %select_n3A_1061 = arith.select %eq3A_1027, %get3A_76, %select_n3A_1060 : vector<16xi1>, vector<16xf32>
        %select_n3A_1062 = arith.select %eq3A_1030, %get3A_96, %select_n3A_1061 : vector<16xi1>, vector<16xf32>
        %get3A_1063 = arith.index_cast %add3A_1007 : i32 to index
        %get3A_1064 = arith.constant 32 : index
        %get3A_1065 = tpu.vector_load %arg7[%get3A_1063, %get3A_1064] {strides = array<i32>} : memref<64x64xf32, #tpu.memory_space<vmem>>, vector<1x16xf32>,
        %get3A_1066 = vector.shape_cast %get3A_1065 : vector<1x16xf32> to vector<16xf32>
        %add3A_1067 = arith.addf %select_n3A_1062, %get3A_1066 : vector<16xf32>
        %swap3A_1068 = arith.index_cast %add3A_1007 : i32 to index
        %swap3A_1069 = arith.constant 32 : index
        %swap3A_1070 = tpu.vector_load %arg13[%swap3A_1068, %swap3A_1069] {strides = array<i32>} : memref<64x64xf32, #tpu.memory_space<vmem>>, vector<1x16xf32>,
        %swap3A_1071 = vector.shape_cast %swap3A_1070 : vector<1x16xf32> to vector<16xf32>
        %swap3A_1072 = vector.shape_cast %add3A_1067 : vector<16xf32> to vector<1x16xf32>
        tpu.vector_store %arg13[%swap3A_1068, %swap3A_1069], %swap3A_1072 {strides = array<i32>} : memref<64x64xf32, #tpu.memory_space<vmem>>, vector<1x16xf32>,
        %select_n3A_1073 = arith.select %eq3A_1021, %get3A_41, %get3A_21 : vector<16xi1>, vector<16xf32>
        %select_n3A_1074 = arith.select %eq3A_1024, %get3A_61, %select_n3A_1073 : vector<16xi1>, vector<16xf32>
        %select_n3A_1075 = arith.select %eq3A_1027, %get3A_81, %select_n3A_1074 : vector<16xi1>, vector<16xf32>
        %select_n3A_1076 = arith.select %eq3A_1030, %get3A_101, %select_n3A_1075 : vector<16xi1>, vector<16xf32>
        %get3A_1077 = arith.index_cast %add3A_1007 : i32 to index
        %get3A_1078 = arith.constant 48 : index
        %get3A_1079 = tpu.vector_load %arg7[%get3A_1077, %get3A_1078] {strides = array<i32>} : memref<64x64xf32, #tpu.memory_space<vmem>>, vector<1x16xf32>,
        %get3A_1080 = vector.shape_cast %get3A_1079 : vector<1x16xf32> to vector<16xf32>
        %add3A_1081 = arith.addf %select_n3A_1076, %get3A_1080 : vector<16xf32>
        %swap3A_1082 = arith.index_cast %add3A_1007 : i32 to index
        %swap3A_1083 = arith.constant 48 : index
        %swap3A_1084 = tpu.vector_load %arg13[%swap3A_1082, %swap3A_1083] {strides = array<i32>} : memref<64x64xf32, #tpu.memory_space<vmem>>, vector<1x16xf32>,
        %swap3A_1085 = vector.shape_cast %swap3A_1084 : vector<1x16xf32> to vector<16xf32>
        %swap3A_1086 = vector.shape_cast %add3A_1081 : vector<16xf32> to vector<1x16xf32>
        tpu.vector_store %arg13[%swap3A_1082, %swap3A_1083], %swap3A_1086 {strides = array<i32>} : memref<64x64xf32, #tpu.memory_space<vmem>>, vector<1x16xf32>,
        %mul3A_1087 = arith.constant 16 : i32
        %mul3A_1088 = arith.muli %scan3A_255, %mul3A_1087 : i32
        %add3A_1089 = arith.constant 10 : i32
        %add3A_1090 = arith.addi %mul3A_1088, %add3A_1089 : i32
        %broadcast_in_dim3A_1091 = arith.constant 10 : i32
        %broadcast_in_dim3A_1092 = vector.broadcast %broadcast_in_dim3A_1091 : i32 to vector<16x1xi32>
        %gather3A_1093 = vector.shape_cast %broadcast_in_dim3A_1092 : vector<16x1xi32> to vector<16xi32>
        %gather3A_1094 = tpu.dynamic_gather %get3A_260[%gather3A_1093] in [0] : vector<16xi32>, vector<16xi32> -> vector<16xi32>
        %swap3A_1095 = arith.constant 0 : index
        %swap3A_1096 = tpu.vector_load %arg9[%swap3A_1095] {strides = array<i32>} : memref<16xi32, #tpu.memory_space<vmem>>, vector<16xi32>,
        %swap3A_1097 = vector.shape_cast %swap3A_1096 : vector<16xi32> to vector<16xi32>
        %swap3A_1098 = vector.shape_cast %gather3A_1094 : vector<16xi32> to vector<16xi32>
        tpu.vector_store %arg9[%swap3A_1095], %swap3A_1098 {strides = array<i32>} : memref<16xi32, #tpu.memory_space<vmem>>, vector<16xi32>,
        %get3A_1099 = arith.constant 0 : index
        %get3A_1100 = tpu.vector_load %arg9[%get3A_1099] {strides = array<i32>} : memref<16xi32, #tpu.memory_space<vmem>>, vector<16xi32>,
        %get3A_1101 = vector.shape_cast %get3A_1100 : vector<16xi32> to vector<16xi32>
        %eq3A_1102 = arith.constant 1 : i32
        %eq3A_1103 = vector.broadcast %eq3A_1102 : i32 to vector<16xi32>
        %eq3A_1104 = arith.cmpi eq, %get3A_1101, %eq3A_1103 : vector<16xi32>
        %eq3A_1105 = arith.constant 2 : i32
        %eq3A_1106 = vector.broadcast %eq3A_1105 : i32 to vector<16xi32>
        %eq3A_1107 = arith.cmpi eq, %get3A_1101, %eq3A_1106 : vector<16xi32>
        %eq3A_1108 = arith.constant 3 : i32
        %eq3A_1109 = vector.broadcast %eq3A_1108 : i32 to vector<16xi32>
        %eq3A_1110 = arith.cmpi eq, %get3A_1101, %eq3A_1109 : vector<16xi32>
        %eq3A_1111 = arith.constant 4 : i32
        %eq3A_1112 = vector.broadcast %eq3A_1111 : i32 to vector<16xi32>
        %eq3A_1113 = arith.cmpi eq, %get3A_1101, %eq3A_1112 : vector<16xi32>
        %select_n3A_1114 = arith.select %eq3A_1104, %get3A_26, %get3A_6 : vector<16xi1>, vector<16xf32>
        %select_n3A_1115 = arith.select %eq3A_1107, %get3A_46, %select_n3A_1114 : vector<16xi1>, vector<16xf32>
        %select_n3A_1116 = arith.select %eq3A_1110, %get3A_66, %select_n3A_1115 : vector<16xi1>, vector<16xf32>
        %select_n3A_1117 = arith.select %eq3A_1113, %get3A_86, %select_n3A_1116 : vector<16xi1>, vector<16xf32>
        %get3A_1118 = arith.index_cast %add3A_1090 : i32 to index
        %get3A_1119 = arith.constant 0 : index
        %get3A_1120 = tpu.vector_load %arg7[%get3A_1118, %get3A_1119] {strides = array<i32>} : memref<64x64xf32, #tpu.memory_space<vmem>>, vector<1x16xf32>,
        %get3A_1121 = vector.shape_cast %get3A_1120 : vector<1x16xf32> to vector<16xf32>
        %add3A_1122 = arith.addf %select_n3A_1117, %get3A_1121 : vector<16xf32>
        %swap3A_1123 = arith.index_cast %add3A_1090 : i32 to index
        %swap3A_1124 = arith.constant 0 : index
        %swap3A_1125 = tpu.vector_load %arg13[%swap3A_1123, %swap3A_1124] {strides = array<i32>} : memref<64x64xf32, #tpu.memory_space<vmem>>, vector<1x16xf32>,
        %swap3A_1126 = vector.shape_cast %swap3A_1125 : vector<1x16xf32> to vector<16xf32>
        %swap3A_1127 = vector.shape_cast %add3A_1122 : vector<16xf32> to vector<1x16xf32>
        tpu.vector_store %arg13[%swap3A_1123, %swap3A_1124], %swap3A_1127 {strides = array<i32>} : memref<64x64xf32, #tpu.memory_space<vmem>>, vector<1x16xf32>,
        %select_n3A_1128 = arith.select %eq3A_1104, %get3A_31, %get3A_11 : vector<16xi1>, vector<16xf32>
        %select_n3A_1129 = arith.select %eq3A_1107, %get3A_51, %select_n3A_1128 : vector<16xi1>, vector<16xf32>
        %select_n3A_1130 = arith.select %eq3A_1110, %get3A_71, %select_n3A_1129 : vector<16xi1>, vector<16xf32>
        %select_n3A_1131 = arith.select %eq3A_1113, %get3A_91, %select_n3A_1130 : vector<16xi1>, vector<16xf32>
        %get3A_1132 = arith.index_cast %add3A_1090 : i32 to index
        %get3A_1133 = arith.constant 16 : index
        %get3A_1134 = tpu.vector_load %arg7[%get3A_1132, %get3A_1133] {strides = array<i32>} : memref<64x64xf32, #tpu.memory_space<vmem>>, vector<1x16xf32>,
        %get3A_1135 = vector.shape_cast %get3A_1134 : vector<1x16xf32> to vector<16xf32>
        %add3A_1136 = arith.addf %select_n3A_1131, %get3A_1135 : vector<16xf32>
        %swap3A_1137 = arith.index_cast %add3A_1090 : i32 to index
        %swap3A_1138 = arith.constant 16 : index
        %swap3A_1139 = tpu.vector_load %arg13[%swap3A_1137, %swap3A_1138] {strides = array<i32>} : memref<64x64xf32, #tpu.memory_space<vmem>>, vector<1x16xf32>,
        %swap3A_1140 = vector.shape_cast %swap3A_1139 : vector<1x16xf32> to vector<16xf32>
        %swap3A_1141 = vector.shape_cast %add3A_1136 : vector<16xf32> to vector<1x16xf32>
        tpu.vector_store %arg13[%swap3A_1137, %swap3A_1138], %swap3A_1141 {strides = array<i32>} : memref<64x64xf32, #tpu.memory_space<vmem>>, vector<1x16xf32>,
        %select_n3A_1142 = arith.select %eq3A_1104, %get3A_36, %get3A_16 : vector<16xi1>, vector<16xf32>
        %select_n3A_1143 = arith.select %eq3A_1107, %get3A_56, %select_n3A_1142 : vector<16xi1>, vector<16xf32>
        %select_n3A_1144 = arith.select %eq3A_1110, %get3A_76, %select_n3A_1143 : vector<16xi1>, vector<16xf32>
        %select_n3A_1145 = arith.select %eq3A_1113, %get3A_96, %select_n3A_1144 : vector<16xi1>, vector<16xf32>
        %get3A_1146 = arith.index_cast %add3A_1090 : i32 to index
        %get3A_1147 = arith.constant 32 : index
        %get3A_1148 = tpu.vector_load %arg7[%get3A_1146, %get3A_1147] {strides = array<i32>} : memref<64x64xf32, #tpu.memory_space<vmem>>, vector<1x16xf32>,
        %get3A_1149 = vector.shape_cast %get3A_1148 : vector<1x16xf32> to vector<16xf32>
        %add3A_1150 = arith.addf %select_n3A_1145, %get3A_1149 : vector<16xf32>
        %swap3A_1151 = arith.index_cast %add3A_1090 : i32 to index
        %swap3A_1152 = arith.constant 32 : index
        %swap3A_1153 = tpu.vector_load %arg13[%swap3A_1151, %swap3A_1152] {strides = array<i32>} : memref<64x64xf32, #tpu.memory_space<vmem>>, vector<1x16xf32>,
        %swap3A_1154 = vector.shape_cast %swap3A_1153 : vector<1x16xf32> to vector<16xf32>
        %swap3A_1155 = vector.shape_cast %add3A_1150 : vector<16xf32> to vector<1x16xf32>
        tpu.vector_store %arg13[%swap3A_1151, %swap3A_1152], %swap3A_1155 {strides = array<i32>} : memref<64x64xf32, #tpu.memory_space<vmem>>, vector<1x16xf32>,
        %select_n3A_1156 = arith.select %eq3A_1104, %get3A_41, %get3A_21 : vector<16xi1>, vector<16xf32>
        %select_n3A_1157 = arith.select %eq3A_1107, %get3A_61, %select_n3A_1156 : vector<16xi1>, vector<16xf32>
        %select_n3A_1158 = arith.select %eq3A_1110, %get3A_81, %select_n3A_1157 : vector<16xi1>, vector<16xf32>
        %select_n3A_1159 = arith.select %eq3A_1113, %get3A_101, %select_n3A_1158 : vector<16xi1>, vector<16xf32>
        %get3A_1160 = arith.index_cast %add3A_1090 : i32 to index
        %get3A_1161 = arith.constant 48 : index
        %get3A_1162 = tpu.vector_load %arg7[%get3A_1160, %get3A_1161] {strides = array<i32>} : memref<64x64xf32, #tpu.memory_space<vmem>>, vector<1x16xf32>,
        %get3A_1163 = vector.shape_cast %get3A_1162 : vector<1x16xf32> to vector<16xf32>
        %add3A_1164 = arith.addf %select_n3A_1159, %get3A_1163 : vector<16xf32>
        %swap3A_1165 = arith.index_cast %add3A_1090 : i32 to index
        %swap3A_1166 = arith.constant 48 : index
        %swap3A_1167 = tpu.vector_load %arg13[%swap3A_1165, %swap3A_1166] {strides = array<i32>} : memref<64x64xf32, #tpu.memory_space<vmem>>, vector<1x16xf32>,
        %swap3A_1168 = vector.shape_cast %swap3A_1167 : vector<1x16xf32> to vector<16xf32>
        %swap3A_1169 = vector.shape_cast %add3A_1164 : vector<16xf32> to vector<1x16xf32>
        tpu.vector_store %arg13[%swap3A_1165, %swap3A_1166], %swap3A_1169 {strides = array<i32>} : memref<64x64xf32, #tpu.memory_space<vmem>>, vector<1x16xf32>,
        %mul3A_1170 = arith.constant 16 : i32
        %mul3A_1171 = arith.muli %scan3A_255, %mul3A_1170 : i32
        %add3A_1172 = arith.constant 11 : i32
        %add3A_1173 = arith.addi %mul3A_1171, %add3A_1172 : i32
        %broadcast_in_dim3A_1174 = arith.constant 11 : i32
        %broadcast_in_dim3A_1175 = vector.broadcast %broadcast_in_dim3A_1174 : i32 to vector<16x1xi32>
        %gather3A_1176 = vector.shape_cast %broadcast_in_dim3A_1175 : vector<16x1xi32> to vector<16xi32>
        %gather3A_1177 = tpu.dynamic_gather %get3A_260[%gather3A_1176] in [0] : vector<16xi32>, vector<16xi32> -> vector<16xi32>
        %swap3A_1178 = arith.constant 0 : index
        %swap3A_1179 = tpu.vector_load %arg9[%swap3A_1178] {strides = array<i32>} : memref<16xi32, #tpu.memory_space<vmem>>, vector<16xi32>,
        %swap3A_1180 = vector.shape_cast %swap3A_1179 : vector<16xi32> to vector<16xi32>
        %swap3A_1181 = vector.shape_cast %gather3A_1177 : vector<16xi32> to vector<16xi32>
        tpu.vector_store %arg9[%swap3A_1178], %swap3A_1181 {strides = array<i32>} : memref<16xi32, #tpu.memory_space<vmem>>, vector<16xi32>,
        %get3A_1182 = arith.constant 0 : index
        %get3A_1183 = tpu.vector_load %arg9[%get3A_1182] {strides = array<i32>} : memref<16xi32, #tpu.memory_space<vmem>>, vector<16xi32>,
        %get3A_1184 = vector.shape_cast %get3A_1183 : vector<16xi32> to vector<16xi32>
        %eq3A_1185 = arith.constant 1 : i32
        %eq3A_1186 = vector.broadcast %eq3A_1185 : i32 to vector<16xi32>
        %eq3A_1187 = arith.cmpi eq, %get3A_1184, %eq3A_1186 : vector<16xi32>
        %eq3A_1188 = arith.constant 2 : i32
        %eq3A_1189 = vector.broadcast %eq3A_1188 : i32 to vector<16xi32>
        %eq3A_1190 = arith.cmpi eq, %get3A_1184, %eq3A_1189 : vector<16xi32>
        %eq3A_1191 = arith.constant 3 : i32
        %eq3A_1192 = vector.broadcast %eq3A_1191 : i32 to vector<16xi32>
        %eq3A_1193 = arith.cmpi eq, %get3A_1184, %eq3A_1192 : vector<16xi32>
        %eq3A_1194 = arith.constant 4 : i32
        %eq3A_1195 = vector.broadcast %eq3A_1194 : i32 to vector<16xi32>
        %eq3A_1196 = arith.cmpi eq, %get3A_1184, %eq3A_1195 : vector<16xi32>
        %select_n3A_1197 = arith.select %eq3A_1187, %get3A_26, %get3A_6 : vector<16xi1>, vector<16xf32>
        %select_n3A_1198 = arith.select %eq3A_1190, %get3A_46, %select_n3A_1197 : vector<16xi1>, vector<16xf32>
        %select_n3A_1199 = arith.select %eq3A_1193, %get3A_66, %select_n3A_1198 : vector<16xi1>, vector<16xf32>
        %select_n3A_1200 = arith.select %eq3A_1196, %get3A_86, %select_n3A_1199 : vector<16xi1>, vector<16xf32>
        %get3A_1201 = arith.index_cast %add3A_1173 : i32 to index
        %get3A_1202 = arith.constant 0 : index
        %get3A_1203 = tpu.vector_load %arg7[%get3A_1201, %get3A_1202] {strides = array<i32>} : memref<64x64xf32, #tpu.memory_space<vmem>>, vector<1x16xf32>,
        %get3A_1204 = vector.shape_cast %get3A_1203 : vector<1x16xf32> to vector<16xf32>
        %add3A_1205 = arith.addf %select_n3A_1200, %get3A_1204 : vector<16xf32>
        %swap3A_1206 = arith.index_cast %add3A_1173 : i32 to index
        %swap3A_1207 = arith.constant 0 : index
        %swap3A_1208 = tpu.vector_load %arg13[%swap3A_1206, %swap3A_1207] {strides = array<i32>} : memref<64x64xf32, #tpu.memory_space<vmem>>, vector<1x16xf32>,
        %swap3A_1209 = vector.shape_cast %swap3A_1208 : vector<1x16xf32> to vector<16xf32>
        %swap3A_1210 = vector.shape_cast %add3A_1205 : vector<16xf32> to vector<1x16xf32>
        tpu.vector_store %arg13[%swap3A_1206, %swap3A_1207], %swap3A_1210 {strides = array<i32>} : memref<64x64xf32, #tpu.memory_space<vmem>>, vector<1x16xf32>,
        %select_n3A_1211 = arith.select %eq3A_1187, %get3A_31, %get3A_11 : vector<16xi1>, vector<16xf32>
        %select_n3A_1212 = arith.select %eq3A_1190, %get3A_51, %select_n3A_1211 : vector<16xi1>, vector<16xf32>
        %select_n3A_1213 = arith.select %eq3A_1193, %get3A_71, %select_n3A_1212 : vector<16xi1>, vector<16xf32>
        %select_n3A_1214 = arith.select %eq3A_1196, %get3A_91, %select_n3A_1213 : vector<16xi1>, vector<16xf32>
        %get3A_1215 = arith.index_cast %add3A_1173 : i32 to index
        %get3A_1216 = arith.constant 16 : index
        %get3A_1217 = tpu.vector_load %arg7[%get3A_1215, %get3A_1216] {strides = array<i32>} : memref<64x64xf32, #tpu.memory_space<vmem>>, vector<1x16xf32>,
        %get3A_1218 = vector.shape_cast %get3A_1217 : vector<1x16xf32> to vector<16xf32>
        %add3A_1219 = arith.addf %select_n3A_1214, %get3A_1218 : vector<16xf32>
        %swap3A_1220 = arith.index_cast %add3A_1173 : i32 to index
        %swap3A_1221 = arith.constant 16 : index
        %swap3A_1222 = tpu.vector_load %arg13[%swap3A_1220, %swap3A_1221] {strides = array<i32>} : memref<64x64xf32, #tpu.memory_space<vmem>>, vector<1x16xf32>,
        %swap3A_1223 = vector.shape_cast %swap3A_1222 : vector<1x16xf32> to vector<16xf32>
        %swap3A_1224 = vector.shape_cast %add3A_1219 : vector<16xf32> to vector<1x16xf32>
        tpu.vector_store %arg13[%swap3A_1220, %swap3A_1221], %swap3A_1224 {strides = array<i32>} : memref<64x64xf32, #tpu.memory_space<vmem>>, vector<1x16xf32>,
        %select_n3A_1225 = arith.select %eq3A_1187, %get3A_36, %get3A_16 : vector<16xi1>, vector<16xf32>
        %select_n3A_1226 = arith.select %eq3A_1190, %get3A_56, %select_n3A_1225 : vector<16xi1>, vector<16xf32>
        %select_n3A_1227 = arith.select %eq3A_1193, %get3A_76, %select_n3A_1226 : vector<16xi1>, vector<16xf32>
        %select_n3A_1228 = arith.select %eq3A_1196, %get3A_96, %select_n3A_1227 : vector<16xi1>, vector<16xf32>
        %get3A_1229 = arith.index_cast %add3A_1173 : i32 to index
        %get3A_1230 = arith.constant 32 : index
        %get3A_1231 = tpu.vector_load %arg7[%get3A_1229, %get3A_1230] {strides = array<i32>} : memref<64x64xf32, #tpu.memory_space<vmem>>, vector<1x16xf32>,
        %get3A_1232 = vector.shape_cast %get3A_1231 : vector<1x16xf32> to vector<16xf32>
        %add3A_1233 = arith.addf %select_n3A_1228, %get3A_1232 : vector<16xf32>
        %swap3A_1234 = arith.index_cast %add3A_1173 : i32 to index
        %swap3A_1235 = arith.constant 32 : index
        %swap3A_1236 = tpu.vector_load %arg13[%swap3A_1234, %swap3A_1235] {strides = array<i32>} : memref<64x64xf32, #tpu.memory_space<vmem>>, vector<1x16xf32>,
        %swap3A_1237 = vector.shape_cast %swap3A_1236 : vector<1x16xf32> to vector<16xf32>
        %swap3A_1238 = vector.shape_cast %add3A_1233 : vector<16xf32> to vector<1x16xf32>
        tpu.vector_store %arg13[%swap3A_1234, %swap3A_1235], %swap3A_1238 {strides = array<i32>} : memref<64x64xf32, #tpu.memory_space<vmem>>, vector<1x16xf32>,
        %select_n3A_1239 = arith.select %eq3A_1187, %get3A_41, %get3A_21 : vector<16xi1>, vector<16xf32>
        %select_n3A_1240 = arith.select %eq3A_1190, %get3A_61, %select_n3A_1239 : vector<16xi1>, vector<16xf32>
        %select_n3A_1241 = arith.select %eq3A_1193, %get3A_81, %select_n3A_1240 : vector<16xi1>, vector<16xf32>
        %select_n3A_1242 = arith.select %eq3A_1196, %get3A_101, %select_n3A_1241 : vector<16xi1>, vector<16xf32>
        %get3A_1243 = arith.index_cast %add3A_1173 : i32 to index
        %get3A_1244 = arith.constant 48 : index
        %get3A_1245 = tpu.vector_load %arg7[%get3A_1243, %get3A_1244] {strides = array<i32>} : memref<64x64xf32, #tpu.memory_space<vmem>>, vector<1x16xf32>,
        %get3A_1246 = vector.shape_cast %get3A_1245 : vector<1x16xf32> to vector<16xf32>
        %add3A_1247 = arith.addf %select_n3A_1242, %get3A_1246 : vector<16xf32>
        %swap3A_1248 = arith.index_cast %add3A_1173 : i32 to index
        %swap3A_1249 = arith.constant 48 : index
        %swap3A_1250 = tpu.vector_load %arg13[%swap3A_1248, %swap3A_1249] {strides = array<i32>} : memref<64x64xf32, #tpu.memory_space<vmem>>, vector<1x16xf32>,
        %swap3A_1251 = vector.shape_cast %swap3A_1250 : vector<1x16xf32> to vector<16xf32>
        %swap3A_1252 = vector.shape_cast %add3A_1247 : vector<16xf32> to vector<1x16xf32>
        tpu.vector_store %arg13[%swap3A_1248, %swap3A_1249], %swap3A_1252 {strides = array<i32>} : memref<64x64xf32, #tpu.memory_space<vmem>>, vector<1x16xf32>,
        %mul3A_1253 = arith.constant 16 : i32
        %mul3A_1254 = arith.muli %scan3A_255, %mul3A_1253 : i32
        %add3A_1255 = arith.constant 12 : i32
        %add3A_1256 = arith.addi %mul3A_1254, %add3A_1255 : i32
        %broadcast_in_dim3A_1257 = arith.constant 12 : i32
        %broadcast_in_dim3A_1258 = vector.broadcast %broadcast_in_dim3A_1257 : i32 to vector<16x1xi32>
        %gather3A_1259 = vector.shape_cast %broadcast_in_dim3A_1258 : vector<16x1xi32> to vector<16xi32>
        %gather3A_1260 = tpu.dynamic_gather %get3A_260[%gather3A_1259] in [0] : vector<16xi32>, vector<16xi32> -> vector<16xi32>
        %swap3A_1261 = arith.constant 0 : index
        %swap3A_1262 = tpu.vector_load %arg9[%swap3A_1261] {strides = array<i32>} : memref<16xi32, #tpu.memory_space<vmem>>, vector<16xi32>,
        %swap3A_1263 = vector.shape_cast %swap3A_1262 : vector<16xi32> to vector<16xi32>
        %swap3A_1264 = vector.shape_cast %gather3A_1260 : vector<16xi32> to vector<16xi32>
        tpu.vector_store %arg9[%swap3A_1261], %swap3A_1264 {strides = array<i32>} : memref<16xi32, #tpu.memory_space<vmem>>, vector<16xi32>,
        %get3A_1265 = arith.constant 0 : index
        %get3A_1266 = tpu.vector_load %arg9[%get3A_1265] {strides = array<i32>} : memref<16xi32, #tpu.memory_space<vmem>>, vector<16xi32>,
        %get3A_1267 = vector.shape_cast %get3A_1266 : vector<16xi32> to vector<16xi32>
        %eq3A_1268 = arith.constant 1 : i32
        %eq3A_1269 = vector.broadcast %eq3A_1268 : i32 to vector<16xi32>
        %eq3A_1270 = arith.cmpi eq, %get3A_1267, %eq3A_1269 : vector<16xi32>
        %eq3A_1271 = arith.constant 2 : i32
        %eq3A_1272 = vector.broadcast %eq3A_1271 : i32 to vector<16xi32>
        %eq3A_1273 = arith.cmpi eq, %get3A_1267, %eq3A_1272 : vector<16xi32>
        %eq3A_1274 = arith.constant 3 : i32
        %eq3A_1275 = vector.broadcast %eq3A_1274 : i32 to vector<16xi32>
        %eq3A_1276 = arith.cmpi eq, %get3A_1267, %eq3A_1275 : vector<16xi32>
        %eq3A_1277 = arith.constant 4 : i32
        %eq3A_1278 = vector.broadcast %eq3A_1277 : i32 to vector<16xi32>
        %eq3A_1279 = arith.cmpi eq, %get3A_1267, %eq3A_1278 : vector<16xi32>
        %select_n3A_1280 = arith.select %eq3A_1270, %get3A_26, %get3A_6 : vector<16xi1>, vector<16xf32>
        %select_n3A_1281 = arith.select %eq3A_1273, %get3A_46, %select_n3A_1280 : vector<16xi1>, vector<16xf32>
        %select_n3A_1282 = arith.select %eq3A_1276, %get3A_66, %select_n3A_1281 : vector<16xi1>, vector<16xf32>
        %select_n3A_1283 = arith.select %eq3A_1279, %get3A_86, %select_n3A_1282 : vector<16xi1>, vector<16xf32>
        %get3A_1284 = arith.index_cast %add3A_1256 : i32 to index
        %get3A_1285 = arith.constant 0 : index
        %get3A_1286 = tpu.vector_load %arg7[%get3A_1284, %get3A_1285] {strides = array<i32>} : memref<64x64xf32, #tpu.memory_space<vmem>>, vector<1x16xf32>,
        %get3A_1287 = vector.shape_cast %get3A_1286 : vector<1x16xf32> to vector<16xf32>
        %add3A_1288 = arith.addf %select_n3A_1283, %get3A_1287 : vector<16xf32>
        %swap3A_1289 = arith.index_cast %add3A_1256 : i32 to index
        %swap3A_1290 = arith.constant 0 : index
        %swap3A_1291 = tpu.vector_load %arg13[%swap3A_1289, %swap3A_1290] {strides = array<i32>} : memref<64x64xf32, #tpu.memory_space<vmem>>, vector<1x16xf32>,
        %swap3A_1292 = vector.shape_cast %swap3A_1291 : vector<1x16xf32> to vector<16xf32>
        %swap3A_1293 = vector.shape_cast %add3A_1288 : vector<16xf32> to vector<1x16xf32>
        tpu.vector_store %arg13[%swap3A_1289, %swap3A_1290], %swap3A_1293 {strides = array<i32>} : memref<64x64xf32, #tpu.memory_space<vmem>>, vector<1x16xf32>,
        %select_n3A_1294 = arith.select %eq3A_1270, %get3A_31, %get3A_11 : vector<16xi1>, vector<16xf32>
        %select_n3A_1295 = arith.select %eq3A_1273, %get3A_51, %select_n3A_1294 : vector<16xi1>, vector<16xf32>
        %select_n3A_1296 = arith.select %eq3A_1276, %get3A_71, %select_n3A_1295 : vector<16xi1>, vector<16xf32>
        %select_n3A_1297 = arith.select %eq3A_1279, %get3A_91, %select_n3A_1296 : vector<16xi1>, vector<16xf32>
        %get3A_1298 = arith.index_cast %add3A_1256 : i32 to index
        %get3A_1299 = arith.constant 16 : index
        %get3A_1300 = tpu.vector_load %arg7[%get3A_1298, %get3A_1299] {strides = array<i32>} : memref<64x64xf32, #tpu.memory_space<vmem>>, vector<1x16xf32>,
        %get3A_1301 = vector.shape_cast %get3A_1300 : vector<1x16xf32> to vector<16xf32>
        %add3A_1302 = arith.addf %select_n3A_1297, %get3A_1301 : vector<16xf32>
        %swap3A_1303 = arith.index_cast %add3A_1256 : i32 to index
        %swap3A_1304 = arith.constant 16 : index
        %swap3A_1305 = tpu.vector_load %arg13[%swap3A_1303, %swap3A_1304] {strides = array<i32>} : memref<64x64xf32, #tpu.memory_space<vmem>>, vector<1x16xf32>,
        %swap3A_1306 = vector.shape_cast %swap3A_1305 : vector<1x16xf32> to vector<16xf32>
        %swap3A_1307 = vector.shape_cast %add3A_1302 : vector<16xf32> to vector<1x16xf32>
        tpu.vector_store %arg13[%swap3A_1303, %swap3A_1304], %swap3A_1307 {strides = array<i32>} : memref<64x64xf32, #tpu.memory_space<vmem>>, vector<1x16xf32>,
        %select_n3A_1308 = arith.select %eq3A_1270, %get3A_36, %get3A_16 : vector<16xi1>, vector<16xf32>
        %select_n3A_1309 = arith.select %eq3A_1273, %get3A_56, %select_n3A_1308 : vector<16xi1>, vector<16xf32>
        %select_n3A_1310 = arith.select %eq3A_1276, %get3A_76, %select_n3A_1309 : vector<16xi1>, vector<16xf32>
        %select_n3A_1311 = arith.select %eq3A_1279, %get3A_96, %select_n3A_1310 : vector<16xi1>, vector<16xf32>
        %get3A_1312 = arith.index_cast %add3A_1256 : i32 to index
        %get3A_1313 = arith.constant 32 : index
        %get3A_1314 = tpu.vector_load %arg7[%get3A_1312, %get3A_1313] {strides = array<i32>} : memref<64x64xf32, #tpu.memory_space<vmem>>, vector<1x16xf32>,
        %get3A_1315 = vector.shape_cast %get3A_1314 : vector<1x16xf32> to vector<16xf32>
        %add3A_1316 = arith.addf %select_n3A_1311, %get3A_1315 : vector<16xf32>
        %swap3A_1317 = arith.index_cast %add3A_1256 : i32 to index
        %swap3A_1318 = arith.constant 32 : index
        %swap3A_1319 = tpu.vector_load %arg13[%swap3A_1317, %swap3A_1318] {strides = array<i32>} : memref<64x64xf32, #tpu.memory_space<vmem>>, vector<1x16xf32>,
        %swap3A_1320 = vector.shape_cast %swap3A_1319 : vector<1x16xf32> to vector<16xf32>
        %swap3A_1321 = vector.shape_cast %add3A_1316 : vector<16xf32> to vector<1x16xf32>
        tpu.vector_store %arg13[%swap3A_1317, %swap3A_1318], %swap3A_1321 {strides = array<i32>} : memref<64x64xf32, #tpu.memory_space<vmem>>, vector<1x16xf32>,
        %select_n3A_1322 = arith.select %eq3A_1270, %get3A_41, %get3A_21 : vector<16xi1>, vector<16xf32>
        %select_n3A_1323 = arith.select %eq3A_1273, %get3A_61, %select_n3A_1322 : vector<16xi1>, vector<16xf32>
        %select_n3A_1324 = arith.select %eq3A_1276, %get3A_81, %select_n3A_1323 : vector<16xi1>, vector<16xf32>
        %select_n3A_1325 = arith.select %eq3A_1279, %get3A_101, %select_n3A_1324 : vector<16xi1>, vector<16xf32>
        %get3A_1326 = arith.index_cast %add3A_1256 : i32 to index
        %get3A_1327 = arith.constant 48 : index
        %get3A_1328 = tpu.vector_load %arg7[%get3A_1326, %get3A_1327] {strides = array<i32>} : memref<64x64xf32, #tpu.memory_space<vmem>>, vector<1x16xf32>,
        %get3A_1329 = vector.shape_cast %get3A_1328 : vector<1x16xf32> to vector<16xf32>
        %add3A_1330 = arith.addf %select_n3A_1325, %get3A_1329 : vector<16xf32>
        %swap3A_1331 = arith.index_cast %add3A_1256 : i32 to index
        %swap3A_1332 = arith.constant 48 : index
        %swap3A_1333 = tpu.vector_load %arg13[%swap3A_1331, %swap3A_1332] {strides = array<i32>} : memref<64x64xf32, #tpu.memory_space<vmem>>, vector<1x16xf32>,
        %swap3A_1334 = vector.shape_cast %swap3A_1333 : vector<1x16xf32> to vector<16xf32>
        %swap3A_1335 = vector.shape_cast %add3A_1330 : vector<16xf32> to vector<1x16xf32>
        tpu.vector_store %arg13[%swap3A_1331, %swap3A_1332], %swap3A_1335 {strides = array<i32>} : memref<64x64xf32, #tpu.memory_space<vmem>>, vector<1x16xf32>,
        %mul3A_1336 = arith.constant 16 : i32
        %mul3A_1337 = arith.muli %scan3A_255, %mul3A_1336 : i32
        %add3A_1338 = arith.constant 13 : i32
        %add3A_1339 = arith.addi %mul3A_1337, %add3A_1338 : i32
        %broadcast_in_dim3A_1340 = arith.constant 13 : i32
        %broadcast_in_dim3A_1341 = vector.broadcast %broadcast_in_dim3A_1340 : i32 to vector<16x1xi32>
        %gather3A_1342 = vector.shape_cast %broadcast_in_dim3A_1341 : vector<16x1xi32> to vector<16xi32>
        %gather3A_1343 = tpu.dynamic_gather %get3A_260[%gather3A_1342] in [0] : vector<16xi32>, vector<16xi32> -> vector<16xi32>
        %swap3A_1344 = arith.constant 0 : index
        %swap3A_1345 = tpu.vector_load %arg9[%swap3A_1344] {strides = array<i32>} : memref<16xi32, #tpu.memory_space<vmem>>, vector<16xi32>,
        %swap3A_1346 = vector.shape_cast %swap3A_1345 : vector<16xi32> to vector<16xi32>
        %swap3A_1347 = vector.shape_cast %gather3A_1343 : vector<16xi32> to vector<16xi32>
        tpu.vector_store %arg9[%swap3A_1344], %swap3A_1347 {strides = array<i32>} : memref<16xi32, #tpu.memory_space<vmem>>, vector<16xi32>,
        %get3A_1348 = arith.constant 0 : index
        %get3A_1349 = tpu.vector_load %arg9[%get3A_1348] {strides = array<i32>} : memref<16xi32, #tpu.memory_space<vmem>>, vector<16xi32>,
        %get3A_1350 = vector.shape_cast %get3A_1349 : vector<16xi32> to vector<16xi32>
        %eq3A_1351 = arith.constant 1 : i32
        %eq3A_1352 = vector.broadcast %eq3A_1351 : i32 to vector<16xi32>
        %eq3A_1353 = arith.cmpi eq, %get3A_1350, %eq3A_1352 : vector<16xi32>
        %eq3A_1354 = arith.constant 2 : i32
        %eq3A_1355 = vector.broadcast %eq3A_1354 : i32 to vector<16xi32>
        %eq3A_1356 = arith.cmpi eq, %get3A_1350, %eq3A_1355 : vector<16xi32>
        %eq3A_1357 = arith.constant 3 : i32
        %eq3A_1358 = vector.broadcast %eq3A_1357 : i32 to vector<16xi32>
        %eq3A_1359 = arith.cmpi eq, %get3A_1350, %eq3A_1358 : vector<16xi32>
        %eq3A_1360 = arith.constant 4 : i32
        %eq3A_1361 = vector.broadcast %eq3A_1360 : i32 to vector<16xi32>
        %eq3A_1362 = arith.cmpi eq, %get3A_1350, %eq3A_1361 : vector<16xi32>
        %select_n3A_1363 = arith.select %eq3A_1353, %get3A_26, %get3A_6 : vector<16xi1>, vector<16xf32>
        %select_n3A_1364 = arith.select %eq3A_1356, %get3A_46, %select_n3A_1363 : vector<16xi1>, vector<16xf32>
        %select_n3A_1365 = arith.select %eq3A_1359, %get3A_66, %select_n3A_1364 : vector<16xi1>, vector<16xf32>
        %select_n3A_1366 = arith.select %eq3A_1362, %get3A_86, %select_n3A_1365 : vector<16xi1>, vector<16xf32>
        %get3A_1367 = arith.index_cast %add3A_1339 : i32 to index
        %get3A_1368 = arith.constant 0 : index
        %get3A_1369 = tpu.vector_load %arg7[%get3A_1367, %get3A_1368] {strides = array<i32>} : memref<64x64xf32, #tpu.memory_space<vmem>>, vector<1x16xf32>,
        %get3A_1370 = vector.shape_cast %get3A_1369 : vector<1x16xf32> to vector<16xf32>
        %add3A_1371 = arith.addf %select_n3A_1366, %get3A_1370 : vector<16xf32>
        %swap3A_1372 = arith.index_cast %add3A_1339 : i32 to index
        %swap3A_1373 = arith.constant 0 : index
        %swap3A_1374 = tpu.vector_load %arg13[%swap3A_1372, %swap3A_1373] {strides = array<i32>} : memref<64x64xf32, #tpu.memory_space<vmem>>, vector<1x16xf32>,
        %swap3A_1375 = vector.shape_cast %swap3A_1374 : vector<1x16xf32> to vector<16xf32>
        %swap3A_1376 = vector.shape_cast %add3A_1371 : vector<16xf32> to vector<1x16xf32>
        tpu.vector_store %arg13[%swap3A_1372, %swap3A_1373], %swap3A_1376 {strides = array<i32>} : memref<64x64xf32, #tpu.memory_space<vmem>>, vector<1x16xf32>,
        %select_n3A_1377 = arith.select %eq3A_1353, %get3A_31, %get3A_11 : vector<16xi1>, vector<16xf32>
        %select_n3A_1378 = arith.select %eq3A_1356, %get3A_51, %select_n3A_1377 : vector<16xi1>, vector<16xf32>
        %select_n3A_1379 = arith.select %eq3A_1359, %get3A_71, %select_n3A_1378 : vector<16xi1>, vector<16xf32>
        %select_n3A_1380 = arith.select %eq3A_1362, %get3A_91, %select_n3A_1379 : vector<16xi1>, vector<16xf32>
        %get3A_1381 = arith.index_cast %add3A_1339 : i32 to index
        %get3A_1382 = arith.constant 16 : index
        %get3A_1383 = tpu.vector_load %arg7[%get3A_1381, %get3A_1382] {strides = array<i32>} : memref<64x64xf32, #tpu.memory_space<vmem>>, vector<1x16xf32>,
        %get3A_1384 = vector.shape_cast %get3A_1383 : vector<1x16xf32> to vector<16xf32>
        %add3A_1385 = arith.addf %select_n3A_1380, %get3A_1384 : vector<16xf32>
        %swap3A_1386 = arith.index_cast %add3A_1339 : i32 to index
        %swap3A_1387 = arith.constant 16 : index
        %swap3A_1388 = tpu.vector_load %arg13[%swap3A_1386, %swap3A_1387] {strides = array<i32>} : memref<64x64xf32, #tpu.memory_space<vmem>>, vector<1x16xf32>,
        %swap3A_1389 = vector.shape_cast %swap3A_1388 : vector<1x16xf32> to vector<16xf32>
        %swap3A_1390 = vector.shape_cast %add3A_1385 : vector<16xf32> to vector<1x16xf32>
        tpu.vector_store %arg13[%swap3A_1386, %swap3A_1387], %swap3A_1390 {strides = array<i32>} : memref<64x64xf32, #tpu.memory_space<vmem>>, vector<1x16xf32>,
        %select_n3A_1391 = arith.select %eq3A_1353, %get3A_36, %get3A_16 : vector<16xi1>, vector<16xf32>
        %select_n3A_1392 = arith.select %eq3A_1356, %get3A_56, %select_n3A_1391 : vector<16xi1>, vector<16xf32>
        %select_n3A_1393 = arith.select %eq3A_1359, %get3A_76, %select_n3A_1392 : vector<16xi1>, vector<16xf32>
        %select_n3A_1394 = arith.select %eq3A_1362, %get3A_96, %select_n3A_1393 : vector<16xi1>, vector<16xf32>
        %get3A_1395 = arith.index_cast %add3A_1339 : i32 to index
        %get3A_1396 = arith.constant 32 : index
        %get3A_1397 = tpu.vector_load %arg7[%get3A_1395, %get3A_1396] {strides = array<i32>} : memref<64x64xf32, #tpu.memory_space<vmem>>, vector<1x16xf32>,
        %get3A_1398 = vector.shape_cast %get3A_1397 : vector<1x16xf32> to vector<16xf32>
        %add3A_1399 = arith.addf %select_n3A_1394, %get3A_1398 : vector<16xf32>
        %swap3A_1400 = arith.index_cast %add3A_1339 : i32 to index
        %swap3A_1401 = arith.constant 32 : index
        %swap3A_1402 = tpu.vector_load %arg13[%swap3A_1400, %swap3A_1401] {strides = array<i32>} : memref<64x64xf32, #tpu.memory_space<vmem>>, vector<1x16xf32>,
        %swap3A_1403 = vector.shape_cast %swap3A_1402 : vector<1x16xf32> to vector<16xf32>
        %swap3A_1404 = vector.shape_cast %add3A_1399 : vector<16xf32> to vector<1x16xf32>
        tpu.vector_store %arg13[%swap3A_1400, %swap3A_1401], %swap3A_1404 {strides = array<i32>} : memref<64x64xf32, #tpu.memory_space<vmem>>, vector<1x16xf32>,
        %select_n3A_1405 = arith.select %eq3A_1353, %get3A_41, %get3A_21 : vector<16xi1>, vector<16xf32>
        %select_n3A_1406 = arith.select %eq3A_1356, %get3A_61, %select_n3A_1405 : vector<16xi1>, vector<16xf32>
        %select_n3A_1407 = arith.select %eq3A_1359, %get3A_81, %select_n3A_1406 : vector<16xi1>, vector<16xf32>
        %select_n3A_1408 = arith.select %eq3A_1362, %get3A_101, %select_n3A_1407 : vector<16xi1>, vector<16xf32>
        %get3A_1409 = arith.index_cast %add3A_1339 : i32 to index
        %get3A_1410 = arith.constant 48 : index
        %get3A_1411 = tpu.vector_load %arg7[%get3A_1409, %get3A_1410] {strides = array<i32>} : memref<64x64xf32, #tpu.memory_space<vmem>>, vector<1x16xf32>,
        %get3A_1412 = vector.shape_cast %get3A_1411 : vector<1x16xf32> to vector<16xf32>
        %add3A_1413 = arith.addf %select_n3A_1408, %get3A_1412 : vector<16xf32>
        %swap3A_1414 = arith.index_cast %add3A_1339 : i32 to index
        %swap3A_1415 = arith.constant 48 : index
        %swap3A_1416 = tpu.vector_load %arg13[%swap3A_1414, %swap3A_1415] {strides = array<i32>} : memref<64x64xf32, #tpu.memory_space<vmem>>, vector<1x16xf32>,
        %swap3A_1417 = vector.shape_cast %swap3A_1416 : vector<1x16xf32> to vector<16xf32>
        %swap3A_1418 = vector.shape_cast %add3A_1413 : vector<16xf32> to vector<1x16xf32>
        tpu.vector_store %arg13[%swap3A_1414, %swap3A_1415], %swap3A_1418 {strides = array<i32>} : memref<64x64xf32, #tpu.memory_space<vmem>>, vector<1x16xf32>,
        %mul3A_1419 = arith.constant 16 : i32
        %mul3A_1420 = arith.muli %scan3A_255, %mul3A_1419 : i32
        %add3A_1421 = arith.constant 14 : i32
        %add3A_1422 = arith.addi %mul3A_1420, %add3A_1421 : i32
        %broadcast_in_dim3A_1423 = arith.constant 14 : i32
        %broadcast_in_dim3A_1424 = vector.broadcast %broadcast_in_dim3A_1423 : i32 to vector<16x1xi32>
        %gather3A_1425 = vector.shape_cast %broadcast_in_dim3A_1424 : vector<16x1xi32> to vector<16xi32>
        %gather3A_1426 = tpu.dynamic_gather %get3A_260[%gather3A_1425] in [0] : vector<16xi32>, vector<16xi32> -> vector<16xi32>
        %swap3A_1427 = arith.constant 0 : index
        %swap3A_1428 = tpu.vector_load %arg9[%swap3A_1427] {strides = array<i32>} : memref<16xi32, #tpu.memory_space<vmem>>, vector<16xi32>,
        %swap3A_1429 = vector.shape_cast %swap3A_1428 : vector<16xi32> to vector<16xi32>
        %swap3A_1430 = vector.shape_cast %gather3A_1426 : vector<16xi32> to vector<16xi32>
        tpu.vector_store %arg9[%swap3A_1427], %swap3A_1430 {strides = array<i32>} : memref<16xi32, #tpu.memory_space<vmem>>, vector<16xi32>,
        %get3A_1431 = arith.constant 0 : index
        %get3A_1432 = tpu.vector_load %arg9[%get3A_1431] {strides = array<i32>} : memref<16xi32, #tpu.memory_space<vmem>>, vector<16xi32>,
        %get3A_1433 = vector.shape_cast %get3A_1432 : vector<16xi32> to vector<16xi32>
        %eq3A_1434 = arith.constant 1 : i32
        %eq3A_1435 = vector.broadcast %eq3A_1434 : i32 to vector<16xi32>
        %eq3A_1436 = arith.cmpi eq, %get3A_1433, %eq3A_1435 : vector<16xi32>
        %eq3A_1437 = arith.constant 2 : i32
        %eq3A_1438 = vector.broadcast %eq3A_1437 : i32 to vector<16xi32>
        %eq3A_1439 = arith.cmpi eq, %get3A_1433, %eq3A_1438 : vector<16xi32>
        %eq3A_1440 = arith.constant 3 : i32
        %eq3A_1441 = vector.broadcast %eq3A_1440 : i32 to vector<16xi32>
        %eq3A_1442 = arith.cmpi eq, %get3A_1433, %eq3A_1441 : vector<16xi32>
        %eq3A_1443 = arith.constant 4 : i32
        %eq3A_1444 = vector.broadcast %eq3A_1443 : i32 to vector<16xi32>
        %eq3A_1445 = arith.cmpi eq, %get3A_1433, %eq3A_1444 : vector<16xi32>
        %select_n3A_1446 = arith.select %eq3A_1436, %get3A_26, %get3A_6 : vector<16xi1>, vector<16xf32>
        %select_n3A_1447 = arith.select %eq3A_1439, %get3A_46, %select_n3A_1446 : vector<16xi1>, vector<16xf32>
        %select_n3A_1448 = arith.select %eq3A_1442, %get3A_66, %select_n3A_1447 : vector<16xi1>, vector<16xf32>
        %select_n3A_1449 = arith.select %eq3A_1445, %get3A_86, %select_n3A_1448 : vector<16xi1>, vector<16xf32>
        %get3A_1450 = arith.index_cast %add3A_1422 : i32 to index
        %get3A_1451 = arith.constant 0 : index
        %get3A_1452 = tpu.vector_load %arg7[%get3A_1450, %get3A_1451] {strides = array<i32>} : memref<64x64xf32, #tpu.memory_space<vmem>>, vector<1x16xf32>,
        %get3A_1453 = vector.shape_cast %get3A_1452 : vector<1x16xf32> to vector<16xf32>
        %add3A_1454 = arith.addf %select_n3A_1449, %get3A_1453 : vector<16xf32>
        %swap3A_1455 = arith.index_cast %add3A_1422 : i32 to index
        %swap3A_1456 = arith.constant 0 : index
        %swap3A_1457 = tpu.vector_load %arg13[%swap3A_1455, %swap3A_1456] {strides = array<i32>} : memref<64x64xf32, #tpu.memory_space<vmem>>, vector<1x16xf32>,
        %swap3A_1458 = vector.shape_cast %swap3A_1457 : vector<1x16xf32> to vector<16xf32>
        %swap3A_1459 = vector.shape_cast %add3A_1454 : vector<16xf32> to vector<1x16xf32>
        tpu.vector_store %arg13[%swap3A_1455, %swap3A_1456], %swap3A_1459 {strides = array<i32>} : memref<64x64xf32, #tpu.memory_space<vmem>>, vector<1x16xf32>,
        %select_n3A_1460 = arith.select %eq3A_1436, %get3A_31, %get3A_11 : vector<16xi1>, vector<16xf32>
        %select_n3A_1461 = arith.select %eq3A_1439, %get3A_51, %select_n3A_1460 : vector<16xi1>, vector<16xf32>
        %select_n3A_1462 = arith.select %eq3A_1442, %get3A_71, %select_n3A_1461 : vector<16xi1>, vector<16xf32>
        %select_n3A_1463 = arith.select %eq3A_1445, %get3A_91, %select_n3A_1462 : vector<16xi1>, vector<16xf32>
        %get3A_1464 = arith.index_cast %add3A_1422 : i32 to index
        %get3A_1465 = arith.constant 16 : index
        %get3A_1466 = tpu.vector_load %arg7[%get3A_1464, %get3A_1465] {strides = array<i32>} : memref<64x64xf32, #tpu.memory_space<vmem>>, vector<1x16xf32>,
        %get3A_1467 = vector.shape_cast %get3A_1466 : vector<1x16xf32> to vector<16xf32>
        %add3A_1468 = arith.addf %select_n3A_1463, %get3A_1467 : vector<16xf32>
        %swap3A_1469 = arith.index_cast %add3A_1422 : i32 to index
        %swap3A_1470 = arith.constant 16 : index
        %swap3A_1471 = tpu.vector_load %arg13[%swap3A_1469, %swap3A_1470] {strides = array<i32>} : memref<64x64xf32, #tpu.memory_space<vmem>>, vector<1x16xf32>,
        %swap3A_1472 = vector.shape_cast %swap3A_1471 : vector<1x16xf32> to vector<16xf32>
        %swap3A_1473 = vector.shape_cast %add3A_1468 : vector<16xf32> to vector<1x16xf32>
        tpu.vector_store %arg13[%swap3A_1469, %swap3A_1470], %swap3A_1473 {strides = array<i32>} : memref<64x64xf32, #tpu.memory_space<vmem>>, vector<1x16xf32>,
        %select_n3A_1474 = arith.select %eq3A_1436, %get3A_36, %get3A_16 : vector<16xi1>, vector<16xf32>
        %select_n3A_1475 = arith.select %eq3A_1439, %get3A_56, %select_n3A_1474 : vector<16xi1>, vector<16xf32>
        %select_n3A_1476 = arith.select %eq3A_1442, %get3A_76, %select_n3A_1475 : vector<16xi1>, vector<16xf32>
        %select_n3A_1477 = arith.select %eq3A_1445, %get3A_96, %select_n3A_1476 : vector<16xi1>, vector<16xf32>
        %get3A_1478 = arith.index_cast %add3A_1422 : i32 to index
        %get3A_1479 = arith.constant 32 : index
        %get3A_1480 = tpu.vector_load %arg7[%get3A_1478, %get3A_1479] {strides = array<i32>} : memref<64x64xf32, #tpu.memory_space<vmem>>, vector<1x16xf32>,
        %get3A_1481 = vector.shape_cast %get3A_1480 : vector<1x16xf32> to vector<16xf32>
        %add3A_1482 = arith.addf %select_n3A_1477, %get3A_1481 : vector<16xf32>
        %swap3A_1483 = arith.index_cast %add3A_1422 : i32 to index
        %swap3A_1484 = arith.constant 32 : index
        %swap3A_1485 = tpu.vector_load %arg13[%swap3A_1483, %swap3A_1484] {strides = array<i32>} : memref<64x64xf32, #tpu.memory_space<vmem>>, vector<1x16xf32>,
        %swap3A_1486 = vector.shape_cast %swap3A_1485 : vector<1x16xf32> to vector<16xf32>
        %swap3A_1487 = vector.shape_cast %add3A_1482 : vector<16xf32> to vector<1x16xf32>
        tpu.vector_store %arg13[%swap3A_1483, %swap3A_1484], %swap3A_1487 {strides = array<i32>} : memref<64x64xf32, #tpu.memory_space<vmem>>, vector<1x16xf32>,
        %select_n3A_1488 = arith.select %eq3A_1436, %get3A_41, %get3A_21 : vector<16xi1>, vector<16xf32>
        %select_n3A_1489 = arith.select %eq3A_1439, %get3A_61, %select_n3A_1488 : vector<16xi1>, vector<16xf32>
        %select_n3A_1490 = arith.select %eq3A_1442, %get3A_81, %select_n3A_1489 : vector<16xi1>, vector<16xf32>
        %select_n3A_1491 = arith.select %eq3A_1445, %get3A_101, %select_n3A_1490 : vector<16xi1>, vector<16xf32>
        %get3A_1492 = arith.index_cast %add3A_1422 : i32 to index
        %get3A_1493 = arith.constant 48 : index
        %get3A_1494 = tpu.vector_load %arg7[%get3A_1492, %get3A_1493] {strides = array<i32>} : memref<64x64xf32, #tpu.memory_space<vmem>>, vector<1x16xf32>,
        %get3A_1495 = vector.shape_cast %get3A_1494 : vector<1x16xf32> to vector<16xf32>
        %add3A_1496 = arith.addf %select_n3A_1491, %get3A_1495 : vector<16xf32>
        %swap3A_1497 = arith.index_cast %add3A_1422 : i32 to index
        %swap3A_1498 = arith.constant 48 : index
        %swap3A_1499 = tpu.vector_load %arg13[%swap3A_1497, %swap3A_1498] {strides = array<i32>} : memref<64x64xf32, #tpu.memory_space<vmem>>, vector<1x16xf32>,
        %swap3A_1500 = vector.shape_cast %swap3A_1499 : vector<1x16xf32> to vector<16xf32>
        %swap3A_1501 = vector.shape_cast %add3A_1496 : vector<16xf32> to vector<1x16xf32>
        tpu.vector_store %arg13[%swap3A_1497, %swap3A_1498], %swap3A_1501 {strides = array<i32>} : memref<64x64xf32, #tpu.memory_space<vmem>>, vector<1x16xf32>,
        %mul3A_1502 = arith.constant 16 : i32
        %mul3A_1503 = arith.muli %scan3A_255, %mul3A_1502 : i32
        %add3A_1504 = arith.constant 15 : i32
        %add3A_1505 = arith.addi %mul3A_1503, %add3A_1504 : i32
        %broadcast_in_dim3A_1506 = arith.constant 15 : i32
        %broadcast_in_dim3A_1507 = vector.broadcast %broadcast_in_dim3A_1506 : i32 to vector<16x1xi32>
        %gather3A_1508 = vector.shape_cast %broadcast_in_dim3A_1507 : vector<16x1xi32> to vector<16xi32>
        %gather3A_1509 = tpu.dynamic_gather %get3A_260[%gather3A_1508] in [0] : vector<16xi32>, vector<16xi32> -> vector<16xi32>
        %swap3A_1510 = arith.constant 0 : index
        %swap3A_1511 = tpu.vector_load %arg9[%swap3A_1510] {strides = array<i32>} : memref<16xi32, #tpu.memory_space<vmem>>, vector<16xi32>,
        %swap3A_1512 = vector.shape_cast %swap3A_1511 : vector<16xi32> to vector<16xi32>
        %swap3A_1513 = vector.shape_cast %gather3A_1509 : vector<16xi32> to vector<16xi32>
        tpu.vector_store %arg9[%swap3A_1510], %swap3A_1513 {strides = array<i32>} : memref<16xi32, #tpu.memory_space<vmem>>, vector<16xi32>,
        %get3A_1514 = arith.constant 0 : index
        %get3A_1515 = tpu.vector_load %arg9[%get3A_1514] {strides = array<i32>} : memref<16xi32, #tpu.memory_space<vmem>>, vector<16xi32>,
        %get3A_1516 = vector.shape_cast %get3A_1515 : vector<16xi32> to vector<16xi32>
        %eq3A_1517 = arith.constant 1 : i32
        %eq3A_1518 = vector.broadcast %eq3A_1517 : i32 to vector<16xi32>
        %eq3A_1519 = arith.cmpi eq, %get3A_1516, %eq3A_1518 : vector<16xi32>
        %eq3A_1520 = arith.constant 2 : i32
        %eq3A_1521 = vector.broadcast %eq3A_1520 : i32 to vector<16xi32>
        %eq3A_1522 = arith.cmpi eq, %get3A_1516, %eq3A_1521 : vector<16xi32>
        %eq3A_1523 = arith.constant 3 : i32
        %eq3A_1524 = vector.broadcast %eq3A_1523 : i32 to vector<16xi32>
        %eq3A_1525 = arith.cmpi eq, %get3A_1516, %eq3A_1524 : vector<16xi32>
        %eq3A_1526 = arith.constant 4 : i32
        %eq3A_1527 = vector.broadcast %eq3A_1526 : i32 to vector<16xi32>
        %eq3A_1528 = arith.cmpi eq, %get3A_1516, %eq3A_1527 : vector<16xi32>
        %select_n3A_1529 = arith.select %eq3A_1519, %get3A_26, %get3A_6 : vector<16xi1>, vector<16xf32>
        %select_n3A_1530 = arith.select %eq3A_1522, %get3A_46, %select_n3A_1529 : vector<16xi1>, vector<16xf32>
        %select_n3A_1531 = arith.select %eq3A_1525, %get3A_66, %select_n3A_1530 : vector<16xi1>, vector<16xf32>
        %select_n3A_1532 = arith.select %eq3A_1528, %get3A_86, %select_n3A_1531 : vector<16xi1>, vector<16xf32>
        %get3A_1533 = arith.index_cast %add3A_1505 : i32 to index
        %get3A_1534 = arith.constant 0 : index
        %get3A_1535 = tpu.vector_load %arg7[%get3A_1533, %get3A_1534] {strides = array<i32>} : memref<64x64xf32, #tpu.memory_space<vmem>>, vector<1x16xf32>,
        %get3A_1536 = vector.shape_cast %get3A_1535 : vector<1x16xf32> to vector<16xf32>
        %add3A_1537 = arith.addf %select_n3A_1532, %get3A_1536 : vector<16xf32>
        %swap3A_1538 = arith.index_cast %add3A_1505 : i32 to index
        %swap3A_1539 = arith.constant 0 : index
        %swap3A_1540 = tpu.vector_load %arg13[%swap3A_1538, %swap3A_1539] {strides = array<i32>} : memref<64x64xf32, #tpu.memory_space<vmem>>, vector<1x16xf32>,
        %swap3A_1541 = vector.shape_cast %swap3A_1540 : vector<1x16xf32> to vector<16xf32>
        %swap3A_1542 = vector.shape_cast %add3A_1537 : vector<16xf32> to vector<1x16xf32>
        tpu.vector_store %arg13[%swap3A_1538, %swap3A_1539], %swap3A_1542 {strides = array<i32>} : memref<64x64xf32, #tpu.memory_space<vmem>>, vector<1x16xf32>,
        %select_n3A_1543 = arith.select %eq3A_1519, %get3A_31, %get3A_11 : vector<16xi1>, vector<16xf32>
        %select_n3A_1544 = arith.select %eq3A_1522, %get3A_51, %select_n3A_1543 : vector<16xi1>, vector<16xf32>
        %select_n3A_1545 = arith.select %eq3A_1525, %get3A_71, %select_n3A_1544 : vector<16xi1>, vector<16xf32>
        %select_n3A_1546 = arith.select %eq3A_1528, %get3A_91, %select_n3A_1545 : vector<16xi1>, vector<16xf32>
        %get3A_1547 = arith.index_cast %add3A_1505 : i32 to index
        %get3A_1548 = arith.constant 16 : index
        %get3A_1549 = tpu.vector_load %arg7[%get3A_1547, %get3A_1548] {strides = array<i32>} : memref<64x64xf32, #tpu.memory_space<vmem>>, vector<1x16xf32>,
        %get3A_1550 = vector.shape_cast %get3A_1549 : vector<1x16xf32> to vector<16xf32>
        %add3A_1551 = arith.addf %select_n3A_1546, %get3A_1550 : vector<16xf32>
        %swap3A_1552 = arith.index_cast %add3A_1505 : i32 to index
        %swap3A_1553 = arith.constant 16 : index
        %swap3A_1554 = tpu.vector_load %arg13[%swap3A_1552, %swap3A_1553] {strides = array<i32>} : memref<64x64xf32, #tpu.memory_space<vmem>>, vector<1x16xf32>,
        %swap3A_1555 = vector.shape_cast %swap3A_1554 : vector<1x16xf32> to vector<16xf32>
        %swap3A_1556 = vector.shape_cast %add3A_1551 : vector<16xf32> to vector<1x16xf32>
        tpu.vector_store %arg13[%swap3A_1552, %swap3A_1553], %swap3A_1556 {strides = array<i32>} : memref<64x64xf32, #tpu.memory_space<vmem>>, vector<1x16xf32>,
        %select_n3A_1557 = arith.select %eq3A_1519, %get3A_36, %get3A_16 : vector<16xi1>, vector<16xf32>
        %select_n3A_1558 = arith.select %eq3A_1522, %get3A_56, %select_n3A_1557 : vector<16xi1>, vector<16xf32>
        %select_n3A_1559 = arith.select %eq3A_1525, %get3A_76, %select_n3A_1558 : vector<16xi1>, vector<16xf32>
        %select_n3A_1560 = arith.select %eq3A_1528, %get3A_96, %select_n3A_1559 : vector<16xi1>, vector<16xf32>
        %get3A_1561 = arith.index_cast %add3A_1505 : i32 to index
        %get3A_1562 = arith.constant 32 : index
        %get3A_1563 = tpu.vector_load %arg7[%get3A_1561, %get3A_1562] {strides = array<i32>} : memref<64x64xf32, #tpu.memory_space<vmem>>, vector<1x16xf32>,
        %get3A_1564 = vector.shape_cast %get3A_1563 : vector<1x16xf32> to vector<16xf32>
        %add3A_1565 = arith.addf %select_n3A_1560, %get3A_1564 : vector<16xf32>
        %swap3A_1566 = arith.index_cast %add3A_1505 : i32 to index
        %swap3A_1567 = arith.constant 32 : index
        %swap3A_1568 = tpu.vector_load %arg13[%swap3A_1566, %swap3A_1567] {strides = array<i32>} : memref<64x64xf32, #tpu.memory_space<vmem>>, vector<1x16xf32>,
        %swap3A_1569 = vector.shape_cast %swap3A_1568 : vector<1x16xf32> to vector<16xf32>
        %swap3A_1570 = vector.shape_cast %add3A_1565 : vector<16xf32> to vector<1x16xf32>
        tpu.vector_store %arg13[%swap3A_1566, %swap3A_1567], %swap3A_1570 {strides = array<i32>} : memref<64x64xf32, #tpu.memory_space<vmem>>, vector<1x16xf32>,
        %select_n3A_1571 = arith.select %eq3A_1519, %get3A_41, %get3A_21 : vector<16xi1>, vector<16xf32>
        %select_n3A_1572 = arith.select %eq3A_1522, %get3A_61, %select_n3A_1571 : vector<16xi1>, vector<16xf32>
        %select_n3A_1573 = arith.select %eq3A_1525, %get3A_81, %select_n3A_1572 : vector<16xi1>, vector<16xf32>
        %select_n3A_1574 = arith.select %eq3A_1528, %get3A_101, %select_n3A_1573 : vector<16xi1>, vector<16xf32>
        %get3A_1575 = arith.index_cast %add3A_1505 : i32 to index
        %get3A_1576 = arith.constant 48 : index
        %get3A_1577 = tpu.vector_load %arg7[%get3A_1575, %get3A_1576] {strides = array<i32>} : memref<64x64xf32, #tpu.memory_space<vmem>>, vector<1x16xf32>,
        %get3A_1578 = vector.shape_cast %get3A_1577 : vector<1x16xf32> to vector<16xf32>
        %add3A_1579 = arith.addf %select_n3A_1574, %get3A_1578 : vector<16xf32>
        %swap3A_1580 = arith.index_cast %add3A_1505 : i32 to index
        %swap3A_1581 = arith.constant 48 : index
        %swap3A_1582 = tpu.vector_load %arg13[%swap3A_1580, %swap3A_1581] {strides = array<i32>} : memref<64x64xf32, #tpu.memory_space<vmem>>, vector<1x16xf32>,
        %swap3A_1583 = vector.shape_cast %swap3A_1582 : vector<1x16xf32> to vector<16xf32>
        %swap3A_1584 = vector.shape_cast %add3A_1579 : vector<16xf32> to vector<1x16xf32>
        tpu.vector_store %arg13[%swap3A_1580, %swap3A_1581], %swap3A_1584 {strides = array<i32>} : memref<64x64xf32, #tpu.memory_space<vmem>>, vector<1x16xf32>,
      }
      %scan3A_240 = arith.constant 4 : i32
      %add3A_241 = arith.constant 1 : i32
      %add3A_242 = arith.addi %mul3A_141, %add3A_241 : i32
      %dma_start3A_243 = arith.constant 0 : i32
      %dma_start3A_244 = arith.constant 0 : i32
      %dma_start3A_245 = tpu.memref_slice %arg5[%add3A_242, %dma_start3A_243, %dma_start3A_244] : memref<256x2048x64xf32, #tpu.memory_space<hbm>> -> memref<1x2048x64xf32, #tpu.memory_space<hbm>>
      %dma_start3A_246 = tpu.memref_squeeze %dma_start3A_245 : memref<1x2048x64xf32, #tpu.memory_space<hbm>> -> memref<2048x64xf32, #tpu.memory_space<hbm>>
      %dma_start3A_247 = arith.constant 0 : i32
      %dma_start3A_248 = tpu.memref_slice %dma_start3A_246[%mul3A_2, %dma_start3A_247] : memref<2048x64xf32, #tpu.memory_space<hbm>> -> memref<64x64xf32, #tpu.memory_space<hbm>>
      %dma_start3A_249 = arith.constant 0 : i32
      %dma_start3A_250 = arith.constant 0 : i32
      %dma_start3A_251 = tpu.memref_slice %arg5[%add3A_242, %dma_start3A_249, %dma_start3A_250] : memref<256x2048x64xf32, #tpu.memory_space<hbm>> -> memref<1x2048x64xf32, #tpu.memory_space<hbm>>
      %dma_start3A_252 = tpu.memref_squeeze %dma_start3A_251 : memref<1x2048x64xf32, #tpu.memory_space<hbm>> -> memref<2048x64xf32, #tpu.memory_space<hbm>>
      %dma_start3A_253 = arith.constant 0 : i32
      %dma_start3A_254 = tpu.memref_slice %dma_start3A_252[%mul3A_2, %dma_start3A_253] : memref<2048x64xf32, #tpu.memory_space<hbm>> -> memref<64x64xf32, #tpu.memory_space<hbm>>
      tpu.enqueue_dma source(%arg13 : memref<64x64xf32, #tpu.memory_space<vmem>>) target(%dma_start3A_254 : memref<64x64xf32, #tpu.memory_space<hbm>>) target_semaphore(%arg17 : memref<!tpu.dma_semaphore, #tpu.memory_space<semaphore_mem>>)
    }
    %scan3A_113 = arith.constant 128 : i32
    %dma_wait3A = arith.constant 0 : i32
    %dma_wait3A_114 = arith.constant 0 : i32
    %dma_wait3A_115 = arith.constant 0 : i32
    %dma_wait3A_116 = tpu.memref_slice %arg5[%dma_wait3A, %dma_wait3A_114, %dma_wait3A_115] : memref<256x2048x64xf32, #tpu.memory_space<hbm>> -> memref<1x2048x64xf32, #tpu.memory_space<hbm>>
    %dma_wait3A_117 = tpu.memref_squeeze %dma_wait3A_116 : memref<1x2048x64xf32, #tpu.memory_space<hbm>> -> memref<2048x64xf32, #tpu.memory_space<hbm>>
    %dma_wait3A_118 = arith.constant 0 : i32
    %dma_wait3A_119 = tpu.memref_slice %dma_wait3A_117[%mul3A_2, %dma_wait3A_118] : memref<2048x64xf32, #tpu.memory_space<hbm>> -> memref<64x64xf32, #tpu.memory_space<hbm>>
    %dma_wait3A_120 = arith.constant 0 : i32
    %dma_wait3A_121 = arith.constant 0 : i32
    %dma_wait3A_122 = tpu.memref_slice %arg5[%dma_wait3A, %dma_wait3A_120, %dma_wait3A_121] : memref<256x2048x64xf32, #tpu.memory_space<hbm>> -> memref<1x2048x64xf32, #tpu.memory_space<hbm>>
    %dma_wait3A_123 = tpu.memref_squeeze %dma_wait3A_122 : memref<1x2048x64xf32, #tpu.memory_space<hbm>> -> memref<2048x64xf32, #tpu.memory_space<hbm>>
    %dma_wait3A_124 = arith.constant 0 : i32
    %dma_wait3A_125 = tpu.memref_slice %dma_wait3A_123[%mul3A_2, %dma_wait3A_124] : memref<2048x64xf32, #tpu.memory_space<hbm>> -> memref<64x64xf32, #tpu.memory_space<hbm>>
    tpu.wait_dma2 semaphore(%arg16 : memref<!tpu.dma_semaphore, #tpu.memory_space<semaphore_mem>>) src(%arg12 : memref<64x64xf32, #tpu.memory_space<vmem>>) dst(%dma_wait3A_125 : memref<64x64xf32, #tpu.memory_space<hbm>>)
    %dma_wait3A_126 = arith.constant 0 : i32
    %dma_wait3A_127 = arith.constant 0 : i32
    %dma_wait3A_128 = arith.constant 0 : i32
    %dma_wait3A_129 = tpu.memref_slice %arg5[%dma_wait3A_126, %dma_wait3A_127, %dma_wait3A_128] : memref<256x2048x64xf32, #tpu.memory_space<hbm>> -> memref<1x2048x64xf32, #tpu.memory_space<hbm>>
    %dma_wait3A_130 = tpu.memref_squeeze %dma_wait3A_129 : memref<1x2048x64xf32, #tpu.memory_space<hbm>> -> memref<2048x64xf32, #tpu.memory_space<hbm>>
    %dma_wait3A_131 = arith.constant 0 : i32
    %dma_wait3A_132 = tpu.memref_slice %dma_wait3A_130[%mul3A_2, %dma_wait3A_131] : memref<2048x64xf32, #tpu.memory_space<hbm>> -> memref<64x64xf32, #tpu.memory_space<hbm>>
    %dma_wait3A_133 = arith.constant 0 : i32
    %dma_wait3A_134 = arith.constant 0 : i32
    %dma_wait3A_135 = tpu.memref_slice %arg5[%dma_wait3A_126, %dma_wait3A_133, %dma_wait3A_134] : memref<256x2048x64xf32, #tpu.memory_space<hbm>> -> memref<1x2048x64xf32, #tpu.memory_space<hbm>>
    %dma_wait3A_136 = tpu.memref_squeeze %dma_wait3A_135 : memref<1x2048x64xf32, #tpu.memory_space<hbm>> -> memref<2048x64xf32, #tpu.memory_space<hbm>>
    %dma_wait3A_137 = arith.constant 0 : i32
    %dma_wait3A_138 = tpu.memref_slice %dma_wait3A_136[%mul3A_2, %dma_wait3A_137] : memref<2048x64xf32, #tpu.memory_space<hbm>> -> memref<64x64xf32, #tpu.memory_space<hbm>>
    tpu.wait_dma2 semaphore(%arg17 : memref<!tpu.dma_semaphore, #tpu.memory_space<semaphore_mem>>) src(%arg13 : memref<64x64xf32, #tpu.memory_space<vmem>>) dst(%dma_wait3A_138 : memref<64x64xf32, #tpu.memory_space<hbm>>)
    return
  }
}

</mosaic_0001>

<sc_bundles>
// kernel: kernel.3.cloned.1.call-start
scs
__scs_entry_jumppad:
0x0: {  	(pc) =	sbr.rel $0x88, $3  }
0x1: {  	(tag) =	ssettag $0x0;
	lr =	simm.s32 $0x1  }
0x2: {  	[smem:$0x3F9E] =	sst lr;
	_ =	strace $0xD0000000  }
0x3: {  	_ = 	snop  }
0x4: {  	_ = 	snop  }
0x5: {  	_ = 	snop  }
0x6: {  	_ = 	snop  }
0x7: {  	_ = 	snop  }
__scs_overlays_trampoline_lowered:
0x8: {  	[smem:$0x3FAD] =	sst s0  }
0x9: {  	[smem:$0x3FAE] =	sst s1  }
0xa: {  	[smem:$0x3FAF] =	sst s2  }
0xb: {  	[smem:$0x3FB0] =	sst s3  }
0xc: {  	[smem:$0x3FB1] =	sst s4  }
0xd: {  	[smem:$0x3FB2] =	sst s5  }
0xe: {  	[smem:$0x3FB3] =	sst s6  }
0xf: {  	[smem:$0x3FB4] =	sst s7  }
0x10: {  	[smem:$0x3FB5] =	sst s8  }
0x11: {  	[smem:$0x3FB6] =	sst s9;
	s0 =	simm.s32 @!p0 $0x0  }
0x12: {  	s1 =	sld [smem:$0x3F9C];
	s0 =	simm.s32 @p0 $0x1  }
0x13: {  	[smem:$0x3FB7] =	sst s0;
	s0 =	simm.s32 @!p1 $0x0  }
0x14: {  	s2 =	sld [smem:$0x3F9B];
	s0 =	simm.s32 @p1 $0x1  }
0x15: {  	[smem:$0x3FB8] =	sst s0;
	s0 =	simm.s32 @!p2 $0x0  }
0x16: {  	s3 =	sld [smem:$0x3FDB];
	s0 =	simm.s32 @p2 $0x1  }
0x17: {  	s4 =	simm.s32 $0x1BF5;
	[smem:$0x3FBA] =	sst s0  }
0x18: {  	s0 =	sld [smem:$0x3F9D];
	_ =	swait.ge [sflag:s4], $0x0  }
0x19: {  	s7 =	sld [smem:$0x3F9E]  }
0x1a: {  	s8 =	sadd.s32 $0xFFFFE003, lr  }
0x1b: {  	s9 =	sadd.s32 $0xFFFFFEF7, lr;
	s5 =	simm.s32 $0xFFFFFFFF;
	p2 =	slt.u32 s8, $0xFFFFF086  }
0x1c: {  	p1 =	slt.u32 s9, $0xF7A;
	s5 =	simm.s32 @!p2 $0x0  }
0x1d: {  	s5 =	simm.s32 @p1 $0x1;
	p0 =	seq.s32 s7, s2  }
0x1e: {  	s7 =	smul.u32 @!p0 $0xF7A, s2;
	p2 =	seq.s32 @!p0 s5, $0x0  }
0x1f: {  	s9 =	smul.u32 $0xF7A, s1;
	s8 =	simm.s32 @!p0 $0x1BF5;
	p2 =	por !p2, p0  }
0x20: {  	[sflag:s8] =	ssyncset.s32 @!p0 $0xFFFFF086;
	s6 =	sadd.s32 @!p0 s3, s7;
	s7 =	simm.s32 @!p0 $0x108  }
0x21: {  	s3 =	sadd.s32 s3, s9;
	s6 =	sadd.s32 @!p0 $0x88, s6;
	s7 =	simm.s32 @p2 $0x1082  }
0x22: {  	[simem:s7], [sflag:s8] =	dma.local @!p0 [hbm:s6], $0xF7A  }
0x23: {  	s9 =	sor.u32 $0xD0000000, s2;
	s6 =	simm.s32 $0x108;
	_ =	swait.ge @!p0 [sflag:s8], $0x0  }
0x24: {  	s3 =	sadd.s32 $0x88, s3;
	s6 =	simm.s32 @!p1 $0x1082;
	[sflag:s4] =	ssyncset.s32 $0xFFFFF086  }
0x25: {  	[simem:s6], [sflag:s4] =	dma.local [hbm:s3], $0xF7A  }
0x26: {  	[smem:$0x3F9E] =	sst s1;
	(tag) =	ssettag s2;
	_ =	strace s9  }
0x27: {  	s1 =	sld [smem:$0x3FAE]  }
0x28: {  	s2 =	sld [smem:$0x3FAF]  }
0x29: {  	s4 =	sld [smem:$0x3FB1]  }
0x2a: {  	p0 =	seq.s32 s5, $0x0;
	s5 =	sld [smem:$0x3FB2]  }
0x2b: {  	s6 =	sld [smem:$0x3FB3]  }
0x2c: {  	s7 =	sld [smem:$0x3FB4]  }
0x2d: {  	s3 =	simm.s32 $0x108;
	s8 =	sld [smem:$0x3FB5]  }
0x2e: {  	s3 =	simm.s32 @!p0 $0x1082;
	s9 =	sld [smem:$0x3FB6]  }
0x2f: {  	lr =	sadd.s32 s0, s3;
	s0 =	sld [smem:$0x3FAD]  }
0x30: {  	s3 =	sld [smem:$0x3FB0]  }
0x31: {  	[smem:$0x3FB9] =	sst s10  }
0x32: {  	s10 =	sld [smem:$0x3FB7];
	_ =	sdelay $0x3  }
0x33: {  	p0 =	seq.s32 s10, $0x1;
	s10 =	sld [smem:$0x3FB9];
	_ =	sdelay $0x3  }
0x34: {  	[smem:$0x3FB9] =	sst s10  }
0x35: {  	s10 =	sld [smem:$0x3FB8];
	_ =	sdelay $0x3  }
0x36: {  	p1 =	seq.s32 s10, $0x1;
	s10 =	sld [smem:$0x3FB9];
	_ =	sdelay $0x3  }
0x37: {  	[smem:$0x3FB9] =	sst s10  }
0x38: {  	s10 =	sld [smem:$0x3FBA]  }
0x39: {  	_ = 	snop;
	(pc) =	sbr.ind lr, $3  }
0x3a: {  	_ = 	snop  }
0x3b: {  	_ = 	snop  }
0x3c: {  	p2 =	seq.s32 s10, $0x1;
	s10 =	sld [smem:$0x3FB9]  }
0x3d: {  	_ =	shalt  }
0x3e: {  	_ =	shalt  }
0x3f: {  	_ =	shalt  }
0x40: {  	_ =	shalt  }
0x41: {  	_ =	shalt  }
0x42: {  	_ =	shalt  }
0x43: {  	_ =	shalt  }
0x44: {  	_ =	shalt  }
0x45: {  	_ =	shalt  }
0x46: {  	_ =	shalt  }
0x47: {  	_ =	shalt  }
0x48: {  	_ =	shalt  }
0x49: {  	_ =	shalt  }
0x4a: {  	_ =	shalt  }
0x4b: {  	_ =	shalt  }
0x4c: {  	_ =	shalt  }
0x4d: {  	_ =	shalt  }
0x4e: {  	_ =	shalt  }
0x4f: {  	_ =	shalt  }
0x50: {  	_ =	shalt  }
0x51: {  	_ =	shalt  }
0x52: {  	_ =	shalt  }
0x53: {  	_ =	shalt  }
0x54: {  	_ =	shalt  }
0x55: {  	_ =	shalt  }
0x56: {  	_ =	shalt  }
0x57: {  	_ =	shalt  }
0x58: {  	_ =	shalt  }
0x59: {  	_ =	shalt  }
0x5a: {  	_ =	shalt  }
0x5b: {  	_ =	shalt  }
0x5c: {  	_ =	shalt  }
0x5d: {  	_ =	shalt  }
0x5e: {  	_ =	shalt  }
0x5f: {  	_ =	shalt  }
0x60: {  	_ =	shalt  }
0x61: {  	_ =	shalt  }
0x62: {  	_ =	shalt  }
0x63: {  	_ =	shalt  }
0x64: {  	_ =	shalt  }
0x65: {  	_ =	shalt  }
0x66: {  	_ =	shalt  }
0x67: {  	_ =	shalt  }
0x68: {  	_ =	shalt  }
0x69: {  	_ =	shalt  }
0x6a: {  	_ =	shalt  }
0x6b: {  	_ =	shalt  }
0x6c: {  	_ =	shalt  }
0x6d: {  	_ =	shalt  }
0x6e: {  	_ =	shalt  }
0x6f: {  	_ =	shalt  }
0x70: {  	_ =	shalt  }
0x71: {  	_ =	shalt  }
0x72: {  	_ =	shalt  }
0x73: {  	_ =	shalt  }
0x74: {  	_ =	shalt  }
0x75: {  	_ =	shalt  }
0x76: {  	_ =	shalt  }
0x77: {  	_ =	shalt  }
0x78: {  	_ =	shalt  }
0x79: {  	_ =	shalt  }
0x7a: {  	_ =	shalt  }
0x7b: {  	_ =	shalt  }
0x7c: {  	_ =	shalt  }
0x7d: {  	_ =	shalt  }
0x7e: {  	_ =	shalt  }
0x7f: {  	_ =	shalt  }
0x80: {  	_ =	shalt  }
0x81: {  	_ =	shalt  }
0x82: {  	_ =	shalt  }
0x83: {  	_ =	shalt  }
0x84: {  	_ =	shalt  }
0x85: {  	_ =	shalt  }
0x86: {  	_ =	shalt  }
0x87: {  	_ =	shalt  }
.Lfunc_end0:
.L_simem_size_0:
called_computation_lowered:
.L_overlay_start_0:
0x88: {  	s2 =	sld [smem:$0x3FD9]  }
0x89: {  	s3 =	sld [smem:$0x3FFE];
	_ =	sdelay $0x1  }
0x8a: {  	s1 =	srdreg.scid  }
0x8b: {  	s0 =	sand.u32 $0x1, s1  }
0x8c: {  	s17 =	sshll.u32 s0, $0xA;
	s2 =	sadd.s32 s3, s2  }
0x8d: {  	s2 =	sadd.s32 s2, s17  }
0x8e: {  	[smem:$0x3FC5] =	sst s2  }
0x8f: {  	_ = 	snop  }
0x90: {  	s2 =	sld [smem:$0x3FC8]  }
0x91: {  	s18 =	sld [smem:$0x3FD0];
	(tm) =	ssettm $0x1  }
0x92: {  	s4 =	sld [smem:$0x3FFB];
	_ =	sdelay $0x3  }
0x93: {  	_ =	strace s4  }
0x94: {  	s4 =	sld [smem:$0x3FFC];
	_ =	sdelay $0x3  }
0x95: {  	_ =	strace s4  }
0x96: {  	s4 =	sld [smem:$0x3FFD];
	_ =	sdelay $0x3  }
0x97: {  	_ =	strace s4  }
0x98: {  	_ =	strace $0x8FFFFFFF  }
0x99: {  	s19 =	sld [smem:$0x3FDB];
	_ =	sdelay $0x1  }
0x9a: {  	s5 =	simm.s32 $_scs_section_size  }
0x9b: {  	s6 =	simm.s32 $_size__tile_overlayer_lowered;
	s7 =	simm.s32 $_tile_overlayer_lowered  }
0x9c: {  	s22 =	simm.s32 $0x1BFF;
	s21 =	sshll.u32 s7, $0x1;
	s4 =	sadd.s32 s5, s19  }
0x9d: {  	s8 =	simm.s32 $0x0;
	s20 =	sshll.u32 s6, $0x1;
	s6 =	sadd.s32 s21, s4  }
0x9e: {  	[timem:s8], [sflag:s22] =	dma.local [hbm:s6], s20  }
0x9f: {  	_ =	swait.ge [sflag:s22], s20  }
0xa0: {  	s5 =	ssub.s32 $0x0, s20;
	[sflag:s22] =	ssyncset.done $0x0  }
0xa1: {  	[sflag:s22] =	ssyncadd.s32 s5;
	_ =	sdelay $0x1  }
0xa2: {  	s23 =	simm.s32 $0x1B8B  }
0xa3: {  	_ =	swait.ge [sflag:s23], $0x1  }
0xa4: {  	[sflag:s23] =	ssyncset.done $0x0  }
0xa5: {  	s25 =	simm.s32 $0x1B8E;
	s24 =	sld [smem:$0x3FFE];
	[sflag:s23] =	ssyncadd.s32 $0xFFFFFFFF  }
0xa6: {  	s26 =	simm.s32 $execute0_lowered;
	[smem:$0x3FD2] =	sst s25  }
0xa7: {  	s6 =	sshll.u32 s26, $0x1;
	_ =	strace $0x80000046;
	[dreg:$0x1] =	wrdreg $0xFFFFFFFF  }
0xa8: {  	s28 =	simm.s32 $_size_execute0_lowered;
	s4 =	sadd.s32 s4, s6;
	[dreg:$0x0] =	wrdreg $0x0  }
0xa9: {  	s6 =	sshll.u32 s28, $0x1;
	[dreg:$0x2] =	wrdreg s4  }
0xaa: {  	[dreg:$0x3] =	wrdreg s6  }
0xab: {  	[dreg:$0x4] =	wrdreg $0xC0  }
0xac: {  	_ =	task [dreg:s8], $0x5FFFF  }
0xad: {  	[dreg:$0x1] =	wrdreg $0xFFFFFFFF  }
0xae: {  	[dreg:$0x0] =	wrdreg $0x60  }
0xaf: {  	[dreg:$0x2] =	wrdreg s18  }
0xb0: {  	[dreg:$0x3] =	wrdreg s2  }
0xb1: {  	[dreg:$0x4] =	wrdreg s24  }
0xb2: {  	[dreg:$0x5] =	wrdreg $0x9  }
0xb3: {  	_ =	task.clear_ibuf [dreg:s8], $0x6FFFF;
	_ =	strace $0x90000046  }
0xb4: {  	s29 =	simm.s32 $0x9;
	_ =	strace $0x80000048  }
0xb5: {  	_ =	swait.ge [sflag:s29], $0x1  }
0xb6: {  	[sflag:s29] =	ssyncadd.s32 $0xFFFFFFFF  }
0xb7: {  	_ =	strace $0x90000048  }
0xb8: {  	_ =	sfence  }
0xb9: {  	s30 =	sld [smem:$0x0];
	_ =	sdelay $0x2  }
0xba: {  	s31 =	sshll.u32 s1, $0xD;
	s1 =	sshrl.u32 s1, $0x2  }
0xbb: {  	s3 =	sand.u32 $0x4000, s31;
	s1 =	sadd.s32 s1, s30  }
0xbc: {  	s0 =	sor.u32 s3, s0;
	s1 =	sshll.u32 s1, $0x11  }
0xbd: {  	s0 =	sor.u32 s1, s0  }
0xbe: {  	s0 =	sadd.s32 $0x8F2B, s0  }
0xbf: {  	[sflag:s0] =	ssyncadd.remote.s32 $0x1  }
0xc0: {  	_ =	sfence.sel $0xFFFF  }
0xc1: {  	[dreg:$0x0] =	wrdreg $0xFFFFFFFF;
	(pc) =	sbr.abs _section_cstart, $3  }
0xc2: {  	[dreg:$0x1] =	wrdreg $0xFFFFFFFF  }
0xc3: {  	_ =	task.clear_ibuf [dreg:s8], $0x2FFFF;
	_ =	strace $0x9FFFFFFF  }
0xc4: {  	(tm) =	ssettm $0x7FFFFFFF  }
0xc5: {  	_ =	shalt  }
tec
execute0_lowered:
.L_overlay_start_1:
0x0: {  	(tag) =	ssettag $0x1  }
0x1: {  	s1 =	rddreg [dreg:$0x0]  }
0x2: {  	s3 =	rddreg [dreg:$0x1]  }
0x3: {  	s12 =	rddreg [dreg:$0x2]  }
0x4: {  	s4 =	srdreg.scid;
	s0 =	rddreg [dreg:$0x3]  }
0x5: {  	s2 =	stileid.u32;
	s14 =	simm.s32 $0x5;
	s15 =	simm.s32 $0x400  }
0x6: {  	s16 =	simm.s32 $0x2500;
	s17 =	simm.s32 $0x2580;
	s18 =	simm.s32 $0x1  }
0x7: {  	s19 =	simm.s32 $0x2600;
	s20 =	simm.s32 $0x2;
	s21 =	simm.s32 $0x4600  }
0x8: {  	s22 =	simm.s32 $0x3;
	s23 =	simm.s32 $0x4;
	s24 =	simm.s32 $0x0  }
0x9: {  	s6 =	sand.u32 $0x1, s4;
	s4 =	simm.s32 $0x0;
	s7 =	sshll.u32 s2, $0x6  }
0xa: {  	v0 =	vimm.s32 $0x0;
	s5 =	sshll.u32 s6, $0xA;
	[smem:$0x7FF] =	sst s4;
	s9 =	ssub.s32 $0x2, s6  }
0xb: {  	v1 =	vimm.s32 $0x1;
	v2 =	vimm.s32 $0x2;
	v3 =	vimm.s32 $0x3;
	s6 =	sadd.s32 $0x8400, s12;
	s11 =	sor.u32 s7, s5;
	_ =	strace $0x80000047  }
0xc: {  	v4 =	vimm.s32 $0x4;
	v5 =	vimm.s32 $0x5;
	v6 =	vimm.s32 $0x6;
	s10 =	sshrl.u32 s9, $0x1;
	s5 =	sshll.u32 s11, $0x4;
	s7 =	sshrl.u32 s11, $0x3  }
0xd: {  	v7 =	vimm.s32 $0x7;
	v8 =	vimm.s32 $0x8;
	v9 =	vimm.s32 $0x9;
	s13 =	ssub.s32 s9, s10;
	s10 =	sor.u32 $0x1000, s11;
	s11 =	sor.u32 $0x1800, s11  }
0xe: {  	v10 =	vimm.s32 $0xA;
	v11 =	vimm.s32 $0xB;
	v12 =	vimm.s32 $0xC;
	s8 =	sadd.s32 s5, s12;
	s7 =	sadd.s32 s1, s7;
	s12 =	sadd.s32 $0x10400, s12  }
0xf: {  	v13 =	vimm.s32 $0xD;
	v14 =	vimm.s32 $0xE;
	v15 =	vimm.s32 $0xF;
	s13 =	smax.u32 s13, $0x1;
	s8 =	sadd.s32 $0x400, s8;
	s9 =	sadd.s32 $0x100, s7  }
.LBB2_1:
0x10: {  	[tilespmem:s4], [sflag:$0x5] =	stream.linear.gather [hbm4b:s3+s4], $0x280, $0x38;
	[tilespmem:$0x6600] =	vst v63  }
0x11: {  	_ =	swait.ge [sflag:s14], $0x280  }
0x12: {  	[sflag:s14] =	ssyncset.done $0x0  }
0x13: {  	[sflag:s14] =	ssyncadd.s32 $0xFFFFFD80  }
0x14: {  	[tilespmem:s15], [sflag:$0x5] =	stream.linear.gather [hbm4b:s8+s4], $0x2000, $0x38;
	[tilespmem:$0x6600] =	vst v63  }
0x15: {  	_ =	swait.ge [sflag:s14], $0x2000  }
0x16: {  	[sflag:s14] =	ssyncset.done $0x0  }
0x17: {  	[sflag:s14] =	ssyncadd.s32 $0xFFFFE000  }
0x18: {  	v16 =	vld [tilespmem:$0x0]  }
0x19: {  	v17 =	vld [tilespmem:$0x10]  }
0x1a: {  	v18 =	vld [tilespmem:$0x20]  }
0x1b: {  	v19 =	vld [tilespmem:$0x30]  }
0x1c: {  	v20 =	vld [tilespmem:$0x80]  }
0x1d: {  	v21 =	vld [tilespmem:$0x90]  }
0x1e: {  	v22 =	vld [tilespmem:$0xA0]  }
0x1f: {  	v23 =	vld [tilespmem:$0xB0]  }
0x20: {  	v24 =	vld [tilespmem:$0x100]  }
0x21: {  	v25 =	vld [tilespmem:$0x110]  }
0x22: {  	v26 =	vld [tilespmem:$0x120]  }
0x23: {  	v27 =	vld [tilespmem:$0x130]  }
0x24: {  	v28 =	vld [tilespmem:$0x180]  }
0x25: {  	v29 =	vld [tilespmem:$0x190]  }
0x26: {  	v30 =	vld [tilespmem:$0x1A0]  }
0x27: {  	v31 =	vld [tilespmem:$0x1B0]  }
0x28: {  	v32 =	vld [tilespmem:$0x200]  }
0x29: {  	v33 =	vld [tilespmem:$0x210]  }
0x2a: {  	v34 =	vld [tilespmem:$0x220]  }
0x2b: {  	v35 =	vld [tilespmem:$0x230];
	[tilespmem:s16], [sflag:$0x1] =	stream.linear.gather [hbm4b:s7+s4], $0x40, $0x38  }
0x2c: {  	s25 =	simm.s32 $0x0  }
0x2d: {  	[tilespmem:s17], [sflag:$0x2] =	stream.linear.gather [hbm4b:s9+s4], $0x40, $0x38;
	[tilespmem:$0x6600] =	vst v63  }
.LBB2_2:
0x2e: {  	_ =	swait.ge [sflag:s18], $0x40  }
0x2f: {  	[sflag:s18] =	ssyncset.done $0x0  }
0x30: {  	[sflag:s18] =	ssyncadd.s32 $0xFFFFFFC0  }
0x31: {  	v36 =	vld [tilespmem:$0x2500]  }
0x32: {  	v37 =	vld [tilespmem:$0x2510]  }
0x33: {  	p0 =	seq.s32 s25, $0x7F;
	v38 =	vld [tilespmem:$0x2520]  }
0x34: {  	p1 =	seq.s32 @!p0 s25, $0x0;
	v39 =	vld [tilespmem:$0x2530]  }
0x35: {  	p1 =	por p0, !p1  }
.Ltmp0:
0x36: {  	s26 =	sshll.u32 @!p0 s25, $0xC;
	[tilespmem:$0x2400] =	vst v36;
	(pc) =	sbr.rel @!p1 .LBB2_3-.Ltmp0, $4  }
0x37: {  	s28 =	sadd.s32 @!p0 s10, s26;
	[tilespmem:$0x2410] =	vst v37  }
0x38: {  	s28 =	sshrl.u32 @!p0 s28, $0x3;
	[tilespmem:$0x2420] =	vst v38  }
0x39: {  	s29 =	simm.s32 @!p0 $0x0;
	s30 =	simm.s32 @!p0 $0x2500;
	s28 =	sadd.s32 @!p0 s1, s28;
	[tilespmem:$0x2430] =	vst v39  }
0x3a: {  	[tilespmem:s30], [sflag:$0x1] =	stream.linear.gather @!p0 [hbm4b:s28+s29], $0x40, $0x38;
	[tilespmem:$0x6600] =	vst v63  }
.Ltmp1:
0x3b: {  	(pc) =	sbr.rel .LBB2_5-.Ltmp1, $4  }
0x3c: {  	_ = 	snop  }
0x3d: {  	_ =	swait.ge [sflag:s22], $0x2000  }
0x3e: {  	[sflag:s22] =	ssyncset.done $0x0  }
0x3f: {  	p1 =	por $0x0, $0x0;
	[sflag:s22] =	ssyncadd.s32 $0xFFFFE000  }
.LBB2_3:
0x40: {  	p1 =	por @!p0 $0x1, $0x1  }
.LBB2_5:
0x41: {  	s28 =	simm.s32 $0x0;
	s29 =	simm.s32 $0x2400  }
.LBB2_6:
0x42: {  	v36 =	vld [tilespmem:s29+$0x0];
	_ =	sdelay $0x4  }
0x43: {  	v37 =	vperm.xlane v36, v0;
	_ =	sdelay $0x1  }
0x44: {  	s30 =	sshra.s32 s28, $0x2;
	[tilespmem:$0x2480] =	vst v37  }
0x45: {  	vm0 =	veq.s32 v37, $0x1;
	vm1 =	veq.s32 v37, $0x2;
	vm2 =	veq.s32 v37, $0x3;
	v38 =	vld [tilespmem:s30+$0x400]  }
0x46: {  	vm3 =	veq.s32 v37, $0x4;
	v39 =	vsel vm0, v20, v16;
	v40 =	vsel vm0, v21, v17;
	v41 =	vld [tilespmem:s30+$0x420]  }
0x47: {  	v61 =	vsel vm0, v22, v18;
	v42 =	vld [tilespmem:s30+$0x430];
	v43 =	vsel vm0, v23, v19;
	v39 =	vsel vm1, v24, v39  }
0x48: {  	v59 =	vld [tilespmem:s30+$0x410];
	v60 =	vsel vm1, v25, v40;
	v40 =	vsel vm1, v26, v61;
	v58 =	vsel vm2, v28, v39  }
0x49: {  	v43 =	vsel vm1, v27, v43;
	v40 =	vsel vm2, v30, v40;
	v37 =	vsel vm3, v32, v58  }
0x4a: {  	v63 =	vsel vm2, v31, v43;
	v62 =	vsel vm3, v34, v40;
	v37 =	vadd.f32 v37, v38  }
0x4b: {  	v44 =	vsel vm3, v35, v63;
	v38 =	vsel vm2, v29, v60;
	v43 =	vadd.f32 v41, v62  }
0x4c: {  	v45 =	vadd.f32 v42, v44;
	v38 =	vsel vm3, v33, v38;
	[tilespmem:s30+$0x2600] =	vst v37  }
0x4d: {  	v38 =	vadd.f32 v38, v59;
	[tilespmem:s30+$0x2620] =	vst v43  }
0x4e: {  	v46 =	vperm.xlane v36, v1;
	[tilespmem:s30+$0x2630] =	vst v45  }
0x4f: {  	[tilespmem:s30+$0x2610] =	vst v38  }
0x50: {  	[tilespmem:$0x2480] =	vst v46  }
0x51: {  	vm6 =	veq.s32 v46, $0x1;
	vm7 =	veq.s32 v46, $0x2;
	vm8 =	veq.s32 v46, $0x3;
	v47 =	vld [tilespmem:s30+$0x480]  }
0x52: {  	vm9 =	veq.s32 v46, $0x4;
	v48 =	vsel vm6, v20, v16;
	v51 =	vsel vm6, v21, v17;
	v50 =	vld [tilespmem:s30+$0x490]  }
0x53: {  	v54 =	vsel vm6, v22, v18;
	v56 =	vsel vm6, v23, v19;
	v39 =	vsel vm7, v24, v48;
	v52 =	vld [tilespmem:s30+$0x4A0]  }
0x54: {  	v53 =	vsel vm7, v25, v51;
	v49 =	vsel vm8, v28, v39;
	v40 =	vsel vm7, v26, v54;
	v55 =	vld [tilespmem:s30+$0x4B0]  }
0x55: {  	v40 =	vsel vm8, v30, v40;
	v37 =	vsel vm9, v32, v49;
	v38 =	vsel vm8, v29, v53  }
0x56: {  	v43 =	vsel vm7, v27, v56;
	v38 =	vsel vm9, v33, v38;
	v37 =	vadd.f32 v37, v47  }
0x57: {  	v57 =	vsel vm9, v34, v40;
	v58 =	vsel vm8, v31, v43;
	v38 =	vadd.f32 v38, v50  }
0x58: {  	v60 =	vsel vm9, v35, v58;
	v59 =	vadd.f32 v52, v57;
	[tilespmem:s30+$0x2680] =	vst v37  }
0x59: {  	v61 =	vadd.f32 v55, v60;
	[tilespmem:s30+$0x2690] =	vst v38  }
0x5a: {  	v62 =	vperm.xlane v36, v2;
	[tilespmem:s30+$0x26A0] =	vst v59  }
0x5b: {  	[tilespmem:s30+$0x26B0] =	vst v61  }
0x5c: {  	[tilespmem:$0x2480] =	vst v62  }
0x5d: {  	vm10 =	veq.s32 v62, $0x1;
	vm11 =	veq.s32 v62, $0x2;
	vm12 =	veq.s32 v62, $0x3;
	v63 =	vld [tilespmem:s30+$0x500]  }
0x5e: {  	vm13 =	veq.s32 v62, $0x4;
	v43 =	vsel vm10, v20, v16;
	v49 =	vsel vm10, v22, v18;
	v45 =	vld [tilespmem:s30+$0x510]  }
0x5f: {  	v51 =	vsel vm10, v23, v19;
	v39 =	vsel vm11, v24, v43;
	v46 =	vsel vm10, v21, v17;
	v47 =	vld [tilespmem:s30+$0x520]  }
0x60: {  	v40 =	vsel vm11, v26, v49;
	v44 =	vsel vm12, v28, v39;
	v48 =	vsel vm11, v25, v46;
	v50 =	vld [tilespmem:s30+$0x530]  }
0x61: {  	v43 =	vsel vm11, v27, v51;
	v37 =	vsel vm13, v32, v44;
	v38 =	vsel vm12, v29, v48  }
0x62: {  	v40 =	vsel vm12, v30, v40;
	v38 =	vsel vm13, v33, v38;
	v37 =	vadd.f32 v37, v63  }
0x63: {  	v53 =	vsel vm12, v31, v43;
	v52 =	vsel vm13, v34, v40;
	v38 =	vadd.f32 v38, v45  }
0x64: {  	v55 =	vsel vm13, v35, v53;
	v54 =	vadd.f32 v47, v52;
	[tilespmem:s30+$0x2700] =	vst v37  }
0x65: {  	v56 =	vadd.f32 v50, v55;
	[tilespmem:s30+$0x2710] =	vst v38  }
0x66: {  	v57 =	vperm.xlane v36, v3;
	[tilespmem:s30+$0x2720] =	vst v54  }
0x67: {  	[tilespmem:s30+$0x2730] =	vst v56  }
0x68: {  	[tilespmem:$0x2480] =	vst v57  }
0x69: {  	vm14 =	veq.s32 v57, $0x1;
	vm15 =	veq.s32 v57, $0x2;
	vm6 =	veq.s32 v57, $0x3;
	v58 =	vld [tilespmem:s30+$0x580]  }
0x6a: {  	vm7 =	veq.s32 v57, $0x4;
	v59 =	vsel vm14, v20, v16;
	v62 =	vsel vm14, v21, v17;
	v61 =	vld [tilespmem:s30+$0x590]  }
0x6b: {  	v46 =	vsel vm14, v22, v18;
	v48 =	vsel vm14, v23, v19;
	v39 =	vsel vm15, v24, v59;
	v63 =	vld [tilespmem:s30+$0x5A0]  }
0x6c: {  	v40 =	vsel vm15, v26, v46;
	v60 =	vsel vm6, v28, v39;
	v45 =	vsel vm15, v25, v62;
	v47 =	vld [tilespmem:s30+$0x5B0]  }
0x6d: {  	v43 =	vsel vm15, v27, v48;
	v37 =	vsel vm7, v32, v60;
	v38 =	vsel vm6, v29, v45  }
0x6e: {  	v40 =	vsel vm6, v30, v40;
	v38 =	vsel vm7, v33, v38;
	v37 =	vadd.f32 v37, v58  }
0x6f: {  	v49 =	vsel vm7, v34, v40;
	v50 =	vsel vm6, v31, v43;
	v38 =	vadd.f32 v38, v61  }
0x70: {  	v52 =	vsel vm7, v35, v50;
	v51 =	vadd.f32 v63, v49;
	[tilespmem:s30+$0x2780] =	vst v37  }
0x71: {  	v53 =	vadd.f32 v47, v52;
	[tilespmem:s30+$0x2790] =	vst v38  }
0x72: {  	v54 =	vperm.xlane v36, v4;
	[tilespmem:s30+$0x27A0] =	vst v51  }
0x73: {  	[tilespmem:s30+$0x27B0] =	vst v53  }
0x74: {  	[tilespmem:$0x2480] =	vst v54  }
0x75: {  	vm8 =	veq.s32 v54, $0x1;
	vm9 =	veq.s32 v54, $0x2;
	vm10 =	veq.s32 v54, $0x3;
	v55 =	vld [tilespmem:s30+$0x600]  }
0x76: {  	vm11 =	veq.s32 v54, $0x4;
	v56 =	vsel vm8, v20, v16;
	v59 =	vsel vm8, v21, v17;
	v58 =	vld [tilespmem:s30+$0x610]  }
0x77: {  	v62 =	vsel vm8, v22, v18;
	v45 =	vsel vm8, v23, v19;
	v39 =	vsel vm9, v24, v56;
	v60 =	vld [tilespmem:s30+$0x620]  }
0x78: {  	v40 =	vsel vm9, v26, v62;
	v57 =	vsel vm10, v28, v39;
	v61 =	vsel vm9, v25, v59;
	v63 =	vld [tilespmem:s30+$0x630]  }
0x79: {  	v43 =	vsel vm9, v27, v45;
	v37 =	vsel vm11, v32, v57;
	v38 =	vsel vm10, v29, v61  }
0x7a: {  	v40 =	vsel vm10, v30, v40;
	v38 =	vsel vm11, v33, v38;
	v37 =	vadd.f32 v37, v55  }
0x7b: {  	v46 =	vsel vm11, v34, v40;
	v47 =	vsel vm10, v31, v43;
	v38 =	vadd.f32 v38, v58  }
0x7c: {  	v49 =	vsel vm11, v35, v47;
	v48 =	vadd.f32 v60, v46;
	[tilespmem:s30+$0x2800] =	vst v37  }
0x7d: {  	v50 =	vadd.f32 v63, v49;
	[tilespmem:s30+$0x2810] =	vst v38  }
0x7e: {  	v51 =	vperm.xlane v36, v5;
	[tilespmem:s30+$0x2820] =	vst v48  }
0x7f: {  	[tilespmem:s30+$0x2830] =	vst v50  }
0x80: {  	[tilespmem:$0x2480] =	vst v51  }
0x81: {  	vm12 =	veq.s32 v51, $0x1;
	vm13 =	veq.s32 v51, $0x2;
	vm14 =	veq.s32 v51, $0x3;
	v52 =	vld [tilespmem:s30+$0x680]  }
0x82: {  	vm15 =	veq.s32 v51, $0x4;
	v53 =	vsel vm12, v20, v16;
	v56 =	vsel vm12, v21, v17;
	v55 =	vld [tilespmem:s30+$0x690]  }
0x83: {  	v59 =	vsel vm12, v22, v18;
	v61 =	vsel vm12, v23, v19;
	v39 =	vsel vm13, v24, v53;
	v57 =	vld [tilespmem:s30+$0x6A0]  }
0x84: {  	v40 =	vsel vm13, v26, v59;
	v54 =	vsel vm14, v28, v39;
	v58 =	vsel vm13, v25, v56;
	v60 =	vld [tilespmem:s30+$0x6B0]  }
0x85: {  	v43 =	vsel vm13, v27, v61;
	v37 =	vsel vm15, v32, v54;
	v38 =	vsel vm14, v29, v58  }
0x86: {  	v40 =	vsel vm14, v30, v40;
	v38 =	vsel vm15, v33, v38;
	v37 =	vadd.f32 v37, v52  }
0x87: {  	v62 =	vsel vm15, v34, v40;
	v63 =	vsel vm14, v31, v43;
	v38 =	vadd.f32 v38, v55  }
0x88: {  	v44 =	vsel vm15, v35, v63;
	v43 =	vadd.f32 v57, v62;
	[tilespmem:s30+$0x2880] =	vst v37  }
0x89: {  	v45 =	vadd.f32 v60, v44;
	[tilespmem:s30+$0x2890] =	vst v38  }
0x8a: {  	v46 =	vperm.xlane v36, v6;
	[tilespmem:s30+$0x28A0] =	vst v43  }
0x8b: {  	[tilespmem:s30+$0x28B0] =	vst v45  }
0x8c: {  	[tilespmem:$0x2480] =	vst v46  }
0x8d: {  	vm6 =	veq.s32 v46, $0x1;
	vm7 =	veq.s32 v46, $0x2;
	vm8 =	veq.s32 v46, $0x3;
	v47 =	vld [tilespmem:s30+$0x700]  }
0x8e: {  	vm9 =	veq.s32 v46, $0x4;
	v48 =	vsel vm6, v20, v16;
	v51 =	vsel vm6, v21, v17;
	v50 =	vld [tilespmem:s30+$0x710]  }
0x8f: {  	v54 =	vsel vm6, v22, v18;
	v56 =	vsel vm6, v23, v19;
	v39 =	vsel vm7, v24, v48;
	v52 =	vld [tilespmem:s30+$0x720]  }
0x90: {  	v53 =	vsel vm7, v25, v51;
	v40 =	vsel vm7, v26, v54;
	v49 =	vsel vm8, v28, v39;
	v55 =	vld [tilespmem:s30+$0x730]  }
0x91: {  	v40 =	vsel vm8, v30, v40;
	v37 =	vsel vm9, v32, v49;
	v38 =	vsel vm8, v29, v53  }
0x92: {  	v43 =	vsel vm7, v27, v56;
	v38 =	vsel vm9, v33, v38;
	v37 =	vadd.f32 v37, v47  }
0x93: {  	v57 =	vsel vm9, v34, v40;
	v58 =	vsel vm8, v31, v43;
	v38 =	vadd.f32 v38, v50  }
0x94: {  	v60 =	vsel vm9, v35, v58;
	v59 =	vadd.f32 v52, v57;
	[tilespmem:s30+$0x2900] =	vst v37  }
0x95: {  	v61 =	vadd.f32 v55, v60;
	[tilespmem:s30+$0x2910] =	vst v38  }
0x96: {  	v62 =	vperm.xlane v36, v7;
	[tilespmem:s30+$0x2920] =	vst v59  }
0x97: {  	[tilespmem:s30+$0x2930] =	vst v61  }
0x98: {  	[tilespmem:$0x2480] =	vst v62  }
0x99: {  	vm10 =	veq.s32 v62, $0x1;
	vm11 =	veq.s32 v62, $0x2;
	vm12 =	veq.s32 v62, $0x3;
	v63 =	vld [tilespmem:s30+$0x780]  }
0x9a: {  	vm13 =	veq.s32 v62, $0x4;
	v43 =	vsel vm10, v20, v16;
	v46 =	vsel vm10, v21, v17;
	v45 =	vld [tilespmem:s30+$0x790]  }
0x9b: {  	v49 =	vsel vm10, v22, v18;
	v51 =	vsel vm10, v23, v19;
	v39 =	vsel vm11, v24, v43;
	v47 =	vld [tilespmem:s30+$0x7A0]  }
0x9c: {  	v48 =	vsel vm11, v25, v46;
	v40 =	vsel vm11, v26, v49;
	v44 =	vsel vm12, v28, v39;
	v50 =	vld [tilespmem:s30+$0x7B0]  }
0x9d: {  	v43 =	vsel vm11, v27, v51;
	v37 =	vsel vm13, v32, v44;
	v38 =	vsel vm12, v29, v48  }
0x9e: {  	v40 =	vsel vm12, v30, v40;
	v38 =	vsel vm13, v33, v38;
	v37 =	vadd.f32 v37, v63  }
0x9f: {  	v53 =	vsel vm12, v31, v43;
	v52 =	vsel vm13, v34, v40;
	v38 =	vadd.f32 v38, v45  }
0xa0: {  	v55 =	vsel vm13, v35, v53;
	v54 =	vadd.f32 v47, v52;
	[tilespmem:s30+$0x2980] =	vst v37  }
0xa1: {  	v56 =	vadd.f32 v50, v55;
	[tilespmem:s30+$0x2990] =	vst v38  }
0xa2: {  	v57 =	vperm.xlane v36, v8;
	[tilespmem:s30+$0x29A0] =	vst v54  }
0xa3: {  	[tilespmem:s30+$0x29B0] =	vst v56  }
0xa4: {  	[tilespmem:$0x2480] =	vst v57  }
0xa5: {  	vm14 =	veq.s32 v57, $0x1;
	vm15 =	veq.s32 v57, $0x2;
	vm6 =	veq.s32 v57, $0x3;
	v58 =	vld [tilespmem:s30+$0x800]  }
0xa6: {  	vm7 =	veq.s32 v57, $0x4;
	v59 =	vsel vm14, v20, v16;
	v62 =	vsel vm14, v21, v17;
	v61 =	vld [tilespmem:s30+$0x810]  }
0xa7: {  	v46 =	vsel vm14, v22, v18;
	v48 =	vsel vm14, v23, v19;
	v39 =	vsel vm15, v24, v59;
	v63 =	vld [tilespmem:s30+$0x820]  }
0xa8: {  	v40 =	vsel vm15, v26, v46;
	v60 =	vsel vm6, v28, v39;
	v45 =	vsel vm15, v25, v62;
	v47 =	vld [tilespmem:s30+$0x830]  }
0xa9: {  	v43 =	vsel vm15, v27, v48;
	v37 =	vsel vm7, v32, v60;
	v38 =	vsel vm6, v29, v45  }
0xaa: {  	v40 =	vsel vm6, v30, v40;
	v38 =	vsel vm7, v33, v38;
	v37 =	vadd.f32 v37, v58  }
0xab: {  	v49 =	vsel vm7, v34, v40;
	v50 =	vsel vm6, v31, v43;
	v38 =	vadd.f32 v38, v61  }
0xac: {  	v52 =	vsel vm7, v35, v50;
	v51 =	vadd.f32 v63, v49;
	[tilespmem:s30+$0x2A00] =	vst v37  }
0xad: {  	v53 =	vadd.f32 v47, v52;
	[tilespmem:s30+$0x2A10] =	vst v38  }
0xae: {  	v54 =	vperm.xlane v36, v9;
	[tilespmem:s30+$0x2A20] =	vst v51  }
0xaf: {  	[tilespmem:s30+$0x2A30] =	vst v53  }
0xb0: {  	[tilespmem:$0x2480] =	vst v54  }
0xb1: {  	vm8 =	veq.s32 v54, $0x1;
	vm9 =	veq.s32 v54, $0x2;
	vm10 =	veq.s32 v54, $0x3;
	v55 =	vld [tilespmem:s30+$0x880]  }
0xb2: {  	vm11 =	veq.s32 v54, $0x4;
	v56 =	vsel vm8, v20, v16;
	v59 =	vsel vm8, v21, v17;
	v58 =	vld [tilespmem:s30+$0x890]  }
0xb3: {  	v62 =	vsel vm8, v22, v18;
	v45 =	vsel vm8, v23, v19;
	v39 =	vsel vm9, v24, v56;
	v60 =	vld [tilespmem:s30+$0x8A0]  }
0xb4: {  	v40 =	vsel vm9, v26, v62;
	v57 =	vsel vm10, v28, v39;
	v61 =	vsel vm9, v25, v59;
	v63 =	vld [tilespmem:s30+$0x8B0]  }
0xb5: {  	v43 =	vsel vm9, v27, v45;
	v37 =	vsel vm11, v32, v57;
	v38 =	vsel vm10, v29, v61  }
0xb6: {  	v40 =	vsel vm10, v30, v40;
	v38 =	vsel vm11, v33, v38;
	v37 =	vadd.f32 v37, v55  }
0xb7: {  	v46 =	vsel vm11, v34, v40;
	v47 =	vsel vm10, v31, v43;
	v38 =	vadd.f32 v38, v58  }
0xb8: {  	v49 =	vsel vm11, v35, v47;
	v48 =	vadd.f32 v60, v46;
	[tilespmem:s30+$0x2A80] =	vst v37  }
0xb9: {  	v50 =	vadd.f32 v63, v49;
	[tilespmem:s30+$0x2A90] =	vst v38  }
0xba: {  	v51 =	vperm.xlane v36, v10;
	[tilespmem:s30+$0x2AA0] =	vst v48  }
0xbb: {  	[tilespmem:s30+$0x2AB0] =	vst v50  }
0xbc: {  	[tilespmem:$0x2480] =	vst v51  }
0xbd: {  	vm12 =	veq.s32 v51, $0x1;
	vm13 =	veq.s32 v51, $0x2;
	vm14 =	veq.s32 v51, $0x3;
	v52 =	vld [tilespmem:s30+$0x900]  }
0xbe: {  	vm15 =	veq.s32 v51, $0x4;
	v53 =	vsel vm12, v20, v16;
	v56 =	vsel vm12, v21, v17;
	v55 =	vld [tilespmem:s30+$0x910]  }
0xbf: {  	v59 =	vsel vm12, v22, v18;
	v61 =	vsel vm12, v23, v19;
	v39 =	vsel vm13, v24, v53;
	v57 =	vld [tilespmem:s30+$0x920]  }
0xc0: {  	v40 =	vsel vm13, v26, v59;
	v54 =	vsel vm14, v28, v39;
	v58 =	vsel vm13, v25, v56;
	v60 =	vld [tilespmem:s30+$0x930]  }
0xc1: {  	v43 =	vsel vm13, v27, v61;
	v37 =	vsel vm15, v32, v54;
	v38 =	vsel vm14, v29, v58  }
0xc2: {  	v40 =	vsel vm14, v30, v40;
	v38 =	vsel vm15, v33, v38;
	v37 =	vadd.f32 v37, v52  }
0xc3: {  	v62 =	vsel vm15, v34, v40;
	v63 =	vsel vm14, v31, v43;
	v38 =	vadd.f32 v38, v55  }
0xc4: {  	v44 =	vsel vm15, v35, v63;
	v43 =	vadd.f32 v57, v62;
	[tilespmem:s30+$0x2B00] =	vst v37  }
0xc5: {  	v45 =	vadd.f32 v60, v44;
	[tilespmem:s30+$0x2B10] =	vst v38  }
0xc6: {  	v46 =	vperm.xlane v36, v11;
	[tilespmem:s30+$0x2B20] =	vst v43  }
0xc7: {  	[tilespmem:s30+$0x2B30] =	vst v45  }
0xc8: {  	[tilespmem:$0x2480] =	vst v46  }
0xc9: {  	vm6 =	veq.s32 v46, $0x1;
	vm7 =	veq.s32 v46, $0x2;
	vm8 =	veq.s32 v46, $0x3;
	v47 =	vld [tilespmem:s30+$0x980]  }
0xca: {  	vm9 =	veq.s32 v46, $0x4;
	v48 =	vsel vm6, v20, v16;
	v51 =	vsel vm6, v21, v17;
	v50 =	vld [tilespmem:s30+$0x990]  }
0xcb: {  	v54 =	vsel vm6, v22, v18;
	v56 =	vsel vm6, v23, v19;
	v39 =	vsel vm7, v24, v48;
	v52 =	vld [tilespmem:s30+$0x9A0]  }
0xcc: {  	v53 =	vsel vm7, v25, v51;
	v40 =	vsel vm7, v26, v54;
	v49 =	vsel vm8, v28, v39;
	v55 =	vld [tilespmem:s30+$0x9B0]  }
0xcd: {  	v40 =	vsel vm8, v30, v40;
	v37 =	vsel vm9, v32, v49;
	v38 =	vsel vm8, v29, v53  }
0xce: {  	v43 =	vsel vm7, v27, v56;
	v38 =	vsel vm9, v33, v38;
	v37 =	vadd.f32 v37, v47  }
0xcf: {  	v57 =	vsel vm9, v34, v40;
	v58 =	vsel vm8, v31, v43;
	v38 =	vadd.f32 v38, v50  }
0xd0: {  	v60 =	vsel vm9, v35, v58;
	v59 =	vadd.f32 v52, v57;
	[tilespmem:s30+$0x2B80] =	vst v37  }
0xd1: {  	v61 =	vadd.f32 v55, v60;
	[tilespmem:s30+$0x2B90] =	vst v38  }
0xd2: {  	v62 =	vperm.xlane v36, v12;
	[tilespmem:s30+$0x2BA0] =	vst v59  }
0xd3: {  	[tilespmem:s30+$0x2BB0] =	vst v61  }
0xd4: {  	[tilespmem:$0x2480] =	vst v62  }
0xd5: {  	vm10 =	veq.s32 v62, $0x1;
	vm11 =	veq.s32 v62, $0x2;
	vm12 =	veq.s32 v62, $0x3;
	v63 =	vld [tilespmem:s30+$0xA00]  }
0xd6: {  	vm13 =	veq.s32 v62, $0x4;
	v43 =	vsel vm10, v20, v16;
	v46 =	vsel vm10, v21, v17;
	v45 =	vld [tilespmem:s30+$0xA10]  }
0xd7: {  	v49 =	vsel vm10, v22, v18;
	v51 =	vsel vm10, v23, v19;
	v39 =	vsel vm11, v24, v43;
	v47 =	vld [tilespmem:s30+$0xA20]  }
0xd8: {  	v48 =	vsel vm11, v25, v46;
	v40 =	vsel vm11, v26, v49;
	v44 =	vsel vm12, v28, v39;
	v50 =	vld [tilespmem:s30+$0xA30]  }
0xd9: {  	v43 =	vsel vm11, v27, v51;
	v37 =	vsel vm13, v32, v44;
	v38 =	vsel vm12, v29, v48  }
0xda: {  	v40 =	vsel vm12, v30, v40;
	v38 =	vsel vm13, v33, v38;
	v37 =	vadd.f32 v37, v63  }
0xdb: {  	v53 =	vsel vm12, v31, v43;
	v52 =	vsel vm13, v34, v40;
	v38 =	vadd.f32 v38, v45  }
0xdc: {  	v55 =	vsel vm13, v35, v53;
	v54 =	vadd.f32 v47, v52;
	[tilespmem:s30+$0x2C00] =	vst v37  }
0xdd: {  	v56 =	vadd.f32 v50, v55;
	[tilespmem:s30+$0x2C10] =	vst v38  }
0xde: {  	v57 =	vperm.xlane v36, v13;
	[tilespmem:s30+$0x2C20] =	vst v54  }
0xdf: {  	[tilespmem:s30+$0x2C30] =	vst v56  }
0xe0: {  	[tilespmem:$0x2480] =	vst v57  }
0xe1: {  	vm14 =	veq.s32 v57, $0x1;
	vm15 =	veq.s32 v57, $0x2;
	vm6 =	veq.s32 v57, $0x3;
	v58 =	vld [tilespmem:s30+$0xA80]  }
0xe2: {  	vm7 =	veq.s32 v57, $0x4;
	v59 =	vsel vm14, v20, v16;
	v62 =	vsel vm14, v21, v17;
	v61 =	vld [tilespmem:s30+$0xA90]  }
0xe3: {  	v46 =	vsel vm14, v22, v18;
	v48 =	vsel vm14, v23, v19;
	v39 =	vsel vm15, v24, v59;
	v63 =	vld [tilespmem:s30+$0xAA0]  }
0xe4: {  	v40 =	vsel vm15, v26, v46;
	v60 =	vsel vm6, v28, v39;
	v45 =	vsel vm15, v25, v62;
	v47 =	vld [tilespmem:s30+$0xAB0]  }
0xe5: {  	v43 =	vsel vm15, v27, v48;
	v37 =	vsel vm7, v32, v60;
	v38 =	vsel vm6, v29, v45  }
0xe6: {  	v40 =	vsel vm6, v30, v40;
	v38 =	vsel vm7, v33, v38;
	v37 =	vadd.f32 v37, v58  }
0xe7: {  	v49 =	vsel vm7, v34, v40;
	v50 =	vsel vm6, v31, v43;
	v38 =	vadd.f32 v38, v61  }
0xe8: {  	v52 =	vsel vm7, v35, v50;
	v51 =	vadd.f32 v63, v49;
	[tilespmem:s30+$0x2C80] =	vst v37  }
0xe9: {  	v53 =	vadd.f32 v47, v52;
	[tilespmem:s30+$0x2C90] =	vst v38  }
0xea: {  	v54 =	vperm.xlane v36, v14;
	[tilespmem:s30+$0x2CA0] =	vst v51  }
0xeb: {  	[tilespmem:s30+$0x2CB0] =	vst v53  }
0xec: {  	[tilespmem:$0x2480] =	vst v54  }
0xed: {  	vm8 =	veq.s32 v54, $0x1;
	vm9 =	veq.s32 v54, $0x2;
	vm10 =	veq.s32 v54, $0x3;
	v55 =	vld [tilespmem:s30+$0xB00]  }
0xee: {  	vm11 =	veq.s32 v54, $0x4;
	v56 =	vsel vm8, v20, v16;
	v59 =	vsel vm8, v21, v17;
	v58 =	vld [tilespmem:s30+$0xB10]  }
0xef: {  	v62 =	vsel vm8, v22, v18;
	v45 =	vsel vm8, v23, v19;
	v39 =	vsel vm9, v24, v56;
	v60 =	vld [tilespmem:s30+$0xB20]  }
0xf0: {  	v40 =	vsel vm9, v26, v62;
	v57 =	vsel vm10, v28, v39;
	v61 =	vsel vm9, v25, v59;
	v63 =	vld [tilespmem:s30+$0xB30]  }
0xf1: {  	v43 =	vsel vm9, v27, v45;
	v37 =	vsel vm11, v32, v57;
	v38 =	vsel vm10, v29, v61  }
0xf2: {  	v40 =	vsel vm10, v30, v40;
	v38 =	vsel vm11, v33, v38;
	v37 =	vadd.f32 v37, v55  }
0xf3: {  	v46 =	vsel vm11, v34, v40;
	v47 =	vsel vm10, v31, v43;
	v38 =	vadd.f32 v38, v58  }
0xf4: {  	v49 =	vsel vm11, v35, v47;
	v48 =	vadd.f32 v60, v46;
	[tilespmem:s30+$0x2D00] =	vst v37  }
0xf5: {  	v50 =	vadd.f32 v63, v49;
	[tilespmem:s30+$0x2D10] =	vst v38  }
0xf6: {  	v36 =	vperm.xlane v36, v15;
	[tilespmem:s30+$0x2D20] =	vst v48  }
0xf7: {  	[tilespmem:s30+$0x2D30] =	vst v50  }
0xf8: {  	[tilespmem:$0x2480] =	vst v36  }
0xf9: {  	vm12 =	veq.s32 v36, $0x1;
	vm13 =	veq.s32 v36, $0x2;
	vm14 =	veq.s32 v36, $0x3;
	v51 =	vld [tilespmem:s30+$0xB80]  }
0xfa: {  	vm15 =	veq.s32 v36, $0x4;
	v52 =	vsel vm12, v20, v16;
	v55 =	vsel vm12, v21, v17;
	v54 =	vld [tilespmem:s30+$0xB90]  }
0xfb: {  	v58 =	vsel vm12, v22, v18;
	v60 =	vsel vm12, v23, v19;
	v38 =	vsel vm13, v24, v52;
	v56 =	vld [tilespmem:s30+$0xBA0]  }
0xfc: {  	v57 =	vsel vm13, v25, v55;
	v39 =	vsel vm13, v26, v58;
	v53 =	vsel vm14, v28, v38;
	v59 =	vld [tilespmem:s30+$0xBB0]  }
0xfd: {  	v42 =	vsel vm13, v27, v60;
	v37 =	vsel vm14, v29, v57;
	v36 =	vsel vm15, v32, v53  }
0xfe: {  	p2 =	sne.s32 s28, $0x6000;
	v39 =	vsel vm14, v30, v39;
	v37 =	vsel vm15, v33, v37;
	v36 =	vadd.f32 v36, v51  }
.Ltmp2:
0xff: {  	v61 =	vsel vm14, v31, v42;
	v39 =	vsel vm15, v34, v39;
	v37 =	vadd.f32 v37, v54;
	(pc) =	sbr.rel @p2 .LBB2_6-.Ltmp2, $4  }
0x100: {  	v38 =	vsel vm15, v35, v61;
	v62 =	vadd.f32 v56, v39;
	[tilespmem:s30+$0x2D80] =	vst v36  }
0x101: {  	v63 =	vadd.f32 v59, v38;
	[tilespmem:s30+$0x2D90] =	vst v37  }
0x102: {  	[tilespmem:s30+$0x2DA0] =	vst v62  }
0x103: {  	s29 =	sadd.s32 $0x10, s29;
	s28 =	sadd.s32 $0x2000, s28;
	[tilespmem:s30+$0x2DB0] =	vst v63  }
0x104: {  	s28 =	sshll.u32 s25, $0x10  }
0x105: {  	s29 =	sadd.s32 s6, s28  }
0x106: {  	s29 =	sadd.s32 s5, s29  }
0x107: {  	[hbm4b:s29+s4] =	stream.linear.scatter [tilespmem:s19], [sflag:$0x3], $0x2000, $0x38;
	[tilespmem:$0x6600] =	vst v63  }
0x108: {  	_ =	swait.ge [sflag:s20], $0x40  }
0x109: {  	[sflag:s20] =	ssyncset.done $0x0  }
0x10a: {  	[sflag:s20] =	ssyncadd.s32 $0xFFFFFFC0  }
0x10b: {  	v36 =	vld [tilespmem:$0x2580]  }
0x10c: {  	v37 =	vld [tilespmem:$0x2590]  }
0x10d: {  	v38 =	vld [tilespmem:$0x25A0]  }
0x10e: {  	v39 =	vld [tilespmem:$0x25B0];
	_ =	sdelay $0x1  }
0x10f: {  	[tilespmem:$0x2400] =	vst v36  }
0x110: {  	s26 =	sadd.s32 @!p0 s11, s26;
	[tilespmem:$0x2410] =	vst v37  }
0x111: {  	s26 =	sshrl.u32 @!p0 s26, $0x3;
	[tilespmem:$0x2420] =	vst v38  }
0x112: {  	s30 =	simm.s32 @!p0 $0x2580;
	s26 =	sadd.s32 @!p0 s1, s26;
	s29 =	simm.s32 @!p0 $0x0;
	[tilespmem:$0x2430] =	vst v39  }
0x113: {  	[tilespmem:s30], [sflag:$0x2] =	stream.linear.gather @!p0 [hbm4b:s26+s29], $0x40, $0x38;
	[tilespmem:$0x6600] =	vst v63  }
0x114: {  	s26 =	simm.s32 @!p1 $0x4  }
0x115: {  	_ =	swait.ge @!p1 [sflag:s26], $0x2000  }
0x116: {  	[sflag:s26] =	ssyncset.done @!p1 $0x0  }
0x117: {  	s29 =	simm.s32 $0x2400;
	[sflag:s26] =	ssyncadd.s32 @!p1 $0xFFFFE000;
	s26 =	simm.s32 $0x0  }
.LBB2_8:
0x118: {  	v36 =	vld [tilespmem:s29+$0x0];
	_ =	sdelay $0x4  }
0x119: {  	v37 =	vperm.xlane v36, v0;
	_ =	sdelay $0x1  }
0x11a: {  	s30 =	sshra.s32 s26, $0x2;
	[tilespmem:$0x2480] =	vst v37  }
0x11b: {  	vm0 =	veq.s32 v37, $0x1;
	vm1 =	veq.s32 v37, $0x2;
	vm2 =	veq.s32 v37, $0x3;
	v38 =	vld [tilespmem:s30+$0x400]  }
0x11c: {  	vm3 =	veq.s32 v37, $0x4;
	v39 =	vsel vm0, v20, v16;
	v40 =	vsel vm0, v21, v17;
	v41 =	vld [tilespmem:s30+$0x420]  }
0x11d: {  	v61 =	vsel vm0, v22, v18;
	v42 =	vld [tilespmem:s30+$0x430];
	v43 =	vsel vm0, v23, v19;
	v39 =	vsel vm1, v24, v39  }
0x11e: {  	v59 =	vld [tilespmem:s30+$0x410];
	v60 =	vsel vm1, v25, v40;
	v40 =	vsel vm1, v26, v61;
	v58 =	vsel vm2, v28, v39  }
0x11f: {  	v43 =	vsel vm1, v27, v43;
	v40 =	vsel vm2, v30, v40;
	v37 =	vsel vm3, v32, v58  }
0x120: {  	v63 =	vsel vm2, v31, v43;
	v62 =	vsel vm3, v34, v40;
	v37 =	vadd.f32 v37, v38  }
0x121: {  	v44 =	vsel vm3, v35, v63;
	v38 =	vsel vm2, v29, v60;
	v43 =	vadd.f32 v41, v62  }
0x122: {  	v45 =	vadd.f32 v42, v44;
	v38 =	vsel vm3, v33, v38;
	[tilespmem:s30+$0x4600] =	vst v37  }
0x123: {  	v38 =	vadd.f32 v38, v59;
	[tilespmem:s30+$0x4620] =	vst v43  }
0x124: {  	v46 =	vperm.xlane v36, v1;
	[tilespmem:s30+$0x4630] =	vst v45  }
0x125: {  	[tilespmem:s30+$0x4610] =	vst v38  }
0x126: {  	[tilespmem:$0x2480] =	vst v46  }
0x127: {  	vm6 =	veq.s32 v46, $0x1;
	vm7 =	veq.s32 v46, $0x2;
	vm8 =	veq.s32 v46, $0x3;
	v47 =	vld [tilespmem:s30+$0x480]  }
0x128: {  	vm9 =	veq.s32 v46, $0x4;
	v48 =	vsel vm6, v20, v16;
	v51 =	vsel vm6, v21, v17;
	v50 =	vld [tilespmem:s30+$0x490]  }
0x129: {  	v54 =	vsel vm6, v22, v18;
	v56 =	vsel vm6, v23, v19;
	v39 =	vsel vm7, v24, v48;
	v52 =	vld [tilespmem:s30+$0x4A0]  }
0x12a: {  	v53 =	vsel vm7, v25, v51;
	v49 =	vsel vm8, v28, v39;
	v40 =	vsel vm7, v26, v54;
	v55 =	vld [tilespmem:s30+$0x4B0]  }
0x12b: {  	v40 =	vsel vm8, v30, v40;
	v37 =	vsel vm9, v32, v49;
	v38 =	vsel vm8, v29, v53  }
0x12c: {  	v43 =	vsel vm7, v27, v56;
	v38 =	vsel vm9, v33, v38;
	v37 =	vadd.f32 v37, v47  }
0x12d: {  	v57 =	vsel vm9, v34, v40;
	v58 =	vsel vm8, v31, v43;
	v38 =	vadd.f32 v38, v50  }
0x12e: {  	v60 =	vsel vm9, v35, v58;
	v59 =	vadd.f32 v52, v57;
	[tilespmem:s30+$0x4680] =	vst v37  }
0x12f: {  	v61 =	vadd.f32 v55, v60;
	[tilespmem:s30+$0x4690] =	vst v38  }
0x130: {  	v62 =	vperm.xlane v36, v2;
	[tilespmem:s30+$0x46A0] =	vst v59  }
0x131: {  	[tilespmem:s30+$0x46B0] =	vst v61  }
0x132: {  	[tilespmem:$0x2480] =	vst v62  }
0x133: {  	vm10 =	veq.s32 v62, $0x1;
	vm11 =	veq.s32 v62, $0x2;
	vm12 =	veq.s32 v62, $0x3;
	v63 =	vld [tilespmem:s30+$0x500]  }
0x134: {  	vm13 =	veq.s32 v62, $0x4;
	v43 =	vsel vm10, v20, v16;
	v49 =	vsel vm10, v22, v18;
	v45 =	vld [tilespmem:s30+$0x510]  }
0x135: {  	v51 =	vsel vm10, v23, v19;
	v39 =	vsel vm11, v24, v43;
	v46 =	vsel vm10, v21, v17;
	v47 =	vld [tilespmem:s30+$0x520]  }
0x136: {  	v40 =	vsel vm11, v26, v49;
	v44 =	vsel vm12, v28, v39;
	v48 =	vsel vm11, v25, v46;
	v50 =	vld [tilespmem:s30+$0x530]  }
0x137: {  	v43 =	vsel vm11, v27, v51;
	v37 =	vsel vm13, v32, v44;
	v38 =	vsel vm12, v29, v48  }
0x138: {  	v40 =	vsel vm12, v30, v40;
	v38 =	vsel vm13, v33, v38;
	v37 =	vadd.f32 v37, v63  }
0x139: {  	v53 =	vsel vm12, v31, v43;
	v52 =	vsel vm13, v34, v40;
	v38 =	vadd.f32 v38, v45  }
0x13a: {  	v55 =	vsel vm13, v35, v53;
	v54 =	vadd.f32 v47, v52;
	[tilespmem:s30+$0x4700] =	vst v37  }
0x13b: {  	v56 =	vadd.f32 v50, v55;
	[tilespmem:s30+$0x4710] =	vst v38  }
0x13c: {  	v57 =	vperm.xlane v36, v3;
	[tilespmem:s30+$0x4720] =	vst v54  }
0x13d: {  	[tilespmem:s30+$0x4730] =	vst v56  }
0x13e: {  	[tilespmem:$0x2480] =	vst v57  }
0x13f: {  	vm14 =	veq.s32 v57, $0x1;
	vm15 =	veq.s32 v57, $0x2;
	vm6 =	veq.s32 v57, $0x3;
	v58 =	vld [tilespmem:s30+$0x580]  }
0x140: {  	vm7 =	veq.s32 v57, $0x4;
	v59 =	vsel vm14, v20, v16;
	v62 =	vsel vm14, v21, v17;
	v61 =	vld [tilespmem:s30+$0x590]  }
0x141: {  	v46 =	vsel vm14, v22, v18;
	v48 =	vsel vm14, v23, v19;
	v39 =	vsel vm15, v24, v59;
	v63 =	vld [tilespmem:s30+$0x5A0]  }
0x142: {  	v40 =	vsel vm15, v26, v46;
	v60 =	vsel vm6, v28, v39;
	v45 =	vsel vm15, v25, v62;
	v47 =	vld [tilespmem:s30+$0x5B0]  }
0x143: {  	v43 =	vsel vm15, v27, v48;
	v37 =	vsel vm7, v32, v60;
	v38 =	vsel vm6, v29, v45  }
0x144: {  	v40 =	vsel vm6, v30, v40;
	v38 =	vsel vm7, v33, v38;
	v37 =	vadd.f32 v37, v58  }
0x145: {  	v49 =	vsel vm7, v34, v40;
	v50 =	vsel vm6, v31, v43;
	v38 =	vadd.f32 v38, v61  }
0x146: {  	v52 =	vsel vm7, v35, v50;
	v51 =	vadd.f32 v63, v49;
	[tilespmem:s30+$0x4780] =	vst v37  }
0x147: {  	v53 =	vadd.f32 v47, v52;
	[tilespmem:s30+$0x4790] =	vst v38  }
0x148: {  	v54 =	vperm.xlane v36, v4;
	[tilespmem:s30+$0x47A0] =	vst v51  }
0x149: {  	[tilespmem:s30+$0x47B0] =	vst v53  }
0x14a: {  	[tilespmem:$0x2480] =	vst v54  }
0x14b: {  	vm8 =	veq.s32 v54, $0x1;
	vm9 =	veq.s32 v54, $0x2;
	vm10 =	veq.s32 v54, $0x3;
	v55 =	vld [tilespmem:s30+$0x600]  }
0x14c: {  	vm11 =	veq.s32 v54, $0x4;
	v56 =	vsel vm8, v20, v16;
	v59 =	vsel vm8, v21, v17;
	v58 =	vld [tilespmem:s30+$0x610]  }
0x14d: {  	v62 =	vsel vm8, v22, v18;
	v45 =	vsel vm8, v23, v19;
	v39 =	vsel vm9, v24, v56;
	v60 =	vld [tilespmem:s30+$0x620]  }
0x14e: {  	v40 =	vsel vm9, v26, v62;
	v57 =	vsel vm10, v28, v39;
	v61 =	vsel vm9, v25, v59;
	v63 =	vld [tilespmem:s30+$0x630]  }
0x14f: {  	v43 =	vsel vm9, v27, v45;
	v37 =	vsel vm11, v32, v57;
	v38 =	vsel vm10, v29, v61  }
0x150: {  	v40 =	vsel vm10, v30, v40;
	v38 =	vsel vm11, v33, v38;
	v37 =	vadd.f32 v37, v55  }
0x151: {  	v46 =	vsel vm11, v34, v40;
	v47 =	vsel vm10, v31, v43;
	v38 =	vadd.f32 v38, v58  }
0x152: {  	v49 =	vsel vm11, v35, v47;
	v48 =	vadd.f32 v60, v46;
	[tilespmem:s30+$0x4800] =	vst v37  }
0x153: {  	v50 =	vadd.f32 v63, v49;
	[tilespmem:s30+$0x4810] =	vst v38  }
0x154: {  	v51 =	vperm.xlane v36, v5;
	[tilespmem:s30+$0x4820] =	vst v48  }
0x155: {  	[tilespmem:s30+$0x4830] =	vst v50  }
0x156: {  	[tilespmem:$0x2480] =	vst v51  }
0x157: {  	vm12 =	veq.s32 v51, $0x1;
	vm13 =	veq.s32 v51, $0x2;
	vm14 =	veq.s32 v51, $0x3;
	v52 =	vld [tilespmem:s30+$0x680]  }
0x158: {  	vm15 =	veq.s32 v51, $0x4;
	v53 =	vsel vm12, v20, v16;
	v56 =	vsel vm12, v21, v17;
	v55 =	vld [tilespmem:s30+$0x690]  }
0x159: {  	v59 =	vsel vm12, v22, v18;
	v61 =	vsel vm12, v23, v19;
	v39 =	vsel vm13, v24, v53;
	v57 =	vld [tilespmem:s30+$0x6A0]  }
0x15a: {  	v40 =	vsel vm13, v26, v59;
	v54 =	vsel vm14, v28, v39;
	v58 =	vsel vm13, v25, v56;
	v60 =	vld [tilespmem:s30+$0x6B0]  }
0x15b: {  	v43 =	vsel vm13, v27, v61;
	v37 =	vsel vm15, v32, v54;
	v38 =	vsel vm14, v29, v58  }
0x15c: {  	v40 =	vsel vm14, v30, v40;
	v38 =	vsel vm15, v33, v38;
	v37 =	vadd.f32 v37, v52  }
0x15d: {  	v62 =	vsel vm15, v34, v40;
	v63 =	vsel vm14, v31, v43;
	v38 =	vadd.f32 v38, v55  }
0x15e: {  	v44 =	vsel vm15, v35, v63;
	v43 =	vadd.f32 v57, v62;
	[tilespmem:s30+$0x4880] =	vst v37  }
0x15f: {  	v45 =	vadd.f32 v60, v44;
	[tilespmem:s30+$0x4890] =	vst v38  }
0x160: {  	v46 =	vperm.xlane v36, v6;
	[tilespmem:s30+$0x48A0] =	vst v43  }
0x161: {  	[tilespmem:s30+$0x48B0] =	vst v45  }
0x162: {  	[tilespmem:$0x2480] =	vst v46  }
0x163: {  	vm6 =	veq.s32 v46, $0x1;
	vm7 =	veq.s32 v46, $0x2;
	vm8 =	veq.s32 v46, $0x3;
	v47 =	vld [tilespmem:s30+$0x700]  }
0x164: {  	vm9 =	veq.s32 v46, $0x4;
	v48 =	vsel vm6, v20, v16;
	v51 =	vsel vm6, v21, v17;
	v50 =	vld [tilespmem:s30+$0x710]  }
0x165: {  	v54 =	vsel vm6, v22, v18;
	v56 =	vsel vm6, v23, v19;
	v39 =	vsel vm7, v24, v48;
	v52 =	vld [tilespmem:s30+$0x720]  }
0x166: {  	v53 =	vsel vm7, v25, v51;
	v40 =	vsel vm7, v26, v54;
	v49 =	vsel vm8, v28, v39;
	v55 =	vld [tilespmem:s30+$0x730]  }
0x167: {  	v40 =	vsel vm8, v30, v40;
	v37 =	vsel vm9, v32, v49;
	v38 =	vsel vm8, v29, v53  }
0x168: {  	v43 =	vsel vm7, v27, v56;
	v38 =	vsel vm9, v33, v38;
	v37 =	vadd.f32 v37, v47  }
0x169: {  	v57 =	vsel vm9, v34, v40;
	v58 =	vsel vm8, v31, v43;
	v38 =	vadd.f32 v38, v50  }
0x16a: {  	v60 =	vsel vm9, v35, v58;
	v59 =	vadd.f32 v52, v57;
	[tilespmem:s30+$0x4900] =	vst v37  }
0x16b: {  	v61 =	vadd.f32 v55, v60;
	[tilespmem:s30+$0x4910] =	vst v38  }
0x16c: {  	v62 =	vperm.xlane v36, v7;
	[tilespmem:s30+$0x4920] =	vst v59  }
0x16d: {  	[tilespmem:s30+$0x4930] =	vst v61  }
0x16e: {  	[tilespmem:$0x2480] =	vst v62  }
0x16f: {  	vm10 =	veq.s32 v62, $0x1;
	vm11 =	veq.s32 v62, $0x2;
	vm12 =	veq.s32 v62, $0x3;
	v63 =	vld [tilespmem:s30+$0x780]  }
0x170: {  	vm13 =	veq.s32 v62, $0x4;
	v43 =	vsel vm10, v20, v16;
	v46 =	vsel vm10, v21, v17;
	v45 =	vld [tilespmem:s30+$0x790]  }
0x171: {  	v49 =	vsel vm10, v22, v18;
	v51 =	vsel vm10, v23, v19;
	v39 =	vsel vm11, v24, v43;
	v47 =	vld [tilespmem:s30+$0x7A0]  }
0x172: {  	v48 =	vsel vm11, v25, v46;
	v40 =	vsel vm11, v26, v49;
	v44 =	vsel vm12, v28, v39;
	v50 =	vld [tilespmem:s30+$0x7B0]  }
0x173: {  	v43 =	vsel vm11, v27, v51;
	v37 =	vsel vm13, v32, v44;
	v38 =	vsel vm12, v29, v48  }
0x174: {  	v40 =	vsel vm12, v30, v40;
	v38 =	vsel vm13, v33, v38;
	v37 =	vadd.f32 v37, v63  }
0x175: {  	v53 =	vsel vm12, v31, v43;
	v52 =	vsel vm13, v34, v40;
	v38 =	vadd.f32 v38, v45  }
0x176: {  	v55 =	vsel vm13, v35, v53;
	v54 =	vadd.f32 v47, v52;
	[tilespmem:s30+$0x4980] =	vst v37  }
0x177: {  	v56 =	vadd.f32 v50, v55;
	[tilespmem:s30+$0x4990] =	vst v38  }
0x178: {  	v57 =	vperm.xlane v36, v8;
	[tilespmem:s30+$0x49A0] =	vst v54  }
0x179: {  	[tilespmem:s30+$0x49B0] =	vst v56  }
0x17a: {  	[tilespmem:$0x2480] =	vst v57  }
0x17b: {  	vm14 =	veq.s32 v57, $0x1;
	vm15 =	veq.s32 v57, $0x2;
	vm6 =	veq.s32 v57, $0x3;
	v58 =	vld [tilespmem:s30+$0x800]  }
0x17c: {  	vm7 =	veq.s32 v57, $0x4;
	v59 =	vsel vm14, v20, v16;
	v62 =	vsel vm14, v21, v17;
	v61 =	vld [tilespmem:s30+$0x810]  }
0x17d: {  	v46 =	vsel vm14, v22, v18;
	v48 =	vsel vm14, v23, v19;
	v39 =	vsel vm15, v24, v59;
	v63 =	vld [tilespmem:s30+$0x820]  }
0x17e: {  	v40 =	vsel vm15, v26, v46;
	v60 =	vsel vm6, v28, v39;
	v45 =	vsel vm15, v25, v62;
	v47 =	vld [tilespmem:s30+$0x830]  }
0x17f: {  	v43 =	vsel vm15, v27, v48;
	v37 =	vsel vm7, v32, v60;
	v38 =	vsel vm6, v29, v45  }
0x180: {  	v40 =	vsel vm6, v30, v40;
	v38 =	vsel vm7, v33, v38;
	v37 =	vadd.f32 v37, v58  }
0x181: {  	v49 =	vsel vm7, v34, v40;
	v50 =	vsel vm6, v31, v43;
	v38 =	vadd.f32 v38, v61  }
0x182: {  	v52 =	vsel vm7, v35, v50;
	v51 =	vadd.f32 v63, v49;
	[tilespmem:s30+$0x4A00] =	vst v37  }
0x183: {  	v53 =	vadd.f32 v47, v52;
	[tilespmem:s30+$0x4A10] =	vst v38  }
0x184: {  	v54 =	vperm.xlane v36, v9;
	[tilespmem:s30+$0x4A20] =	vst v51  }
0x185: {  	[tilespmem:s30+$0x4A30] =	vst v53  }
0x186: {  	[tilespmem:$0x2480] =	vst v54  }
0x187: {  	vm8 =	veq.s32 v54, $0x1;
	vm9 =	veq.s32 v54, $0x2;
	vm10 =	veq.s32 v54, $0x3;
	v55 =	vld [tilespmem:s30+$0x880]  }
0x188: {  	vm11 =	veq.s32 v54, $0x4;
	v56 =	vsel vm8, v20, v16;
	v59 =	vsel vm8, v21, v17;
	v58 =	vld [tilespmem:s30+$0x890]  }
0x189: {  	v62 =	vsel vm8, v22, v18;
	v45 =	vsel vm8, v23, v19;
	v39 =	vsel vm9, v24, v56;
	v60 =	vld [tilespmem:s30+$0x8A0]  }
0x18a: {  	v40 =	vsel vm9, v26, v62;
	v57 =	vsel vm10, v28, v39;
	v61 =	vsel vm9, v25, v59;
	v63 =	vld [tilespmem:s30+$0x8B0]  }
0x18b: {  	v43 =	vsel vm9, v27, v45;
	v37 =	vsel vm11, v32, v57;
	v38 =	vsel vm10, v29, v61  }
0x18c: {  	v40 =	vsel vm10, v30, v40;
	v38 =	vsel vm11, v33, v38;
	v37 =	vadd.f32 v37, v55  }
0x18d: {  	v46 =	vsel vm11, v34, v40;
	v47 =	vsel vm10, v31, v43;
	v38 =	vadd.f32 v38, v58  }
0x18e: {  	v49 =	vsel vm11, v35, v47;
	v48 =	vadd.f32 v60, v46;
	[tilespmem:s30+$0x4A80] =	vst v37  }
0x18f: {  	v50 =	vadd.f32 v63, v49;
	[tilespmem:s30+$0x4A90] =	vst v38  }
0x190: {  	v51 =	vperm.xlane v36, v10;
	[tilespmem:s30+$0x4AA0] =	vst v48  }
0x191: {  	[tilespmem:s30+$0x4AB0] =	vst v50  }
0x192: {  	[tilespmem:$0x2480] =	vst v51  }
0x193: {  	vm12 =	veq.s32 v51, $0x1;
	vm13 =	veq.s32 v51, $0x2;
	vm14 =	veq.s32 v51, $0x3;
	v52 =	vld [tilespmem:s30+$0x900]  }
0x194: {  	vm15 =	veq.s32 v51, $0x4;
	v53 =	vsel vm12, v20, v16;
	v56 =	vsel vm12, v21, v17;
	v55 =	vld [tilespmem:s30+$0x910]  }
0x195: {  	v59 =	vsel vm12, v22, v18;
	v61 =	vsel vm12, v23, v19;
	v39 =	vsel vm13, v24, v53;
	v57 =	vld [tilespmem:s30+$0x920]  }
0x196: {  	v40 =	vsel vm13, v26, v59;
	v54 =	vsel vm14, v28, v39;
	v58 =	vsel vm13, v25, v56;
	v60 =	vld [tilespmem:s30+$0x930]  }
0x197: {  	v43 =	vsel vm13, v27, v61;
	v37 =	vsel vm15, v32, v54;
	v38 =	vsel vm14, v29, v58  }
0x198: {  	v40 =	vsel vm14, v30, v40;
	v38 =	vsel vm15, v33, v38;
	v37 =	vadd.f32 v37, v52  }
0x199: {  	v62 =	vsel vm15, v34, v40;
	v63 =	vsel vm14, v31, v43;
	v38 =	vadd.f32 v38, v55  }
0x19a: {  	v44 =	vsel vm15, v35, v63;
	v43 =	vadd.f32 v57, v62;
	[tilespmem:s30+$0x4B00] =	vst v37  }
0x19b: {  	v45 =	vadd.f32 v60, v44;
	[tilespmem:s30+$0x4B10] =	vst v38  }
0x19c: {  	v46 =	vperm.xlane v36, v11;
	[tilespmem:s30+$0x4B20] =	vst v43  }
0x19d: {  	[tilespmem:s30+$0x4B30] =	vst v45  }
0x19e: {  	[tilespmem:$0x2480] =	vst v46  }
0x19f: {  	vm6 =	veq.s32 v46, $0x1;
	vm7 =	veq.s32 v46, $0x2;
	vm8 =	veq.s32 v46, $0x3;
	v47 =	vld [tilespmem:s30+$0x980]  }
0x1a0: {  	vm9 =	veq.s32 v46, $0x4;
	v48 =	vsel vm6, v20, v16;
	v51 =	vsel vm6, v21, v17;
	v50 =	vld [tilespmem:s30+$0x990]  }
0x1a1: {  	v54 =	vsel vm6, v22, v18;
	v56 =	vsel vm6, v23, v19;
	v39 =	vsel vm7, v24, v48;
	v52 =	vld [tilespmem:s30+$0x9A0]  }
0x1a2: {  	v53 =	vsel vm7, v25, v51;
	v40 =	vsel vm7, v26, v54;
	v49 =	vsel vm8, v28, v39;
	v55 =	vld [tilespmem:s30+$0x9B0]  }
0x1a3: {  	v40 =	vsel vm8, v30, v40;
	v37 =	vsel vm9, v32, v49;
	v38 =	vsel vm8, v29, v53  }
0x1a4: {  	v43 =	vsel vm7, v27, v56;
	v38 =	vsel vm9, v33, v38;
	v37 =	vadd.f32 v37, v47  }
0x1a5: {  	v57 =	vsel vm9, v34, v40;
	v58 =	vsel vm8, v31, v43;
	v38 =	vadd.f32 v38, v50  }
0x1a6: {  	v60 =	vsel vm9, v35, v58;
	v59 =	vadd.f32 v52, v57;
	[tilespmem:s30+$0x4B80] =	vst v37  }
0x1a7: {  	v61 =	vadd.f32 v55, v60;
	[tilespmem:s30+$0x4B90] =	vst v38  }
0x1a8: {  	v62 =	vperm.xlane v36, v12;
	[tilespmem:s30+$0x4BA0] =	vst v59  }
0x1a9: {  	[tilespmem:s30+$0x4BB0] =	vst v61  }
0x1aa: {  	[tilespmem:$0x2480] =	vst v62  }
0x1ab: {  	vm10 =	veq.s32 v62, $0x1;
	vm11 =	veq.s32 v62, $0x2;
	vm12 =	veq.s32 v62, $0x3;
	v63 =	vld [tilespmem:s30+$0xA00]  }
0x1ac: {  	vm13 =	veq.s32 v62, $0x4;
	v43 =	vsel vm10, v20, v16;
	v46 =	vsel vm10, v21, v17;
	v45 =	vld [tilespmem:s30+$0xA10]  }
0x1ad: {  	v49 =	vsel vm10, v22, v18;
	v51 =	vsel vm10, v23, v19;
	v39 =	vsel vm11, v24, v43;
	v47 =	vld [tilespmem:s30+$0xA20]  }
0x1ae: {  	v48 =	vsel vm11, v25, v46;
	v40 =	vsel vm11, v26, v49;
	v44 =	vsel vm12, v28, v39;
	v50 =	vld [tilespmem:s30+$0xA30]  }
0x1af: {  	v43 =	vsel vm11, v27, v51;
	v37 =	vsel vm13, v32, v44;
	v38 =	vsel vm12, v29, v48  }
0x1b0: {  	v40 =	vsel vm12, v30, v40;
	v38 =	vsel vm13, v33, v38;
	v37 =	vadd.f32 v37, v63  }
0x1b1: {  	v53 =	vsel vm12, v31, v43;
	v52 =	vsel vm13, v34, v40;
	v38 =	vadd.f32 v38, v45  }
0x1b2: {  	v55 =	vsel vm13, v35, v53;
	v54 =	vadd.f32 v47, v52;
	[tilespmem:s30+$0x4C00] =	vst v37  }
0x1b3: {  	v56 =	vadd.f32 v50, v55;
	[tilespmem:s30+$0x4C10] =	vst v38  }
0x1b4: {  	v57 =	vperm.xlane v36, v13;
	[tilespmem:s30+$0x4C20] =	vst v54  }
0x1b5: {  	[tilespmem:s30+$0x4C30] =	vst v56  }
0x1b6: {  	[tilespmem:$0x2480] =	vst v57  }
0x1b7: {  	vm14 =	veq.s32 v57, $0x1;
	vm15 =	veq.s32 v57, $0x2;
	vm6 =	veq.s32 v57, $0x3;
	v58 =	vld [tilespmem:s30+$0xA80]  }
0x1b8: {  	vm7 =	veq.s32 v57, $0x4;
	v59 =	vsel vm14, v20, v16;
	v62 =	vsel vm14, v21, v17;
	v61 =	vld [tilespmem:s30+$0xA90]  }
0x1b9: {  	v46 =	vsel vm14, v22, v18;
	v48 =	vsel vm14, v23, v19;
	v39 =	vsel vm15, v24, v59;
	v63 =	vld [tilespmem:s30+$0xAA0]  }
0x1ba: {  	v40 =	vsel vm15, v26, v46;
	v60 =	vsel vm6, v28, v39;
	v45 =	vsel vm15, v25, v62;
	v47 =	vld [tilespmem:s30+$0xAB0]  }
0x1bb: {  	v43 =	vsel vm15, v27, v48;
	v37 =	vsel vm7, v32, v60;
	v38 =	vsel vm6, v29, v45  }
0x1bc: {  	v40 =	vsel vm6, v30, v40;
	v38 =	vsel vm7, v33, v38;
	v37 =	vadd.f32 v37, v58  }
0x1bd: {  	v49 =	vsel vm7, v34, v40;
	v50 =	vsel vm6, v31, v43;
	v38 =	vadd.f32 v38, v61  }
0x1be: {  	v52 =	vsel vm7, v35, v50;
	v51 =	vadd.f32 v63, v49;
	[tilespmem:s30+$0x4C80] =	vst v37  }
0x1bf: {  	v53 =	vadd.f32 v47, v52;
	[tilespmem:s30+$0x4C90] =	vst v38  }
0x1c0: {  	v54 =	vperm.xlane v36, v14;
	[tilespmem:s30+$0x4CA0] =	vst v51  }
0x1c1: {  	[tilespmem:s30+$0x4CB0] =	vst v53  }
0x1c2: {  	[tilespmem:$0x2480] =	vst v54  }
0x1c3: {  	vm8 =	veq.s32 v54, $0x1;
	vm9 =	veq.s32 v54, $0x2;
	vm10 =	veq.s32 v54, $0x3;
	v55 =	vld [tilespmem:s30+$0xB00]  }
0x1c4: {  	vm11 =	veq.s32 v54, $0x4;
	v56 =	vsel vm8, v20, v16;
	v59 =	vsel vm8, v21, v17;
	v58 =	vld [tilespmem:s30+$0xB10]  }
0x1c5: {  	v62 =	vsel vm8, v22, v18;
	v45 =	vsel vm8, v23, v19;
	v39 =	vsel vm9, v24, v56;
	v60 =	vld [tilespmem:s30+$0xB20]  }
0x1c6: {  	v40 =	vsel vm9, v26, v62;
	v57 =	vsel vm10, v28, v39;
	v61 =	vsel vm9, v25, v59;
	v63 =	vld [tilespmem:s30+$0xB30]  }
0x1c7: {  	v43 =	vsel vm9, v27, v45;
	v37 =	vsel vm11, v32, v57;
	v38 =	vsel vm10, v29, v61  }
0x1c8: {  	v40 =	vsel vm10, v30, v40;
	v38 =	vsel vm11, v33, v38;
	v37 =	vadd.f32 v37, v55  }
0x1c9: {  	v46 =	vsel vm11, v34, v40;
	v47 =	vsel vm10, v31, v43;
	v38 =	vadd.f32 v38, v58  }
0x1ca: {  	v49 =	vsel vm11, v35, v47;
	v48 =	vadd.f32 v60, v46;
	[tilespmem:s30+$0x4D00] =	vst v37  }
0x1cb: {  	v50 =	vadd.f32 v63, v49;
	[tilespmem:s30+$0x4D10] =	vst v38  }
0x1cc: {  	v36 =	vperm.xlane v36, v15;
	[tilespmem:s30+$0x4D20] =	vst v48  }
0x1cd: {  	[tilespmem:s30+$0x4D30] =	vst v50  }
0x1ce: {  	[tilespmem:$0x2480] =	vst v36  }
0x1cf: {  	vm12 =	veq.s32 v36, $0x1;
	vm13 =	veq.s32 v36, $0x2;
	vm14 =	veq.s32 v36, $0x3;
	v51 =	vld [tilespmem:s30+$0xB80]  }
0x1d0: {  	vm15 =	veq.s32 v36, $0x4;
	v52 =	vsel vm12, v20, v16;
	v55 =	vsel vm12, v21, v17;
	v54 =	vld [tilespmem:s30+$0xB90]  }
0x1d1: {  	v58 =	vsel vm12, v22, v18;
	v60 =	vsel vm12, v23, v19;
	v38 =	vsel vm13, v24, v52;
	v56 =	vld [tilespmem:s30+$0xBA0]  }
0x1d2: {  	v57 =	vsel vm13, v25, v55;
	v39 =	vsel vm13, v26, v58;
	v53 =	vsel vm14, v28, v38;
	v59 =	vld [tilespmem:s30+$0xBB0]  }
0x1d3: {  	v42 =	vsel vm13, v27, v60;
	v37 =	vsel vm14, v29, v57;
	v36 =	vsel vm15, v32, v53  }
0x1d4: {  	p0 =	sne.s32 s26, $0x6000;
	v39 =	vsel vm14, v30, v39;
	v37 =	vsel vm15, v33, v37;
	v36 =	vadd.f32 v36, v51  }
.Ltmp3:
0x1d5: {  	v61 =	vsel vm14, v31, v42;
	v39 =	vsel vm15, v34, v39;
	v37 =	vadd.f32 v37, v54;
	(pc) =	sbr.rel @p0 .LBB2_8-.Ltmp3, $4  }
0x1d6: {  	v38 =	vsel vm15, v35, v61;
	v62 =	vadd.f32 v56, v39;
	[tilespmem:s30+$0x4D80] =	vst v36  }
0x1d7: {  	v63 =	vadd.f32 v59, v38;
	[tilespmem:s30+$0x4D90] =	vst v37  }
0x1d8: {  	[tilespmem:s30+$0x4DA0] =	vst v62  }
0x1d9: {  	s29 =	sadd.s32 $0x10, s29;
	s26 =	sadd.s32 $0x2000, s26;
	[tilespmem:s30+$0x4DB0] =	vst v63  }
0x1da: {  	s25 =	sadd.s32 $0x1, s25  }
0x1db: {  	p0 =	sne.s32 s25, $0x80  }
.Ltmp4:
0x1dc: {  	_ = 	snop;
	(pc) =	sbr.rel @p0 .LBB2_2-.Ltmp4, $4  }
0x1dd: {  	_ = 	snop  }
0x1de: {  	s26 =	sadd.s32 s28, s12  }
0x1df: {  	s26 =	sadd.s32 s5, s26  }
0x1e0: {  	[hbm4b:s26+s4] =	stream.linear.scatter [tilespmem:s21], [sflag:$0x4], $0x2000, $0x38;
	[tilespmem:$0x6600] =	vst v63  }
0x1e1: {  	s24 =	sadd.s32 $0x1, s24  }
0x1e2: {  	_ =	swait.ge [sflag:s22], $0x2000;
	p0 =	sne.s32 s24, s13  }
.Ltmp5:
0x1e3: {  	[sflag:s22] =	ssyncset.done $0x0;
	(pc) =	sbr.rel @p0 .LBB2_1-.Ltmp5, $4  }
0x1e4: {  	[sflag:s22] =	ssyncadd.s32 $0xFFFFE000  }
0x1e5: {  	_ =	swait.ge [sflag:s23], $0x2000  }
0x1e6: {  	[sflag:s23] =	ssyncset.done $0x0  }
0x1e7: {  	[sflag:s23] =	ssyncadd.s32 $0xFFFFE000  }
0x1e8: {  	_ =	sfence.sel $0x180000  }
0x1e9: {  	[bflag:$0x0] =	sbarrier.arrive $0xFFFF  }
0x1ea: {  	p0 =	sne.s32 s2, $0x0;
	_ =	strace $0x90000047  }
0x1eb: {  	s0 =	sadd.s32 @!p0 $0x100000, s0;
	[bflag:$0x2] =	sbarrier.arrive $0xFFFF  }
0x1ec: {  	[sflag:s0] =	ssyncadd.tile.s32 @!p0 $0x1;
	_ =	shalt  }
.Lfunc_end2:
_tile_overlayer_lowered:
.L_overlay_start_2:
0x1ed: {  	(tag) =	ssettag $0x2  }
0x1ee: {  	s0 =	rddreg [dreg:$0x0];
	s2 =	stileid.u32  }
0x1ef: {  	s1 =	rddreg [dreg:$0x1];
	p0 =	sne.s32 s2, $0x0  }
0x1f0: {  	s3 =	rddreg [dreg:$0x2];
	[bflag:$0x3] =	sbarrier.arrive $0xFFFF;
	s2 =	simm.s32 @!p0 $0x1C05  }
0x1f1: {  	[timem:s3], [sflag:s2] =	dma.local @!p0 [hbm:s0], s1  }
0x1f2: {  	s0 =	simm.s32 @!p0 $0x5  }
0x1f3: {  	_ =	swait.ge @!p0 [sflag:s0], s1  }
0x1f4: {  	s1 =	ssub.s32 @!p0 $0x0, s1;
	[sflag:s0] =	ssyncset.done @!p0 $0x0  }
0x1f5: {  	[sflag:s0] =	ssyncadd.s32 @!p0 s1  }
0x1f6: {  	[bflag:$0x3] =	sbarrier.arrive $0xFFFF  }
0x1f7: {  	_ =	shalt  }

</sc_bundles>
